<compile_context>
chip_gen: v7x
topology: tpu7x:2x2x1
jax: 0.10.2.dev20260603
libtpu: 0.0.44.dev20260713+nightly
codegen_flags: <defaults>
</compile_context>

<pallas_src>
import functools

import jax
import jax.numpy as jnp
from jax import lax
from jax.experimental import pallas as pl
from jax.experimental.pallas import tpu as pltpu
from jax.experimental.pallas import tpu_sc as plsc

N = 10000
E = 320000
NF = 128
NH = 128
NC = 64

CHUNK = 128
NTILES = 32
NCHUNKS = 79
E_PAD = NTILES * CHUNK * NCHUNKS
NCH0 = 78
NCH1 = 2 * NCHUNKS - NCH0
N_ACC = 10112
ZROWS = N_ACC // 16



HW = 64
ZSROWS = N // 16


def _make_sc_mp_spmem(npass):
    mesh = plsc.VectorSubcoreMesh(core_axis_name="c", subcore_axis_name="s")
    params = pltpu.CompilerParams(use_tc_tiling_on_sc=False)

    @functools.partial(
        pl.kernel,
        out_type=jax.ShapeDtypeStruct((npass, 2, N_ACC, HW), jnp.float32),
        mesh=mesh,
        compiler_params=params,
        scratch_types=[
            pltpu.VMEM((CHUNK,), jnp.int32),
            pltpu.VMEM((CHUNK,), jnp.int32),
            pltpu.VMEM((CHUNK,), jnp.int32),
            pltpu.VMEM((CHUNK,), jnp.int32),
            pltpu.VMEM((CHUNK, HW), jnp.float32),
            pltpu.VMEM((CHUNK, HW), jnp.float32),
            pltpu.SemaphoreType.DMA,
            pltpu.SemaphoreType.DMA,
            pltpu.VMEM_SHARED((N, HW), jnp.float32),
            pltpu.VMEM_SHARED((N_ACC, HW), jnp.float32),
        ],
    )
    def mp(*args):
        (srcg_hbm, dsts_hbm, zeros_hbm), zs_hbm = args[:3], args[3:3 + npass]
        out_hbm = args[3 + npass]
        (src_a, dst_a, src_b, dst_b, rows_a, rows_b,
         sem_a, sem_b, zs, acc) = args[4 + npass:]
        c = lax.axis_index("c")
        s = lax.axis_index("s")
        base0 = (s * (2 * NCHUNKS) + c * NCH0) * CHUNK
        nch = jnp.where(c == 0, NCH0, NCH1)

        for p in range(npass):
            pltpu.sync_copy(zs_hbm[p].at[pl.ds(s * ZSROWS, ZSROWS)],
                            zs.at[pl.ds(s * ZSROWS, ZSROWS)])
            pltpu.sync_copy(zeros_hbm.at[pl.ds(s * ZROWS, ZROWS)],
                            acc.at[pl.ds(s * ZROWS, ZROWS)])
            pltpu.sync_copy(srcg_hbm.at[pl.ds(base0, CHUNK)], src_a)
            pltpu.sync_copy(dsts_hbm.at[pl.ds(base0, CHUNK)], dst_a)
            plsc.subcore_barrier()
            pltpu.async_copy(zs.at[src_a], rows_a, sem_a)

            def body(i, carry):
                j = 2 * i
                bb = pl.multiple_of(base0 + (j + 1) * CHUNK, CHUNK)
                pltpu.sync_copy(srcg_hbm.at[pl.ds(bb, CHUNK)], src_b)
                pltpu.sync_copy(dsts_hbm.at[pl.ds(bb, CHUNK)], dst_b)
                pltpu.async_copy(zs.at[src_b], rows_b, sem_b)
                pltpu.make_async_copy(zs.at[src_a], rows_a, sem_a).wait()
                pltpu.sync_copy(rows_a, acc.at[dst_a], add=True)
                ba = pl.multiple_of(base0 + lax.rem(j + 2, nch) * CHUNK, CHUNK)
                pltpu.sync_copy(srcg_hbm.at[pl.ds(ba, CHUNK)], src_a)
                pltpu.sync_copy(dsts_hbm.at[pl.ds(ba, CHUNK)], dst_a)
                pltpu.async_copy(zs.at[src_a], rows_a, sem_a)
                pltpu.make_async_copy(zs.at[src_b], rows_b, sem_b).wait()
                pltpu.sync_copy(rows_b, acc.at[dst_b], add=True)
                return carry

            lax.fori_loop(0, nch // 2, body, 0)
            pltpu.make_async_copy(zs.at[src_a], rows_a, sem_a).wait()
            plsc.subcore_barrier()
            pltpu.sync_copy(acc.at[pl.ds(s * ZROWS, ZROWS)],
                            out_hbm.at[p].at[c].at[pl.ds(s * ZROWS, ZROWS)])
            if p + 1 < npass:
                plsc.subcore_barrier()

    return mp


_sc_mps_2 = _make_sc_mp_spmem(2)
_sc_mps_1 = _make_sc_mp_spmem(1)


DEGW = 128


def _make_sc_deg():
    mesh = plsc.VectorSubcoreMesh(core_axis_name="c", subcore_axis_name="s")

    @functools.partial(
        pl.kernel,
        out_type=jax.ShapeDtypeStruct((2, N_ACC, DEGW), jnp.float32),
        mesh=mesh,
        scratch_types=[
            pltpu.VMEM((CHUNK,), jnp.int32),
            pltpu.VMEM((CHUNK,), jnp.int32),
            pltpu.VMEM((CHUNK, DEGW), jnp.float32),
            pltpu.SemaphoreType.DMA,
            pltpu.SemaphoreType.DMA,
            pltpu.VMEM_SHARED((N_ACC, DEGW), jnp.float32),
        ],
    )
    def deg(srcd_hbm, ones_hbm, zeros_hbm, out_hbm,
            src_a, src_b, ones_v, sem_a, sem_b, dacc):
        c = lax.axis_index("c")
        s = lax.axis_index("s")
        base0 = (s * (2 * NCHUNKS) + c * NCH0) * CHUNK
        nch = jnp.where(c == 0, NCH0, NCH1)
        pltpu.async_copy(srcd_hbm.at[pl.ds(base0, CHUNK)], src_a, sem_a)
        pltpu.sync_copy(zeros_hbm.at[pl.ds(s * ZROWS, ZROWS)],
                        dacc.at[pl.ds(s * ZROWS, ZROWS)])
        pltpu.sync_copy(ones_hbm, ones_v)
        plsc.subcore_barrier()

        def body(i, carry):
            j = 2 * i
            bb = pl.multiple_of(base0 + (j + 1) * CHUNK, CHUNK)
            pltpu.async_copy(srcd_hbm.at[pl.ds(bb, CHUNK)], src_b, sem_b)
            pltpu.make_async_copy(srcd_hbm.at[pl.ds(bb, CHUNK)], src_a,
                                  sem_a).wait()
            pltpu.sync_copy(ones_v, dacc.at[src_a], add=True)
            ba = pl.multiple_of(base0 + lax.rem(j + 2, nch) * CHUNK, CHUNK)
            pltpu.async_copy(srcd_hbm.at[pl.ds(ba, CHUNK)], src_a, sem_a)
            pltpu.make_async_copy(srcd_hbm.at[pl.ds(bb, CHUNK)], src_b,
                                  sem_b).wait()
            pltpu.sync_copy(ones_v, dacc.at[src_b], add=True)
            return carry

        lax.fori_loop(0, nch // 2, body, 0)
        pltpu.make_async_copy(srcd_hbm.at[pl.ds(base0, CHUNK)], src_a,
                              sem_a).wait()
        plsc.subcore_barrier()
        pltpu.sync_copy(dacc.at[pl.ds(s * ZROWS, ZROWS)],
                        out_hbm.at[c].at[pl.ds(s * ZROWS, ZROWS)])

    return deg


_sc_deg = _make_sc_deg()



BM = 1000


def _tc_pre_body(x_ref, w0_ref, w1_ref, b_ref, degp_ref,
                 a0_ref, zlo_ref, zhi_ref, dinv_ref):
    deg = (degp_ref[0] + degp_ref[1])[:, 0:1]
    dinv = jnp.where(deg > 0, 1.0 / jnp.sqrt(jnp.maximum(deg, 1.0)), 0.0)
    x = x_ref[...]
    a0_ref[...] = jnp.dot(x, w0_ref[...],
                          preferred_element_type=jnp.float32,
                          precision=lax.Precision.HIGHEST) + b_ref[...]
    z = jnp.dot(dinv * x, w1_ref[...],
                preferred_element_type=jnp.float32,
                precision=lax.Precision.HIGHEST)
    zlo_ref[...] = z[:, :HW]
    zhi_ref[...] = z[:, HW:]
    dinv_ref[...] = dinv


def _tc_pre(x, w0, w1, b, degp):
    grid = (N // BM,)
    return pl.pallas_call(
        _tc_pre_body,
        grid=grid,
        in_specs=[
            pl.BlockSpec((BM, NF), lambda i: (i, 0)),
            pl.BlockSpec((NF, NH), lambda i: (0, 0)),
            pl.BlockSpec((NF, NH), lambda i: (0, 0)),
            pl.BlockSpec((1, NH), lambda i: (0, 0)),
            pl.BlockSpec((2, BM, DEGW), lambda i: (0, i, 0)),
        ],
        out_specs=[
            pl.BlockSpec((BM, NH), lambda i: (i, 0)),
            pl.BlockSpec((BM, HW), lambda i: (i, 0)),
            pl.BlockSpec((BM, HW), lambda i: (i, 0)),
            pl.BlockSpec((BM, 1), lambda i: (i, 0)),
        ],
        out_shape=[
            jax.ShapeDtypeStruct((N, NH), jnp.float32),
            jax.ShapeDtypeStruct((N, HW), jnp.float32),
            jax.ShapeDtypeStruct((N, HW), jnp.float32),
            jax.ShapeDtypeStruct((N, 1), jnp.float32),
        ],
    )(x, w0, w1, b, degp)


def _mid_head(a0p_ref, sp_ref, dinv_ref):
    svec = jnp.concatenate([sp_ref[0, 0] + sp_ref[0, 1],
                            sp_ref[1, 0] + sp_ref[1, 1]], axis=-1)
    dinv = dinv_ref[...]
    h = jnp.maximum(a0p_ref[...] - dinv * svec, 0.0)
    return h, dinv


def _tc_mid2_body(a0p_ref, sp_ref, dinv_ref, w0_ref, w1_ref, b_ref,
                  a0_ref, zlo_ref, zhi_ref):
    h, dinv = _mid_head(a0p_ref, sp_ref, dinv_ref)
    a0_ref[...] = jnp.dot(h, w0_ref[...],
                          preferred_element_type=jnp.float32,
                          precision=lax.Precision.HIGHEST) + b_ref[...]
    z = jnp.dot(dinv * h, w1_ref[...],
                preferred_element_type=jnp.float32,
                precision=lax.Precision.HIGHEST)
    zlo_ref[...] = z[:, :HW]
    zhi_ref[...] = z[:, HW:]


def _tc_mid1_body(a0p_ref, sp_ref, dinv_ref, w0_ref, w1_ref, b_ref,
                  a0_ref, z_ref):
    h, dinv = _mid_head(a0p_ref, sp_ref, dinv_ref)
    a0_ref[...] = jnp.dot(h, w0_ref[...],
                          preferred_element_type=jnp.float32,
                          precision=lax.Precision.HIGHEST) + b_ref[...]
    z_ref[...] = jnp.dot(dinv * h, w1_ref[...],
                         preferred_element_type=jnp.float32,
                         precision=lax.Precision.HIGHEST)


def _tc_mid(a0p, sp, dinv, w0, w1, b):
    grid = (N // BM,)
    fin = a0p.shape[1]
    f0 = w0.shape[1]
    f1 = w1.shape[1]
    split = f1 == NH
    out_specs = [pl.BlockSpec((BM, f0), lambda i: (i, 0))]
    out_shape = [jax.ShapeDtypeStruct((N, f0), jnp.float32)]
    if split:
        out_specs += [pl.BlockSpec((BM, HW), lambda i: (i, 0))] * 2
        out_shape += [jax.ShapeDtypeStruct((N, HW), jnp.float32)] * 2
    else:
        out_specs.append(pl.BlockSpec((BM, f1), lambda i: (i, 0)))
        out_shape.append(jax.ShapeDtypeStruct((N, f1), jnp.float32))
    return pl.pallas_call(
        _tc_mid2_body if split else _tc_mid1_body,
        grid=grid,
        in_specs=[
            pl.BlockSpec((BM, fin), lambda i: (i, 0)),
            pl.BlockSpec((2, 2, BM, HW), lambda i: (0, 0, i, 0)),
            pl.BlockSpec((BM, 1), lambda i: (i, 0)),
            pl.BlockSpec((fin, f0), lambda i: (0, 0)),
            pl.BlockSpec((fin, f1), lambda i: (0, 0)),
            pl.BlockSpec((1, f0), lambda i: (0, 0)),
        ],
        out_specs=out_specs,
        out_shape=out_shape,
    )(a0p, sp, dinv, w0, w1, b)


def _tc_post_body(a0p_ref, sp_ref, dinv_ref, out_ref):
    out_ref[...] = a0p_ref[...] - dinv_ref[...] * (sp_ref[0, 0] + sp_ref[0, 1])


def _tc_post(a0p, sp, dinv):
    grid = (N // BM,)
    f = a0p.shape[1]
    return pl.pallas_call(
        _tc_post_body,
        grid=grid,
        in_specs=[
            pl.BlockSpec((BM, f), lambda i: (i, 0)),
            pl.BlockSpec((1, 2, BM, NC), lambda i: (0, 0, i, 0)),
            pl.BlockSpec((BM, 1), lambda i: (i, 0)),
        ],
        out_specs=pl.BlockSpec((BM, f), lambda i: (i, 0)),
        out_shape=jax.ShapeDtypeStruct((N, f), jnp.float32),
    )(a0p, sp, dinv)



def kernel(x, adj, W0_1, W1_1, b1, W0_2, W1_2, b2, W0_3, W1_3, b3):
    src = adj[0].astype(jnp.int32)
    dst = adj[1].astype(jnp.int32)
    pad = E_PAD - E
    sink = N + (jnp.arange(pad, dtype=jnp.int32) % (N_ACC - N))
    srcg = jnp.concatenate([src, jnp.zeros((pad,), jnp.int32)])
    dsts = jnp.concatenate([dst, sink])
    srcd = jnp.concatenate([src, sink])
    ones_rows = jnp.ones((CHUNK, DEGW), jnp.float32)
    zeros128 = jnp.zeros((N_ACC, NH), jnp.float32)
    zeros64 = jnp.zeros((N_ACC, HW), jnp.float32)

    degp = _sc_deg(srcd, ones_rows, zeros128)
    a0, zlo, zhi, dinv = _tc_pre(x, W0_1, W1_1, b1.reshape(1, -1), degp)
    s1 = _sc_mps_2(srcg, dsts, zeros64, zlo, zhi)
    a0, zlo, zhi = _tc_mid(a0, s1, dinv, W0_2, W1_2, b2.reshape(1, -1))
    s2 = _sc_mps_2(srcg, dsts, zeros64, zlo, zhi)
    a0, z = _tc_mid(a0, s2, dinv, W0_3, W1_3, b3.reshape(1, -1))
    s3 = _sc_mps_1(srcg, dsts, zeros64, z)
    return _tc_post(a0, s3, dinv)

# --- scband reference (transcript-rebuilt; emitter-appended) ---
"""Pipeline reference for scband-cheb-gcnx-15839839387779 (READ-ONLY COPY).

The authoritative reference and input builder live on the scoring server;
editing this copy changes nothing except your own understanding.
"""

import jax, jax.numpy as jnp
import numpy as np

N_NODES = 10000
N_EDGES = 320000
NFEAT = 128
NHID = 128
NCLASS = 64


def setup_inputs(seed: int = 0) -> dict:
    key = jax.random.key(seed)
    ks = [jax.random.fold_in(key, i) for i in range(16)]
    x = jax.random.normal(ks[0], (N_NODES, NFEAT), dtype=jnp.float32)
    adj = jax.random.randint(ks[1], (2, N_EDGES), 0, N_NODES, dtype=jnp.int64)

    def glorot(k, fan_in, fan_out):
        s = jnp.sqrt(6.0 / (fan_in + fan_out))
        return jax.random.uniform(k, (fan_in, fan_out), dtype=jnp.float32, minval=-s, maxval=s)

    inp = {
        "x": x,
        "adj": adj,
        # conv1: ChebConv(nfeat, nhid, K=2)
        "W0_1": glorot(ks[2], NFEAT, NHID),
        "W1_1": glorot(ks[3], NFEAT, NHID),
        "b1": jnp.zeros((NHID,), dtype=jnp.float32),
        # convx[0]: ChebConv(nhid, nhid, K=2)
        "W0_2": glorot(ks[4], NHID, NHID),
        "W1_2": glorot(ks[5], NHID, NHID),
        "b2": jnp.zeros((NHID,), dtype=jnp.float32),
        # conv2: ChebConv(nhid, nclass, K=2)
        "W0_3": glorot(ks[6], NHID, NCLASS),
        "W1_3": glorot(ks[7], NHID, NCLASS),
        "b3": jnp.zeros((NCLASS,), dtype=jnp.float32),
    }
    return inp


def _cheb_conv(x, src, dst, w0, w1, b, num_nodes):
    # PyG ChebConv with K=2, normalization='sym', lambda_max=2.0:
    #   L_hat = 2L/lambda_max - I = -D^{-1/2} A D^{-1/2}
    #   out = Tx_0 @ W0 + Tx_1 @ W1 + b, Tx_0 = x, Tx_1 = L_hat @ x
    ones = jnp.ones(src.shape[0], dtype=x.dtype)
    deg = jax.ops.segment_sum(ones, src, num_segments=num_nodes)
    deg_inv_sqrt = jnp.where(deg > 0, 1.0 / jnp.sqrt(jnp.where(deg > 0, deg, 1.0)), 0.0)
    w = -(deg_inv_sqrt[src] * deg_inv_sqrt[dst])  # [E]
    msg = w[:, None] * x[src]                     # gather + scale
    tx1 = jax.ops.segment_sum(msg, dst, num_segments=num_nodes)  # scatter-add
    return x @ w0 + tx1 @ w1 + b


def reference(x, adj, W0_1, W1_1, b1, W0_2, W1_2, b2, W0_3, W1_3, b3):
    src = adj[0]
    dst = adj[1]
    h = jax.nn.relu(_cheb_conv(x, src, dst, W0_1, W1_1, b1, N_NODES))
    # dropout is identity in eval mode
    h = jax.nn.relu(_cheb_conv(h, src, dst, W0_2, W1_2, b2, N_NODES))
    out = _cheb_conv(h, src, dst, W0_3, W1_3, b3, N_NODES)
    return out

if __name__ == "__main__":
    import jax
    _d = setup_inputs()
    print(jax.jit(kernel)(*tuple(_d.values())))

</pallas_src>

<mosaic_0001>
#map = affine_map<(d0, d1) -> (0)>
#map1 = affine_map<(d0, d1) -> (0, 0)>
#map2 = affine_map<(d0, d1) -> (0, 0, 0)>
module attributes {stable_mosaic.version = 14 : i64} {
  func.func @deg(%arg0: i32, %arg1: i32, %arg2: memref<323584xi32, #tpu.memory_space<hbm>>, %arg3: memref<128x128xf32, #tpu.memory_space<hbm>>, %arg4: memref<10112x128xf32, #tpu.memory_space<hbm>>, %arg5: memref<2x10112x128xf32, #tpu.memory_space<hbm>>, %arg6: memref<128xi32, #tpu.memory_space<vmem>>, %arg7: memref<128xi32, #tpu.memory_space<vmem>>, %arg8: memref<128x128xf32, #tpu.memory_space<vmem>>, %arg9: memref<!tpu.dma_semaphore, #tpu.memory_space<semaphore_mem>>, %arg10: memref<!tpu.dma_semaphore, #tpu.memory_space<semaphore_mem>>, %arg11: memref<10112x128xf32, #tpu.memory_space<vmem_shared>>) attributes {dimension_semantics = [#tpu.dimension_semantics<core_parallel>, #tpu.dimension_semantics<subcore_parallel>], iteration_bounds = array<i64: 2, 16>, scalar_prefetch = 0 : i64, scratch_operands = 6 : i64, tpu.core_type = #tpu.core_type<sc_vector_subcore>, window_params = [{transform_indices = #map}, {transform_indices = #map1}, {transform_indices = #map1}, {transform_indices = #map2}]} {
    %mul3A = arith.constant 158 : i32
    %mul3A_0 = arith.muli %arg1, %mul3A : i32
    %mul3A_1 = arith.constant 78 : i32
    %mul3A_2 = arith.muli %arg0, %mul3A_1 : i32
    %add3A = arith.addi %mul3A_0, %mul3A_2 : i32
    %mul3A_3 = arith.constant 128 : i32
    %mul3A_4 = arith.muli %add3A, %mul3A_3 : i32
    %eq3A = arith.constant 0 : i32
    %eq3A_5 = arith.cmpi eq, %arg0, %eq3A : i32
    %jit3A = arith.constant 78 : i32
    %jit3A_6 = arith.constant 80 : i32
    %select_n3A = arith.select %eq3A_5, %jit3A, %jit3A_6 : i32
    %dma_start3A = tpu.memref_slice %arg2[%mul3A_4] : memref<323584xi32, #tpu.memory_space<hbm>> -> memref<128xi32, #tpu.memory_space<hbm>>
    %dma_start3A_7 = tpu.memref_slice %arg2[%mul3A_4] : memref<323584xi32, #tpu.memory_space<hbm>> -> memref<128xi32, #tpu.memory_space<hbm>>
    tpu.enqueue_dma source(%dma_start3A_7 : memref<128xi32, #tpu.memory_space<hbm>>) target(%arg6 : memref<128xi32, #tpu.memory_space<vmem>>) target_semaphore(%arg9 : memref<!tpu.dma_semaphore, #tpu.memory_space<semaphore_mem>>)
    %mul3A_8 = arith.constant 632 : i32
    %mul3A_9 = arith.muli %arg1, %mul3A_8 : i32
    %mul3A_10 = arith.constant 632 : i32
    %mul3A_11 = arith.muli %arg1, %mul3A_10 : i32
    "tpu.region"() ({
      %run_scoped3A = tpu.sem_alloc : memref<!tpu.dma_semaphore, #tpu.memory_space<semaphore_mem>>
      %dma_start3A_45 = arith.constant 0 : i32
      %dma_start3A_46 = tpu.memref_slice %arg11[%mul3A_11, %dma_start3A_45] : memref<10112x128xf32, #tpu.memory_space<vmem_shared>> -> memref<632x128xf32, #tpu.memory_space<vmem_shared>>
      %dma_start3A_47 = arith.constant 0 : i32
      %dma_start3A_48 = tpu.memref_slice %arg4[%mul3A_9, %dma_start3A_47] : memref<10112x128xf32, #tpu.memory_space<hbm>> -> memref<632x128xf32, #tpu.memory_space<hbm>>
      tpu.enqueue_dma source(%dma_start3A_48 : memref<632x128xf32, #tpu.memory_space<hbm>>) target(%dma_start3A_46 : memref<632x128xf32, #tpu.memory_space<vmem_shared>>) target_semaphore(%run_scoped3A : memref<!tpu.dma_semaphore, #tpu.memory_space<semaphore_mem>>)
      %dma_wait3A_49 = arith.constant 0 : i32
      %dma_wait3A_50 = tpu.memref_slice %arg11[%mul3A_11, %dma_wait3A_49] : memref<10112x128xf32, #tpu.memory_space<vmem_shared>> -> memref<632x128xf32, #tpu.memory_space<vmem_shared>>
      %dma_wait3A_51 = arith.constant 0 : i32
      %dma_wait3A_52 = tpu.memref_slice %arg4[%mul3A_9, %dma_wait3A_51] : memref<10112x128xf32, #tpu.memory_space<hbm>> -> memref<632x128xf32, #tpu.memory_space<hbm>>
      tpu.wait_dma2 semaphore(%run_scoped3A : memref<!tpu.dma_semaphore, #tpu.memory_space<semaphore_mem>>) src(%dma_wait3A_52 : memref<632x128xf32, #tpu.memory_space<hbm>>) dst(%dma_wait3A_50 : memref<632x128xf32, #tpu.memory_space<vmem_shared>>)
      tpu.yield
    }) : () -> ()
    "tpu.region"() ({
      %run_scoped3A = tpu.sem_alloc : memref<!tpu.dma_semaphore, #tpu.memory_space<semaphore_mem>>
      tpu.enqueue_dma source(%arg3 : memref<128x128xf32, #tpu.memory_space<hbm>>) target(%arg8 : memref<128x128xf32, #tpu.memory_space<vmem>>) target_semaphore(%run_scoped3A : memref<!tpu.dma_semaphore, #tpu.memory_space<semaphore_mem>>)
      tpu.wait_dma2 semaphore(%run_scoped3A : memref<!tpu.dma_semaphore, #tpu.memory_space<semaphore_mem>>) src(%arg3 : memref<128x128xf32, #tpu.memory_space<hbm>>) dst(%arg8 : memref<128x128xf32, #tpu.memory_space<vmem>>)
      tpu.yield
    }) : () -> ()
    %barrier3A = arith.constant 0 : index
    tpu.barrier barrier_id(%barrier3A)
    %jit3A_12 = arith.constant 2 : i32
    %div3A = arith.divsi %select_n3A, %jit3A_12 : i32
    %sign3A = arith.constant 0 : i32
    %sign3A_13 = arith.cmpi sgt, %select_n3A, %sign3A : i32
    %sign3A_14 = arith.extui %sign3A_13 : i1 to i32
    %sign3A_15 = arith.constant 0 : i32
    %sign3A_16 = arith.cmpi slt, %select_n3A, %sign3A_15 : i32
    %sign3A_17 = arith.extui %sign3A_16 : i1 to i32
    %sign3A_18 = arith.subi %sign3A_14, %sign3A_17 : i32
    %sign3A_19 = arith.constant 0 : i32
    %sign3A_20 = arith.cmpi sgt, %jit3A_12, %sign3A_19 : i32
    %sign3A_21 = arith.extui %sign3A_20 : i1 to i32
    %sign3A_22 = arith.constant 0 : i32
    %sign3A_23 = arith.cmpi slt, %jit3A_12, %sign3A_22 : i32
    %sign3A_24 = arith.extui %sign3A_23 : i1 to i32
    %sign3A_25 = arith.subi %sign3A_21, %sign3A_24 : i32
    %ne3A = arith.cmpi ne, %sign3A_18, %sign3A_25 : i32
    %rem3A = arith.remsi %select_n3A, %jit3A_12 : i32
    %ne3A_26 = arith.constant 0 : i32
    %ne3A_27 = arith.cmpi ne, %rem3A, %ne3A_26 : i32
    %and3A = arith.andi %ne3A, %ne3A_27 : i1
    %sub3A = arith.constant 1 : i32
    %sub3A_28 = arith.subi %div3A, %sub3A : i32
    %select_n3A_29 = arith.select %and3A, %sub3A_28, %div3A : i32
    %while3A = arith.constant 0 : i32
    %while3A_30 = arith.constant 0 : i32
    %while3A_31 = arith.subi %select_n3A_29, %while3A_30 : i32
    %while3A_32 = arith.addi %while3A_30, %while3A_31 : i32
    %while3A_33 = arith.constant 1 : i32
    %while3A_34 = arith.divsi %while3A_31, %while3A_33 : i32
    %while3A_35 = arith.muli %while3A_34, %while3A_33 : i32
    %while3A_36 = arith.addi %while3A_30, %while3A_35 : i32
    %while3A_37 = arith.constant 1 : i32
    scf.for %while3A_45 = %while3A_30 to %while3A_36 step %while3A_37  : i32 {
      %mul3A_46 = arith.constant 2 : i32
      %mul3A_47 = arith.muli %mul3A_46, %while3A_45 : i32
      %add3A_48 = arith.constant 1 : i32
      %add3A_49 = arith.addi %mul3A_47, %add3A_48 : i32
      %mul3A_50 = arith.constant 128 : i32
      %mul3A_51 = arith.muli %add3A_49, %mul3A_50 : i32
      %add3A_52 = arith.addi %mul3A_4, %mul3A_51 : i32
      %multiple_of3A = tpu.assume_multiple %add3A_52, 128 : i32
      %dma_start3A_53 = tpu.memref_slice %arg2[%multiple_of3A] : memref<323584xi32, #tpu.memory_space<hbm>> -> memref<128xi32, #tpu.memory_space<hbm>>
      %dma_start3A_54 = tpu.memref_slice %arg2[%multiple_of3A] : memref<323584xi32, #tpu.memory_space<hbm>> -> memref<128xi32, #tpu.memory_space<hbm>>
      tpu.enqueue_dma source(%dma_start3A_54 : memref<128xi32, #tpu.memory_space<hbm>>) target(%arg7 : memref<128xi32, #tpu.memory_space<vmem>>) target_semaphore(%arg10 : memref<!tpu.dma_semaphore, #tpu.memory_space<semaphore_mem>>)
      %dma_wait3A_55 = tpu.memref_slice %arg2[%multiple_of3A] : memref<323584xi32, #tpu.memory_space<hbm>> -> memref<128xi32, #tpu.memory_space<hbm>>
      %dma_wait3A_56 = tpu.memref_slice %arg2[%multiple_of3A] : memref<323584xi32, #tpu.memory_space<hbm>> -> memref<128xi32, #tpu.memory_space<hbm>>
      tpu.wait_dma2 semaphore(%arg9 : memref<!tpu.dma_semaphore, #tpu.memory_space<semaphore_mem>>) src(%dma_wait3A_56 : memref<128xi32, #tpu.memory_space<hbm>>) dst(%arg6 : memref<128xi32, #tpu.memory_space<vmem>>)
      "tpu.region"() ({
        %run_scoped3A = tpu.sem_alloc : memref<!tpu.dma_semaphore, #tpu.memory_space<semaphore_mem>>
        %dma_start3A_68 = arith.constant 0 : i32
        %dma_start3A_69 = arith.constant 0 : i32
        %dma_start3A_70 = tpu.memref_slice %arg11[%dma_start3A_68, %dma_start3A_69] : memref<10112x128xf32, #tpu.memory_space<vmem_shared>> -> memref<10112x128xf32, #tpu.memory_space<vmem_shared>>
        tpu.enqueue_indirect_dma source(%arg8 : memref<128x128xf32, #tpu.memory_space<vmem>>) target(%dma_start3A_70 : memref<10112x128xf32, #tpu.memory_space<vmem_shared>>) offsets(%arg6 : memref<128xi32, #tpu.memory_space<vmem>>) semaphore(%run_scoped3A : memref<!tpu.dma_semaphore, #tpu.memory_space<semaphore_mem>>) {add = true}
        %dma_wait3A_71 = arith.constant 0 : i32
        %dma_wait3A_72 = arith.constant 0 : i32
        %dma_wait3A_73 = tpu.memref_slice %arg11[%dma_wait3A_71, %dma_wait3A_72] : memref<10112x128xf32, #tpu.memory_space<vmem_shared>> -> memref<10112x128xf32, #tpu.memory_space<vmem_shared>>
        tpu.wait_indirect_dma semaphore(%run_scoped3A : memref<!tpu.dma_semaphore, #tpu.memory_space<semaphore_mem>>) src(%arg8 : memref<128x128xf32, #tpu.memory_space<vmem>>) dst(%dma_wait3A_73 : memref<10112x128xf32, #tpu.memory_space<vmem_shared>>)
        tpu.yield
      }) : () -> ()
      %add3A_57 = arith.constant 2 : i32
      %add3A_58 = arith.addi %mul3A_47, %add3A_57 : i32
      %rem3A_59 = arith.remsi %add3A_58, %select_n3A : i32
      %mul3A_60 = arith.constant 128 : i32
      %mul3A_61 = arith.muli %rem3A_59, %mul3A_60 : i32
      %add3A_62 = arith.addi %mul3A_4, %mul3A_61 : i32
      %multiple_of3A_63 = tpu.assume_multiple %add3A_62, 128 : i32
      %dma_start3A_64 = tpu.memref_slice %arg2[%multiple_of3A_63] : memref<323584xi32, #tpu.memory_space<hbm>> -> memref<128xi32, #tpu.memory_space<hbm>>
      %dma_start3A_65 = tpu.memref_slice %arg2[%multiple_of3A_63] : memref<323584xi32, #tpu.memory_space<hbm>> -> memref<128xi32, #tpu.memory_space<hbm>>
      tpu.enqueue_dma source(%dma_start3A_65 : memref<128xi32, #tpu.memory_space<hbm>>) target(%arg6 : memref<128xi32, #tpu.memory_space<vmem>>) target_semaphore(%arg9 : memref<!tpu.dma_semaphore, #tpu.memory_space<semaphore_mem>>)
      %dma_wait3A_66 = tpu.memref_slice %arg2[%multiple_of3A] : memref<323584xi32, #tpu.memory_space<hbm>> -> memref<128xi32, #tpu.memory_space<hbm>>
      %dma_wait3A_67 = tpu.memref_slice %arg2[%multiple_of3A] : memref<323584xi32, #tpu.memory_space<hbm>> -> memref<128xi32, #tpu.memory_space<hbm>>
      tpu.wait_dma2 semaphore(%arg10 : memref<!tpu.dma_semaphore, #tpu.memory_space<semaphore_mem>>) src(%dma_wait3A_67 : memref<128xi32, #tpu.memory_space<hbm>>) dst(%arg7 : memref<128xi32, #tpu.memory_space<vmem>>)
      "tpu.region"() ({
        %run_scoped3A = tpu.sem_alloc : memref<!tpu.dma_semaphore, #tpu.memory_space<semaphore_mem>>
        %dma_start3A_68 = arith.constant 0 : i32
        %dma_start3A_69 = arith.constant 0 : i32
        %dma_start3A_70 = tpu.memref_slice %arg11[%dma_start3A_68, %dma_start3A_69] : memref<10112x128xf32, #tpu.memory_space<vmem_shared>> -> memref<10112x128xf32, #tpu.memory_space<vmem_shared>>
        tpu.enqueue_indirect_dma source(%arg8 : memref<128x128xf32, #tpu.memory_space<vmem>>) target(%dma_start3A_70 : memref<10112x128xf32, #tpu.memory_space<vmem_shared>>) offsets(%arg7 : memref<128xi32, #tpu.memory_space<vmem>>) semaphore(%run_scoped3A : memref<!tpu.dma_semaphore, #tpu.memory_space<semaphore_mem>>) {add = true}
        %dma_wait3A_71 = arith.constant 0 : i32
        %dma_wait3A_72 = arith.constant 0 : i32
        %dma_wait3A_73 = tpu.memref_slice %arg11[%dma_wait3A_71, %dma_wait3A_72] : memref<10112x128xf32, #tpu.memory_space<vmem_shared>> -> memref<10112x128xf32, #tpu.memory_space<vmem_shared>>
        tpu.wait_indirect_dma semaphore(%run_scoped3A : memref<!tpu.dma_semaphore, #tpu.memory_space<semaphore_mem>>) src(%arg8 : memref<128x128xf32, #tpu.memory_space<vmem>>) dst(%dma_wait3A_73 : memref<10112x128xf32, #tpu.memory_space<vmem_shared>>)
        tpu.yield
      }) : () -> ()
    }
    %while3A_38 = arith.constant 1 : i32
    scf.for %while3A_45 = %while3A_36 to %while3A_32 step %while3A_38  : i32 {
      %mul3A_46 = arith.constant 2 : i32
      %mul3A_47 = arith.muli %mul3A_46, %while3A_45 : i32
      %add3A_48 = arith.constant 1 : i32
      %add3A_49 = arith.addi %mul3A_47, %add3A_48 : i32
      %mul3A_50 = arith.constant 128 : i32
      %mul3A_51 = arith.muli %add3A_49, %mul3A_50 : i32
      %add3A_52 = arith.addi %mul3A_4, %mul3A_51 : i32
      %multiple_of3A = tpu.assume_multiple %add3A_52, 128 : i32
      %dma_start3A_53 = tpu.memref_slice %arg2[%multiple_of3A] : memref<323584xi32, #tpu.memory_space<hbm>> -> memref<128xi32, #tpu.memory_space<hbm>>
      %dma_start3A_54 = tpu.memref_slice %arg2[%multiple_of3A] : memref<323584xi32, #tpu.memory_space<hbm>> -> memref<128xi32, #tpu.memory_space<hbm>>
      tpu.enqueue_dma source(%dma_start3A_54 : memref<128xi32, #tpu.memory_space<hbm>>) target(%arg7 : memref<128xi32, #tpu.memory_space<vmem>>) target_semaphore(%arg10 : memref<!tpu.dma_semaphore, #tpu.memory_space<semaphore_mem>>)
      %dma_wait3A_55 = tpu.memref_slice %arg2[%multiple_of3A] : memref<323584xi32, #tpu.memory_space<hbm>> -> memref<128xi32, #tpu.memory_space<hbm>>
      %dma_wait3A_56 = tpu.memref_slice %arg2[%multiple_of3A] : memref<323584xi32, #tpu.memory_space<hbm>> -> memref<128xi32, #tpu.memory_space<hbm>>
      tpu.wait_dma2 semaphore(%arg9 : memref<!tpu.dma_semaphore, #tpu.memory_space<semaphore_mem>>) src(%dma_wait3A_56 : memref<128xi32, #tpu.memory_space<hbm>>) dst(%arg6 : memref<128xi32, #tpu.memory_space<vmem>>)
      "tpu.region"() ({
        %run_scoped3A = tpu.sem_alloc : memref<!tpu.dma_semaphore, #tpu.memory_space<semaphore_mem>>
        %dma_start3A_68 = arith.constant 0 : i32
        %dma_start3A_69 = arith.constant 0 : i32
        %dma_start3A_70 = tpu.memref_slice %arg11[%dma_start3A_68, %dma_start3A_69] : memref<10112x128xf32, #tpu.memory_space<vmem_shared>> -> memref<10112x128xf32, #tpu.memory_space<vmem_shared>>
        tpu.enqueue_indirect_dma source(%arg8 : memref<128x128xf32, #tpu.memory_space<vmem>>) target(%dma_start3A_70 : memref<10112x128xf32, #tpu.memory_space<vmem_shared>>) offsets(%arg6 : memref<128xi32, #tpu.memory_space<vmem>>) semaphore(%run_scoped3A : memref<!tpu.dma_semaphore, #tpu.memory_space<semaphore_mem>>) {add = true}
        %dma_wait3A_71 = arith.constant 0 : i32
        %dma_wait3A_72 = arith.constant 0 : i32
        %dma_wait3A_73 = tpu.memref_slice %arg11[%dma_wait3A_71, %dma_wait3A_72] : memref<10112x128xf32, #tpu.memory_space<vmem_shared>> -> memref<10112x128xf32, #tpu.memory_space<vmem_shared>>
        tpu.wait_indirect_dma semaphore(%run_scoped3A : memref<!tpu.dma_semaphore, #tpu.memory_space<semaphore_mem>>) src(%arg8 : memref<128x128xf32, #tpu.memory_space<vmem>>) dst(%dma_wait3A_73 : memref<10112x128xf32, #tpu.memory_space<vmem_shared>>)
        tpu.yield
      }) : () -> ()
      %add3A_57 = arith.constant 2 : i32
      %add3A_58 = arith.addi %mul3A_47, %add3A_57 : i32
      %rem3A_59 = arith.remsi %add3A_58, %select_n3A : i32
      %mul3A_60 = arith.constant 128 : i32
      %mul3A_61 = arith.muli %rem3A_59, %mul3A_60 : i32
      %add3A_62 = arith.addi %mul3A_4, %mul3A_61 : i32
      %multiple_of3A_63 = tpu.assume_multiple %add3A_62, 128 : i32
      %dma_start3A_64 = tpu.memref_slice %arg2[%multiple_of3A_63] : memref<323584xi32, #tpu.memory_space<hbm>> -> memref<128xi32, #tpu.memory_space<hbm>>
      %dma_start3A_65 = tpu.memref_slice %arg2[%multiple_of3A_63] : memref<323584xi32, #tpu.memory_space<hbm>> -> memref<128xi32, #tpu.memory_space<hbm>>
      tpu.enqueue_dma source(%dma_start3A_65 : memref<128xi32, #tpu.memory_space<hbm>>) target(%arg6 : memref<128xi32, #tpu.memory_space<vmem>>) target_semaphore(%arg9 : memref<!tpu.dma_semaphore, #tpu.memory_space<semaphore_mem>>)
      %dma_wait3A_66 = tpu.memref_slice %arg2[%multiple_of3A] : memref<323584xi32, #tpu.memory_space<hbm>> -> memref<128xi32, #tpu.memory_space<hbm>>
      %dma_wait3A_67 = tpu.memref_slice %arg2[%multiple_of3A] : memref<323584xi32, #tpu.memory_space<hbm>> -> memref<128xi32, #tpu.memory_space<hbm>>
      tpu.wait_dma2 semaphore(%arg10 : memref<!tpu.dma_semaphore, #tpu.memory_space<semaphore_mem>>) src(%dma_wait3A_67 : memref<128xi32, #tpu.memory_space<hbm>>) dst(%arg7 : memref<128xi32, #tpu.memory_space<vmem>>)
      "tpu.region"() ({
        %run_scoped3A = tpu.sem_alloc : memref<!tpu.dma_semaphore, #tpu.memory_space<semaphore_mem>>
        %dma_start3A_68 = arith.constant 0 : i32
        %dma_start3A_69 = arith.constant 0 : i32
        %dma_start3A_70 = tpu.memref_slice %arg11[%dma_start3A_68, %dma_start3A_69] : memref<10112x128xf32, #tpu.memory_space<vmem_shared>> -> memref<10112x128xf32, #tpu.memory_space<vmem_shared>>
        tpu.enqueue_indirect_dma source(%arg8 : memref<128x128xf32, #tpu.memory_space<vmem>>) target(%dma_start3A_70 : memref<10112x128xf32, #tpu.memory_space<vmem_shared>>) offsets(%arg7 : memref<128xi32, #tpu.memory_space<vmem>>) semaphore(%run_scoped3A : memref<!tpu.dma_semaphore, #tpu.memory_space<semaphore_mem>>) {add = true}
        %dma_wait3A_71 = arith.constant 0 : i32
        %dma_wait3A_72 = arith.constant 0 : i32
        %dma_wait3A_73 = tpu.memref_slice %arg11[%dma_wait3A_71, %dma_wait3A_72] : memref<10112x128xf32, #tpu.memory_space<vmem_shared>> -> memref<10112x128xf32, #tpu.memory_space<vmem_shared>>
        tpu.wait_indirect_dma semaphore(%run_scoped3A : memref<!tpu.dma_semaphore, #tpu.memory_space<semaphore_mem>>) src(%arg8 : memref<128x128xf32, #tpu.memory_space<vmem>>) dst(%dma_wait3A_73 : memref<10112x128xf32, #tpu.memory_space<vmem_shared>>)
        tpu.yield
      }) : () -> ()
    }
    %dma_wait3A = tpu.memref_slice %arg2[%mul3A_4] : memref<323584xi32, #tpu.memory_space<hbm>> -> memref<128xi32, #tpu.memory_space<hbm>>
    %dma_wait3A_39 = tpu.memref_slice %arg2[%mul3A_4] : memref<323584xi32, #tpu.memory_space<hbm>> -> memref<128xi32, #tpu.memory_space<hbm>>
    tpu.wait_dma2 semaphore(%arg9 : memref<!tpu.dma_semaphore, #tpu.memory_space<semaphore_mem>>) src(%dma_wait3A_39 : memref<128xi32, #tpu.memory_space<hbm>>) dst(%arg6 : memref<128xi32, #tpu.memory_space<vmem>>)
    %barrier3A_40 = arith.constant 0 : index
    tpu.barrier barrier_id(%barrier3A_40)
    %mul3A_41 = arith.constant 632 : i32
    %mul3A_42 = arith.muli %arg1, %mul3A_41 : i32
    %mul3A_43 = arith.constant 632 : i32
    %mul3A_44 = arith.muli %arg1, %mul3A_43 : i32
    "tpu.region"() ({
      %run_scoped3A = tpu.sem_alloc : memref<!tpu.dma_semaphore, #tpu.memory_space<semaphore_mem>>
      %dma_start3A_45 = arith.constant 0 : i32
      %dma_start3A_46 = arith.constant 0 : i32
      %dma_start3A_47 = tpu.memref_slice %arg5[%arg0, %dma_start3A_45, %dma_start3A_46] : memref<2x10112x128xf32, #tpu.memory_space<hbm>> -> memref<1x10112x128xf32, #tpu.memory_space<hbm>>
      %dma_start3A_48 = tpu.memref_squeeze %dma_start3A_47 : memref<1x10112x128xf32, #tpu.memory_space<hbm>> -> memref<10112x128xf32, #tpu.memory_space<hbm>>
      %dma_start3A_49 = arith.constant 0 : i32
      %dma_start3A_50 = tpu.memref_slice %dma_start3A_48[%mul3A_44, %dma_start3A_49] : memref<10112x128xf32, #tpu.memory_space<hbm>> -> memref<632x128xf32, #tpu.memory_space<hbm>>
      %dma_start3A_51 = arith.constant 0 : i32
      %dma_start3A_52 = tpu.memref_slice %arg11[%mul3A_42, %dma_start3A_51] : memref<10112x128xf32, #tpu.memory_space<vmem_shared>> -> memref<632x128xf32, #tpu.memory_space<vmem_shared>>
      tpu.enqueue_dma source(%dma_start3A_52 : memref<632x128xf32, #tpu.memory_space<vmem_shared>>) target(%dma_start3A_50 : memref<632x128xf32, #tpu.memory_space<hbm>>) target_semaphore(%run_scoped3A : memref<!tpu.dma_semaphore, #tpu.memory_space<semaphore_mem>>)
      %dma_wait3A_53 = arith.constant 0 : i32
      %dma_wait3A_54 = arith.constant 0 : i32
      %dma_wait3A_55 = tpu.memref_slice %arg5[%arg0, %dma_wait3A_53, %dma_wait3A_54] : memref<2x10112x128xf32, #tpu.memory_space<hbm>> -> memref<1x10112x128xf32, #tpu.memory_space<hbm>>
      %dma_wait3A_56 = tpu.memref_squeeze %dma_wait3A_55 : memref<1x10112x128xf32, #tpu.memory_space<hbm>> -> memref<10112x128xf32, #tpu.memory_space<hbm>>
      %dma_wait3A_57 = arith.constant 0 : i32
      %dma_wait3A_58 = tpu.memref_slice %dma_wait3A_56[%mul3A_44, %dma_wait3A_57] : memref<10112x128xf32, #tpu.memory_space<hbm>> -> memref<632x128xf32, #tpu.memory_space<hbm>>
      %dma_wait3A_59 = arith.constant 0 : i32
      %dma_wait3A_60 = tpu.memref_slice %arg11[%mul3A_42, %dma_wait3A_59] : memref<10112x128xf32, #tpu.memory_space<vmem_shared>> -> memref<632x128xf32, #tpu.memory_space<vmem_shared>>
      tpu.wait_dma2 semaphore(%run_scoped3A : memref<!tpu.dma_semaphore, #tpu.memory_space<semaphore_mem>>) src(%dma_wait3A_60 : memref<632x128xf32, #tpu.memory_space<vmem_shared>>) dst(%dma_wait3A_58 : memref<632x128xf32, #tpu.memory_space<hbm>>)
      tpu.yield
    }) : () -> ()
    return
  }
}

#map = affine_map<(d0, d1) -> (0)>
#map1 = affine_map<(d0, d1) -> (0, 0)>
#map2 = affine_map<(d0, d1) -> (0, 0, 0, 0)>
module attributes {stable_mosaic.version = 14 : i64} {
  func.func @mp(%arg0: i32, %arg1: i32, %arg2: memref<323584xi32, #tpu.memory_space<hbm>>, %arg3: memref<323584xi32, #tpu.memory_space<hbm>>, %arg4: memref<10112x64xf32, #tpu.memory_space<hbm>>, %arg5: memref<10000x64xf32, #tpu.memory_space<hbm>>, %arg6: memref<10000x64xf32, #tpu.memory_space<hbm>>, %arg7: memref<2x2x10112x64xf32, #tpu.memory_space<hbm>>, %arg8: memref<128xi32, #tpu.memory_space<vmem>>, %arg9: memref<128xi32, #tpu.memory_space<vmem>>, %arg10: memref<128xi32, #tpu.memory_space<vmem>>, %arg11: memref<128xi32, #tpu.memory_space<vmem>>, %arg12: memref<128x64xf32, #tpu.memory_space<vmem>>, %arg13: memref<128x64xf32, #tpu.memory_space<vmem>>, %arg14: memref<!tpu.dma_semaphore, #tpu.memory_space<semaphore_mem>>, %arg15: memref<!tpu.dma_semaphore, #tpu.memory_space<semaphore_mem>>, %arg16: memref<10000x64xf32, #tpu.memory_space<vmem_shared>>, %arg17: memref<10112x64xf32, #tpu.memory_space<vmem_shared>>) attributes {dimension_semantics = [#tpu.dimension_semantics<core_parallel>, #tpu.dimension_semantics<subcore_parallel>], iteration_bounds = array<i64: 2, 16>, scalar_prefetch = 0 : i64, scratch_operands = 10 : i64, tpu.core_type = #tpu.core_type<sc_vector_subcore>, window_params = [{transform_indices = #map}, {transform_indices = #map}, {transform_indices = #map1}, {transform_indices = #map1}, {transform_indices = #map1}, {transform_indices = #map2}]} {
    %mul3A = arith.constant 158 : i32
    %mul3A_0 = arith.muli %arg1, %mul3A : i32
    %mul3A_1 = arith.constant 78 : i32
    %mul3A_2 = arith.muli %arg0, %mul3A_1 : i32
    %add3A = arith.addi %mul3A_0, %mul3A_2 : i32
    %mul3A_3 = arith.constant 128 : i32
    %mul3A_4 = arith.muli %add3A, %mul3A_3 : i32
    %eq3A = arith.constant 0 : i32
    %eq3A_5 = arith.cmpi eq, %arg0, %eq3A : i32
    %jit3A = arith.constant 78 : i32
    %jit3A_6 = arith.constant 80 : i32
    %select_n3A = arith.select %eq3A_5, %jit3A, %jit3A_6 : i32
    %mul3A_7 = arith.constant 625 : i32
    %mul3A_8 = arith.muli %arg1, %mul3A_7 : i32
    %mul3A_9 = arith.constant 625 : i32
    %mul3A_10 = arith.muli %arg1, %mul3A_9 : i32
    "tpu.region"() ({
      %run_scoped3A_107 = tpu.sem_alloc : memref<!tpu.dma_semaphore, #tpu.memory_space<semaphore_mem>>
      %dma_start3A_108 = arith.constant 0 : i32
      %dma_start3A_109 = tpu.memref_slice %arg16[%mul3A_10, %dma_start3A_108] : memref<10000x64xf32, #tpu.memory_space<vmem_shared>> -> memref<625x64xf32, #tpu.memory_space<vmem_shared>>
      %dma_start3A_110 = arith.constant 0 : i32
      %dma_start3A_111 = tpu.memref_slice %arg5[%mul3A_8, %dma_start3A_110] : memref<10000x64xf32, #tpu.memory_space<hbm>> -> memref<625x64xf32, #tpu.memory_space<hbm>>
      tpu.enqueue_dma source(%dma_start3A_111 : memref<625x64xf32, #tpu.memory_space<hbm>>) target(%dma_start3A_109 : memref<625x64xf32, #tpu.memory_space<vmem_shared>>) target_semaphore(%run_scoped3A_107 : memref<!tpu.dma_semaphore, #tpu.memory_space<semaphore_mem>>)
      %dma_wait3A_112 = arith.constant 0 : i32
      %dma_wait3A_113 = tpu.memref_slice %arg16[%mul3A_10, %dma_wait3A_112] : memref<10000x64xf32, #tpu.memory_space<vmem_shared>> -> memref<625x64xf32, #tpu.memory_space<vmem_shared>>
      %dma_wait3A_114 = arith.constant 0 : i32
      %dma_wait3A_115 = tpu.memref_slice %arg5[%mul3A_8, %dma_wait3A_114] : memref<10000x64xf32, #tpu.memory_space<hbm>> -> memref<625x64xf32, #tpu.memory_space<hbm>>
      tpu.wait_dma2 semaphore(%run_scoped3A_107 : memref<!tpu.dma_semaphore, #tpu.memory_space<semaphore_mem>>) src(%dma_wait3A_115 : memref<625x64xf32, #tpu.memory_space<hbm>>) dst(%dma_wait3A_113 : memref<625x64xf32, #tpu.memory_space<vmem_shared>>)
      tpu.yield
    }) : () -> ()
    %mul3A_11 = arith.constant 632 : i32
    %mul3A_12 = arith.muli %arg1, %mul3A_11 : i32
    %mul3A_13 = arith.constant 632 : i32
    %mul3A_14 = arith.muli %arg1, %mul3A_13 : i32
    "tpu.region"() ({
      %run_scoped3A_107 = tpu.sem_alloc : memref<!tpu.dma_semaphore, #tpu.memory_space<semaphore_mem>>
      %dma_start3A_108 = arith.constant 0 : i32
      %dma_start3A_109 = tpu.memref_slice %arg17[%mul3A_14, %dma_start3A_108] : memref<10112x64xf32, #tpu.memory_space<vmem_shared>> -> memref<632x64xf32, #tpu.memory_space<vmem_shared>>
      %dma_start3A_110 = arith.constant 0 : i32
      %dma_start3A_111 = tpu.memref_slice %arg4[%mul3A_12, %dma_start3A_110] : memref<10112x64xf32, #tpu.memory_space<hbm>> -> memref<632x64xf32, #tpu.memory_space<hbm>>
      tpu.enqueue_dma source(%dma_start3A_111 : memref<632x64xf32, #tpu.memory_space<hbm>>) target(%dma_start3A_109 : memref<632x64xf32, #tpu.memory_space<vmem_shared>>) target_semaphore(%run_scoped3A_107 : memref<!tpu.dma_semaphore, #tpu.memory_space<semaphore_mem>>)
      %dma_wait3A_112 = arith.constant 0 : i32
      %dma_wait3A_113 = tpu.memref_slice %arg17[%mul3A_14, %dma_wait3A_112] : memref<10112x64xf32, #tpu.memory_space<vmem_shared>> -> memref<632x64xf32, #tpu.memory_space<vmem_shared>>
      %dma_wait3A_114 = arith.constant 0 : i32
      %dma_wait3A_115 = tpu.memref_slice %arg4[%mul3A_12, %dma_wait3A_114] : memref<10112x64xf32, #tpu.memory_space<hbm>> -> memref<632x64xf32, #tpu.memory_space<hbm>>
      tpu.wait_dma2 semaphore(%run_scoped3A_107 : memref<!tpu.dma_semaphore, #tpu.memory_space<semaphore_mem>>) src(%dma_wait3A_115 : memref<632x64xf32, #tpu.memory_space<hbm>>) dst(%dma_wait3A_113 : memref<632x64xf32, #tpu.memory_space<vmem_shared>>)
      tpu.yield
    }) : () -> ()
    "tpu.region"() ({
      %run_scoped3A_107 = tpu.sem_alloc : memref<!tpu.dma_semaphore, #tpu.memory_space<semaphore_mem>>
      %dma_start3A_108 = tpu.memref_slice %arg2[%mul3A_4] : memref<323584xi32, #tpu.memory_space<hbm>> -> memref<128xi32, #tpu.memory_space<hbm>>
      %dma_start3A_109 = tpu.memref_slice %arg2[%mul3A_4] : memref<323584xi32, #tpu.memory_space<hbm>> -> memref<128xi32, #tpu.memory_space<hbm>>
      tpu.enqueue_dma source(%dma_start3A_109 : memref<128xi32, #tpu.memory_space<hbm>>) target(%arg8 : memref<128xi32, #tpu.memory_space<vmem>>) target_semaphore(%run_scoped3A_107 : memref<!tpu.dma_semaphore, #tpu.memory_space<semaphore_mem>>)
      %dma_wait3A_110 = tpu.memref_slice %arg2[%mul3A_4] : memref<323584xi32, #tpu.memory_space<hbm>> -> memref<128xi32, #tpu.memory_space<hbm>>
      %dma_wait3A_111 = tpu.memref_slice %arg2[%mul3A_4] : memref<323584xi32, #tpu.memory_space<hbm>> -> memref<128xi32, #tpu.memory_space<hbm>>
      tpu.wait_dma2 semaphore(%run_scoped3A_107 : memref<!tpu.dma_semaphore, #tpu.memory_space<semaphore_mem>>) src(%dma_wait3A_111 : memref<128xi32, #tpu.memory_space<hbm>>) dst(%arg8 : memref<128xi32, #tpu.memory_space<vmem>>)
      tpu.yield
    }) : () -> ()
    "tpu.region"() ({
      %run_scoped3A_107 = tpu.sem_alloc : memref<!tpu.dma_semaphore, #tpu.memory_space<semaphore_mem>>
      %dma_start3A_108 = tpu.memref_slice %arg3[%mul3A_4] : memref<323584xi32, #tpu.memory_space<hbm>> -> memref<128xi32, #tpu.memory_space<hbm>>
      %dma_start3A_109 = tpu.memref_slice %arg3[%mul3A_4] : memref<323584xi32, #tpu.memory_space<hbm>> -> memref<128xi32, #tpu.memory_space<hbm>>
      tpu.enqueue_dma source(%dma_start3A_109 : memref<128xi32, #tpu.memory_space<hbm>>) target(%arg9 : memref<128xi32, #tpu.memory_space<vmem>>) target_semaphore(%run_scoped3A_107 : memref<!tpu.dma_semaphore, #tpu.memory_space<semaphore_mem>>)
      %dma_wait3A_110 = tpu.memref_slice %arg3[%mul3A_4] : memref<323584xi32, #tpu.memory_space<hbm>> -> memref<128xi32, #tpu.memory_space<hbm>>
      %dma_wait3A_111 = tpu.memref_slice %arg3[%mul3A_4] : memref<323584xi32, #tpu.memory_space<hbm>> -> memref<128xi32, #tpu.memory_space<hbm>>
      tpu.wait_dma2 semaphore(%run_scoped3A_107 : memref<!tpu.dma_semaphore, #tpu.memory_space<semaphore_mem>>) src(%dma_wait3A_111 : memref<128xi32, #tpu.memory_space<hbm>>) dst(%arg9 : memref<128xi32, #tpu.memory_space<vmem>>)
      tpu.yield
    }) : () -> ()
    %barrier3A = arith.constant 0 : index
    tpu.barrier barrier_id(%barrier3A)
    %dma_start3A = arith.constant 0 : i32
    %dma_start3A_15 = arith.constant 0 : i32
    %dma_start3A_16 = tpu.memref_slice %arg16[%dma_start3A, %dma_start3A_15] : memref<10000x64xf32, #tpu.memory_space<vmem_shared>> -> memref<10000x64xf32, #tpu.memory_space<vmem_shared>>
    tpu.enqueue_indirect_dma source(%dma_start3A_16 : memref<10000x64xf32, #tpu.memory_space<vmem_shared>>) target(%arg12 : memref<128x64xf32, #tpu.memory_space<vmem>>) offsets(%arg8 : memref<128xi32, #tpu.memory_space<vmem>>) semaphore(%arg14 : memref<!tpu.dma_semaphore, #tpu.memory_space<semaphore_mem>>)
    %jit3A_17 = arith.constant 2 : i32
    %div3A = arith.divsi %select_n3A, %jit3A_17 : i32
    %sign3A = arith.constant 0 : i32
    %sign3A_18 = arith.cmpi sgt, %select_n3A, %sign3A : i32
    %sign3A_19 = arith.extui %sign3A_18 : i1 to i32
    %sign3A_20 = arith.constant 0 : i32
    %sign3A_21 = arith.cmpi slt, %select_n3A, %sign3A_20 : i32
    %sign3A_22 = arith.extui %sign3A_21 : i1 to i32
    %sign3A_23 = arith.subi %sign3A_19, %sign3A_22 : i32
    %sign3A_24 = arith.constant 0 : i32
    %sign3A_25 = arith.cmpi sgt, %jit3A_17, %sign3A_24 : i32
    %sign3A_26 = arith.extui %sign3A_25 : i1 to i32
    %sign3A_27 = arith.constant 0 : i32
    %sign3A_28 = arith.cmpi slt, %jit3A_17, %sign3A_27 : i32
    %sign3A_29 = arith.extui %sign3A_28 : i1 to i32
    %sign3A_30 = arith.subi %sign3A_26, %sign3A_29 : i32
    %ne3A = arith.cmpi ne, %sign3A_23, %sign3A_30 : i32
    %rem3A = arith.remsi %select_n3A, %jit3A_17 : i32
    %ne3A_31 = arith.constant 0 : i32
    %ne3A_32 = arith.cmpi ne, %rem3A, %ne3A_31 : i32
    %and3A = arith.andi %ne3A, %ne3A_32 : i1
    %sub3A = arith.constant 1 : i32
    %sub3A_33 = arith.subi %div3A, %sub3A : i32
    %select_n3A_34 = arith.select %and3A, %sub3A_33, %div3A : i32
    %while3A = arith.constant 0 : i32
    %while3A_35 = arith.constant 0 : i32
    %while3A_36 = arith.subi %select_n3A_34, %while3A_35 : i32
    %while3A_37 = arith.addi %while3A_35, %while3A_36 : i32
    %while3A_38 = arith.constant 1 : i32
    %while3A_39 = arith.divsi %while3A_36, %while3A_38 : i32
    %while3A_40 = arith.muli %while3A_39, %while3A_38 : i32
    %while3A_41 = arith.addi %while3A_35, %while3A_40 : i32
    %while3A_42 = arith.constant 1 : i32
    scf.for %while3A_107 = %while3A_35 to %while3A_41 step %while3A_42  : i32 {
      %mul3A_108 = arith.constant 2 : i32
      %mul3A_109 = arith.muli %mul3A_108, %while3A_107 : i32
      %add3A_110 = arith.constant 1 : i32
      %add3A_111 = arith.addi %mul3A_109, %add3A_110 : i32
      %mul3A_112 = arith.constant 128 : i32
      %mul3A_113 = arith.muli %add3A_111, %mul3A_112 : i32
      %add3A_114 = arith.addi %mul3A_4, %mul3A_113 : i32
      %multiple_of3A = tpu.assume_multiple %add3A_114, 128 : i32
      "tpu.region"() ({
        %run_scoped3A_134 = tpu.sem_alloc : memref<!tpu.dma_semaphore, #tpu.memory_space<semaphore_mem>>
        %dma_start3A_135 = tpu.memref_slice %arg2[%multiple_of3A] : memref<323584xi32, #tpu.memory_space<hbm>> -> memref<128xi32, #tpu.memory_space<hbm>>
        %dma_start3A_136 = tpu.memref_slice %arg2[%multiple_of3A] : memref<323584xi32, #tpu.memory_space<hbm>> -> memref<128xi32, #tpu.memory_space<hbm>>
        tpu.enqueue_dma source(%dma_start3A_136 : memref<128xi32, #tpu.memory_space<hbm>>) target(%arg10 : memref<128xi32, #tpu.memory_space<vmem>>) target_semaphore(%run_scoped3A_134 : memref<!tpu.dma_semaphore, #tpu.memory_space<semaphore_mem>>)
        %dma_wait3A_137 = tpu.memref_slice %arg2[%multiple_of3A] : memref<323584xi32, #tpu.memory_space<hbm>> -> memref<128xi32, #tpu.memory_space<hbm>>
        %dma_wait3A_138 = tpu.memref_slice %arg2[%multiple_of3A] : memref<323584xi32, #tpu.memory_space<hbm>> -> memref<128xi32, #tpu.memory_space<hbm>>
        tpu.wait_dma2 semaphore(%run_scoped3A_134 : memref<!tpu.dma_semaphore, #tpu.memory_space<semaphore_mem>>) src(%dma_wait3A_138 : memref<128xi32, #tpu.memory_space<hbm>>) dst(%arg10 : memref<128xi32, #tpu.memory_space<vmem>>)
        tpu.yield
      }) : () -> ()
      "tpu.region"() ({
        %run_scoped3A_134 = tpu.sem_alloc : memref<!tpu.dma_semaphore, #tpu.memory_space<semaphore_mem>>
        %dma_start3A_135 = tpu.memref_slice %arg3[%multiple_of3A] : memref<323584xi32, #tpu.memory_space<hbm>> -> memref<128xi32, #tpu.memory_space<hbm>>
        %dma_start3A_136 = tpu.memref_slice %arg3[%multiple_of3A] : memref<323584xi32, #tpu.memory_space<hbm>> -> memref<128xi32, #tpu.memory_space<hbm>>
        tpu.enqueue_dma source(%dma_start3A_136 : memref<128xi32, #tpu.memory_space<hbm>>) target(%arg11 : memref<128xi32, #tpu.memory_space<vmem>>) target_semaphore(%run_scoped3A_134 : memref<!tpu.dma_semaphore, #tpu.memory_space<semaphore_mem>>)
        %dma_wait3A_137 = tpu.memref_slice %arg3[%multiple_of3A] : memref<323584xi32, #tpu.memory_space<hbm>> -> memref<128xi32, #tpu.memory_space<hbm>>
        %dma_wait3A_138 = tpu.memref_slice %arg3[%multiple_of3A] : memref<323584xi32, #tpu.memory_space<hbm>> -> memref<128xi32, #tpu.memory_space<hbm>>
        tpu.wait_dma2 semaphore(%run_scoped3A_134 : memref<!tpu.dma_semaphore, #tpu.memory_space<semaphore_mem>>) src(%dma_wait3A_138 : memref<128xi32, #tpu.memory_space<hbm>>) dst(%arg11 : memref<128xi32, #tpu.memory_space<vmem>>)
        tpu.yield
      }) : () -> ()
      %dma_start3A_115 = arith.constant 0 : i32
      %dma_start3A_116 = arith.constant 0 : i32
      %dma_start3A_117 = tpu.memref_slice %arg16[%dma_start3A_115, %dma_start3A_116] : memref<10000x64xf32, #tpu.memory_space<vmem_shared>> -> memref<10000x64xf32, #tpu.memory_space<vmem_shared>>
      tpu.enqueue_indirect_dma source(%dma_start3A_117 : memref<10000x64xf32, #tpu.memory_space<vmem_shared>>) target(%arg13 : memref<128x64xf32, #tpu.memory_space<vmem>>) offsets(%arg10 : memref<128xi32, #tpu.memory_space<vmem>>) semaphore(%arg15 : memref<!tpu.dma_semaphore, #tpu.memory_space<semaphore_mem>>)
      %dma_wait3A_118 = arith.constant 0 : i32
      %dma_wait3A_119 = arith.constant 0 : i32
      %dma_wait3A_120 = tpu.memref_slice %arg16[%dma_wait3A_118, %dma_wait3A_119] : memref<10000x64xf32, #tpu.memory_space<vmem_shared>> -> memref<10000x64xf32, #tpu.memory_space<vmem_shared>>
      tpu.wait_indirect_dma semaphore(%arg14 : memref<!tpu.dma_semaphore, #tpu.memory_space<semaphore_mem>>) src(%dma_wait3A_120 : memref<10000x64xf32, #tpu.memory_space<vmem_shared>>) dst(%arg12 : memref<128x64xf32, #tpu.memory_space<vmem>>)
      "tpu.region"() ({
        %run_scoped3A_134 = tpu.sem_alloc : memref<!tpu.dma_semaphore, #tpu.memory_space<semaphore_mem>>
        %dma_start3A_135 = arith.constant 0 : i32
        %dma_start3A_136 = arith.constant 0 : i32
        %dma_start3A_137 = tpu.memref_slice %arg17[%dma_start3A_135, %dma_start3A_136] : memref<10112x64xf32, #tpu.memory_space<vmem_shared>> -> memref<10112x64xf32, #tpu.memory_space<vmem_shared>>
        tpu.enqueue_indirect_dma source(%arg12 : memref<128x64xf32, #tpu.memory_space<vmem>>) target(%dma_start3A_137 : memref<10112x64xf32, #tpu.memory_space<vmem_shared>>) offsets(%arg9 : memref<128xi32, #tpu.memory_space<vmem>>) semaphore(%run_scoped3A_134 : memref<!tpu.dma_semaphore, #tpu.memory_space<semaphore_mem>>) {add = true}
        %dma_wait3A_138 = arith.constant 0 : i32
        %dma_wait3A_139 = arith.constant 0 : i32
        %dma_wait3A_140 = tpu.memref_slice %arg17[%dma_wait3A_138, %dma_wait3A_139] : memref<10112x64xf32, #tpu.memory_space<vmem_shared>> -> memref<10112x64xf32, #tpu.memory_space<vmem_shared>>
        tpu.wait_indirect_dma semaphore(%run_scoped3A_134 : memref<!tpu.dma_semaphore, #tpu.memory_space<semaphore_mem>>) src(%arg12 : memref<128x64xf32, #tpu.memory_space<vmem>>) dst(%dma_wait3A_140 : memref<10112x64xf32, #tpu.memory_space<vmem_shared>>)
        tpu.yield
      }) : () -> ()
      %add3A_121 = arith.constant 2 : i32
      %add3A_122 = arith.addi %mul3A_109, %add3A_121 : i32
      %rem3A_123 = arith.remsi %add3A_122, %select_n3A : i32
      %mul3A_124 = arith.constant 128 : i32
      %mul3A_125 = arith.muli %rem3A_123, %mul3A_124 : i32
      %add3A_126 = arith.addi %mul3A_4, %mul3A_125 : i32
      %multiple_of3A_127 = tpu.assume_multiple %add3A_126, 128 : i32
      "tpu.region"() ({
        %run_scoped3A_134 = tpu.sem_alloc : memref<!tpu.dma_semaphore, #tpu.memory_space<semaphore_mem>>
        %dma_start3A_135 = tpu.memref_slice %arg2[%multiple_of3A_127] : memref<323584xi32, #tpu.memory_space<hbm>> -> memref<128xi32, #tpu.memory_space<hbm>>
        %dma_start3A_136 = tpu.memref_slice %arg2[%multiple_of3A_127] : memref<323584xi32, #tpu.memory_space<hbm>> -> memref<128xi32, #tpu.memory_space<hbm>>
        tpu.enqueue_dma source(%dma_start3A_136 : memref<128xi32, #tpu.memory_space<hbm>>) target(%arg8 : memref<128xi32, #tpu.memory_space<vmem>>) target_semaphore(%run_scoped3A_134 : memref<!tpu.dma_semaphore, #tpu.memory_space<semaphore_mem>>)
        %dma_wait3A_137 = tpu.memref_slice %arg2[%multiple_of3A_127] : memref<323584xi32, #tpu.memory_space<hbm>> -> memref<128xi32, #tpu.memory_space<hbm>>
        %dma_wait3A_138 = tpu.memref_slice %arg2[%multiple_of3A_127] : memref<323584xi32, #tpu.memory_space<hbm>> -> memref<128xi32, #tpu.memory_space<hbm>>
        tpu.wait_dma2 semaphore(%run_scoped3A_134 : memref<!tpu.dma_semaphore, #tpu.memory_space<semaphore_mem>>) src(%dma_wait3A_138 : memref<128xi32, #tpu.memory_space<hbm>>) dst(%arg8 : memref<128xi32, #tpu.memory_space<vmem>>)
        tpu.yield
      }) : () -> ()
      "tpu.region"() ({
        %run_scoped3A_134 = tpu.sem_alloc : memref<!tpu.dma_semaphore, #tpu.memory_space<semaphore_mem>>
        %dma_start3A_135 = tpu.memref_slice %arg3[%multiple_of3A_127] : memref<323584xi32, #tpu.memory_space<hbm>> -> memref<128xi32, #tpu.memory_space<hbm>>
        %dma_start3A_136 = tpu.memref_slice %arg3[%multiple_of3A_127] : memref<323584xi32, #tpu.memory_space<hbm>> -> memref<128xi32, #tpu.memory_space<hbm>>
        tpu.enqueue_dma source(%dma_start3A_136 : memref<128xi32, #tpu.memory_space<hbm>>) target(%arg9 : memref<128xi32, #tpu.memory_space<vmem>>) target_semaphore(%run_scoped3A_134 : memref<!tpu.dma_semaphore, #tpu.memory_space<semaphore_mem>>)
        %dma_wait3A_137 = tpu.memref_slice %arg3[%multiple_of3A_127] : memref<323584xi32, #tpu.memory_space<hbm>> -> memref<128xi32, #tpu.memory_space<hbm>>
        %dma_wait3A_138 = tpu.memref_slice %arg3[%multiple_of3A_127] : memref<323584xi32, #tpu.memory_space<hbm>> -> memref<128xi32, #tpu.memory_space<hbm>>
        tpu.wait_dma2 semaphore(%run_scoped3A_134 : memref<!tpu.dma_semaphore, #tpu.memory_space<semaphore_mem>>) src(%dma_wait3A_138 : memref<128xi32, #tpu.memory_space<hbm>>) dst(%arg9 : memref<128xi32, #tpu.memory_space<vmem>>)
        tpu.yield
      }) : () -> ()
      %dma_start3A_128 = arith.constant 0 : i32
      %dma_start3A_129 = arith.constant 0 : i32
      %dma_start3A_130 = tpu.memref_slice %arg16[%dma_start3A_128, %dma_start3A_129] : memref<10000x64xf32, #tpu.memory_space<vmem_shared>> -> memref<10000x64xf32, #tpu.memory_space<vmem_shared>>
      tpu.enqueue_indirect_dma source(%dma_start3A_130 : memref<10000x64xf32, #tpu.memory_space<vmem_shared>>) target(%arg12 : memref<128x64xf32, #tpu.memory_space<vmem>>) offsets(%arg8 : memref<128xi32, #tpu.memory_space<vmem>>) semaphore(%arg14 : memref<!tpu.dma_semaphore, #tpu.memory_space<semaphore_mem>>)
      %dma_wait3A_131 = arith.constant 0 : i32
      %dma_wait3A_132 = arith.constant 0 : i32
      %dma_wait3A_133 = tpu.memref_slice %arg16[%dma_wait3A_131, %dma_wait3A_132] : memref<10000x64xf32, #tpu.memory_space<vmem_shared>> -> memref<10000x64xf32, #tpu.memory_space<vmem_shared>>
      tpu.wait_indirect_dma semaphore(%arg15 : memref<!tpu.dma_semaphore, #tpu.memory_space<semaphore_mem>>) src(%dma_wait3A_133 : memref<10000x64xf32, #tpu.memory_space<vmem_shared>>) dst(%arg13 : memref<128x64xf32, #tpu.memory_space<vmem>>)
      "tpu.region"() ({
        %run_scoped3A_134 = tpu.sem_alloc : memref<!tpu.dma_semaphore, #tpu.memory_space<semaphore_mem>>
        %dma_start3A_135 = arith.constant 0 : i32
        %dma_start3A_136 = arith.constant 0 : i32
        %dma_start3A_137 = tpu.memref_slice %arg17[%dma_start3A_135, %dma_start3A_136] : memref<10112x64xf32, #tpu.memory_space<vmem_shared>> -> memref<10112x64xf32, #tpu.memory_space<vmem_shared>>
        tpu.enqueue_indirect_dma source(%arg13 : memref<128x64xf32, #tpu.memory_space<vmem>>) target(%dma_start3A_137 : memref<10112x64xf32, #tpu.memory_space<vmem_shared>>) offsets(%arg11 : memref<128xi32, #tpu.memory_space<vmem>>) semaphore(%run_scoped3A_134 : memref<!tpu.dma_semaphore, #tpu.memory_space<semaphore_mem>>) {add = true}
        %dma_wait3A_138 = arith.constant 0 : i32
        %dma_wait3A_139 = arith.constant 0 : i32
        %dma_wait3A_140 = tpu.memref_slice %arg17[%dma_wait3A_138, %dma_wait3A_139] : memref<10112x64xf32, #tpu.memory_space<vmem_shared>> -> memref<10112x64xf32, #tpu.memory_space<vmem_shared>>
        tpu.wait_indirect_dma semaphore(%run_scoped3A_134 : memref<!tpu.dma_semaphore, #tpu.memory_space<semaphore_mem>>) src(%arg13 : memref<128x64xf32, #tpu.memory_space<vmem>>) dst(%dma_wait3A_140 : memref<10112x64xf32, #tpu.memory_space<vmem_shared>>)
        tpu.yield
      }) : () -> ()
    }
    %while3A_43 = arith.constant 1 : i32
    scf.for %while3A_107 = %while3A_41 to %while3A_37 step %while3A_43  : i32 {
      %mul3A_108 = arith.constant 2 : i32
      %mul3A_109 = arith.muli %mul3A_108, %while3A_107 : i32
      %add3A_110 = arith.constant 1 : i32
      %add3A_111 = arith.addi %mul3A_109, %add3A_110 : i32
      %mul3A_112 = arith.constant 128 : i32
      %mul3A_113 = arith.muli %add3A_111, %mul3A_112 : i32
      %add3A_114 = arith.addi %mul3A_4, %mul3A_113 : i32
      %multiple_of3A = tpu.assume_multiple %add3A_114, 128 : i32
      "tpu.region"() ({
        %run_scoped3A_134 = tpu.sem_alloc : memref<!tpu.dma_semaphore, #tpu.memory_space<semaphore_mem>>
        %dma_start3A_135 = tpu.memref_slice %arg2[%multiple_of3A] : memref<323584xi32, #tpu.memory_space<hbm>> -> memref<128xi32, #tpu.memory_space<hbm>>
        %dma_start3A_136 = tpu.memref_slice %arg2[%multiple_of3A] : memref<323584xi32, #tpu.memory_space<hbm>> -> memref<128xi32, #tpu.memory_space<hbm>>
        tpu.enqueue_dma source(%dma_start3A_136 : memref<128xi32, #tpu.memory_space<hbm>>) target(%arg10 : memref<128xi32, #tpu.memory_space<vmem>>) target_semaphore(%run_scoped3A_134 : memref<!tpu.dma_semaphore, #tpu.memory_space<semaphore_mem>>)
        %dma_wait3A_137 = tpu.memref_slice %arg2[%multiple_of3A] : memref<323584xi32, #tpu.memory_space<hbm>> -> memref<128xi32, #tpu.memory_space<hbm>>
        %dma_wait3A_138 = tpu.memref_slice %arg2[%multiple_of3A] : memref<323584xi32, #tpu.memory_space<hbm>> -> memref<128xi32, #tpu.memory_space<hbm>>
        tpu.wait_dma2 semaphore(%run_scoped3A_134 : memref<!tpu.dma_semaphore, #tpu.memory_space<semaphore_mem>>) src(%dma_wait3A_138 : memref<128xi32, #tpu.memory_space<hbm>>) dst(%arg10 : memref<128xi32, #tpu.memory_space<vmem>>)
        tpu.yield
      }) : () -> ()
      "tpu.region"() ({
        %run_scoped3A_134 = tpu.sem_alloc : memref<!tpu.dma_semaphore, #tpu.memory_space<semaphore_mem>>
        %dma_start3A_135 = tpu.memref_slice %arg3[%multiple_of3A] : memref<323584xi32, #tpu.memory_space<hbm>> -> memref<128xi32, #tpu.memory_space<hbm>>
        %dma_start3A_136 = tpu.memref_slice %arg3[%multiple_of3A] : memref<323584xi32, #tpu.memory_space<hbm>> -> memref<128xi32, #tpu.memory_space<hbm>>
        tpu.enqueue_dma source(%dma_start3A_136 : memref<128xi32, #tpu.memory_space<hbm>>) target(%arg11 : memref<128xi32, #tpu.memory_space<vmem>>) target_semaphore(%run_scoped3A_134 : memref<!tpu.dma_semaphore, #tpu.memory_space<semaphore_mem>>)
        %dma_wait3A_137 = tpu.memref_slice %arg3[%multiple_of3A] : memref<323584xi32, #tpu.memory_space<hbm>> -> memref<128xi32, #tpu.memory_space<hbm>>
        %dma_wait3A_138 = tpu.memref_slice %arg3[%multiple_of3A] : memref<323584xi32, #tpu.memory_space<hbm>> -> memref<128xi32, #tpu.memory_space<hbm>>
        tpu.wait_dma2 semaphore(%run_scoped3A_134 : memref<!tpu.dma_semaphore, #tpu.memory_space<semaphore_mem>>) src(%dma_wait3A_138 : memref<128xi32, #tpu.memory_space<hbm>>) dst(%arg11 : memref<128xi32, #tpu.memory_space<vmem>>)
        tpu.yield
      }) : () -> ()
      %dma_start3A_115 = arith.constant 0 : i32
      %dma_start3A_116 = arith.constant 0 : i32
      %dma_start3A_117 = tpu.memref_slice %arg16[%dma_start3A_115, %dma_start3A_116] : memref<10000x64xf32, #tpu.memory_space<vmem_shared>> -> memref<10000x64xf32, #tpu.memory_space<vmem_shared>>
      tpu.enqueue_indirect_dma source(%dma_start3A_117 : memref<10000x64xf32, #tpu.memory_space<vmem_shared>>) target(%arg13 : memref<128x64xf32, #tpu.memory_space<vmem>>) offsets(%arg10 : memref<128xi32, #tpu.memory_space<vmem>>) semaphore(%arg15 : memref<!tpu.dma_semaphore, #tpu.memory_space<semaphore_mem>>)
      %dma_wait3A_118 = arith.constant 0 : i32
      %dma_wait3A_119 = arith.constant 0 : i32
      %dma_wait3A_120 = tpu.memref_slice %arg16[%dma_wait3A_118, %dma_wait3A_119] : memref<10000x64xf32, #tpu.memory_space<vmem_shared>> -> memref<10000x64xf32, #tpu.memory_space<vmem_shared>>
      tpu.wait_indirect_dma semaphore(%arg14 : memref<!tpu.dma_semaphore, #tpu.memory_space<semaphore_mem>>) src(%dma_wait3A_120 : memref<10000x64xf32, #tpu.memory_space<vmem_shared>>) dst(%arg12 : memref<128x64xf32, #tpu.memory_space<vmem>>)
      "tpu.region"() ({
        %run_scoped3A_134 = tpu.sem_alloc : memref<!tpu.dma_semaphore, #tpu.memory_space<semaphore_mem>>
        %dma_start3A_135 = arith.constant 0 : i32
        %dma_start3A_136 = arith.constant 0 : i32
        %dma_start3A_137 = tpu.memref_slice %arg17[%dma_start3A_135, %dma_start3A_136] : memref<10112x64xf32, #tpu.memory_space<vmem_shared>> -> memref<10112x64xf32, #tpu.memory_space<vmem_shared>>
        tpu.enqueue_indirect_dma source(%arg12 : memref<128x64xf32, #tpu.memory_space<vmem>>) target(%dma_start3A_137 : memref<10112x64xf32, #tpu.memory_space<vmem_shared>>) offsets(%arg9 : memref<128xi32, #tpu.memory_space<vmem>>) semaphore(%run_scoped3A_134 : memref<!tpu.dma_semaphore, #tpu.memory_space<semaphore_mem>>) {add = true}
        %dma_wait3A_138 = arith.constant 0 : i32
        %dma_wait3A_139 = arith.constant 0 : i32
        %dma_wait3A_140 = tpu.memref_slice %arg17[%dma_wait3A_138, %dma_wait3A_139] : memref<10112x64xf32, #tpu.memory_space<vmem_shared>> -> memref<10112x64xf32, #tpu.memory_space<vmem_shared>>
        tpu.wait_indirect_dma semaphore(%run_scoped3A_134 : memref<!tpu.dma_semaphore, #tpu.memory_space<semaphore_mem>>) src(%arg12 : memref<128x64xf32, #tpu.memory_space<vmem>>) dst(%dma_wait3A_140 : memref<10112x64xf32, #tpu.memory_space<vmem_shared>>)
        tpu.yield
      }) : () -> ()
      %add3A_121 = arith.constant 2 : i32
      %add3A_122 = arith.addi %mul3A_109, %add3A_121 : i32
      %rem3A_123 = arith.remsi %add3A_122, %select_n3A : i32
      %mul3A_124 = arith.constant 128 : i32
      %mul3A_125 = arith.muli %rem3A_123, %mul3A_124 : i32
      %add3A_126 = arith.addi %mul3A_4, %mul3A_125 : i32
      %multiple_of3A_127 = tpu.assume_multiple %add3A_126, 128 : i32
      "tpu.region"() ({
        %run_scoped3A_134 = tpu.sem_alloc : memref<!tpu.dma_semaphore, #tpu.memory_space<semaphore_mem>>
        %dma_start3A_135 = tpu.memref_slice %arg2[%multiple_of3A_127] : memref<323584xi32, #tpu.memory_space<hbm>> -> memref<128xi32, #tpu.memory_space<hbm>>
        %dma_start3A_136 = tpu.memref_slice %arg2[%multiple_of3A_127] : memref<323584xi32, #tpu.memory_space<hbm>> -> memref<128xi32, #tpu.memory_space<hbm>>
        tpu.enqueue_dma source(%dma_start3A_136 : memref<128xi32, #tpu.memory_space<hbm>>) target(%arg8 : memref<128xi32, #tpu.memory_space<vmem>>) target_semaphore(%run_scoped3A_134 : memref<!tpu.dma_semaphore, #tpu.memory_space<semaphore_mem>>)
        %dma_wait3A_137 = tpu.memref_slice %arg2[%multiple_of3A_127] : memref<323584xi32, #tpu.memory_space<hbm>> -> memref<128xi32, #tpu.memory_space<hbm>>
        %dma_wait3A_138 = tpu.memref_slice %arg2[%multiple_of3A_127] : memref<323584xi32, #tpu.memory_space<hbm>> -> memref<128xi32, #tpu.memory_space<hbm>>
        tpu.wait_dma2 semaphore(%run_scoped3A_134 : memref<!tpu.dma_semaphore, #tpu.memory_space<semaphore_mem>>) src(%dma_wait3A_138 : memref<128xi32, #tpu.memory_space<hbm>>) dst(%arg8 : memref<128xi32, #tpu.memory_space<vmem>>)
        tpu.yield
      }) : () -> ()
      "tpu.region"() ({
        %run_scoped3A_134 = tpu.sem_alloc : memref<!tpu.dma_semaphore, #tpu.memory_space<semaphore_mem>>
        %dma_start3A_135 = tpu.memref_slice %arg3[%multiple_of3A_127] : memref<323584xi32, #tpu.memory_space<hbm>> -> memref<128xi32, #tpu.memory_space<hbm>>
        %dma_start3A_136 = tpu.memref_slice %arg3[%multiple_of3A_127] : memref<323584xi32, #tpu.memory_space<hbm>> -> memref<128xi32, #tpu.memory_space<hbm>>
        tpu.enqueue_dma source(%dma_start3A_136 : memref<128xi32, #tpu.memory_space<hbm>>) target(%arg9 : memref<128xi32, #tpu.memory_space<vmem>>) target_semaphore(%run_scoped3A_134 : memref<!tpu.dma_semaphore, #tpu.memory_space<semaphore_mem>>)
        %dma_wait3A_137 = tpu.memref_slice %arg3[%multiple_of3A_127] : memref<323584xi32, #tpu.memory_space<hbm>> -> memref<128xi32, #tpu.memory_space<hbm>>
        %dma_wait3A_138 = tpu.memref_slice %arg3[%multiple_of3A_127] : memref<323584xi32, #tpu.memory_space<hbm>> -> memref<128xi32, #tpu.memory_space<hbm>>
        tpu.wait_dma2 semaphore(%run_scoped3A_134 : memref<!tpu.dma_semaphore, #tpu.memory_space<semaphore_mem>>) src(%dma_wait3A_138 : memref<128xi32, #tpu.memory_space<hbm>>) dst(%arg9 : memref<128xi32, #tpu.memory_space<vmem>>)
        tpu.yield
      }) : () -> ()
      %dma_start3A_128 = arith.constant 0 : i32
      %dma_start3A_129 = arith.constant 0 : i32
      %dma_start3A_130 = tpu.memref_slice %arg16[%dma_start3A_128, %dma_start3A_129] : memref<10000x64xf32, #tpu.memory_space<vmem_shared>> -> memref<10000x64xf32, #tpu.memory_space<vmem_shared>>
      tpu.enqueue_indirect_dma source(%dma_start3A_130 : memref<10000x64xf32, #tpu.memory_space<vmem_shared>>) target(%arg12 : memref<128x64xf32, #tpu.memory_space<vmem>>) offsets(%arg8 : memref<128xi32, #tpu.memory_space<vmem>>) semaphore(%arg14 : memref<!tpu.dma_semaphore, #tpu.memory_space<semaphore_mem>>)
      %dma_wait3A_131 = arith.constant 0 : i32
      %dma_wait3A_132 = arith.constant 0 : i32
      %dma_wait3A_133 = tpu.memref_slice %arg16[%dma_wait3A_131, %dma_wait3A_132] : memref<10000x64xf32, #tpu.memory_space<vmem_shared>> -> memref<10000x64xf32, #tpu.memory_space<vmem_shared>>
      tpu.wait_indirect_dma semaphore(%arg15 : memref<!tpu.dma_semaphore, #tpu.memory_space<semaphore_mem>>) src(%dma_wait3A_133 : memref<10000x64xf32, #tpu.memory_space<vmem_shared>>) dst(%arg13 : memref<128x64xf32, #tpu.memory_space<vmem>>)
      "tpu.region"() ({
        %run_scoped3A_134 = tpu.sem_alloc : memref<!tpu.dma_semaphore, #tpu.memory_space<semaphore_mem>>
        %dma_start3A_135 = arith.constant 0 : i32
        %dma_start3A_136 = arith.constant 0 : i32
        %dma_start3A_137 = tpu.memref_slice %arg17[%dma_start3A_135, %dma_start3A_136] : memref<10112x64xf32, #tpu.memory_space<vmem_shared>> -> memref<10112x64xf32, #tpu.memory_space<vmem_shared>>
        tpu.enqueue_indirect_dma source(%arg13 : memref<128x64xf32, #tpu.memory_space<vmem>>) target(%dma_start3A_137 : memref<10112x64xf32, #tpu.memory_space<vmem_shared>>) offsets(%arg11 : memref<128xi32, #tpu.memory_space<vmem>>) semaphore(%run_scoped3A_134 : memref<!tpu.dma_semaphore, #tpu.memory_space<semaphore_mem>>) {add = true}
        %dma_wait3A_138 = arith.constant 0 : i32
        %dma_wait3A_139 = arith.constant 0 : i32
        %dma_wait3A_140 = tpu.memref_slice %arg17[%dma_wait3A_138, %dma_wait3A_139] : memref<10112x64xf32, #tpu.memory_space<vmem_shared>> -> memref<10112x64xf32, #tpu.memory_space<vmem_shared>>
        tpu.wait_indirect_dma semaphore(%run_scoped3A_134 : memref<!tpu.dma_semaphore, #tpu.memory_space<semaphore_mem>>) src(%arg13 : memref<128x64xf32, #tpu.memory_space<vmem>>) dst(%dma_wait3A_140 : memref<10112x64xf32, #tpu.memory_space<vmem_shared>>)
        tpu.yield
      }) : () -> ()
    }
    %dma_wait3A = arith.constant 0 : i32
    %dma_wait3A_44 = arith.constant 0 : i32
    %dma_wait3A_45 = tpu.memref_slice %arg16[%dma_wait3A, %dma_wait3A_44] : memref<10000x64xf32, #tpu.memory_space<vmem_shared>> -> memref<10000x64xf32, #tpu.memory_space<vmem_shared>>
    tpu.wait_indirect_dma semaphore(%arg14 : memref<!tpu.dma_semaphore, #tpu.memory_space<semaphore_mem>>) src(%dma_wait3A_45 : memref<10000x64xf32, #tpu.memory_space<vmem_shared>>) dst(%arg12 : memref<128x64xf32, #tpu.memory_space<vmem>>)
    %barrier3A_46 = arith.constant 0 : index
    tpu.barrier barrier_id(%barrier3A_46)
    %mul3A_47 = arith.constant 632 : i32
    %mul3A_48 = arith.muli %arg1, %mul3A_47 : i32
    %mul3A_49 = arith.constant 632 : i32
    %mul3A_50 = arith.muli %arg1, %mul3A_49 : i32
    %run_scoped3A = arith.constant 0 : i32
    "tpu.region"() ({
      %run_scoped3A_107 = tpu.sem_alloc : memref<!tpu.dma_semaphore, #tpu.memory_space<semaphore_mem>>
      %dma_start3A_108 = arith.constant 0 : i32
      %dma_start3A_109 = arith.constant 0 : i32
      %dma_start3A_110 = arith.constant 0 : i32
      %dma_start3A_111 = tpu.memref_slice %arg7[%run_scoped3A, %dma_start3A_108, %dma_start3A_109, %dma_start3A_110] : memref<2x2x10112x64xf32, #tpu.memory_space<hbm>> -> memref<1x2x10112x64xf32, #tpu.memory_space<hbm>>
      %dma_start3A_112 = tpu.memref_squeeze %dma_start3A_111 : memref<1x2x10112x64xf32, #tpu.memory_space<hbm>> -> memref<2x10112x64xf32, #tpu.memory_space<hbm>>
      %dma_start3A_113 = arith.constant 0 : i32
      %dma_start3A_114 = arith.constant 0 : i32
      %dma_start3A_115 = tpu.memref_slice %dma_start3A_112[%arg0, %dma_start3A_113, %dma_start3A_114] : memref<2x10112x64xf32, #tpu.memory_space<hbm>> -> memref<1x10112x64xf32, #tpu.memory_space<hbm>>
      %dma_start3A_116 = tpu.memref_squeeze %dma_start3A_115 : memref<1x10112x64xf32, #tpu.memory_space<hbm>> -> memref<10112x64xf32, #tpu.memory_space<hbm>>
      %dma_start3A_117 = arith.constant 0 : i32
      %dma_start3A_118 = tpu.memref_slice %dma_start3A_116[%mul3A_50, %dma_start3A_117] : memref<10112x64xf32, #tpu.memory_space<hbm>> -> memref<632x64xf32, #tpu.memory_space<hbm>>
      %dma_start3A_119 = arith.constant 0 : i32
      %dma_start3A_120 = tpu.memref_slice %arg17[%mul3A_48, %dma_start3A_119] : memref<10112x64xf32, #tpu.memory_space<vmem_shared>> -> memref<632x64xf32, #tpu.memory_space<vmem_shared>>
      tpu.enqueue_dma source(%dma_start3A_120 : memref<632x64xf32, #tpu.memory_space<vmem_shared>>) target(%dma_start3A_118 : memref<632x64xf32, #tpu.memory_space<hbm>>) target_semaphore(%run_scoped3A_107 : memref<!tpu.dma_semaphore, #tpu.memory_space<semaphore_mem>>)
      %dma_wait3A_121 = arith.constant 0 : i32
      %dma_wait3A_122 = arith.constant 0 : i32
      %dma_wait3A_123 = arith.constant 0 : i32
      %dma_wait3A_124 = tpu.memref_slice %arg7[%run_scoped3A, %dma_wait3A_121, %dma_wait3A_122, %dma_wait3A_123] : memref<2x2x10112x64xf32, #tpu.memory_space<hbm>> -> memref<1x2x10112x64xf32, #tpu.memory_space<hbm>>
      %dma_wait3A_125 = tpu.memref_squeeze %dma_wait3A_124 : memref<1x2x10112x64xf32, #tpu.memory_space<hbm>> -> memref<2x10112x64xf32, #tpu.memory_space<hbm>>
      %dma_wait3A_126 = arith.constant 0 : i32
      %dma_wait3A_127 = arith.constant 0 : i32
      %dma_wait3A_128 = tpu.memref_slice %dma_wait3A_125[%arg0, %dma_wait3A_126, %dma_wait3A_127] : memref<2x10112x64xf32, #tpu.memory_space<hbm>> -> memref<1x10112x64xf32, #tpu.memory_space<hbm>>
      %dma_wait3A_129 = tpu.memref_squeeze %dma_wait3A_128 : memref<1x10112x64xf32, #tpu.memory_space<hbm>> -> memref<10112x64xf32, #tpu.memory_space<hbm>>
      %dma_wait3A_130 = arith.constant 0 : i32
      %dma_wait3A_131 = tpu.memref_slice %dma_wait3A_129[%mul3A_50, %dma_wait3A_130] : memref<10112x64xf32, #tpu.memory_space<hbm>> -> memref<632x64xf32, #tpu.memory_space<hbm>>
      %dma_wait3A_132 = arith.constant 0 : i32
      %dma_wait3A_133 = tpu.memref_slice %arg17[%mul3A_48, %dma_wait3A_132] : memref<10112x64xf32, #tpu.memory_space<vmem_shared>> -> memref<632x64xf32, #tpu.memory_space<vmem_shared>>
      tpu.wait_dma2 semaphore(%run_scoped3A_107 : memref<!tpu.dma_semaphore, #tpu.memory_space<semaphore_mem>>) src(%dma_wait3A_133 : memref<632x64xf32, #tpu.memory_space<vmem_shared>>) dst(%dma_wait3A_131 : memref<632x64xf32, #tpu.memory_space<hbm>>)
      tpu.yield
    }) : () -> ()
    %barrier3A_51 = arith.constant 0 : index
    tpu.barrier barrier_id(%barrier3A_51)
    %mul3A_52 = arith.constant 625 : i32
    %mul3A_53 = arith.muli %arg1, %mul3A_52 : i32
    %mul3A_54 = arith.constant 625 : i32
    %mul3A_55 = arith.muli %arg1, %mul3A_54 : i32
    "tpu.region"() ({
      %run_scoped3A_107 = tpu.sem_alloc : memref<!tpu.dma_semaphore, #tpu.memory_space<semaphore_mem>>
      %dma_start3A_108 = arith.constant 0 : i32
      %dma_start3A_109 = tpu.memref_slice %arg16[%mul3A_55, %dma_start3A_108] : memref<10000x64xf32, #tpu.memory_space<vmem_shared>> -> memref<625x64xf32, #tpu.memory_space<vmem_shared>>
      %dma_start3A_110 = arith.constant 0 : i32
      %dma_start3A_111 = tpu.memref_slice %arg6[%mul3A_53, %dma_start3A_110] : memref<10000x64xf32, #tpu.memory_space<hbm>> -> memref<625x64xf32, #tpu.memory_space<hbm>>
      tpu.enqueue_dma source(%dma_start3A_111 : memref<625x64xf32, #tpu.memory_space<hbm>>) target(%dma_start3A_109 : memref<625x64xf32, #tpu.memory_space<vmem_shared>>) target_semaphore(%run_scoped3A_107 : memref<!tpu.dma_semaphore, #tpu.memory_space<semaphore_mem>>)
      %dma_wait3A_112 = arith.constant 0 : i32
      %dma_wait3A_113 = tpu.memref_slice %arg16[%mul3A_55, %dma_wait3A_112] : memref<10000x64xf32, #tpu.memory_space<vmem_shared>> -> memref<625x64xf32, #tpu.memory_space<vmem_shared>>
      %dma_wait3A_114 = arith.constant 0 : i32
      %dma_wait3A_115 = tpu.memref_slice %arg6[%mul3A_53, %dma_wait3A_114] : memref<10000x64xf32, #tpu.memory_space<hbm>> -> memref<625x64xf32, #tpu.memory_space<hbm>>
      tpu.wait_dma2 semaphore(%run_scoped3A_107 : memref<!tpu.dma_semaphore, #tpu.memory_space<semaphore_mem>>) src(%dma_wait3A_115 : memref<625x64xf32, #tpu.memory_space<hbm>>) dst(%dma_wait3A_113 : memref<625x64xf32, #tpu.memory_space<vmem_shared>>)
      tpu.yield
    }) : () -> ()
    %mul3A_56 = arith.constant 632 : i32
    %mul3A_57 = arith.muli %arg1, %mul3A_56 : i32
    %mul3A_58 = arith.constant 632 : i32
    %mul3A_59 = arith.muli %arg1, %mul3A_58 : i32
    "tpu.region"() ({
      %run_scoped3A_107 = tpu.sem_alloc : memref<!tpu.dma_semaphore, #tpu.memory_space<semaphore_mem>>
      %dma_start3A_108 = arith.constant 0 : i32
      %dma_start3A_109 = tpu.memref_slice %arg17[%mul3A_59, %dma_start3A_108] : memref<10112x64xf32, #tpu.memory_space<vmem_shared>> -> memref<632x64xf32, #tpu.memory_space<vmem_shared>>
      %dma_start3A_110 = arith.constant 0 : i32
      %dma_start3A_111 = tpu.memref_slice %arg4[%mul3A_57, %dma_start3A_110] : memref<10112x64xf32, #tpu.memory_space<hbm>> -> memref<632x64xf32, #tpu.memory_space<hbm>>
      tpu.enqueue_dma source(%dma_start3A_111 : memref<632x64xf32, #tpu.memory_space<hbm>>) target(%dma_start3A_109 : memref<632x64xf32, #tpu.memory_space<vmem_shared>>) target_semaphore(%run_scoped3A_107 : memref<!tpu.dma_semaphore, #tpu.memory_space<semaphore_mem>>)
      %dma_wait3A_112 = arith.constant 0 : i32
      %dma_wait3A_113 = tpu.memref_slice %arg17[%mul3A_59, %dma_wait3A_112] : memref<10112x64xf32, #tpu.memory_space<vmem_shared>> -> memref<632x64xf32, #tpu.memory_space<vmem_shared>>
      %dma_wait3A_114 = arith.constant 0 : i32
      %dma_wait3A_115 = tpu.memref_slice %arg4[%mul3A_57, %dma_wait3A_114] : memref<10112x64xf32, #tpu.memory_space<hbm>> -> memref<632x64xf32, #tpu.memory_space<hbm>>
      tpu.wait_dma2 semaphore(%run_scoped3A_107 : memref<!tpu.dma_semaphore, #tpu.memory_space<semaphore_mem>>) src(%dma_wait3A_115 : memref<632x64xf32, #tpu.memory_space<hbm>>) dst(%dma_wait3A_113 : memref<632x64xf32, #tpu.memory_space<vmem_shared>>)
      tpu.yield
    }) : () -> ()
    "tpu.region"() ({
      %run_scoped3A_107 = tpu.sem_alloc : memref<!tpu.dma_semaphore, #tpu.memory_space<semaphore_mem>>
      %dma_start3A_108 = tpu.memref_slice %arg2[%mul3A_4] : memref<323584xi32, #tpu.memory_space<hbm>> -> memref<128xi32, #tpu.memory_space<hbm>>
      %dma_start3A_109 = tpu.memref_slice %arg2[%mul3A_4] : memref<323584xi32, #tpu.memory_space<hbm>> -> memref<128xi32, #tpu.memory_space<hbm>>
      tpu.enqueue_dma source(%dma_start3A_109 : memref<128xi32, #tpu.memory_space<hbm>>) target(%arg8 : memref<128xi32, #tpu.memory_space<vmem>>) target_semaphore(%run_scoped3A_107 : memref<!tpu.dma_semaphore, #tpu.memory_space<semaphore_mem>>)
      %dma_wait3A_110 = tpu.memref_slice %arg2[%mul3A_4] : memref<323584xi32, #tpu.memory_space<hbm>> -> memref<128xi32, #tpu.memory_space<hbm>>
      %dma_wait3A_111 = tpu.memref_slice %arg2[%mul3A_4] : memref<323584xi32, #tpu.memory_space<hbm>> -> memref<128xi32, #tpu.memory_space<hbm>>
      tpu.wait_dma2 semaphore(%run_scoped3A_107 : memref<!tpu.dma_semaphore, #tpu.memory_space<semaphore_mem>>) src(%dma_wait3A_111 : memref<128xi32, #tpu.memory_space<hbm>>) dst(%arg8 : memref<128xi32, #tpu.memory_space<vmem>>)
      tpu.yield
    }) : () -> ()
    "tpu.region"() ({
      %run_scoped3A_107 = tpu.sem_alloc : memref<!tpu.dma_semaphore, #tpu.memory_space<semaphore_mem>>
      %dma_start3A_108 = tpu.memref_slice %arg3[%mul3A_4] : memref<323584xi32, #tpu.memory_space<hbm>> -> memref<128xi32, #tpu.memory_space<hbm>>
      %dma_start3A_109 = tpu.memref_slice %arg3[%mul3A_4] : memref<323584xi32, #tpu.memory_space<hbm>> -> memref<128xi32, #tpu.memory_space<hbm>>
      tpu.enqueue_dma source(%dma_start3A_109 : memref<128xi32, #tpu.memory_space<hbm>>) target(%arg9 : memref<128xi32, #tpu.memory_space<vmem>>) target_semaphore(%run_scoped3A_107 : memref<!tpu.dma_semaphore, #tpu.memory_space<semaphore_mem>>)
      %dma_wait3A_110 = tpu.memref_slice %arg3[%mul3A_4] : memref<323584xi32, #tpu.memory_space<hbm>> -> memref<128xi32, #tpu.memory_space<hbm>>
      %dma_wait3A_111 = tpu.memref_slice %arg3[%mul3A_4] : memref<323584xi32, #tpu.memory_space<hbm>> -> memref<128xi32, #tpu.memory_space<hbm>>
      tpu.wait_dma2 semaphore(%run_scoped3A_107 : memref<!tpu.dma_semaphore, #tpu.memory_space<semaphore_mem>>) src(%dma_wait3A_111 : memref<128xi32, #tpu.memory_space<hbm>>) dst(%arg9 : memref<128xi32, #tpu.memory_space<vmem>>)
      tpu.yield
    }) : () -> ()
    %barrier3A_60 = arith.constant 0 : index
    tpu.barrier barrier_id(%barrier3A_60)
    %dma_start3A_61 = arith.constant 0 : i32
    %dma_start3A_62 = arith.constant 0 : i32
    %dma_start3A_63 = tpu.memref_slice %arg16[%dma_start3A_61, %dma_start3A_62] : memref<10000x64xf32, #tpu.memory_space<vmem_shared>> -> memref<10000x64xf32, #tpu.memory_space<vmem_shared>>
    tpu.enqueue_indirect_dma source(%dma_start3A_63 : memref<10000x64xf32, #tpu.memory_space<vmem_shared>>) target(%arg12 : memref<128x64xf32, #tpu.memory_space<vmem>>) offsets(%arg8 : memref<128xi32, #tpu.memory_space<vmem>>) semaphore(%arg14 : memref<!tpu.dma_semaphore, #tpu.memory_space<semaphore_mem>>)
    %jit3A_64 = arith.constant 2 : i32
    %div3A_65 = arith.divsi %select_n3A, %jit3A_64 : i32
    %sign3A_66 = arith.constant 0 : i32
    %sign3A_67 = arith.cmpi sgt, %select_n3A, %sign3A_66 : i32
    %sign3A_68 = arith.extui %sign3A_67 : i1 to i32
    %sign3A_69 = arith.constant 0 : i32
    %sign3A_70 = arith.cmpi slt, %select_n3A, %sign3A_69 : i32
    %sign3A_71 = arith.extui %sign3A_70 : i1 to i32
    %sign3A_72 = arith.subi %sign3A_68, %sign3A_71 : i32
    %sign3A_73 = arith.constant 0 : i32
    %sign3A_74 = arith.cmpi sgt, %jit3A_64, %sign3A_73 : i32
    %sign3A_75 = arith.extui %sign3A_74 : i1 to i32
    %sign3A_76 = arith.constant 0 : i32
    %sign3A_77 = arith.cmpi slt, %jit3A_64, %sign3A_76 : i32
    %sign3A_78 = arith.extui %sign3A_77 : i1 to i32
    %sign3A_79 = arith.subi %sign3A_75, %sign3A_78 : i32
    %ne3A_80 = arith.cmpi ne, %sign3A_72, %sign3A_79 : i32
    %rem3A_81 = arith.remsi %select_n3A, %jit3A_64 : i32
    %ne3A_82 = arith.constant 0 : i32
    %ne3A_83 = arith.cmpi ne, %rem3A_81, %ne3A_82 : i32
    %and3A_84 = arith.andi %ne3A_80, %ne3A_83 : i1
    %sub3A_85 = arith.constant 1 : i32
    %sub3A_86 = arith.subi %div3A_65, %sub3A_85 : i32
    %select_n3A_87 = arith.select %and3A_84, %sub3A_86, %div3A_65 : i32
    %while3A_88 = arith.constant 0 : i32
    %while3A_89 = arith.constant 0 : i32
    %while3A_90 = arith.subi %select_n3A_87, %while3A_89 : i32
    %while3A_91 = arith.addi %while3A_89, %while3A_90 : i32
    %while3A_92 = arith.constant 1 : i32
    %while3A_93 = arith.divsi %while3A_90, %while3A_92 : i32
    %while3A_94 = arith.muli %while3A_93, %while3A_92 : i32
    %while3A_95 = arith.addi %while3A_89, %while3A_94 : i32
    %while3A_96 = arith.constant 1 : i32
    scf.for %while3A_107 = %while3A_89 to %while3A_95 step %while3A_96  : i32 {
      %mul3A_108 = arith.constant 2 : i32
      %mul3A_109 = arith.muli %mul3A_108, %while3A_107 : i32
      %add3A_110 = arith.constant 1 : i32
      %add3A_111 = arith.addi %mul3A_109, %add3A_110 : i32
      %mul3A_112 = arith.constant 128 : i32
      %mul3A_113 = arith.muli %add3A_111, %mul3A_112 : i32
      %add3A_114 = arith.addi %mul3A_4, %mul3A_113 : i32
      %multiple_of3A = tpu.assume_multiple %add3A_114, 128 : i32
      "tpu.region"() ({
        %run_scoped3A_134 = tpu.sem_alloc : memref<!tpu.dma_semaphore, #tpu.memory_space<semaphore_mem>>
        %dma_start3A_135 = tpu.memref_slice %arg2[%multiple_of3A] : memref<323584xi32, #tpu.memory_space<hbm>> -> memref<128xi32, #tpu.memory_space<hbm>>
        %dma_start3A_136 = tpu.memref_slice %arg2[%multiple_of3A] : memref<323584xi32, #tpu.memory_space<hbm>> -> memref<128xi32, #tpu.memory_space<hbm>>
        tpu.enqueue_dma source(%dma_start3A_136 : memref<128xi32, #tpu.memory_space<hbm>>) target(%arg10 : memref<128xi32, #tpu.memory_space<vmem>>) target_semaphore(%run_scoped3A_134 : memref<!tpu.dma_semaphore, #tpu.memory_space<semaphore_mem>>)
        %dma_wait3A_137 = tpu.memref_slice %arg2[%multiple_of3A] : memref<323584xi32, #tpu.memory_space<hbm>> -> memref<128xi32, #tpu.memory_space<hbm>>
        %dma_wait3A_138 = tpu.memref_slice %arg2[%multiple_of3A] : memref<323584xi32, #tpu.memory_space<hbm>> -> memref<128xi32, #tpu.memory_space<hbm>>
        tpu.wait_dma2 semaphore(%run_scoped3A_134 : memref<!tpu.dma_semaphore, #tpu.memory_space<semaphore_mem>>) src(%dma_wait3A_138 : memref<128xi32, #tpu.memory_space<hbm>>) dst(%arg10 : memref<128xi32, #tpu.memory_space<vmem>>)
        tpu.yield
      }) : () -> ()
      "tpu.region"() ({
        %run_scoped3A_134 = tpu.sem_alloc : memref<!tpu.dma_semaphore, #tpu.memory_space<semaphore_mem>>
        %dma_start3A_135 = tpu.memref_slice %arg3[%multiple_of3A] : memref<323584xi32, #tpu.memory_space<hbm>> -> memref<128xi32, #tpu.memory_space<hbm>>
        %dma_start3A_136 = tpu.memref_slice %arg3[%multiple_of3A] : memref<323584xi32, #tpu.memory_space<hbm>> -> memref<128xi32, #tpu.memory_space<hbm>>
        tpu.enqueue_dma source(%dma_start3A_136 : memref<128xi32, #tpu.memory_space<hbm>>) target(%arg11 : memref<128xi32, #tpu.memory_space<vmem>>) target_semaphore(%run_scoped3A_134 : memref<!tpu.dma_semaphore, #tpu.memory_space<semaphore_mem>>)
        %dma_wait3A_137 = tpu.memref_slice %arg3[%multiple_of3A] : memref<323584xi32, #tpu.memory_space<hbm>> -> memref<128xi32, #tpu.memory_space<hbm>>
        %dma_wait3A_138 = tpu.memref_slice %arg3[%multiple_of3A] : memref<323584xi32, #tpu.memory_space<hbm>> -> memref<128xi32, #tpu.memory_space<hbm>>
        tpu.wait_dma2 semaphore(%run_scoped3A_134 : memref<!tpu.dma_semaphore, #tpu.memory_space<semaphore_mem>>) src(%dma_wait3A_138 : memref<128xi32, #tpu.memory_space<hbm>>) dst(%arg11 : memref<128xi32, #tpu.memory_space<vmem>>)
        tpu.yield
      }) : () -> ()
      %dma_start3A_115 = arith.constant 0 : i32
      %dma_start3A_116 = arith.constant 0 : i32
      %dma_start3A_117 = tpu.memref_slice %arg16[%dma_start3A_115, %dma_start3A_116] : memref<10000x64xf32, #tpu.memory_space<vmem_shared>> -> memref<10000x64xf32, #tpu.memory_space<vmem_shared>>
      tpu.enqueue_indirect_dma source(%dma_start3A_117 : memref<10000x64xf32, #tpu.memory_space<vmem_shared>>) target(%arg13 : memref<128x64xf32, #tpu.memory_space<vmem>>) offsets(%arg10 : memref<128xi32, #tpu.memory_space<vmem>>) semaphore(%arg15 : memref<!tpu.dma_semaphore, #tpu.memory_space<semaphore_mem>>)
      %dma_wait3A_118 = arith.constant 0 : i32
      %dma_wait3A_119 = arith.constant 0 : i32
      %dma_wait3A_120 = tpu.memref_slice %arg16[%dma_wait3A_118, %dma_wait3A_119] : memref<10000x64xf32, #tpu.memory_space<vmem_shared>> -> memref<10000x64xf32, #tpu.memory_space<vmem_shared>>
      tpu.wait_indirect_dma semaphore(%arg14 : memref<!tpu.dma_semaphore, #tpu.memory_space<semaphore_mem>>) src(%dma_wait3A_120 : memref<10000x64xf32, #tpu.memory_space<vmem_shared>>) dst(%arg12 : memref<128x64xf32, #tpu.memory_space<vmem>>)
      "tpu.region"() ({
        %run_scoped3A_134 = tpu.sem_alloc : memref<!tpu.dma_semaphore, #tpu.memory_space<semaphore_mem>>
        %dma_start3A_135 = arith.constant 0 : i32
        %dma_start3A_136 = arith.constant 0 : i32
        %dma_start3A_137 = tpu.memref_slice %arg17[%dma_start3A_135, %dma_start3A_136] : memref<10112x64xf32, #tpu.memory_space<vmem_shared>> -> memref<10112x64xf32, #tpu.memory_space<vmem_shared>>
        tpu.enqueue_indirect_dma source(%arg12 : memref<128x64xf32, #tpu.memory_space<vmem>>) target(%dma_start3A_137 : memref<10112x64xf32, #tpu.memory_space<vmem_shared>>) offsets(%arg9 : memref<128xi32, #tpu.memory_space<vmem>>) semaphore(%run_scoped3A_134 : memref<!tpu.dma_semaphore, #tpu.memory_space<semaphore_mem>>) {add = true}
        %dma_wait3A_138 = arith.constant 0 : i32
        %dma_wait3A_139 = arith.constant 0 : i32
        %dma_wait3A_140 = tpu.memref_slice %arg17[%dma_wait3A_138, %dma_wait3A_139] : memref<10112x64xf32, #tpu.memory_space<vmem_shared>> -> memref<10112x64xf32, #tpu.memory_space<vmem_shared>>
        tpu.wait_indirect_dma semaphore(%run_scoped3A_134 : memref<!tpu.dma_semaphore, #tpu.memory_space<semaphore_mem>>) src(%arg12 : memref<128x64xf32, #tpu.memory_space<vmem>>) dst(%dma_wait3A_140 : memref<10112x64xf32, #tpu.memory_space<vmem_shared>>)
        tpu.yield
      }) : () -> ()
      %add3A_121 = arith.constant 2 : i32
      %add3A_122 = arith.addi %mul3A_109, %add3A_121 : i32
      %rem3A_123 = arith.remsi %add3A_122, %select_n3A : i32
      %mul3A_124 = arith.constant 128 : i32
      %mul3A_125 = arith.muli %rem3A_123, %mul3A_124 : i32
      %add3A_126 = arith.addi %mul3A_4, %mul3A_125 : i32
      %multiple_of3A_127 = tpu.assume_multiple %add3A_126, 128 : i32
      "tpu.region"() ({
        %run_scoped3A_134 = tpu.sem_alloc : memref<!tpu.dma_semaphore, #tpu.memory_space<semaphore_mem>>
        %dma_start3A_135 = tpu.memref_slice %arg2[%multiple_of3A_127] : memref<323584xi32, #tpu.memory_space<hbm>> -> memref<128xi32, #tpu.memory_space<hbm>>
        %dma_start3A_136 = tpu.memref_slice %arg2[%multiple_of3A_127] : memref<323584xi32, #tpu.memory_space<hbm>> -> memref<128xi32, #tpu.memory_space<hbm>>
        tpu.enqueue_dma source(%dma_start3A_136 : memref<128xi32, #tpu.memory_space<hbm>>) target(%arg8 : memref<128xi32, #tpu.memory_space<vmem>>) target_semaphore(%run_scoped3A_134 : memref<!tpu.dma_semaphore, #tpu.memory_space<semaphore_mem>>)
        %dma_wait3A_137 = tpu.memref_slice %arg2[%multiple_of3A_127] : memref<323584xi32, #tpu.memory_space<hbm>> -> memref<128xi32, #tpu.memory_space<hbm>>
        %dma_wait3A_138 = tpu.memref_slice %arg2[%multiple_of3A_127] : memref<323584xi32, #tpu.memory_space<hbm>> -> memref<128xi32, #tpu.memory_space<hbm>>
        tpu.wait_dma2 semaphore(%run_scoped3A_134 : memref<!tpu.dma_semaphore, #tpu.memory_space<semaphore_mem>>) src(%dma_wait3A_138 : memref<128xi32, #tpu.memory_space<hbm>>) dst(%arg8 : memref<128xi32, #tpu.memory_space<vmem>>)
        tpu.yield
      }) : () -> ()
      "tpu.region"() ({
        %run_scoped3A_134 = tpu.sem_alloc : memref<!tpu.dma_semaphore, #tpu.memory_space<semaphore_mem>>
        %dma_start3A_135 = tpu.memref_slice %arg3[%multiple_of3A_127] : memref<323584xi32, #tpu.memory_space<hbm>> -> memref<128xi32, #tpu.memory_space<hbm>>
        %dma_start3A_136 = tpu.memref_slice %arg3[%multiple_of3A_127] : memref<323584xi32, #tpu.memory_space<hbm>> -> memref<128xi32, #tpu.memory_space<hbm>>
        tpu.enqueue_dma source(%dma_start3A_136 : memref<128xi32, #tpu.memory_space<hbm>>) target(%arg9 : memref<128xi32, #tpu.memory_space<vmem>>) target_semaphore(%run_scoped3A_134 : memref<!tpu.dma_semaphore, #tpu.memory_space<semaphore_mem>>)
        %dma_wait3A_137 = tpu.memref_slice %arg3[%multiple_of3A_127] : memref<323584xi32, #tpu.memory_space<hbm>> -> memref<128xi32, #tpu.memory_space<hbm>>
        %dma_wait3A_138 = tpu.memref_slice %arg3[%multiple_of3A_127] : memref<323584xi32, #tpu.memory_space<hbm>> -> memref<128xi32, #tpu.memory_space<hbm>>
        tpu.wait_dma2 semaphore(%run_scoped3A_134 : memref<!tpu.dma_semaphore, #tpu.memory_space<semaphore_mem>>) src(%dma_wait3A_138 : memref<128xi32, #tpu.memory_space<hbm>>) dst(%arg9 : memref<128xi32, #tpu.memory_space<vmem>>)
        tpu.yield
      }) : () -> ()
      %dma_start3A_128 = arith.constant 0 : i32
      %dma_start3A_129 = arith.constant 0 : i32
      %dma_start3A_130 = tpu.memref_slice %arg16[%dma_start3A_128, %dma_start3A_129] : memref<10000x64xf32, #tpu.memory_space<vmem_shared>> -> memref<10000x64xf32, #tpu.memory_space<vmem_shared>>
      tpu.enqueue_indirect_dma source(%dma_start3A_130 : memref<10000x64xf32, #tpu.memory_space<vmem_shared>>) target(%arg12 : memref<128x64xf32, #tpu.memory_space<vmem>>) offsets(%arg8 : memref<128xi32, #tpu.memory_space<vmem>>) semaphore(%arg14 : memref<!tpu.dma_semaphore, #tpu.memory_space<semaphore_mem>>)
      %dma_wait3A_131 = arith.constant 0 : i32
      %dma_wait3A_132 = arith.constant 0 : i32
      %dma_wait3A_133 = tpu.memref_slice %arg16[%dma_wait3A_131, %dma_wait3A_132] : memref<10000x64xf32, #tpu.memory_space<vmem_shared>> -> memref<10000x64xf32, #tpu.memory_space<vmem_shared>>
      tpu.wait_indirect_dma semaphore(%arg15 : memref<!tpu.dma_semaphore, #tpu.memory_space<semaphore_mem>>) src(%dma_wait3A_133 : memref<10000x64xf32, #tpu.memory_space<vmem_shared>>) dst(%arg13 : memref<128x64xf32, #tpu.memory_space<vmem>>)
      "tpu.region"() ({
        %run_scoped3A_134 = tpu.sem_alloc : memref<!tpu.dma_semaphore, #tpu.memory_space<semaphore_mem>>
        %dma_start3A_135 = arith.constant 0 : i32
        %dma_start3A_136 = arith.constant 0 : i32
        %dma_start3A_137 = tpu.memref_slice %arg17[%dma_start3A_135, %dma_start3A_136] : memref<10112x64xf32, #tpu.memory_space<vmem_shared>> -> memref<10112x64xf32, #tpu.memory_space<vmem_shared>>
        tpu.enqueue_indirect_dma source(%arg13 : memref<128x64xf32, #tpu.memory_space<vmem>>) target(%dma_start3A_137 : memref<10112x64xf32, #tpu.memory_space<vmem_shared>>) offsets(%arg11 : memref<128xi32, #tpu.memory_space<vmem>>) semaphore(%run_scoped3A_134 : memref<!tpu.dma_semaphore, #tpu.memory_space<semaphore_mem>>) {add = true}
        %dma_wait3A_138 = arith.constant 0 : i32
        %dma_wait3A_139 = arith.constant 0 : i32
        %dma_wait3A_140 = tpu.memref_slice %arg17[%dma_wait3A_138, %dma_wait3A_139] : memref<10112x64xf32, #tpu.memory_space<vmem_shared>> -> memref<10112x64xf32, #tpu.memory_space<vmem_shared>>
        tpu.wait_indirect_dma semaphore(%run_scoped3A_134 : memref<!tpu.dma_semaphore, #tpu.memory_space<semaphore_mem>>) src(%arg13 : memref<128x64xf32, #tpu.memory_space<vmem>>) dst(%dma_wait3A_140 : memref<10112x64xf32, #tpu.memory_space<vmem_shared>>)
        tpu.yield
      }) : () -> ()
    }
    %while3A_97 = arith.constant 1 : i32
    scf.for %while3A_107 = %while3A_95 to %while3A_91 step %while3A_97  : i32 {
      %mul3A_108 = arith.constant 2 : i32
      %mul3A_109 = arith.muli %mul3A_108, %while3A_107 : i32
      %add3A_110 = arith.constant 1 : i32
      %add3A_111 = arith.addi %mul3A_109, %add3A_110 : i32
      %mul3A_112 = arith.constant 128 : i32
      %mul3A_113 = arith.muli %add3A_111, %mul3A_112 : i32
      %add3A_114 = arith.addi %mul3A_4, %mul3A_113 : i32
      %multiple_of3A = tpu.assume_multiple %add3A_114, 128 : i32
      "tpu.region"() ({
        %run_scoped3A_134 = tpu.sem_alloc : memref<!tpu.dma_semaphore, #tpu.memory_space<semaphore_mem>>
        %dma_start3A_135 = tpu.memref_slice %arg2[%multiple_of3A] : memref<323584xi32, #tpu.memory_space<hbm>> -> memref<128xi32, #tpu.memory_space<hbm>>
        %dma_start3A_136 = tpu.memref_slice %arg2[%multiple_of3A] : memref<323584xi32, #tpu.memory_space<hbm>> -> memref<128xi32, #tpu.memory_space<hbm>>
        tpu.enqueue_dma source(%dma_start3A_136 : memref<128xi32, #tpu.memory_space<hbm>>) target(%arg10 : memref<128xi32, #tpu.memory_space<vmem>>) target_semaphore(%run_scoped3A_134 : memref<!tpu.dma_semaphore, #tpu.memory_space<semaphore_mem>>)
        %dma_wait3A_137 = tpu.memref_slice %arg2[%multiple_of3A] : memref<323584xi32, #tpu.memory_space<hbm>> -> memref<128xi32, #tpu.memory_space<hbm>>
        %dma_wait3A_138 = tpu.memref_slice %arg2[%multiple_of3A] : memref<323584xi32, #tpu.memory_space<hbm>> -> memref<128xi32, #tpu.memory_space<hbm>>
        tpu.wait_dma2 semaphore(%run_scoped3A_134 : memref<!tpu.dma_semaphore, #tpu.memory_space<semaphore_mem>>) src(%dma_wait3A_138 : memref<128xi32, #tpu.memory_space<hbm>>) dst(%arg10 : memref<128xi32, #tpu.memory_space<vmem>>)
        tpu.yield
      }) : () -> ()
      "tpu.region"() ({
        %run_scoped3A_134 = tpu.sem_alloc : memref<!tpu.dma_semaphore, #tpu.memory_space<semaphore_mem>>
        %dma_start3A_135 = tpu.memref_slice %arg3[%multiple_of3A] : memref<323584xi32, #tpu.memory_space<hbm>> -> memref<128xi32, #tpu.memory_space<hbm>>
        %dma_start3A_136 = tpu.memref_slice %arg3[%multiple_of3A] : memref<323584xi32, #tpu.memory_space<hbm>> -> memref<128xi32, #tpu.memory_space<hbm>>
        tpu.enqueue_dma source(%dma_start3A_136 : memref<128xi32, #tpu.memory_space<hbm>>) target(%arg11 : memref<128xi32, #tpu.memory_space<vmem>>) target_semaphore(%run_scoped3A_134 : memref<!tpu.dma_semaphore, #tpu.memory_space<semaphore_mem>>)
        %dma_wait3A_137 = tpu.memref_slice %arg3[%multiple_of3A] : memref<323584xi32, #tpu.memory_space<hbm>> -> memref<128xi32, #tpu.memory_space<hbm>>
        %dma_wait3A_138 = tpu.memref_slice %arg3[%multiple_of3A] : memref<323584xi32, #tpu.memory_space<hbm>> -> memref<128xi32, #tpu.memory_space<hbm>>
        tpu.wait_dma2 semaphore(%run_scoped3A_134 : memref<!tpu.dma_semaphore, #tpu.memory_space<semaphore_mem>>) src(%dma_wait3A_138 : memref<128xi32, #tpu.memory_space<hbm>>) dst(%arg11 : memref<128xi32, #tpu.memory_space<vmem>>)
        tpu.yield
      }) : () -> ()
      %dma_start3A_115 = arith.constant 0 : i32
      %dma_start3A_116 = arith.constant 0 : i32
      %dma_start3A_117 = tpu.memref_slice %arg16[%dma_start3A_115, %dma_start3A_116] : memref<10000x64xf32, #tpu.memory_space<vmem_shared>> -> memref<10000x64xf32, #tpu.memory_space<vmem_shared>>
      tpu.enqueue_indirect_dma source(%dma_start3A_117 : memref<10000x64xf32, #tpu.memory_space<vmem_shared>>) target(%arg13 : memref<128x64xf32, #tpu.memory_space<vmem>>) offsets(%arg10 : memref<128xi32, #tpu.memory_space<vmem>>) semaphore(%arg15 : memref<!tpu.dma_semaphore, #tpu.memory_space<semaphore_mem>>)
      %dma_wait3A_118 = arith.constant 0 : i32
      %dma_wait3A_119 = arith.constant 0 : i32
      %dma_wait3A_120 = tpu.memref_slice %arg16[%dma_wait3A_118, %dma_wait3A_119] : memref<10000x64xf32, #tpu.memory_space<vmem_shared>> -> memref<10000x64xf32, #tpu.memory_space<vmem_shared>>
      tpu.wait_indirect_dma semaphore(%arg14 : memref<!tpu.dma_semaphore, #tpu.memory_space<semaphore_mem>>) src(%dma_wait3A_120 : memref<10000x64xf32, #tpu.memory_space<vmem_shared>>) dst(%arg12 : memref<128x64xf32, #tpu.memory_space<vmem>>)
      "tpu.region"() ({
        %run_scoped3A_134 = tpu.sem_alloc : memref<!tpu.dma_semaphore, #tpu.memory_space<semaphore_mem>>
        %dma_start3A_135 = arith.constant 0 : i32
        %dma_start3A_136 = arith.constant 0 : i32
        %dma_start3A_137 = tpu.memref_slice %arg17[%dma_start3A_135, %dma_start3A_136] : memref<10112x64xf32, #tpu.memory_space<vmem_shared>> -> memref<10112x64xf32, #tpu.memory_space<vmem_shared>>
        tpu.enqueue_indirect_dma source(%arg12 : memref<128x64xf32, #tpu.memory_space<vmem>>) target(%dma_start3A_137 : memref<10112x64xf32, #tpu.memory_space<vmem_shared>>) offsets(%arg9 : memref<128xi32, #tpu.memory_space<vmem>>) semaphore(%run_scoped3A_134 : memref<!tpu.dma_semaphore, #tpu.memory_space<semaphore_mem>>) {add = true}
        %dma_wait3A_138 = arith.constant 0 : i32
        %dma_wait3A_139 = arith.constant 0 : i32
        %dma_wait3A_140 = tpu.memref_slice %arg17[%dma_wait3A_138, %dma_wait3A_139] : memref<10112x64xf32, #tpu.memory_space<vmem_shared>> -> memref<10112x64xf32, #tpu.memory_space<vmem_shared>>
        tpu.wait_indirect_dma semaphore(%run_scoped3A_134 : memref<!tpu.dma_semaphore, #tpu.memory_space<semaphore_mem>>) src(%arg12 : memref<128x64xf32, #tpu.memory_space<vmem>>) dst(%dma_wait3A_140 : memref<10112x64xf32, #tpu.memory_space<vmem_shared>>)
        tpu.yield
      }) : () -> ()
      %add3A_121 = arith.constant 2 : i32
      %add3A_122 = arith.addi %mul3A_109, %add3A_121 : i32
      %rem3A_123 = arith.remsi %add3A_122, %select_n3A : i32
      %mul3A_124 = arith.constant 128 : i32
      %mul3A_125 = arith.muli %rem3A_123, %mul3A_124 : i32
      %add3A_126 = arith.addi %mul3A_4, %mul3A_125 : i32
      %multiple_of3A_127 = tpu.assume_multiple %add3A_126, 128 : i32
      "tpu.region"() ({
        %run_scoped3A_134 = tpu.sem_alloc : memref<!tpu.dma_semaphore, #tpu.memory_space<semaphore_mem>>
        %dma_start3A_135 = tpu.memref_slice %arg2[%multiple_of3A_127] : memref<323584xi32, #tpu.memory_space<hbm>> -> memref<128xi32, #tpu.memory_space<hbm>>
        %dma_start3A_136 = tpu.memref_slice %arg2[%multiple_of3A_127] : memref<323584xi32, #tpu.memory_space<hbm>> -> memref<128xi32, #tpu.memory_space<hbm>>
        tpu.enqueue_dma source(%dma_start3A_136 : memref<128xi32, #tpu.memory_space<hbm>>) target(%arg8 : memref<128xi32, #tpu.memory_space<vmem>>) target_semaphore(%run_scoped3A_134 : memref<!tpu.dma_semaphore, #tpu.memory_space<semaphore_mem>>)
        %dma_wait3A_137 = tpu.memref_slice %arg2[%multiple_of3A_127] : memref<323584xi32, #tpu.memory_space<hbm>> -> memref<128xi32, #tpu.memory_space<hbm>>
        %dma_wait3A_138 = tpu.memref_slice %arg2[%multiple_of3A_127] : memref<323584xi32, #tpu.memory_space<hbm>> -> memref<128xi32, #tpu.memory_space<hbm>>
        tpu.wait_dma2 semaphore(%run_scoped3A_134 : memref<!tpu.dma_semaphore, #tpu.memory_space<semaphore_mem>>) src(%dma_wait3A_138 : memref<128xi32, #tpu.memory_space<hbm>>) dst(%arg8 : memref<128xi32, #tpu.memory_space<vmem>>)
        tpu.yield
      }) : () -> ()
      "tpu.region"() ({
        %run_scoped3A_134 = tpu.sem_alloc : memref<!tpu.dma_semaphore, #tpu.memory_space<semaphore_mem>>
        %dma_start3A_135 = tpu.memref_slice %arg3[%multiple_of3A_127] : memref<323584xi32, #tpu.memory_space<hbm>> -> memref<128xi32, #tpu.memory_space<hbm>>
        %dma_start3A_136 = tpu.memref_slice %arg3[%multiple_of3A_127] : memref<323584xi32, #tpu.memory_space<hbm>> -> memref<128xi32, #tpu.memory_space<hbm>>
        tpu.enqueue_dma source(%dma_start3A_136 : memref<128xi32, #tpu.memory_space<hbm>>) target(%arg9 : memref<128xi32, #tpu.memory_space<vmem>>) target_semaphore(%run_scoped3A_134 : memref<!tpu.dma_semaphore, #tpu.memory_space<semaphore_mem>>)
        %dma_wait3A_137 = tpu.memref_slice %arg3[%multiple_of3A_127] : memref<323584xi32, #tpu.memory_space<hbm>> -> memref<128xi32, #tpu.memory_space<hbm>>
        %dma_wait3A_138 = tpu.memref_slice %arg3[%multiple_of3A_127] : memref<323584xi32, #tpu.memory_space<hbm>> -> memref<128xi32, #tpu.memory_space<hbm>>
        tpu.wait_dma2 semaphore(%run_scoped3A_134 : memref<!tpu.dma_semaphore, #tpu.memory_space<semaphore_mem>>) src(%dma_wait3A_138 : memref<128xi32, #tpu.memory_space<hbm>>) dst(%arg9 : memref<128xi32, #tpu.memory_space<vmem>>)
        tpu.yield
      }) : () -> ()
      %dma_start3A_128 = arith.constant 0 : i32
      %dma_start3A_129 = arith.constant 0 : i32
      %dma_start3A_130 = tpu.memref_slice %arg16[%dma_start3A_128, %dma_start3A_129] : memref<10000x64xf32, #tpu.memory_space<vmem_shared>> -> memref<10000x64xf32, #tpu.memory_space<vmem_shared>>
      tpu.enqueue_indirect_dma source(%dma_start3A_130 : memref<10000x64xf32, #tpu.memory_space<vmem_shared>>) target(%arg12 : memref<128x64xf32, #tpu.memory_space<vmem>>) offsets(%arg8 : memref<128xi32, #tpu.memory_space<vmem>>) semaphore(%arg14 : memref<!tpu.dma_semaphore, #tpu.memory_space<semaphore_mem>>)
      %dma_wait3A_131 = arith.constant 0 : i32
      %dma_wait3A_132 = arith.constant 0 : i32
      %dma_wait3A_133 = tpu.memref_slice %arg16[%dma_wait3A_131, %dma_wait3A_132] : memref<10000x64xf32, #tpu.memory_space<vmem_shared>> -> memref<10000x64xf32, #tpu.memory_space<vmem_shared>>
      tpu.wait_indirect_dma semaphore(%arg15 : memref<!tpu.dma_semaphore, #tpu.memory_space<semaphore_mem>>) src(%dma_wait3A_133 : memref<10000x64xf32, #tpu.memory_space<vmem_shared>>) dst(%arg13 : memref<128x64xf32, #tpu.memory_space<vmem>>)
      "tpu.region"() ({
        %run_scoped3A_134 = tpu.sem_alloc : memref<!tpu.dma_semaphore, #tpu.memory_space<semaphore_mem>>
        %dma_start3A_135 = arith.constant 0 : i32
        %dma_start3A_136 = arith.constant 0 : i32
        %dma_start3A_137 = tpu.memref_slice %arg17[%dma_start3A_135, %dma_start3A_136] : memref<10112x64xf32, #tpu.memory_space<vmem_shared>> -> memref<10112x64xf32, #tpu.memory_space<vmem_shared>>
        tpu.enqueue_indirect_dma source(%arg13 : memref<128x64xf32, #tpu.memory_space<vmem>>) target(%dma_start3A_137 : memref<10112x64xf32, #tpu.memory_space<vmem_shared>>) offsets(%arg11 : memref<128xi32, #tpu.memory_space<vmem>>) semaphore(%run_scoped3A_134 : memref<!tpu.dma_semaphore, #tpu.memory_space<semaphore_mem>>) {add = true}
        %dma_wait3A_138 = arith.constant 0 : i32
        %dma_wait3A_139 = arith.constant 0 : i32
        %dma_wait3A_140 = tpu.memref_slice %arg17[%dma_wait3A_138, %dma_wait3A_139] : memref<10112x64xf32, #tpu.memory_space<vmem_shared>> -> memref<10112x64xf32, #tpu.memory_space<vmem_shared>>
        tpu.wait_indirect_dma semaphore(%run_scoped3A_134 : memref<!tpu.dma_semaphore, #tpu.memory_space<semaphore_mem>>) src(%arg13 : memref<128x64xf32, #tpu.memory_space<vmem>>) dst(%dma_wait3A_140 : memref<10112x64xf32, #tpu.memory_space<vmem_shared>>)
        tpu.yield
      }) : () -> ()
    }
    %dma_wait3A_98 = arith.constant 0 : i32
    %dma_wait3A_99 = arith.constant 0 : i32
    %dma_wait3A_100 = tpu.memref_slice %arg16[%dma_wait3A_98, %dma_wait3A_99] : memref<10000x64xf32, #tpu.memory_space<vmem_shared>> -> memref<10000x64xf32, #tpu.memory_space<vmem_shared>>
    tpu.wait_indirect_dma semaphore(%arg14 : memref<!tpu.dma_semaphore, #tpu.memory_space<semaphore_mem>>) src(%dma_wait3A_100 : memref<10000x64xf32, #tpu.memory_space<vmem_shared>>) dst(%arg12 : memref<128x64xf32, #tpu.memory_space<vmem>>)
    %barrier3A_101 = arith.constant 0 : index
    tpu.barrier barrier_id(%barrier3A_101)
    %mul3A_102 = arith.constant 632 : i32
    %mul3A_103 = arith.muli %arg1, %mul3A_102 : i32
    %mul3A_104 = arith.constant 632 : i32
    %mul3A_105 = arith.muli %arg1, %mul3A_104 : i32
    %run_scoped3A_106 = arith.constant 1 : i32
    "tpu.region"() ({
      %run_scoped3A_107 = tpu.sem_alloc : memref<!tpu.dma_semaphore, #tpu.memory_space<semaphore_mem>>
      %dma_start3A_108 = arith.constant 0 : i32
      %dma_start3A_109 = arith.constant 0 : i32
      %dma_start3A_110 = arith.constant 0 : i32
      %dma_start3A_111 = tpu.memref_slice %arg7[%run_scoped3A_106, %dma_start3A_108, %dma_start3A_109, %dma_start3A_110] : memref<2x2x10112x64xf32, #tpu.memory_space<hbm>> -> memref<1x2x10112x64xf32, #tpu.memory_space<hbm>>
      %dma_start3A_112 = tpu.memref_squeeze %dma_start3A_111 : memref<1x2x10112x64xf32, #tpu.memory_space<hbm>> -> memref<2x10112x64xf32, #tpu.memory_space<hbm>>
      %dma_start3A_113 = arith.constant 0 : i32
      %dma_start3A_114 = arith.constant 0 : i32
      %dma_start3A_115 = tpu.memref_slice %dma_start3A_112[%arg0, %dma_start3A_113, %dma_start3A_114] : memref<2x10112x64xf32, #tpu.memory_space<hbm>> -> memref<1x10112x64xf32, #tpu.memory_space<hbm>>
      %dma_start3A_116 = tpu.memref_squeeze %dma_start3A_115 : memref<1x10112x64xf32, #tpu.memory_space<hbm>> -> memref<10112x64xf32, #tpu.memory_space<hbm>>
      %dma_start3A_117 = arith.constant 0 : i32
      %dma_start3A_118 = tpu.memref_slice %dma_start3A_116[%mul3A_105, %dma_start3A_117] : memref<10112x64xf32, #tpu.memory_space<hbm>> -> memref<632x64xf32, #tpu.memory_space<hbm>>
      %dma_start3A_119 = arith.constant 0 : i32
      %dma_start3A_120 = tpu.memref_slice %arg17[%mul3A_103, %dma_start3A_119] : memref<10112x64xf32, #tpu.memory_space<vmem_shared>> -> memref<632x64xf32, #tpu.memory_space<vmem_shared>>
      tpu.enqueue_dma source(%dma_start3A_120 : memref<632x64xf32, #tpu.memory_space<vmem_shared>>) target(%dma_start3A_118 : memref<632x64xf32, #tpu.memory_space<hbm>>) target_semaphore(%run_scoped3A_107 : memref<!tpu.dma_semaphore, #tpu.memory_space<semaphore_mem>>)
      %dma_wait3A_121 = arith.constant 0 : i32
      %dma_wait3A_122 = arith.constant 0 : i32
      %dma_wait3A_123 = arith.constant 0 : i32
      %dma_wait3A_124 = tpu.memref_slice %arg7[%run_scoped3A_106, %dma_wait3A_121, %dma_wait3A_122, %dma_wait3A_123] : memref<2x2x10112x64xf32, #tpu.memory_space<hbm>> -> memref<1x2x10112x64xf32, #tpu.memory_space<hbm>>
      %dma_wait3A_125 = tpu.memref_squeeze %dma_wait3A_124 : memref<1x2x10112x64xf32, #tpu.memory_space<hbm>> -> memref<2x10112x64xf32, #tpu.memory_space<hbm>>
      %dma_wait3A_126 = arith.constant 0 : i32
      %dma_wait3A_127 = arith.constant 0 : i32
      %dma_wait3A_128 = tpu.memref_slice %dma_wait3A_125[%arg0, %dma_wait3A_126, %dma_wait3A_127] : memref<2x10112x64xf32, #tpu.memory_space<hbm>> -> memref<1x10112x64xf32, #tpu.memory_space<hbm>>
      %dma_wait3A_129 = tpu.memref_squeeze %dma_wait3A_128 : memref<1x10112x64xf32, #tpu.memory_space<hbm>> -> memref<10112x64xf32, #tpu.memory_space<hbm>>
      %dma_wait3A_130 = arith.constant 0 : i32
      %dma_wait3A_131 = tpu.memref_slice %dma_wait3A_129[%mul3A_105, %dma_wait3A_130] : memref<10112x64xf32, #tpu.memory_space<hbm>> -> memref<632x64xf32, #tpu.memory_space<hbm>>
      %dma_wait3A_132 = arith.constant 0 : i32
      %dma_wait3A_133 = tpu.memref_slice %arg17[%mul3A_103, %dma_wait3A_132] : memref<10112x64xf32, #tpu.memory_space<vmem_shared>> -> memref<632x64xf32, #tpu.memory_space<vmem_shared>>
      tpu.wait_dma2 semaphore(%run_scoped3A_107 : memref<!tpu.dma_semaphore, #tpu.memory_space<semaphore_mem>>) src(%dma_wait3A_133 : memref<632x64xf32, #tpu.memory_space<vmem_shared>>) dst(%dma_wait3A_131 : memref<632x64xf32, #tpu.memory_space<hbm>>)
      tpu.yield
    }) : () -> ()
    return
  }
}

#map = affine_map<(d0, d1) -> (0)>
#map1 = affine_map<(d0, d1) -> (0, 0)>
#map2 = affine_map<(d0, d1) -> (0, 0, 0, 0)>
module attributes {stable_mosaic.version = 14 : i64} {
  func.func @mp(%arg0: i32, %arg1: i32, %arg2: memref<323584xi32, #tpu.memory_space<hbm>>, %arg3: memref<323584xi32, #tpu.memory_space<hbm>>, %arg4: memref<10112x64xf32, #tpu.memory_space<hbm>>, %arg5: memref<10000x64xf32, #tpu.memory_space<hbm>>, %arg6: memref<1x2x10112x64xf32, #tpu.memory_space<hbm>>, %arg7: memref<128xi32, #tpu.memory_space<vmem>>, %arg8: memref<128xi32, #tpu.memory_space<vmem>>, %arg9: memref<128xi32, #tpu.memory_space<vmem>>, %arg10: memref<128xi32, #tpu.memory_space<vmem>>, %arg11: memref<128x64xf32, #tpu.memory_space<vmem>>, %arg12: memref<128x64xf32, #tpu.memory_space<vmem>>, %arg13: memref<!tpu.dma_semaphore, #tpu.memory_space<semaphore_mem>>, %arg14: memref<!tpu.dma_semaphore, #tpu.memory_space<semaphore_mem>>, %arg15: memref<10000x64xf32, #tpu.memory_space<vmem_shared>>, %arg16: memref<10112x64xf32, #tpu.memory_space<vmem_shared>>) attributes {dimension_semantics = [#tpu.dimension_semantics<core_parallel>, #tpu.dimension_semantics<subcore_parallel>], iteration_bounds = array<i64: 2, 16>, scalar_prefetch = 0 : i64, scratch_operands = 10 : i64, tpu.core_type = #tpu.core_type<sc_vector_subcore>, window_params = [{transform_indices = #map}, {transform_indices = #map}, {transform_indices = #map1}, {transform_indices = #map1}, {transform_indices = #map2}]} {
    %mul3A = arith.constant 158 : i32
    %mul3A_0 = arith.muli %arg1, %mul3A : i32
    %mul3A_1 = arith.constant 78 : i32
    %mul3A_2 = arith.muli %arg0, %mul3A_1 : i32
    %add3A = arith.addi %mul3A_0, %mul3A_2 : i32
    %mul3A_3 = arith.constant 128 : i32
    %mul3A_4 = arith.muli %add3A, %mul3A_3 : i32
    %eq3A = arith.constant 0 : i32
    %eq3A_5 = arith.cmpi eq, %arg0, %eq3A : i32
    %jit3A = arith.constant 78 : i32
    %jit3A_6 = arith.constant 80 : i32
    %select_n3A = arith.select %eq3A_5, %jit3A, %jit3A_6 : i32
    %mul3A_7 = arith.constant 625 : i32
    %mul3A_8 = arith.muli %arg1, %mul3A_7 : i32
    %mul3A_9 = arith.constant 625 : i32
    %mul3A_10 = arith.muli %arg1, %mul3A_9 : i32
    "tpu.region"() ({
      %run_scoped3A_51 = tpu.sem_alloc : memref<!tpu.dma_semaphore, #tpu.memory_space<semaphore_mem>>
      %dma_start3A_52 = arith.constant 0 : i32
      %dma_start3A_53 = tpu.memref_slice %arg15[%mul3A_10, %dma_start3A_52] : memref<10000x64xf32, #tpu.memory_space<vmem_shared>> -> memref<625x64xf32, #tpu.memory_space<vmem_shared>>
      %dma_start3A_54 = arith.constant 0 : i32
      %dma_start3A_55 = tpu.memref_slice %arg5[%mul3A_8, %dma_start3A_54] : memref<10000x64xf32, #tpu.memory_space<hbm>> -> memref<625x64xf32, #tpu.memory_space<hbm>>
      tpu.enqueue_dma source(%dma_start3A_55 : memref<625x64xf32, #tpu.memory_space<hbm>>) target(%dma_start3A_53 : memref<625x64xf32, #tpu.memory_space<vmem_shared>>) target_semaphore(%run_scoped3A_51 : memref<!tpu.dma_semaphore, #tpu.memory_space<semaphore_mem>>)
      %dma_wait3A_56 = arith.constant 0 : i32
      %dma_wait3A_57 = tpu.memref_slice %arg15[%mul3A_10, %dma_wait3A_56] : memref<10000x64xf32, #tpu.memory_space<vmem_shared>> -> memref<625x64xf32, #tpu.memory_space<vmem_shared>>
      %dma_wait3A_58 = arith.constant 0 : i32
      %dma_wait3A_59 = tpu.memref_slice %arg5[%mul3A_8, %dma_wait3A_58] : memref<10000x64xf32, #tpu.memory_space<hbm>> -> memref<625x64xf32, #tpu.memory_space<hbm>>
      tpu.wait_dma2 semaphore(%run_scoped3A_51 : memref<!tpu.dma_semaphore, #tpu.memory_space<semaphore_mem>>) src(%dma_wait3A_59 : memref<625x64xf32, #tpu.memory_space<hbm>>) dst(%dma_wait3A_57 : memref<625x64xf32, #tpu.memory_space<vmem_shared>>)
      tpu.yield
    }) : () -> ()
    %mul3A_11 = arith.constant 632 : i32
    %mul3A_12 = arith.muli %arg1, %mul3A_11 : i32
    %mul3A_13 = arith.constant 632 : i32
    %mul3A_14 = arith.muli %arg1, %mul3A_13 : i32
    "tpu.region"() ({
      %run_scoped3A_51 = tpu.sem_alloc : memref<!tpu.dma_semaphore, #tpu.memory_space<semaphore_mem>>
      %dma_start3A_52 = arith.constant 0 : i32
      %dma_start3A_53 = tpu.memref_slice %arg16[%mul3A_14, %dma_start3A_52] : memref<10112x64xf32, #tpu.memory_space<vmem_shared>> -> memref<632x64xf32, #tpu.memory_space<vmem_shared>>
      %dma_start3A_54 = arith.constant 0 : i32
      %dma_start3A_55 = tpu.memref_slice %arg4[%mul3A_12, %dma_start3A_54] : memref<10112x64xf32, #tpu.memory_space<hbm>> -> memref<632x64xf32, #tpu.memory_space<hbm>>
      tpu.enqueue_dma source(%dma_start3A_55 : memref<632x64xf32, #tpu.memory_space<hbm>>) target(%dma_start3A_53 : memref<632x64xf32, #tpu.memory_space<vmem_shared>>) target_semaphore(%run_scoped3A_51 : memref<!tpu.dma_semaphore, #tpu.memory_space<semaphore_mem>>)
      %dma_wait3A_56 = arith.constant 0 : i32
      %dma_wait3A_57 = tpu.memref_slice %arg16[%mul3A_14, %dma_wait3A_56] : memref<10112x64xf32, #tpu.memory_space<vmem_shared>> -> memref<632x64xf32, #tpu.memory_space<vmem_shared>>
      %dma_wait3A_58 = arith.constant 0 : i32
      %dma_wait3A_59 = tpu.memref_slice %arg4[%mul3A_12, %dma_wait3A_58] : memref<10112x64xf32, #tpu.memory_space<hbm>> -> memref<632x64xf32, #tpu.memory_space<hbm>>
      tpu.wait_dma2 semaphore(%run_scoped3A_51 : memref<!tpu.dma_semaphore, #tpu.memory_space<semaphore_mem>>) src(%dma_wait3A_59 : memref<632x64xf32, #tpu.memory_space<hbm>>) dst(%dma_wait3A_57 : memref<632x64xf32, #tpu.memory_space<vmem_shared>>)
      tpu.yield
    }) : () -> ()
    "tpu.region"() ({
      %run_scoped3A_51 = tpu.sem_alloc : memref<!tpu.dma_semaphore, #tpu.memory_space<semaphore_mem>>
      %dma_start3A_52 = tpu.memref_slice %arg2[%mul3A_4] : memref<323584xi32, #tpu.memory_space<hbm>> -> memref<128xi32, #tpu.memory_space<hbm>>
      %dma_start3A_53 = tpu.memref_slice %arg2[%mul3A_4] : memref<323584xi32, #tpu.memory_space<hbm>> -> memref<128xi32, #tpu.memory_space<hbm>>
      tpu.enqueue_dma source(%dma_start3A_53 : memref<128xi32, #tpu.memory_space<hbm>>) target(%arg7 : memref<128xi32, #tpu.memory_space<vmem>>) target_semaphore(%run_scoped3A_51 : memref<!tpu.dma_semaphore, #tpu.memory_space<semaphore_mem>>)
      %dma_wait3A_54 = tpu.memref_slice %arg2[%mul3A_4] : memref<323584xi32, #tpu.memory_space<hbm>> -> memref<128xi32, #tpu.memory_space<hbm>>
      %dma_wait3A_55 = tpu.memref_slice %arg2[%mul3A_4] : memref<323584xi32, #tpu.memory_space<hbm>> -> memref<128xi32, #tpu.memory_space<hbm>>
      tpu.wait_dma2 semaphore(%run_scoped3A_51 : memref<!tpu.dma_semaphore, #tpu.memory_space<semaphore_mem>>) src(%dma_wait3A_55 : memref<128xi32, #tpu.memory_space<hbm>>) dst(%arg7 : memref<128xi32, #tpu.memory_space<vmem>>)
      tpu.yield
    }) : () -> ()
    "tpu.region"() ({
      %run_scoped3A_51 = tpu.sem_alloc : memref<!tpu.dma_semaphore, #tpu.memory_space<semaphore_mem>>
      %dma_start3A_52 = tpu.memref_slice %arg3[%mul3A_4] : memref<323584xi32, #tpu.memory_space<hbm>> -> memref<128xi32, #tpu.memory_space<hbm>>
      %dma_start3A_53 = tpu.memref_slice %arg3[%mul3A_4] : memref<323584xi32, #tpu.memory_space<hbm>> -> memref<128xi32, #tpu.memory_space<hbm>>
      tpu.enqueue_dma source(%dma_start3A_53 : memref<128xi32, #tpu.memory_space<hbm>>) target(%arg8 : memref<128xi32, #tpu.memory_space<vmem>>) target_semaphore(%run_scoped3A_51 : memref<!tpu.dma_semaphore, #tpu.memory_space<semaphore_mem>>)
      %dma_wait3A_54 = tpu.memref_slice %arg3[%mul3A_4] : memref<323584xi32, #tpu.memory_space<hbm>> -> memref<128xi32, #tpu.memory_space<hbm>>
      %dma_wait3A_55 = tpu.memref_slice %arg3[%mul3A_4] : memref<323584xi32, #tpu.memory_space<hbm>> -> memref<128xi32, #tpu.memory_space<hbm>>
      tpu.wait_dma2 semaphore(%run_scoped3A_51 : memref<!tpu.dma_semaphore, #tpu.memory_space<semaphore_mem>>) src(%dma_wait3A_55 : memref<128xi32, #tpu.memory_space<hbm>>) dst(%arg8 : memref<128xi32, #tpu.memory_space<vmem>>)
      tpu.yield
    }) : () -> ()
    %barrier3A = arith.constant 0 : index
    tpu.barrier barrier_id(%barrier3A)
    %dma_start3A = arith.constant 0 : i32
    %dma_start3A_15 = arith.constant 0 : i32
    %dma_start3A_16 = tpu.memref_slice %arg15[%dma_start3A, %dma_start3A_15] : memref<10000x64xf32, #tpu.memory_space<vmem_shared>> -> memref<10000x64xf32, #tpu.memory_space<vmem_shared>>
    tpu.enqueue_indirect_dma source(%dma_start3A_16 : memref<10000x64xf32, #tpu.memory_space<vmem_shared>>) target(%arg11 : memref<128x64xf32, #tpu.memory_space<vmem>>) offsets(%arg7 : memref<128xi32, #tpu.memory_space<vmem>>) semaphore(%arg13 : memref<!tpu.dma_semaphore, #tpu.memory_space<semaphore_mem>>)
    %jit3A_17 = arith.constant 2 : i32
    %div3A = arith.divsi %select_n3A, %jit3A_17 : i32
    %sign3A = arith.constant 0 : i32
    %sign3A_18 = arith.cmpi sgt, %select_n3A, %sign3A : i32
    %sign3A_19 = arith.extui %sign3A_18 : i1 to i32
    %sign3A_20 = arith.constant 0 : i32
    %sign3A_21 = arith.cmpi slt, %select_n3A, %sign3A_20 : i32
    %sign3A_22 = arith.extui %sign3A_21 : i1 to i32
    %sign3A_23 = arith.subi %sign3A_19, %sign3A_22 : i32
    %sign3A_24 = arith.constant 0 : i32
    %sign3A_25 = arith.cmpi sgt, %jit3A_17, %sign3A_24 : i32
    %sign3A_26 = arith.extui %sign3A_25 : i1 to i32
    %sign3A_27 = arith.constant 0 : i32
    %sign3A_28 = arith.cmpi slt, %jit3A_17, %sign3A_27 : i32
    %sign3A_29 = arith.extui %sign3A_28 : i1 to i32
    %sign3A_30 = arith.subi %sign3A_26, %sign3A_29 : i32
    %ne3A = arith.cmpi ne, %sign3A_23, %sign3A_30 : i32
    %rem3A = arith.remsi %select_n3A, %jit3A_17 : i32
    %ne3A_31 = arith.constant 0 : i32
    %ne3A_32 = arith.cmpi ne, %rem3A, %ne3A_31 : i32
    %and3A = arith.andi %ne3A, %ne3A_32 : i1
    %sub3A = arith.constant 1 : i32
    %sub3A_33 = arith.subi %div3A, %sub3A : i32
    %select_n3A_34 = arith.select %and3A, %sub3A_33, %div3A : i32
    %while3A = arith.constant 0 : i32
    %while3A_35 = arith.constant 0 : i32
    %while3A_36 = arith.subi %select_n3A_34, %while3A_35 : i32
    %while3A_37 = arith.addi %while3A_35, %while3A_36 : i32
    %while3A_38 = arith.constant 1 : i32
    %while3A_39 = arith.divsi %while3A_36, %while3A_38 : i32
    %while3A_40 = arith.muli %while3A_39, %while3A_38 : i32
    %while3A_41 = arith.addi %while3A_35, %while3A_40 : i32
    %while3A_42 = arith.constant 1 : i32
    scf.for %while3A_51 = %while3A_35 to %while3A_41 step %while3A_42  : i32 {
      %mul3A_52 = arith.constant 2 : i32
      %mul3A_53 = arith.muli %mul3A_52, %while3A_51 : i32
      %add3A_54 = arith.constant 1 : i32
      %add3A_55 = arith.addi %mul3A_53, %add3A_54 : i32
      %mul3A_56 = arith.constant 128 : i32
      %mul3A_57 = arith.muli %add3A_55, %mul3A_56 : i32
      %add3A_58 = arith.addi %mul3A_4, %mul3A_57 : i32
      %multiple_of3A = tpu.assume_multiple %add3A_58, 128 : i32
      "tpu.region"() ({
        %run_scoped3A_78 = tpu.sem_alloc : memref<!tpu.dma_semaphore, #tpu.memory_space<semaphore_mem>>
        %dma_start3A_79 = tpu.memref_slice %arg2[%multiple_of3A] : memref<323584xi32, #tpu.memory_space<hbm>> -> memref<128xi32, #tpu.memory_space<hbm>>
        %dma_start3A_80 = tpu.memref_slice %arg2[%multiple_of3A] : memref<323584xi32, #tpu.memory_space<hbm>> -> memref<128xi32, #tpu.memory_space<hbm>>
        tpu.enqueue_dma source(%dma_start3A_80 : memref<128xi32, #tpu.memory_space<hbm>>) target(%arg9 : memref<128xi32, #tpu.memory_space<vmem>>) target_semaphore(%run_scoped3A_78 : memref<!tpu.dma_semaphore, #tpu.memory_space<semaphore_mem>>)
        %dma_wait3A_81 = tpu.memref_slice %arg2[%multiple_of3A] : memref<323584xi32, #tpu.memory_space<hbm>> -> memref<128xi32, #tpu.memory_space<hbm>>
        %dma_wait3A_82 = tpu.memref_slice %arg2[%multiple_of3A] : memref<323584xi32, #tpu.memory_space<hbm>> -> memref<128xi32, #tpu.memory_space<hbm>>
        tpu.wait_dma2 semaphore(%run_scoped3A_78 : memref<!tpu.dma_semaphore, #tpu.memory_space<semaphore_mem>>) src(%dma_wait3A_82 : memref<128xi32, #tpu.memory_space<hbm>>) dst(%arg9 : memref<128xi32, #tpu.memory_space<vmem>>)
        tpu.yield
      }) : () -> ()
      "tpu.region"() ({
        %run_scoped3A_78 = tpu.sem_alloc : memref<!tpu.dma_semaphore, #tpu.memory_space<semaphore_mem>>
        %dma_start3A_79 = tpu.memref_slice %arg3[%multiple_of3A] : memref<323584xi32, #tpu.memory_space<hbm>> -> memref<128xi32, #tpu.memory_space<hbm>>
        %dma_start3A_80 = tpu.memref_slice %arg3[%multiple_of3A] : memref<323584xi32, #tpu.memory_space<hbm>> -> memref<128xi32, #tpu.memory_space<hbm>>
        tpu.enqueue_dma source(%dma_start3A_80 : memref<128xi32, #tpu.memory_space<hbm>>) target(%arg10 : memref<128xi32, #tpu.memory_space<vmem>>) target_semaphore(%run_scoped3A_78 : memref<!tpu.dma_semaphore, #tpu.memory_space<semaphore_mem>>)
        %dma_wait3A_81 = tpu.memref_slice %arg3[%multiple_of3A] : memref<323584xi32, #tpu.memory_space<hbm>> -> memref<128xi32, #tpu.memory_space<hbm>>
        %dma_wait3A_82 = tpu.memref_slice %arg3[%multiple_of3A] : memref<323584xi32, #tpu.memory_space<hbm>> -> memref<128xi32, #tpu.memory_space<hbm>>
        tpu.wait_dma2 semaphore(%run_scoped3A_78 : memref<!tpu.dma_semaphore, #tpu.memory_space<semaphore_mem>>) src(%dma_wait3A_82 : memref<128xi32, #tpu.memory_space<hbm>>) dst(%arg10 : memref<128xi32, #tpu.memory_space<vmem>>)
        tpu.yield
      }) : () -> ()
      %dma_start3A_59 = arith.constant 0 : i32
      %dma_start3A_60 = arith.constant 0 : i32
      %dma_start3A_61 = tpu.memref_slice %arg15[%dma_start3A_59, %dma_start3A_60] : memref<10000x64xf32, #tpu.memory_space<vmem_shared>> -> memref<10000x64xf32, #tpu.memory_space<vmem_shared>>
      tpu.enqueue_indirect_dma source(%dma_start3A_61 : memref<10000x64xf32, #tpu.memory_space<vmem_shared>>) target(%arg12 : memref<128x64xf32, #tpu.memory_space<vmem>>) offsets(%arg9 : memref<128xi32, #tpu.memory_space<vmem>>) semaphore(%arg14 : memref<!tpu.dma_semaphore, #tpu.memory_space<semaphore_mem>>)
      %dma_wait3A_62 = arith.constant 0 : i32
      %dma_wait3A_63 = arith.constant 0 : i32
      %dma_wait3A_64 = tpu.memref_slice %arg15[%dma_wait3A_62, %dma_wait3A_63] : memref<10000x64xf32, #tpu.memory_space<vmem_shared>> -> memref<10000x64xf32, #tpu.memory_space<vmem_shared>>
      tpu.wait_indirect_dma semaphore(%arg13 : memref<!tpu.dma_semaphore, #tpu.memory_space<semaphore_mem>>) src(%dma_wait3A_64 : memref<10000x64xf32, #tpu.memory_space<vmem_shared>>) dst(%arg11 : memref<128x64xf32, #tpu.memory_space<vmem>>)
      "tpu.region"() ({
        %run_scoped3A_78 = tpu.sem_alloc : memref<!tpu.dma_semaphore, #tpu.memory_space<semaphore_mem>>
        %dma_start3A_79 = arith.constant 0 : i32
        %dma_start3A_80 = arith.constant 0 : i32
        %dma_start3A_81 = tpu.memref_slice %arg16[%dma_start3A_79, %dma_start3A_80] : memref<10112x64xf32, #tpu.memory_space<vmem_shared>> -> memref<10112x64xf32, #tpu.memory_space<vmem_shared>>
        tpu.enqueue_indirect_dma source(%arg11 : memref<128x64xf32, #tpu.memory_space<vmem>>) target(%dma_start3A_81 : memref<10112x64xf32, #tpu.memory_space<vmem_shared>>) offsets(%arg8 : memref<128xi32, #tpu.memory_space<vmem>>) semaphore(%run_scoped3A_78 : memref<!tpu.dma_semaphore, #tpu.memory_space<semaphore_mem>>) {add = true}
        %dma_wait3A_82 = arith.constant 0 : i32
        %dma_wait3A_83 = arith.constant 0 : i32
        %dma_wait3A_84 = tpu.memref_slice %arg16[%dma_wait3A_82, %dma_wait3A_83] : memref<10112x64xf32, #tpu.memory_space<vmem_shared>> -> memref<10112x64xf32, #tpu.memory_space<vmem_shared>>
        tpu.wait_indirect_dma semaphore(%run_scoped3A_78 : memref<!tpu.dma_semaphore, #tpu.memory_space<semaphore_mem>>) src(%arg11 : memref<128x64xf32, #tpu.memory_space<vmem>>) dst(%dma_wait3A_84 : memref<10112x64xf32, #tpu.memory_space<vmem_shared>>)
        tpu.yield
      }) : () -> ()
      %add3A_65 = arith.constant 2 : i32
      %add3A_66 = arith.addi %mul3A_53, %add3A_65 : i32
      %rem3A_67 = arith.remsi %add3A_66, %select_n3A : i32
      %mul3A_68 = arith.constant 128 : i32
      %mul3A_69 = arith.muli %rem3A_67, %mul3A_68 : i32
      %add3A_70 = arith.addi %mul3A_4, %mul3A_69 : i32
      %multiple_of3A_71 = tpu.assume_multiple %add3A_70, 128 : i32
      "tpu.region"() ({
        %run_scoped3A_78 = tpu.sem_alloc : memref<!tpu.dma_semaphore, #tpu.memory_space<semaphore_mem>>
        %dma_start3A_79 = tpu.memref_slice %arg2[%multiple_of3A_71] : memref<323584xi32, #tpu.memory_space<hbm>> -> memref<128xi32, #tpu.memory_space<hbm>>
        %dma_start3A_80 = tpu.memref_slice %arg2[%multiple_of3A_71] : memref<323584xi32, #tpu.memory_space<hbm>> -> memref<128xi32, #tpu.memory_space<hbm>>
        tpu.enqueue_dma source(%dma_start3A_80 : memref<128xi32, #tpu.memory_space<hbm>>) target(%arg7 : memref<128xi32, #tpu.memory_space<vmem>>) target_semaphore(%run_scoped3A_78 : memref<!tpu.dma_semaphore, #tpu.memory_space<semaphore_mem>>)
        %dma_wait3A_81 = tpu.memref_slice %arg2[%multiple_of3A_71] : memref<323584xi32, #tpu.memory_space<hbm>> -> memref<128xi32, #tpu.memory_space<hbm>>
        %dma_wait3A_82 = tpu.memref_slice %arg2[%multiple_of3A_71] : memref<323584xi32, #tpu.memory_space<hbm>> -> memref<128xi32, #tpu.memory_space<hbm>>
        tpu.wait_dma2 semaphore(%run_scoped3A_78 : memref<!tpu.dma_semaphore, #tpu.memory_space<semaphore_mem>>) src(%dma_wait3A_82 : memref<128xi32, #tpu.memory_space<hbm>>) dst(%arg7 : memref<128xi32, #tpu.memory_space<vmem>>)
        tpu.yield
      }) : () -> ()
      "tpu.region"() ({
        %run_scoped3A_78 = tpu.sem_alloc : memref<!tpu.dma_semaphore, #tpu.memory_space<semaphore_mem>>
        %dma_start3A_79 = tpu.memref_slice %arg3[%multiple_of3A_71] : memref<323584xi32, #tpu.memory_space<hbm>> -> memref<128xi32, #tpu.memory_space<hbm>>
        %dma_start3A_80 = tpu.memref_slice %arg3[%multiple_of3A_71] : memref<323584xi32, #tpu.memory_space<hbm>> -> memref<128xi32, #tpu.memory_space<hbm>>
        tpu.enqueue_dma source(%dma_start3A_80 : memref<128xi32, #tpu.memory_space<hbm>>) target(%arg8 : memref<128xi32, #tpu.memory_space<vmem>>) target_semaphore(%run_scoped3A_78 : memref<!tpu.dma_semaphore, #tpu.memory_space<semaphore_mem>>)
        %dma_wait3A_81 = tpu.memref_slice %arg3[%multiple_of3A_71] : memref<323584xi32, #tpu.memory_space<hbm>> -> memref<128xi32, #tpu.memory_space<hbm>>
        %dma_wait3A_82 = tpu.memref_slice %arg3[%multiple_of3A_71] : memref<323584xi32, #tpu.memory_space<hbm>> -> memref<128xi32, #tpu.memory_space<hbm>>
        tpu.wait_dma2 semaphore(%run_scoped3A_78 : memref<!tpu.dma_semaphore, #tpu.memory_space<semaphore_mem>>) src(%dma_wait3A_82 : memref<128xi32, #tpu.memory_space<hbm>>) dst(%arg8 : memref<128xi32, #tpu.memory_space<vmem>>)
        tpu.yield
      }) : () -> ()
      %dma_start3A_72 = arith.constant 0 : i32
      %dma_start3A_73 = arith.constant 0 : i32
      %dma_start3A_74 = tpu.memref_slice %arg15[%dma_start3A_72, %dma_start3A_73] : memref<10000x64xf32, #tpu.memory_space<vmem_shared>> -> memref<10000x64xf32, #tpu.memory_space<vmem_shared>>
      tpu.enqueue_indirect_dma source(%dma_start3A_74 : memref<10000x64xf32, #tpu.memory_space<vmem_shared>>) target(%arg11 : memref<128x64xf32, #tpu.memory_space<vmem>>) offsets(%arg7 : memref<128xi32, #tpu.memory_space<vmem>>) semaphore(%arg13 : memref<!tpu.dma_semaphore, #tpu.memory_space<semaphore_mem>>)
      %dma_wait3A_75 = arith.constant 0 : i32
      %dma_wait3A_76 = arith.constant 0 : i32
      %dma_wait3A_77 = tpu.memref_slice %arg15[%dma_wait3A_75, %dma_wait3A_76] : memref<10000x64xf32, #tpu.memory_space<vmem_shared>> -> memref<10000x64xf32, #tpu.memory_space<vmem_shared>>
      tpu.wait_indirect_dma semaphore(%arg14 : memref<!tpu.dma_semaphore, #tpu.memory_space<semaphore_mem>>) src(%dma_wait3A_77 : memref<10000x64xf32, #tpu.memory_space<vmem_shared>>) dst(%arg12 : memref<128x64xf32, #tpu.memory_space<vmem>>)
      "tpu.region"() ({
        %run_scoped3A_78 = tpu.sem_alloc : memref<!tpu.dma_semaphore, #tpu.memory_space<semaphore_mem>>
        %dma_start3A_79 = arith.constant 0 : i32
        %dma_start3A_80 = arith.constant 0 : i32
        %dma_start3A_81 = tpu.memref_slice %arg16[%dma_start3A_79, %dma_start3A_80] : memref<10112x64xf32, #tpu.memory_space<vmem_shared>> -> memref<10112x64xf32, #tpu.memory_space<vmem_shared>>
        tpu.enqueue_indirect_dma source(%arg12 : memref<128x64xf32, #tpu.memory_space<vmem>>) target(%dma_start3A_81 : memref<10112x64xf32, #tpu.memory_space<vmem_shared>>) offsets(%arg10 : memref<128xi32, #tpu.memory_space<vmem>>) semaphore(%run_scoped3A_78 : memref<!tpu.dma_semaphore, #tpu.memory_space<semaphore_mem>>) {add = true}
        %dma_wait3A_82 = arith.constant 0 : i32
        %dma_wait3A_83 = arith.constant 0 : i32
        %dma_wait3A_84 = tpu.memref_slice %arg16[%dma_wait3A_82, %dma_wait3A_83] : memref<10112x64xf32, #tpu.memory_space<vmem_shared>> -> memref<10112x64xf32, #tpu.memory_space<vmem_shared>>
        tpu.wait_indirect_dma semaphore(%run_scoped3A_78 : memref<!tpu.dma_semaphore, #tpu.memory_space<semaphore_mem>>) src(%arg12 : memref<128x64xf32, #tpu.memory_space<vmem>>) dst(%dma_wait3A_84 : memref<10112x64xf32, #tpu.memory_space<vmem_shared>>)
        tpu.yield
      }) : () -> ()
    }
    %while3A_43 = arith.constant 1 : i32
    scf.for %while3A_51 = %while3A_41 to %while3A_37 step %while3A_43  : i32 {
      %mul3A_52 = arith.constant 2 : i32
      %mul3A_53 = arith.muli %mul3A_52, %while3A_51 : i32
      %add3A_54 = arith.constant 1 : i32
      %add3A_55 = arith.addi %mul3A_53, %add3A_54 : i32
      %mul3A_56 = arith.constant 128 : i32
      %mul3A_57 = arith.muli %add3A_55, %mul3A_56 : i32
      %add3A_58 = arith.addi %mul3A_4, %mul3A_57 : i32
      %multiple_of3A = tpu.assume_multiple %add3A_58, 128 : i32
      "tpu.region"() ({
        %run_scoped3A_78 = tpu.sem_alloc : memref<!tpu.dma_semaphore, #tpu.memory_space<semaphore_mem>>
        %dma_start3A_79 = tpu.memref_slice %arg2[%multiple_of3A] : memref<323584xi32, #tpu.memory_space<hbm>> -> memref<128xi32, #tpu.memory_space<hbm>>
        %dma_start3A_80 = tpu.memref_slice %arg2[%multiple_of3A] : memref<323584xi32, #tpu.memory_space<hbm>> -> memref<128xi32, #tpu.memory_space<hbm>>
        tpu.enqueue_dma source(%dma_start3A_80 : memref<128xi32, #tpu.memory_space<hbm>>) target(%arg9 : memref<128xi32, #tpu.memory_space<vmem>>) target_semaphore(%run_scoped3A_78 : memref<!tpu.dma_semaphore, #tpu.memory_space<semaphore_mem>>)
        %dma_wait3A_81 = tpu.memref_slice %arg2[%multiple_of3A] : memref<323584xi32, #tpu.memory_space<hbm>> -> memref<128xi32, #tpu.memory_space<hbm>>
        %dma_wait3A_82 = tpu.memref_slice %arg2[%multiple_of3A] : memref<323584xi32, #tpu.memory_space<hbm>> -> memref<128xi32, #tpu.memory_space<hbm>>
        tpu.wait_dma2 semaphore(%run_scoped3A_78 : memref<!tpu.dma_semaphore, #tpu.memory_space<semaphore_mem>>) src(%dma_wait3A_82 : memref<128xi32, #tpu.memory_space<hbm>>) dst(%arg9 : memref<128xi32, #tpu.memory_space<vmem>>)
        tpu.yield
      }) : () -> ()
      "tpu.region"() ({
        %run_scoped3A_78 = tpu.sem_alloc : memref<!tpu.dma_semaphore, #tpu.memory_space<semaphore_mem>>
        %dma_start3A_79 = tpu.memref_slice %arg3[%multiple_of3A] : memref<323584xi32, #tpu.memory_space<hbm>> -> memref<128xi32, #tpu.memory_space<hbm>>
        %dma_start3A_80 = tpu.memref_slice %arg3[%multiple_of3A] : memref<323584xi32, #tpu.memory_space<hbm>> -> memref<128xi32, #tpu.memory_space<hbm>>
        tpu.enqueue_dma source(%dma_start3A_80 : memref<128xi32, #tpu.memory_space<hbm>>) target(%arg10 : memref<128xi32, #tpu.memory_space<vmem>>) target_semaphore(%run_scoped3A_78 : memref<!tpu.dma_semaphore, #tpu.memory_space<semaphore_mem>>)
        %dma_wait3A_81 = tpu.memref_slice %arg3[%multiple_of3A] : memref<323584xi32, #tpu.memory_space<hbm>> -> memref<128xi32, #tpu.memory_space<hbm>>
        %dma_wait3A_82 = tpu.memref_slice %arg3[%multiple_of3A] : memref<323584xi32, #tpu.memory_space<hbm>> -> memref<128xi32, #tpu.memory_space<hbm>>
        tpu.wait_dma2 semaphore(%run_scoped3A_78 : memref<!tpu.dma_semaphore, #tpu.memory_space<semaphore_mem>>) src(%dma_wait3A_82 : memref<128xi32, #tpu.memory_space<hbm>>) dst(%arg10 : memref<128xi32, #tpu.memory_space<vmem>>)
        tpu.yield
      }) : () -> ()
      %dma_start3A_59 = arith.constant 0 : i32
      %dma_start3A_60 = arith.constant 0 : i32
      %dma_start3A_61 = tpu.memref_slice %arg15[%dma_start3A_59, %dma_start3A_60] : memref<10000x64xf32, #tpu.memory_space<vmem_shared>> -> memref<10000x64xf32, #tpu.memory_space<vmem_shared>>
      tpu.enqueue_indirect_dma source(%dma_start3A_61 : memref<10000x64xf32, #tpu.memory_space<vmem_shared>>) target(%arg12 : memref<128x64xf32, #tpu.memory_space<vmem>>) offsets(%arg9 : memref<128xi32, #tpu.memory_space<vmem>>) semaphore(%arg14 : memref<!tpu.dma_semaphore, #tpu.memory_space<semaphore_mem>>)
      %dma_wait3A_62 = arith.constant 0 : i32
      %dma_wait3A_63 = arith.constant 0 : i32
      %dma_wait3A_64 = tpu.memref_slice %arg15[%dma_wait3A_62, %dma_wait3A_63] : memref<10000x64xf32, #tpu.memory_space<vmem_shared>> -> memref<10000x64xf32, #tpu.memory_space<vmem_shared>>
      tpu.wait_indirect_dma semaphore(%arg13 : memref<!tpu.dma_semaphore, #tpu.memory_space<semaphore_mem>>) src(%dma_wait3A_64 : memref<10000x64xf32, #tpu.memory_space<vmem_shared>>) dst(%arg11 : memref<128x64xf32, #tpu.memory_space<vmem>>)
      "tpu.region"() ({
        %run_scoped3A_78 = tpu.sem_alloc : memref<!tpu.dma_semaphore, #tpu.memory_space<semaphore_mem>>
        %dma_start3A_79 = arith.constant 0 : i32
        %dma_start3A_80 = arith.constant 0 : i32
        %dma_start3A_81 = tpu.memref_slice %arg16[%dma_start3A_79, %dma_start3A_80] : memref<10112x64xf32, #tpu.memory_space<vmem_shared>> -> memref<10112x64xf32, #tpu.memory_space<vmem_shared>>
        tpu.enqueue_indirect_dma source(%arg11 : memref<128x64xf32, #tpu.memory_space<vmem>>) target(%dma_start3A_81 : memref<10112x64xf32, #tpu.memory_space<vmem_shared>>) offsets(%arg8 : memref<128xi32, #tpu.memory_space<vmem>>) semaphore(%run_scoped3A_78 : memref<!tpu.dma_semaphore, #tpu.memory_space<semaphore_mem>>) {add = true}
        %dma_wait3A_82 = arith.constant 0 : i32
        %dma_wait3A_83 = arith.constant 0 : i32
        %dma_wait3A_84 = tpu.memref_slice %arg16[%dma_wait3A_82, %dma_wait3A_83] : memref<10112x64xf32, #tpu.memory_space<vmem_shared>> -> memref<10112x64xf32, #tpu.memory_space<vmem_shared>>
        tpu.wait_indirect_dma semaphore(%run_scoped3A_78 : memref<!tpu.dma_semaphore, #tpu.memory_space<semaphore_mem>>) src(%arg11 : memref<128x64xf32, #tpu.memory_space<vmem>>) dst(%dma_wait3A_84 : memref<10112x64xf32, #tpu.memory_space<vmem_shared>>)
        tpu.yield
      }) : () -> ()
      %add3A_65 = arith.constant 2 : i32
      %add3A_66 = arith.addi %mul3A_53, %add3A_65 : i32
      %rem3A_67 = arith.remsi %add3A_66, %select_n3A : i32
      %mul3A_68 = arith.constant 128 : i32
      %mul3A_69 = arith.muli %rem3A_67, %mul3A_68 : i32
      %add3A_70 = arith.addi %mul3A_4, %mul3A_69 : i32
      %multiple_of3A_71 = tpu.assume_multiple %add3A_70, 128 : i32
      "tpu.region"() ({
        %run_scoped3A_78 = tpu.sem_alloc : memref<!tpu.dma_semaphore, #tpu.memory_space<semaphore_mem>>
        %dma_start3A_79 = tpu.memref_slice %arg2[%multiple_of3A_71] : memref<323584xi32, #tpu.memory_space<hbm>> -> memref<128xi32, #tpu.memory_space<hbm>>
        %dma_start3A_80 = tpu.memref_slice %arg2[%multiple_of3A_71] : memref<323584xi32, #tpu.memory_space<hbm>> -> memref<128xi32, #tpu.memory_space<hbm>>
        tpu.enqueue_dma source(%dma_start3A_80 : memref<128xi32, #tpu.memory_space<hbm>>) target(%arg7 : memref<128xi32, #tpu.memory_space<vmem>>) target_semaphore(%run_scoped3A_78 : memref<!tpu.dma_semaphore, #tpu.memory_space<semaphore_mem>>)
        %dma_wait3A_81 = tpu.memref_slice %arg2[%multiple_of3A_71] : memref<323584xi32, #tpu.memory_space<hbm>> -> memref<128xi32, #tpu.memory_space<hbm>>
        %dma_wait3A_82 = tpu.memref_slice %arg2[%multiple_of3A_71] : memref<323584xi32, #tpu.memory_space<hbm>> -> memref<128xi32, #tpu.memory_space<hbm>>
        tpu.wait_dma2 semaphore(%run_scoped3A_78 : memref<!tpu.dma_semaphore, #tpu.memory_space<semaphore_mem>>) src(%dma_wait3A_82 : memref<128xi32, #tpu.memory_space<hbm>>) dst(%arg7 : memref<128xi32, #tpu.memory_space<vmem>>)
        tpu.yield
      }) : () -> ()
      "tpu.region"() ({
        %run_scoped3A_78 = tpu.sem_alloc : memref<!tpu.dma_semaphore, #tpu.memory_space<semaphore_mem>>
        %dma_start3A_79 = tpu.memref_slice %arg3[%multiple_of3A_71] : memref<323584xi32, #tpu.memory_space<hbm>> -> memref<128xi32, #tpu.memory_space<hbm>>
        %dma_start3A_80 = tpu.memref_slice %arg3[%multiple_of3A_71] : memref<323584xi32, #tpu.memory_space<hbm>> -> memref<128xi32, #tpu.memory_space<hbm>>
        tpu.enqueue_dma source(%dma_start3A_80 : memref<128xi32, #tpu.memory_space<hbm>>) target(%arg8 : memref<128xi32, #tpu.memory_space<vmem>>) target_semaphore(%run_scoped3A_78 : memref<!tpu.dma_semaphore, #tpu.memory_space<semaphore_mem>>)
        %dma_wait3A_81 = tpu.memref_slice %arg3[%multiple_of3A_71] : memref<323584xi32, #tpu.memory_space<hbm>> -> memref<128xi32, #tpu.memory_space<hbm>>
        %dma_wait3A_82 = tpu.memref_slice %arg3[%multiple_of3A_71] : memref<323584xi32, #tpu.memory_space<hbm>> -> memref<128xi32, #tpu.memory_space<hbm>>
        tpu.wait_dma2 semaphore(%run_scoped3A_78 : memref<!tpu.dma_semaphore, #tpu.memory_space<semaphore_mem>>) src(%dma_wait3A_82 : memref<128xi32, #tpu.memory_space<hbm>>) dst(%arg8 : memref<128xi32, #tpu.memory_space<vmem>>)
        tpu.yield
      }) : () -> ()
      %dma_start3A_72 = arith.constant 0 : i32
      %dma_start3A_73 = arith.constant 0 : i32
      %dma_start3A_74 = tpu.memref_slice %arg15[%dma_start3A_72, %dma_start3A_73] : memref<10000x64xf32, #tpu.memory_space<vmem_shared>> -> memref<10000x64xf32, #tpu.memory_space<vmem_shared>>
      tpu.enqueue_indirect_dma source(%dma_start3A_74 : memref<10000x64xf32, #tpu.memory_space<vmem_shared>>) target(%arg11 : memref<128x64xf32, #tpu.memory_space<vmem>>) offsets(%arg7 : memref<128xi32, #tpu.memory_space<vmem>>) semaphore(%arg13 : memref<!tpu.dma_semaphore, #tpu.memory_space<semaphore_mem>>)
      %dma_wait3A_75 = arith.constant 0 : i32
      %dma_wait3A_76 = arith.constant 0 : i32
      %dma_wait3A_77 = tpu.memref_slice %arg15[%dma_wait3A_75, %dma_wait3A_76] : memref<10000x64xf32, #tpu.memory_space<vmem_shared>> -> memref<10000x64xf32, #tpu.memory_space<vmem_shared>>
      tpu.wait_indirect_dma semaphore(%arg14 : memref<!tpu.dma_semaphore, #tpu.memory_space<semaphore_mem>>) src(%dma_wait3A_77 : memref<10000x64xf32, #tpu.memory_space<vmem_shared>>) dst(%arg12 : memref<128x64xf32, #tpu.memory_space<vmem>>)
      "tpu.region"() ({
        %run_scoped3A_78 = tpu.sem_alloc : memref<!tpu.dma_semaphore, #tpu.memory_space<semaphore_mem>>
        %dma_start3A_79 = arith.constant 0 : i32
        %dma_start3A_80 = arith.constant 0 : i32
        %dma_start3A_81 = tpu.memref_slice %arg16[%dma_start3A_79, %dma_start3A_80] : memref<10112x64xf32, #tpu.memory_space<vmem_shared>> -> memref<10112x64xf32, #tpu.memory_space<vmem_shared>>
        tpu.enqueue_indirect_dma source(%arg12 : memref<128x64xf32, #tpu.memory_space<vmem>>) target(%dma_start3A_81 : memref<10112x64xf32, #tpu.memory_space<vmem_shared>>) offsets(%arg10 : memref<128xi32, #tpu.memory_space<vmem>>) semaphore(%run_scoped3A_78 : memref<!tpu.dma_semaphore, #tpu.memory_space<semaphore_mem>>) {add = true}
        %dma_wait3A_82 = arith.constant 0 : i32
        %dma_wait3A_83 = arith.constant 0 : i32
        %dma_wait3A_84 = tpu.memref_slice %arg16[%dma_wait3A_82, %dma_wait3A_83] : memref<10112x64xf32, #tpu.memory_space<vmem_shared>> -> memref<10112x64xf32, #tpu.memory_space<vmem_shared>>
        tpu.wait_indirect_dma semaphore(%run_scoped3A_78 : memref<!tpu.dma_semaphore, #tpu.memory_space<semaphore_mem>>) src(%arg12 : memref<128x64xf32, #tpu.memory_space<vmem>>) dst(%dma_wait3A_84 : memref<10112x64xf32, #tpu.memory_space<vmem_shared>>)
        tpu.yield
      }) : () -> ()
    }
    %dma_wait3A = arith.constant 0 : i32
    %dma_wait3A_44 = arith.constant 0 : i32
    %dma_wait3A_45 = tpu.memref_slice %arg15[%dma_wait3A, %dma_wait3A_44] : memref<10000x64xf32, #tpu.memory_space<vmem_shared>> -> memref<10000x64xf32, #tpu.memory_space<vmem_shared>>
    tpu.wait_indirect_dma semaphore(%arg13 : memref<!tpu.dma_semaphore, #tpu.memory_space<semaphore_mem>>) src(%dma_wait3A_45 : memref<10000x64xf32, #tpu.memory_space<vmem_shared>>) dst(%arg11 : memref<128x64xf32, #tpu.memory_space<vmem>>)
    %barrier3A_46 = arith.constant 0 : index
    tpu.barrier barrier_id(%barrier3A_46)
    %mul3A_47 = arith.constant 632 : i32
    %mul3A_48 = arith.muli %arg1, %mul3A_47 : i32
    %mul3A_49 = arith.constant 632 : i32
    %mul3A_50 = arith.muli %arg1, %mul3A_49 : i32
    %run_scoped3A = arith.constant 0 : i32
    "tpu.region"() ({
      %run_scoped3A_51 = tpu.sem_alloc : memref<!tpu.dma_semaphore, #tpu.memory_space<semaphore_mem>>
      %dma_start3A_52 = arith.constant 0 : i32
      %dma_start3A_53 = arith.constant 0 : i32
      %dma_start3A_54 = arith.constant 0 : i32
      %dma_start3A_55 = tpu.memref_slice %arg6[%run_scoped3A, %dma_start3A_52, %dma_start3A_53, %dma_start3A_54] : memref<1x2x10112x64xf32, #tpu.memory_space<hbm>> -> memref<1x2x10112x64xf32, #tpu.memory_space<hbm>>
      %dma_start3A_56 = tpu.memref_squeeze %dma_start3A_55 : memref<1x2x10112x64xf32, #tpu.memory_space<hbm>> -> memref<2x10112x64xf32, #tpu.memory_space<hbm>>
      %dma_start3A_57 = arith.constant 0 : i32
      %dma_start3A_58 = arith.constant 0 : i32
      %dma_start3A_59 = tpu.memref_slice %dma_start3A_56[%arg0, %dma_start3A_57, %dma_start3A_58] : memref<2x10112x64xf32, #tpu.memory_space<hbm>> -> memref<1x10112x64xf32, #tpu.memory_space<hbm>>
      %dma_start3A_60 = tpu.memref_squeeze %dma_start3A_59 : memref<1x10112x64xf32, #tpu.memory_space<hbm>> -> memref<10112x64xf32, #tpu.memory_space<hbm>>
      %dma_start3A_61 = arith.constant 0 : i32
      %dma_start3A_62 = tpu.memref_slice %dma_start3A_60[%mul3A_50, %dma_start3A_61] : memref<10112x64xf32, #tpu.memory_space<hbm>> -> memref<632x64xf32, #tpu.memory_space<hbm>>
      %dma_start3A_63 = arith.constant 0 : i32
      %dma_start3A_64 = tpu.memref_slice %arg16[%mul3A_48, %dma_start3A_63] : memref<10112x64xf32, #tpu.memory_space<vmem_shared>> -> memref<632x64xf32, #tpu.memory_space<vmem_shared>>
      tpu.enqueue_dma source(%dma_start3A_64 : memref<632x64xf32, #tpu.memory_space<vmem_shared>>) target(%dma_start3A_62 : memref<632x64xf32, #tpu.memory_space<hbm>>) target_semaphore(%run_scoped3A_51 : memref<!tpu.dma_semaphore, #tpu.memory_space<semaphore_mem>>)
      %dma_wait3A_65 = arith.constant 0 : i32
      %dma_wait3A_66 = arith.constant 0 : i32
      %dma_wait3A_67 = arith.constant 0 : i32
      %dma_wait3A_68 = tpu.memref_slice %arg6[%run_scoped3A, %dma_wait3A_65, %dma_wait3A_66, %dma_wait3A_67] : memref<1x2x10112x64xf32, #tpu.memory_space<hbm>> -> memref<1x2x10112x64xf32, #tpu.memory_space<hbm>>
      %dma_wait3A_69 = tpu.memref_squeeze %dma_wait3A_68 : memref<1x2x10112x64xf32, #tpu.memory_space<hbm>> -> memref<2x10112x64xf32, #tpu.memory_space<hbm>>
      %dma_wait3A_70 = arith.constant 0 : i32
      %dma_wait3A_71 = arith.constant 0 : i32
      %dma_wait3A_72 = tpu.memref_slice %dma_wait3A_69[%arg0, %dma_wait3A_70, %dma_wait3A_71] : memref<2x10112x64xf32, #tpu.memory_space<hbm>> -> memref<1x10112x64xf32, #tpu.memory_space<hbm>>
      %dma_wait3A_73 = tpu.memref_squeeze %dma_wait3A_72 : memref<1x10112x64xf32, #tpu.memory_space<hbm>> -> memref<10112x64xf32, #tpu.memory_space<hbm>>
      %dma_wait3A_74 = arith.constant 0 : i32
      %dma_wait3A_75 = tpu.memref_slice %dma_wait3A_73[%mul3A_50, %dma_wait3A_74] : memref<10112x64xf32, #tpu.memory_space<hbm>> -> memref<632x64xf32, #tpu.memory_space<hbm>>
      %dma_wait3A_76 = arith.constant 0 : i32
      %dma_wait3A_77 = tpu.memref_slice %arg16[%mul3A_48, %dma_wait3A_76] : memref<10112x64xf32, #tpu.memory_space<vmem_shared>> -> memref<632x64xf32, #tpu.memory_space<vmem_shared>>
      tpu.wait_dma2 semaphore(%run_scoped3A_51 : memref<!tpu.dma_semaphore, #tpu.memory_space<semaphore_mem>>) src(%dma_wait3A_77 : memref<632x64xf32, #tpu.memory_space<vmem_shared>>) dst(%dma_wait3A_75 : memref<632x64xf32, #tpu.memory_space<hbm>>)
      tpu.yield
    }) : () -> ()
    return
  }
}

#map = affine_map<(d0, d1) -> (0)>
#map1 = affine_map<(d0, d1) -> (0, 0)>
#map2 = affine_map<(d0, d1) -> (0, 0, 0, 0)>
module attributes {stable_mosaic.version = 14 : i64} {
  func.func @mp(%arg0: i32, %arg1: i32, %arg2: memref<323584xi32, #tpu.memory_space<hbm>>, %arg3: memref<323584xi32, #tpu.memory_space<hbm>>, %arg4: memref<10112x64xf32, #tpu.memory_space<hbm>>, %arg5: memref<10000x64xf32, #tpu.memory_space<hbm>>, %arg6: memref<10000x64xf32, #tpu.memory_space<hbm>>, %arg7: memref<2x2x10112x64xf32, #tpu.memory_space<hbm>>, %arg8: memref<128xi32, #tpu.memory_space<vmem>>, %arg9: memref<128xi32, #tpu.memory_space<vmem>>, %arg10: memref<128xi32, #tpu.memory_space<vmem>>, %arg11: memref<128xi32, #tpu.memory_space<vmem>>, %arg12: memref<128x64xf32, #tpu.memory_space<vmem>>, %arg13: memref<128x64xf32, #tpu.memory_space<vmem>>, %arg14: memref<!tpu.dma_semaphore, #tpu.memory_space<semaphore_mem>>, %arg15: memref<!tpu.dma_semaphore, #tpu.memory_space<semaphore_mem>>, %arg16: memref<10000x64xf32, #tpu.memory_space<vmem_shared>>, %arg17: memref<10112x64xf32, #tpu.memory_space<vmem_shared>>) attributes {dimension_semantics = [#tpu.dimension_semantics<core_parallel>, #tpu.dimension_semantics<subcore_parallel>], iteration_bounds = array<i64: 2, 16>, scalar_prefetch = 0 : i64, scratch_operands = 10 : i64, tpu.core_type = #tpu.core_type<sc_vector_subcore>, window_params = [{transform_indices = #map}, {transform_indices = #map}, {transform_indices = #map1}, {transform_indices = #map1}, {transform_indices = #map1}, {transform_indices = #map2}]} {
    %mul3A = arith.constant 158 : i32
    %mul3A_0 = arith.muli %arg1, %mul3A : i32
    %mul3A_1 = arith.constant 78 : i32
    %mul3A_2 = arith.muli %arg0, %mul3A_1 : i32
    %add3A = arith.addi %mul3A_0, %mul3A_2 : i32
    %mul3A_3 = arith.constant 128 : i32
    %mul3A_4 = arith.muli %add3A, %mul3A_3 : i32
    %eq3A = arith.constant 0 : i32
    %eq3A_5 = arith.cmpi eq, %arg0, %eq3A : i32
    %jit3A = arith.constant 78 : i32
    %jit3A_6 = arith.constant 80 : i32
    %select_n3A = arith.select %eq3A_5, %jit3A, %jit3A_6 : i32
    %mul3A_7 = arith.constant 625 : i32
    %mul3A_8 = arith.muli %arg1, %mul3A_7 : i32
    %mul3A_9 = arith.constant 625 : i32
    %mul3A_10 = arith.muli %arg1, %mul3A_9 : i32
    "tpu.region"() ({
      %run_scoped3A_107 = tpu.sem_alloc : memref<!tpu.dma_semaphore, #tpu.memory_space<semaphore_mem>>
      %dma_start3A_108 = arith.constant 0 : i32
      %dma_start3A_109 = tpu.memref_slice %arg16[%mul3A_10, %dma_start3A_108] : memref<10000x64xf32, #tpu.memory_space<vmem_shared>> -> memref<625x64xf32, #tpu.memory_space<vmem_shared>>
      %dma_start3A_110 = arith.constant 0 : i32
      %dma_start3A_111 = tpu.memref_slice %arg5[%mul3A_8, %dma_start3A_110] : memref<10000x64xf32, #tpu.memory_space<hbm>> -> memref<625x64xf32, #tpu.memory_space<hbm>>
      tpu.enqueue_dma source(%dma_start3A_111 : memref<625x64xf32, #tpu.memory_space<hbm>>) target(%dma_start3A_109 : memref<625x64xf32, #tpu.memory_space<vmem_shared>>) target_semaphore(%run_scoped3A_107 : memref<!tpu.dma_semaphore, #tpu.memory_space<semaphore_mem>>)
      %dma_wait3A_112 = arith.constant 0 : i32
      %dma_wait3A_113 = tpu.memref_slice %arg16[%mul3A_10, %dma_wait3A_112] : memref<10000x64xf32, #tpu.memory_space<vmem_shared>> -> memref<625x64xf32, #tpu.memory_space<vmem_shared>>
      %dma_wait3A_114 = arith.constant 0 : i32
      %dma_wait3A_115 = tpu.memref_slice %arg5[%mul3A_8, %dma_wait3A_114] : memref<10000x64xf32, #tpu.memory_space<hbm>> -> memref<625x64xf32, #tpu.memory_space<hbm>>
      tpu.wait_dma2 semaphore(%run_scoped3A_107 : memref<!tpu.dma_semaphore, #tpu.memory_space<semaphore_mem>>) src(%dma_wait3A_115 : memref<625x64xf32, #tpu.memory_space<hbm>>) dst(%dma_wait3A_113 : memref<625x64xf32, #tpu.memory_space<vmem_shared>>)
      tpu.yield
    }) : () -> ()
    %mul3A_11 = arith.constant 632 : i32
    %mul3A_12 = arith.muli %arg1, %mul3A_11 : i32
    %mul3A_13 = arith.constant 632 : i32
    %mul3A_14 = arith.muli %arg1, %mul3A_13 : i32
    "tpu.region"() ({
      %run_scoped3A_107 = tpu.sem_alloc : memref<!tpu.dma_semaphore, #tpu.memory_space<semaphore_mem>>
      %dma_start3A_108 = arith.constant 0 : i32
      %dma_start3A_109 = tpu.memref_slice %arg17[%mul3A_14, %dma_start3A_108] : memref<10112x64xf32, #tpu.memory_space<vmem_shared>> -> memref<632x64xf32, #tpu.memory_space<vmem_shared>>
      %dma_start3A_110 = arith.constant 0 : i32
      %dma_start3A_111 = tpu.memref_slice %arg4[%mul3A_12, %dma_start3A_110] : memref<10112x64xf32, #tpu.memory_space<hbm>> -> memref<632x64xf32, #tpu.memory_space<hbm>>
      tpu.enqueue_dma source(%dma_start3A_111 : memref<632x64xf32, #tpu.memory_space<hbm>>) target(%dma_start3A_109 : memref<632x64xf32, #tpu.memory_space<vmem_shared>>) target_semaphore(%run_scoped3A_107 : memref<!tpu.dma_semaphore, #tpu.memory_space<semaphore_mem>>)
      %dma_wait3A_112 = arith.constant 0 : i32
      %dma_wait3A_113 = tpu.memref_slice %arg17[%mul3A_14, %dma_wait3A_112] : memref<10112x64xf32, #tpu.memory_space<vmem_shared>> -> memref<632x64xf32, #tpu.memory_space<vmem_shared>>
      %dma_wait3A_114 = arith.constant 0 : i32
      %dma_wait3A_115 = tpu.memref_slice %arg4[%mul3A_12, %dma_wait3A_114] : memref<10112x64xf32, #tpu.memory_space<hbm>> -> memref<632x64xf32, #tpu.memory_space<hbm>>
      tpu.wait_dma2 semaphore(%run_scoped3A_107 : memref<!tpu.dma_semaphore, #tpu.memory_space<semaphore_mem>>) src(%dma_wait3A_115 : memref<632x64xf32, #tpu.memory_space<hbm>>) dst(%dma_wait3A_113 : memref<632x64xf32, #tpu.memory_space<vmem_shared>>)
      tpu.yield
    }) : () -> ()
    "tpu.region"() ({
      %run_scoped3A_107 = tpu.sem_alloc : memref<!tpu.dma_semaphore, #tpu.memory_space<semaphore_mem>>
      %dma_start3A_108 = tpu.memref_slice %arg2[%mul3A_4] : memref<323584xi32, #tpu.memory_space<hbm>> -> memref<128xi32, #tpu.memory_space<hbm>>
      %dma_start3A_109 = tpu.memref_slice %arg2[%mul3A_4] : memref<323584xi32, #tpu.memory_space<hbm>> -> memref<128xi32, #tpu.memory_space<hbm>>
      tpu.enqueue_dma source(%dma_start3A_109 : memref<128xi32, #tpu.memory_space<hbm>>) target(%arg8 : memref<128xi32, #tpu.memory_space<vmem>>) target_semaphore(%run_scoped3A_107 : memref<!tpu.dma_semaphore, #tpu.memory_space<semaphore_mem>>)
      %dma_wait3A_110 = tpu.memref_slice %arg2[%mul3A_4] : memref<323584xi32, #tpu.memory_space<hbm>> -> memref<128xi32, #tpu.memory_space<hbm>>
      %dma_wait3A_111 = tpu.memref_slice %arg2[%mul3A_4] : memref<323584xi32, #tpu.memory_space<hbm>> -> memref<128xi32, #tpu.memory_space<hbm>>
      tpu.wait_dma2 semaphore(%run_scoped3A_107 : memref<!tpu.dma_semaphore, #tpu.memory_space<semaphore_mem>>) src(%dma_wait3A_111 : memref<128xi32, #tpu.memory_space<hbm>>) dst(%arg8 : memref<128xi32, #tpu.memory_space<vmem>>)
      tpu.yield
    }) : () -> ()
    "tpu.region"() ({
      %run_scoped3A_107 = tpu.sem_alloc : memref<!tpu.dma_semaphore, #tpu.memory_space<semaphore_mem>>
      %dma_start3A_108 = tpu.memref_slice %arg3[%mul3A_4] : memref<323584xi32, #tpu.memory_space<hbm>> -> memref<128xi32, #tpu.memory_space<hbm>>
      %dma_start3A_109 = tpu.memref_slice %arg3[%mul3A_4] : memref<323584xi32, #tpu.memory_space<hbm>> -> memref<128xi32, #tpu.memory_space<hbm>>
      tpu.enqueue_dma source(%dma_start3A_109 : memref<128xi32, #tpu.memory_space<hbm>>) target(%arg9 : memref<128xi32, #tpu.memory_space<vmem>>) target_semaphore(%run_scoped3A_107 : memref<!tpu.dma_semaphore, #tpu.memory_space<semaphore_mem>>)
      %dma_wait3A_110 = tpu.memref_slice %arg3[%mul3A_4] : memref<323584xi32, #tpu.memory_space<hbm>> -> memref<128xi32, #tpu.memory_space<hbm>>
      %dma_wait3A_111 = tpu.memref_slice %arg3[%mul3A_4] : memref<323584xi32, #tpu.memory_space<hbm>> -> memref<128xi32, #tpu.memory_space<hbm>>
      tpu.wait_dma2 semaphore(%run_scoped3A_107 : memref<!tpu.dma_semaphore, #tpu.memory_space<semaphore_mem>>) src(%dma_wait3A_111 : memref<128xi32, #tpu.memory_space<hbm>>) dst(%arg9 : memref<128xi32, #tpu.memory_space<vmem>>)
      tpu.yield
    }) : () -> ()
    %barrier3A = arith.constant 0 : index
    tpu.barrier barrier_id(%barrier3A)
    %dma_start3A = arith.constant 0 : i32
    %dma_start3A_15 = arith.constant 0 : i32
    %dma_start3A_16 = tpu.memref_slice %arg16[%dma_start3A, %dma_start3A_15] : memref<10000x64xf32, #tpu.memory_space<vmem_shared>> -> memref<10000x64xf32, #tpu.memory_space<vmem_shared>>
    tpu.enqueue_indirect_dma source(%dma_start3A_16 : memref<10000x64xf32, #tpu.memory_space<vmem_shared>>) target(%arg12 : memref<128x64xf32, #tpu.memory_space<vmem>>) offsets(%arg8 : memref<128xi32, #tpu.memory_space<vmem>>) semaphore(%arg14 : memref<!tpu.dma_semaphore, #tpu.memory_space<semaphore_mem>>)
    %jit3A_17 = arith.constant 2 : i32
    %div3A = arith.divsi %select_n3A, %jit3A_17 : i32
    %sign3A = arith.constant 0 : i32
    %sign3A_18 = arith.cmpi sgt, %select_n3A, %sign3A : i32
    %sign3A_19 = arith.extui %sign3A_18 : i1 to i32
    %sign3A_20 = arith.constant 0 : i32
    %sign3A_21 = arith.cmpi slt, %select_n3A, %sign3A_20 : i32
    %sign3A_22 = arith.extui %sign3A_21 : i1 to i32
    %sign3A_23 = arith.subi %sign3A_19, %sign3A_22 : i32
    %sign3A_24 = arith.constant 0 : i32
    %sign3A_25 = arith.cmpi sgt, %jit3A_17, %sign3A_24 : i32
    %sign3A_26 = arith.extui %sign3A_25 : i1 to i32
    %sign3A_27 = arith.constant 0 : i32
    %sign3A_28 = arith.cmpi slt, %jit3A_17, %sign3A_27 : i32
    %sign3A_29 = arith.extui %sign3A_28 : i1 to i32
    %sign3A_30 = arith.subi %sign3A_26, %sign3A_29 : i32
    %ne3A = arith.cmpi ne, %sign3A_23, %sign3A_30 : i32
    %rem3A = arith.remsi %select_n3A, %jit3A_17 : i32
    %ne3A_31 = arith.constant 0 : i32
    %ne3A_32 = arith.cmpi ne, %rem3A, %ne3A_31 : i32
    %and3A = arith.andi %ne3A, %ne3A_32 : i1
    %sub3A = arith.constant 1 : i32
    %sub3A_33 = arith.subi %div3A, %sub3A : i32
    %select_n3A_34 = arith.select %and3A, %sub3A_33, %div3A : i32
    %while3A = arith.constant 0 : i32
    %while3A_35 = arith.constant 0 : i32
    %while3A_36 = arith.subi %select_n3A_34, %while3A_35 : i32
    %while3A_37 = arith.addi %while3A_35, %while3A_36 : i32
    %while3A_38 = arith.constant 1 : i32
    %while3A_39 = arith.divsi %while3A_36, %while3A_38 : i32
    %while3A_40 = arith.muli %while3A_39, %while3A_38 : i32
    %while3A_41 = arith.addi %while3A_35, %while3A_40 : i32
    %while3A_42 = arith.constant 1 : i32
    scf.for %while3A_107 = %while3A_35 to %while3A_41 step %while3A_42  : i32 {
      %mul3A_108 = arith.constant 2 : i32
      %mul3A_109 = arith.muli %mul3A_108, %while3A_107 : i32
      %add3A_110 = arith.constant 1 : i32
      %add3A_111 = arith.addi %mul3A_109, %add3A_110 : i32
      %mul3A_112 = arith.constant 128 : i32
      %mul3A_113 = arith.muli %add3A_111, %mul3A_112 : i32
      %add3A_114 = arith.addi %mul3A_4, %mul3A_113 : i32
      %multiple_of3A = tpu.assume_multiple %add3A_114, 128 : i32
      "tpu.region"() ({
        %run_scoped3A_134 = tpu.sem_alloc : memref<!tpu.dma_semaphore, #tpu.memory_space<semaphore_mem>>
        %dma_start3A_135 = tpu.memref_slice %arg2[%multiple_of3A] : memref<323584xi32, #tpu.memory_space<hbm>> -> memref<128xi32, #tpu.memory_space<hbm>>
        %dma_start3A_136 = tpu.memref_slice %arg2[%multiple_of3A] : memref<323584xi32, #tpu.memory_space<hbm>> -> memref<128xi32, #tpu.memory_space<hbm>>
        tpu.enqueue_dma source(%dma_start3A_136 : memref<128xi32, #tpu.memory_space<hbm>>) target(%arg10 : memref<128xi32, #tpu.memory_space<vmem>>) target_semaphore(%run_scoped3A_134 : memref<!tpu.dma_semaphore, #tpu.memory_space<semaphore_mem>>)
        %dma_wait3A_137 = tpu.memref_slice %arg2[%multiple_of3A] : memref<323584xi32, #tpu.memory_space<hbm>> -> memref<128xi32, #tpu.memory_space<hbm>>
        %dma_wait3A_138 = tpu.memref_slice %arg2[%multiple_of3A] : memref<323584xi32, #tpu.memory_space<hbm>> -> memref<128xi32, #tpu.memory_space<hbm>>
        tpu.wait_dma2 semaphore(%run_scoped3A_134 : memref<!tpu.dma_semaphore, #tpu.memory_space<semaphore_mem>>) src(%dma_wait3A_138 : memref<128xi32, #tpu.memory_space<hbm>>) dst(%arg10 : memref<128xi32, #tpu.memory_space<vmem>>)
        tpu.yield
      }) : () -> ()
      "tpu.region"() ({
        %run_scoped3A_134 = tpu.sem_alloc : memref<!tpu.dma_semaphore, #tpu.memory_space<semaphore_mem>>
        %dma_start3A_135 = tpu.memref_slice %arg3[%multiple_of3A] : memref<323584xi32, #tpu.memory_space<hbm>> -> memref<128xi32, #tpu.memory_space<hbm>>
        %dma_start3A_136 = tpu.memref_slice %arg3[%multiple_of3A] : memref<323584xi32, #tpu.memory_space<hbm>> -> memref<128xi32, #tpu.memory_space<hbm>>
        tpu.enqueue_dma source(%dma_start3A_136 : memref<128xi32, #tpu.memory_space<hbm>>) target(%arg11 : memref<128xi32, #tpu.memory_space<vmem>>) target_semaphore(%run_scoped3A_134 : memref<!tpu.dma_semaphore, #tpu.memory_space<semaphore_mem>>)
        %dma_wait3A_137 = tpu.memref_slice %arg3[%multiple_of3A] : memref<323584xi32, #tpu.memory_space<hbm>> -> memref<128xi32, #tpu.memory_space<hbm>>
        %dma_wait3A_138 = tpu.memref_slice %arg3[%multiple_of3A] : memref<323584xi32, #tpu.memory_space<hbm>> -> memref<128xi32, #tpu.memory_space<hbm>>
        tpu.wait_dma2 semaphore(%run_scoped3A_134 : memref<!tpu.dma_semaphore, #tpu.memory_space<semaphore_mem>>) src(%dma_wait3A_138 : memref<128xi32, #tpu.memory_space<hbm>>) dst(%arg11 : memref<128xi32, #tpu.memory_space<vmem>>)
        tpu.yield
      }) : () -> ()
      %dma_start3A_115 = arith.constant 0 : i32
      %dma_start3A_116 = arith.constant 0 : i32
      %dma_start3A_117 = tpu.memref_slice %arg16[%dma_start3A_115, %dma_start3A_116] : memref<10000x64xf32, #tpu.memory_space<vmem_shared>> -> memref<10000x64xf32, #tpu.memory_space<vmem_shared>>
      tpu.enqueue_indirect_dma source(%dma_start3A_117 : memref<10000x64xf32, #tpu.memory_space<vmem_shared>>) target(%arg13 : memref<128x64xf32, #tpu.memory_space<vmem>>) offsets(%arg10 : memref<128xi32, #tpu.memory_space<vmem>>) semaphore(%arg15 : memref<!tpu.dma_semaphore, #tpu.memory_space<semaphore_mem>>)
      %dma_wait3A_118 = arith.constant 0 : i32
      %dma_wait3A_119 = arith.constant 0 : i32
      %dma_wait3A_120 = tpu.memref_slice %arg16[%dma_wait3A_118, %dma_wait3A_119] : memref<10000x64xf32, #tpu.memory_space<vmem_shared>> -> memref<10000x64xf32, #tpu.memory_space<vmem_shared>>
      tpu.wait_indirect_dma semaphore(%arg14 : memref<!tpu.dma_semaphore, #tpu.memory_space<semaphore_mem>>) src(%dma_wait3A_120 : memref<10000x64xf32, #tpu.memory_space<vmem_shared>>) dst(%arg12 : memref<128x64xf32, #tpu.memory_space<vmem>>)
      "tpu.region"() ({
        %run_scoped3A_134 = tpu.sem_alloc : memref<!tpu.dma_semaphore, #tpu.memory_space<semaphore_mem>>
        %dma_start3A_135 = arith.constant 0 : i32
        %dma_start3A_136 = arith.constant 0 : i32
        %dma_start3A_137 = tpu.memref_slice %arg17[%dma_start3A_135, %dma_start3A_136] : memref<10112x64xf32, #tpu.memory_space<vmem_shared>> -> memref<10112x64xf32, #tpu.memory_space<vmem_shared>>
        tpu.enqueue_indirect_dma source(%arg12 : memref<128x64xf32, #tpu.memory_space<vmem>>) target(%dma_start3A_137 : memref<10112x64xf32, #tpu.memory_space<vmem_shared>>) offsets(%arg9 : memref<128xi32, #tpu.memory_space<vmem>>) semaphore(%run_scoped3A_134 : memref<!tpu.dma_semaphore, #tpu.memory_space<semaphore_mem>>) {add = true}
        %dma_wait3A_138 = arith.constant 0 : i32
        %dma_wait3A_139 = arith.constant 0 : i32
        %dma_wait3A_140 = tpu.memref_slice %arg17[%dma_wait3A_138, %dma_wait3A_139] : memref<10112x64xf32, #tpu.memory_space<vmem_shared>> -> memref<10112x64xf32, #tpu.memory_space<vmem_shared>>
        tpu.wait_indirect_dma semaphore(%run_scoped3A_134 : memref<!tpu.dma_semaphore, #tpu.memory_space<semaphore_mem>>) src(%arg12 : memref<128x64xf32, #tpu.memory_space<vmem>>) dst(%dma_wait3A_140 : memref<10112x64xf32, #tpu.memory_space<vmem_shared>>)
        tpu.yield
      }) : () -> ()
      %add3A_121 = arith.constant 2 : i32
      %add3A_122 = arith.addi %mul3A_109, %add3A_121 : i32
      %rem3A_123 = arith.remsi %add3A_122, %select_n3A : i32
      %mul3A_124 = arith.constant 128 : i32
      %mul3A_125 = arith.muli %rem3A_123, %mul3A_124 : i32
      %add3A_126 = arith.addi %mul3A_4, %mul3A_125 : i32
      %multiple_of3A_127 = tpu.assume_multiple %add3A_126, 128 : i32
      "tpu.region"() ({
        %run_scoped3A_134 = tpu.sem_alloc : memref<!tpu.dma_semaphore, #tpu.memory_space<semaphore_mem>>
        %dma_start3A_135 = tpu.memref_slice %arg2[%multiple_of3A_127] : memref<323584xi32, #tpu.memory_space<hbm>> -> memref<128xi32, #tpu.memory_space<hbm>>
        %dma_start3A_136 = tpu.memref_slice %arg2[%multiple_of3A_127] : memref<323584xi32, #tpu.memory_space<hbm>> -> memref<128xi32, #tpu.memory_space<hbm>>
        tpu.enqueue_dma source(%dma_start3A_136 : memref<128xi32, #tpu.memory_space<hbm>>) target(%arg8 : memref<128xi32, #tpu.memory_space<vmem>>) target_semaphore(%run_scoped3A_134 : memref<!tpu.dma_semaphore, #tpu.memory_space<semaphore_mem>>)
        %dma_wait3A_137 = tpu.memref_slice %arg2[%multiple_of3A_127] : memref<323584xi32, #tpu.memory_space<hbm>> -> memref<128xi32, #tpu.memory_space<hbm>>
        %dma_wait3A_138 = tpu.memref_slice %arg2[%multiple_of3A_127] : memref<323584xi32, #tpu.memory_space<hbm>> -> memref<128xi32, #tpu.memory_space<hbm>>
        tpu.wait_dma2 semaphore(%run_scoped3A_134 : memref<!tpu.dma_semaphore, #tpu.memory_space<semaphore_mem>>) src(%dma_wait3A_138 : memref<128xi32, #tpu.memory_space<hbm>>) dst(%arg8 : memref<128xi32, #tpu.memory_space<vmem>>)
        tpu.yield
      }) : () -> ()
      "tpu.region"() ({
        %run_scoped3A_134 = tpu.sem_alloc : memref<!tpu.dma_semaphore, #tpu.memory_space<semaphore_mem>>
        %dma_start3A_135 = tpu.memref_slice %arg3[%multiple_of3A_127] : memref<323584xi32, #tpu.memory_space<hbm>> -> memref<128xi32, #tpu.memory_space<hbm>>
        %dma_start3A_136 = tpu.memref_slice %arg3[%multiple_of3A_127] : memref<323584xi32, #tpu.memory_space<hbm>> -> memref<128xi32, #tpu.memory_space<hbm>>
        tpu.enqueue_dma source(%dma_start3A_136 : memref<128xi32, #tpu.memory_space<hbm>>) target(%arg9 : memref<128xi32, #tpu.memory_space<vmem>>) target_semaphore(%run_scoped3A_134 : memref<!tpu.dma_semaphore, #tpu.memory_space<semaphore_mem>>)
        %dma_wait3A_137 = tpu.memref_slice %arg3[%multiple_of3A_127] : memref<323584xi32, #tpu.memory_space<hbm>> -> memref<128xi32, #tpu.memory_space<hbm>>
        %dma_wait3A_138 = tpu.memref_slice %arg3[%multiple_of3A_127] : memref<323584xi32, #tpu.memory_space<hbm>> -> memref<128xi32, #tpu.memory_space<hbm>>
        tpu.wait_dma2 semaphore(%run_scoped3A_134 : memref<!tpu.dma_semaphore, #tpu.memory_space<semaphore_mem>>) src(%dma_wait3A_138 : memref<128xi32, #tpu.memory_space<hbm>>) dst(%arg9 : memref<128xi32, #tpu.memory_space<vmem>>)
        tpu.yield
      }) : () -> ()
      %dma_start3A_128 = arith.constant 0 : i32
      %dma_start3A_129 = arith.constant 0 : i32
      %dma_start3A_130 = tpu.memref_slice %arg16[%dma_start3A_128, %dma_start3A_129] : memref<10000x64xf32, #tpu.memory_space<vmem_shared>> -> memref<10000x64xf32, #tpu.memory_space<vmem_shared>>
      tpu.enqueue_indirect_dma source(%dma_start3A_130 : memref<10000x64xf32, #tpu.memory_space<vmem_shared>>) target(%arg12 : memref<128x64xf32, #tpu.memory_space<vmem>>) offsets(%arg8 : memref<128xi32, #tpu.memory_space<vmem>>) semaphore(%arg14 : memref<!tpu.dma_semaphore, #tpu.memory_space<semaphore_mem>>)
      %dma_wait3A_131 = arith.constant 0 : i32
      %dma_wait3A_132 = arith.constant 0 : i32
      %dma_wait3A_133 = tpu.memref_slice %arg16[%dma_wait3A_131, %dma_wait3A_132] : memref<10000x64xf32, #tpu.memory_space<vmem_shared>> -> memref<10000x64xf32, #tpu.memory_space<vmem_shared>>
      tpu.wait_indirect_dma semaphore(%arg15 : memref<!tpu.dma_semaphore, #tpu.memory_space<semaphore_mem>>) src(%dma_wait3A_133 : memref<10000x64xf32, #tpu.memory_space<vmem_shared>>) dst(%arg13 : memref<128x64xf32, #tpu.memory_space<vmem>>)
      "tpu.region"() ({
        %run_scoped3A_134 = tpu.sem_alloc : memref<!tpu.dma_semaphore, #tpu.memory_space<semaphore_mem>>
        %dma_start3A_135 = arith.constant 0 : i32
        %dma_start3A_136 = arith.constant 0 : i32
        %dma_start3A_137 = tpu.memref_slice %arg17[%dma_start3A_135, %dma_start3A_136] : memref<10112x64xf32, #tpu.memory_space<vmem_shared>> -> memref<10112x64xf32, #tpu.memory_space<vmem_shared>>
        tpu.enqueue_indirect_dma source(%arg13 : memref<128x64xf32, #tpu.memory_space<vmem>>) target(%dma_start3A_137 : memref<10112x64xf32, #tpu.memory_space<vmem_shared>>) offsets(%arg11 : memref<128xi32, #tpu.memory_space<vmem>>) semaphore(%run_scoped3A_134 : memref<!tpu.dma_semaphore, #tpu.memory_space<semaphore_mem>>) {add = true}
        %dma_wait3A_138 = arith.constant 0 : i32
        %dma_wait3A_139 = arith.constant 0 : i32
        %dma_wait3A_140 = tpu.memref_slice %arg17[%dma_wait3A_138, %dma_wait3A_139] : memref<10112x64xf32, #tpu.memory_space<vmem_shared>> -> memref<10112x64xf32, #tpu.memory_space<vmem_shared>>
        tpu.wait_indirect_dma semaphore(%run_scoped3A_134 : memref<!tpu.dma_semaphore, #tpu.memory_space<semaphore_mem>>) src(%arg13 : memref<128x64xf32, #tpu.memory_space<vmem>>) dst(%dma_wait3A_140 : memref<10112x64xf32, #tpu.memory_space<vmem_shared>>)
        tpu.yield
      }) : () -> ()
    }
    %while3A_43 = arith.constant 1 : i32
    scf.for %while3A_107 = %while3A_41 to %while3A_37 step %while3A_43  : i32 {
      %mul3A_108 = arith.constant 2 : i32
      %mul3A_109 = arith.muli %mul3A_108, %while3A_107 : i32
      %add3A_110 = arith.constant 1 : i32
      %add3A_111 = arith.addi %mul3A_109, %add3A_110 : i32
      %mul3A_112 = arith.constant 128 : i32
      %mul3A_113 = arith.muli %add3A_111, %mul3A_112 : i32
      %add3A_114 = arith.addi %mul3A_4, %mul3A_113 : i32
      %multiple_of3A = tpu.assume_multiple %add3A_114, 128 : i32
      "tpu.region"() ({
        %run_scoped3A_134 = tpu.sem_alloc : memref<!tpu.dma_semaphore, #tpu.memory_space<semaphore_mem>>
        %dma_start3A_135 = tpu.memref_slice %arg2[%multiple_of3A] : memref<323584xi32, #tpu.memory_space<hbm>> -> memref<128xi32, #tpu.memory_space<hbm>>
        %dma_start3A_136 = tpu.memref_slice %arg2[%multiple_of3A] : memref<323584xi32, #tpu.memory_space<hbm>> -> memref<128xi32, #tpu.memory_space<hbm>>
        tpu.enqueue_dma source(%dma_start3A_136 : memref<128xi32, #tpu.memory_space<hbm>>) target(%arg10 : memref<128xi32, #tpu.memory_space<vmem>>) target_semaphore(%run_scoped3A_134 : memref<!tpu.dma_semaphore, #tpu.memory_space<semaphore_mem>>)
        %dma_wait3A_137 = tpu.memref_slice %arg2[%multiple_of3A] : memref<323584xi32, #tpu.memory_space<hbm>> -> memref<128xi32, #tpu.memory_space<hbm>>
        %dma_wait3A_138 = tpu.memref_slice %arg2[%multiple_of3A] : memref<323584xi32, #tpu.memory_space<hbm>> -> memref<128xi32, #tpu.memory_space<hbm>>
        tpu.wait_dma2 semaphore(%run_scoped3A_134 : memref<!tpu.dma_semaphore, #tpu.memory_space<semaphore_mem>>) src(%dma_wait3A_138 : memref<128xi32, #tpu.memory_space<hbm>>) dst(%arg10 : memref<128xi32, #tpu.memory_space<vmem>>)
        tpu.yield
      }) : () -> ()
      "tpu.region"() ({
        %run_scoped3A_134 = tpu.sem_alloc : memref<!tpu.dma_semaphore, #tpu.memory_space<semaphore_mem>>
        %dma_start3A_135 = tpu.memref_slice %arg3[%multiple_of3A] : memref<323584xi32, #tpu.memory_space<hbm>> -> memref<128xi32, #tpu.memory_space<hbm>>
        %dma_start3A_136 = tpu.memref_slice %arg3[%multiple_of3A] : memref<323584xi32, #tpu.memory_space<hbm>> -> memref<128xi32, #tpu.memory_space<hbm>>
        tpu.enqueue_dma source(%dma_start3A_136 : memref<128xi32, #tpu.memory_space<hbm>>) target(%arg11 : memref<128xi32, #tpu.memory_space<vmem>>) target_semaphore(%run_scoped3A_134 : memref<!tpu.dma_semaphore, #tpu.memory_space<semaphore_mem>>)
        %dma_wait3A_137 = tpu.memref_slice %arg3[%multiple_of3A] : memref<323584xi32, #tpu.memory_space<hbm>> -> memref<128xi32, #tpu.memory_space<hbm>>
        %dma_wait3A_138 = tpu.memref_slice %arg3[%multiple_of3A] : memref<323584xi32, #tpu.memory_space<hbm>> -> memref<128xi32, #tpu.memory_space<hbm>>
        tpu.wait_dma2 semaphore(%run_scoped3A_134 : memref<!tpu.dma_semaphore, #tpu.memory_space<semaphore_mem>>) src(%dma_wait3A_138 : memref<128xi32, #tpu.memory_space<hbm>>) dst(%arg11 : memref<128xi32, #tpu.memory_space<vmem>>)
        tpu.yield
      }) : () -> ()
      %dma_start3A_115 = arith.constant 0 : i32
      %dma_start3A_116 = arith.constant 0 : i32
      %dma_start3A_117 = tpu.memref_slice %arg16[%dma_start3A_115, %dma_start3A_116] : memref<10000x64xf32, #tpu.memory_space<vmem_shared>> -> memref<10000x64xf32, #tpu.memory_space<vmem_shared>>
      tpu.enqueue_indirect_dma source(%dma_start3A_117 : memref<10000x64xf32, #tpu.memory_space<vmem_shared>>) target(%arg13 : memref<128x64xf32, #tpu.memory_space<vmem>>) offsets(%arg10 : memref<128xi32, #tpu.memory_space<vmem>>) semaphore(%arg15 : memref<!tpu.dma_semaphore, #tpu.memory_space<semaphore_mem>>)
      %dma_wait3A_118 = arith.constant 0 : i32
      %dma_wait3A_119 = arith.constant 0 : i32
      %dma_wait3A_120 = tpu.memref_slice %arg16[%dma_wait3A_118, %dma_wait3A_119] : memref<10000x64xf32, #tpu.memory_space<vmem_shared>> -> memref<10000x64xf32, #tpu.memory_space<vmem_shared>>
      tpu.wait_indirect_dma semaphore(%arg14 : memref<!tpu.dma_semaphore, #tpu.memory_space<semaphore_mem>>) src(%dma_wait3A_120 : memref<10000x64xf32, #tpu.memory_space<vmem_shared>>) dst(%arg12 : memref<128x64xf32, #tpu.memory_space<vmem>>)
      "tpu.region"() ({
        %run_scoped3A_134 = tpu.sem_alloc : memref<!tpu.dma_semaphore, #tpu.memory_space<semaphore_mem>>
        %dma_start3A_135 = arith.constant 0 : i32
        %dma_start3A_136 = arith.constant 0 : i32
        %dma_start3A_137 = tpu.memref_slice %arg17[%dma_start3A_135, %dma_start3A_136] : memref<10112x64xf32, #tpu.memory_space<vmem_shared>> -> memref<10112x64xf32, #tpu.memory_space<vmem_shared>>
        tpu.enqueue_indirect_dma source(%arg12 : memref<128x64xf32, #tpu.memory_space<vmem>>) target(%dma_start3A_137 : memref<10112x64xf32, #tpu.memory_space<vmem_shared>>) offsets(%arg9 : memref<128xi32, #tpu.memory_space<vmem>>) semaphore(%run_scoped3A_134 : memref<!tpu.dma_semaphore, #tpu.memory_space<semaphore_mem>>) {add = true}
        %dma_wait3A_138 = arith.constant 0 : i32
        %dma_wait3A_139 = arith.constant 0 : i32
        %dma_wait3A_140 = tpu.memref_slice %arg17[%dma_wait3A_138, %dma_wait3A_139] : memref<10112x64xf32, #tpu.memory_space<vmem_shared>> -> memref<10112x64xf32, #tpu.memory_space<vmem_shared>>
        tpu.wait_indirect_dma semaphore(%run_scoped3A_134 : memref<!tpu.dma_semaphore, #tpu.memory_space<semaphore_mem>>) src(%arg12 : memref<128x64xf32, #tpu.memory_space<vmem>>) dst(%dma_wait3A_140 : memref<10112x64xf32, #tpu.memory_space<vmem_shared>>)
        tpu.yield
      }) : () -> ()
      %add3A_121 = arith.constant 2 : i32
      %add3A_122 = arith.addi %mul3A_109, %add3A_121 : i32
      %rem3A_123 = arith.remsi %add3A_122, %select_n3A : i32
      %mul3A_124 = arith.constant 128 : i32
      %mul3A_125 = arith.muli %rem3A_123, %mul3A_124 : i32
      %add3A_126 = arith.addi %mul3A_4, %mul3A_125 : i32
      %multiple_of3A_127 = tpu.assume_multiple %add3A_126, 128 : i32
      "tpu.region"() ({
        %run_scoped3A_134 = tpu.sem_alloc : memref<!tpu.dma_semaphore, #tpu.memory_space<semaphore_mem>>
        %dma_start3A_135 = tpu.memref_slice %arg2[%multiple_of3A_127] : memref<323584xi32, #tpu.memory_space<hbm>> -> memref<128xi32, #tpu.memory_space<hbm>>
        %dma_start3A_136 = tpu.memref_slice %arg2[%multiple_of3A_127] : memref<323584xi32, #tpu.memory_space<hbm>> -> memref<128xi32, #tpu.memory_space<hbm>>
        tpu.enqueue_dma source(%dma_start3A_136 : memref<128xi32, #tpu.memory_space<hbm>>) target(%arg8 : memref<128xi32, #tpu.memory_space<vmem>>) target_semaphore(%run_scoped3A_134 : memref<!tpu.dma_semaphore, #tpu.memory_space<semaphore_mem>>)
        %dma_wait3A_137 = tpu.memref_slice %arg2[%multiple_of3A_127] : memref<323584xi32, #tpu.memory_space<hbm>> -> memref<128xi32, #tpu.memory_space<hbm>>
        %dma_wait3A_138 = tpu.memref_slice %arg2[%multiple_of3A_127] : memref<323584xi32, #tpu.memory_space<hbm>> -> memref<128xi32, #tpu.memory_space<hbm>>
        tpu.wait_dma2 semaphore(%run_scoped3A_134 : memref<!tpu.dma_semaphore, #tpu.memory_space<semaphore_mem>>) src(%dma_wait3A_138 : memref<128xi32, #tpu.memory_space<hbm>>) dst(%arg8 : memref<128xi32, #tpu.memory_space<vmem>>)
        tpu.yield
      }) : () -> ()
      "tpu.region"() ({
        %run_scoped3A_134 = tpu.sem_alloc : memref<!tpu.dma_semaphore, #tpu.memory_space<semaphore_mem>>
        %dma_start3A_135 = tpu.memref_slice %arg3[%multiple_of3A_127] : memref<323584xi32, #tpu.memory_space<hbm>> -> memref<128xi32, #tpu.memory_space<hbm>>
        %dma_start3A_136 = tpu.memref_slice %arg3[%multiple_of3A_127] : memref<323584xi32, #tpu.memory_space<hbm>> -> memref<128xi32, #tpu.memory_space<hbm>>
        tpu.enqueue_dma source(%dma_start3A_136 : memref<128xi32, #tpu.memory_space<hbm>>) target(%arg9 : memref<128xi32, #tpu.memory_space<vmem>>) target_semaphore(%run_scoped3A_134 : memref<!tpu.dma_semaphore, #tpu.memory_space<semaphore_mem>>)
        %dma_wait3A_137 = tpu.memref_slice %arg3[%multiple_of3A_127] : memref<323584xi32, #tpu.memory_space<hbm>> -> memref<128xi32, #tpu.memory_space<hbm>>
        %dma_wait3A_138 = tpu.memref_slice %arg3[%multiple_of3A_127] : memref<323584xi32, #tpu.memory_space<hbm>> -> memref<128xi32, #tpu.memory_space<hbm>>
        tpu.wait_dma2 semaphore(%run_scoped3A_134 : memref<!tpu.dma_semaphore, #tpu.memory_space<semaphore_mem>>) src(%dma_wait3A_138 : memref<128xi32, #tpu.memory_space<hbm>>) dst(%arg9 : memref<128xi32, #tpu.memory_space<vmem>>)
        tpu.yield
      }) : () -> ()
      %dma_start3A_128 = arith.constant 0 : i32
      %dma_start3A_129 = arith.constant 0 : i32
      %dma_start3A_130 = tpu.memref_slice %arg16[%dma_start3A_128, %dma_start3A_129] : memref<10000x64xf32, #tpu.memory_space<vmem_shared>> -> memref<10000x64xf32, #tpu.memory_space<vmem_shared>>
      tpu.enqueue_indirect_dma source(%dma_start3A_130 : memref<10000x64xf32, #tpu.memory_space<vmem_shared>>) target(%arg12 : memref<128x64xf32, #tpu.memory_space<vmem>>) offsets(%arg8 : memref<128xi32, #tpu.memory_space<vmem>>) semaphore(%arg14 : memref<!tpu.dma_semaphore, #tpu.memory_space<semaphore_mem>>)
      %dma_wait3A_131 = arith.constant 0 : i32
      %dma_wait3A_132 = arith.constant 0 : i32
      %dma_wait3A_133 = tpu.memref_slice %arg16[%dma_wait3A_131, %dma_wait3A_132] : memref<10000x64xf32, #tpu.memory_space<vmem_shared>> -> memref<10000x64xf32, #tpu.memory_space<vmem_shared>>
      tpu.wait_indirect_dma semaphore(%arg15 : memref<!tpu.dma_semaphore, #tpu.memory_space<semaphore_mem>>) src(%dma_wait3A_133 : memref<10000x64xf32, #tpu.memory_space<vmem_shared>>) dst(%arg13 : memref<128x64xf32, #tpu.memory_space<vmem>>)
      "tpu.region"() ({
        %run_scoped3A_134 = tpu.sem_alloc : memref<!tpu.dma_semaphore, #tpu.memory_space<semaphore_mem>>
        %dma_start3A_135 = arith.constant 0 : i32
        %dma_start3A_136 = arith.constant 0 : i32
        %dma_start3A_137 = tpu.memref_slice %arg17[%dma_start3A_135, %dma_start3A_136] : memref<10112x64xf32, #tpu.memory_space<vmem_shared>> -> memref<10112x64xf32, #tpu.memory_space<vmem_shared>>
        tpu.enqueue_indirect_dma source(%arg13 : memref<128x64xf32, #tpu.memory_space<vmem>>) target(%dma_start3A_137 : memref<10112x64xf32, #tpu.memory_space<vmem_shared>>) offsets(%arg11 : memref<128xi32, #tpu.memory_space<vmem>>) semaphore(%run_scoped3A_134 : memref<!tpu.dma_semaphore, #tpu.memory_space<semaphore_mem>>) {add = true}
        %dma_wait3A_138 = arith.constant 0 : i32
        %dma_wait3A_139 = arith.constant 0 : i32
        %dma_wait3A_140 = tpu.memref_slice %arg17[%dma_wait3A_138, %dma_wait3A_139] : memref<10112x64xf32, #tpu.memory_space<vmem_shared>> -> memref<10112x64xf32, #tpu.memory_space<vmem_shared>>
        tpu.wait_indirect_dma semaphore(%run_scoped3A_134 : memref<!tpu.dma_semaphore, #tpu.memory_space<semaphore_mem>>) src(%arg13 : memref<128x64xf32, #tpu.memory_space<vmem>>) dst(%dma_wait3A_140 : memref<10112x64xf32, #tpu.memory_space<vmem_shared>>)
        tpu.yield
      }) : () -> ()
    }
    %dma_wait3A = arith.constant 0 : i32
    %dma_wait3A_44 = arith.constant 0 : i32
    %dma_wait3A_45 = tpu.memref_slice %arg16[%dma_wait3A, %dma_wait3A_44] : memref<10000x64xf32, #tpu.memory_space<vmem_shared>> -> memref<10000x64xf32, #tpu.memory_space<vmem_shared>>
    tpu.wait_indirect_dma semaphore(%arg14 : memref<!tpu.dma_semaphore, #tpu.memory_space<semaphore_mem>>) src(%dma_wait3A_45 : memref<10000x64xf32, #tpu.memory_space<vmem_shared>>) dst(%arg12 : memref<128x64xf32, #tpu.memory_space<vmem>>)
    %barrier3A_46 = arith.constant 0 : index
    tpu.barrier barrier_id(%barrier3A_46)
    %mul3A_47 = arith.constant 632 : i32
    %mul3A_48 = arith.muli %arg1, %mul3A_47 : i32
    %mul3A_49 = arith.constant 632 : i32
    %mul3A_50 = arith.muli %arg1, %mul3A_49 : i32
    %run_scoped3A = arith.constant 0 : i32
    "tpu.region"() ({
      %run_scoped3A_107 = tpu.sem_alloc : memref<!tpu.dma_semaphore, #tpu.memory_space<semaphore_mem>>
      %dma_start3A_108 = arith.constant 0 : i32
      %dma_start3A_109 = arith.constant 0 : i32
      %dma_start3A_110 = arith.constant 0 : i32
      %dma_start3A_111 = tpu.memref_slice %arg7[%run_scoped3A, %dma_start3A_108, %dma_start3A_109, %dma_start3A_110] : memref<2x2x10112x64xf32, #tpu.memory_space<hbm>> -> memref<1x2x10112x64xf32, #tpu.memory_space<hbm>>
      %dma_start3A_112 = tpu.memref_squeeze %dma_start3A_111 : memref<1x2x10112x64xf32, #tpu.memory_space<hbm>> -> memref<2x10112x64xf32, #tpu.memory_space<hbm>>
      %dma_start3A_113 = arith.constant 0 : i32
      %dma_start3A_114 = arith.constant 0 : i32
      %dma_start3A_115 = tpu.memref_slice %dma_start3A_112[%arg0, %dma_start3A_113, %dma_start3A_114] : memref<2x10112x64xf32, #tpu.memory_space<hbm>> -> memref<1x10112x64xf32, #tpu.memory_space<hbm>>
      %dma_start3A_116 = tpu.memref_squeeze %dma_start3A_115 : memref<1x10112x64xf32, #tpu.memory_space<hbm>> -> memref<10112x64xf32, #tpu.memory_space<hbm>>
      %dma_start3A_117 = arith.constant 0 : i32
      %dma_start3A_118 = tpu.memref_slice %dma_start3A_116[%mul3A_50, %dma_start3A_117] : memref<10112x64xf32, #tpu.memory_space<hbm>> -> memref<632x64xf32, #tpu.memory_space<hbm>>
      %dma_start3A_119 = arith.constant 0 : i32
      %dma_start3A_120 = tpu.memref_slice %arg17[%mul3A_48, %dma_start3A_119] : memref<10112x64xf32, #tpu.memory_space<vmem_shared>> -> memref<632x64xf32, #tpu.memory_space<vmem_shared>>
      tpu.enqueue_dma source(%dma_start3A_120 : memref<632x64xf32, #tpu.memory_space<vmem_shared>>) target(%dma_start3A_118 : memref<632x64xf32, #tpu.memory_space<hbm>>) target_semaphore(%run_scoped3A_107 : memref<!tpu.dma_semaphore, #tpu.memory_space<semaphore_mem>>)
      %dma_wait3A_121 = arith.constant 0 : i32
      %dma_wait3A_122 = arith.constant 0 : i32
      %dma_wait3A_123 = arith.constant 0 : i32
      %dma_wait3A_124 = tpu.memref_slice %arg7[%run_scoped3A, %dma_wait3A_121, %dma_wait3A_122, %dma_wait3A_123] : memref<2x2x10112x64xf32, #tpu.memory_space<hbm>> -> memref<1x2x10112x64xf32, #tpu.memory_space<hbm>>
      %dma_wait3A_125 = tpu.memref_squeeze %dma_wait3A_124 : memref<1x2x10112x64xf32, #tpu.memory_space<hbm>> -> memref<2x10112x64xf32, #tpu.memory_space<hbm>>
      %dma_wait3A_126 = arith.constant 0 : i32
      %dma_wait3A_127 = arith.constant 0 : i32
      %dma_wait3A_128 = tpu.memref_slice %dma_wait3A_125[%arg0, %dma_wait3A_126, %dma_wait3A_127] : memref<2x10112x64xf32, #tpu.memory_space<hbm>> -> memref<1x10112x64xf32, #tpu.memory_space<hbm>>
      %dma_wait3A_129 = tpu.memref_squeeze %dma_wait3A_128 : memref<1x10112x64xf32, #tpu.memory_space<hbm>> -> memref<10112x64xf32, #tpu.memory_space<hbm>>
      %dma_wait3A_130 = arith.constant 0 : i32
      %dma_wait3A_131 = tpu.memref_slice %dma_wait3A_129[%mul3A_50, %dma_wait3A_130] : memref<10112x64xf32, #tpu.memory_space<hbm>> -> memref<632x64xf32, #tpu.memory_space<hbm>>
      %dma_wait3A_132 = arith.constant 0 : i32
      %dma_wait3A_133 = tpu.memref_slice %arg17[%mul3A_48, %dma_wait3A_132] : memref<10112x64xf32, #tpu.memory_space<vmem_shared>> -> memref<632x64xf32, #tpu.memory_space<vmem_shared>>
      tpu.wait_dma2 semaphore(%run_scoped3A_107 : memref<!tpu.dma_semaphore, #tpu.memory_space<semaphore_mem>>) src(%dma_wait3A_133 : memref<632x64xf32, #tpu.memory_space<vmem_shared>>) dst(%dma_wait3A_131 : memref<632x64xf32, #tpu.memory_space<hbm>>)
      tpu.yield
    }) : () -> ()
    %barrier3A_51 = arith.constant 0 : index
    tpu.barrier barrier_id(%barrier3A_51)
    %mul3A_52 = arith.constant 625 : i32
    %mul3A_53 = arith.muli %arg1, %mul3A_52 : i32
    %mul3A_54 = arith.constant 625 : i32
    %mul3A_55 = arith.muli %arg1, %mul3A_54 : i32
    "tpu.region"() ({
      %run_scoped3A_107 = tpu.sem_alloc : memref<!tpu.dma_semaphore, #tpu.memory_space<semaphore_mem>>
      %dma_start3A_108 = arith.constant 0 : i32
      %dma_start3A_109 = tpu.memref_slice %arg16[%mul3A_55, %dma_start3A_108] : memref<10000x64xf32, #tpu.memory_space<vmem_shared>> -> memref<625x64xf32, #tpu.memory_space<vmem_shared>>
      %dma_start3A_110 = arith.constant 0 : i32
      %dma_start3A_111 = tpu.memref_slice %arg6[%mul3A_53, %dma_start3A_110] : memref<10000x64xf32, #tpu.memory_space<hbm>> -> memref<625x64xf32, #tpu.memory_space<hbm>>
      tpu.enqueue_dma source(%dma_start3A_111 : memref<625x64xf32, #tpu.memory_space<hbm>>) target(%dma_start3A_109 : memref<625x64xf32, #tpu.memory_space<vmem_shared>>) target_semaphore(%run_scoped3A_107 : memref<!tpu.dma_semaphore, #tpu.memory_space<semaphore_mem>>)
      %dma_wait3A_112 = arith.constant 0 : i32
      %dma_wait3A_113 = tpu.memref_slice %arg16[%mul3A_55, %dma_wait3A_112] : memref<10000x64xf32, #tpu.memory_space<vmem_shared>> -> memref<625x64xf32, #tpu.memory_space<vmem_shared>>
      %dma_wait3A_114 = arith.constant 0 : i32
      %dma_wait3A_115 = tpu.memref_slice %arg6[%mul3A_53, %dma_wait3A_114] : memref<10000x64xf32, #tpu.memory_space<hbm>> -> memref<625x64xf32, #tpu.memory_space<hbm>>
      tpu.wait_dma2 semaphore(%run_scoped3A_107 : memref<!tpu.dma_semaphore, #tpu.memory_space<semaphore_mem>>) src(%dma_wait3A_115 : memref<625x64xf32, #tpu.memory_space<hbm>>) dst(%dma_wait3A_113 : memref<625x64xf32, #tpu.memory_space<vmem_shared>>)
      tpu.yield
    }) : () -> ()
    %mul3A_56 = arith.constant 632 : i32
    %mul3A_57 = arith.muli %arg1, %mul3A_56 : i32
    %mul3A_58 = arith.constant 632 : i32
    %mul3A_59 = arith.muli %arg1, %mul3A_58 : i32
    "tpu.region"() ({
      %run_scoped3A_107 = tpu.sem_alloc : memref<!tpu.dma_semaphore, #tpu.memory_space<semaphore_mem>>
      %dma_start3A_108 = arith.constant 0 : i32
      %dma_start3A_109 = tpu.memref_slice %arg17[%mul3A_59, %dma_start3A_108] : memref<10112x64xf32, #tpu.memory_space<vmem_shared>> -> memref<632x64xf32, #tpu.memory_space<vmem_shared>>
      %dma_start3A_110 = arith.constant 0 : i32
      %dma_start3A_111 = tpu.memref_slice %arg4[%mul3A_57, %dma_start3A_110] : memref<10112x64xf32, #tpu.memory_space<hbm>> -> memref<632x64xf32, #tpu.memory_space<hbm>>
      tpu.enqueue_dma source(%dma_start3A_111 : memref<632x64xf32, #tpu.memory_space<hbm>>) target(%dma_start3A_109 : memref<632x64xf32, #tpu.memory_space<vmem_shared>>) target_semaphore(%run_scoped3A_107 : memref<!tpu.dma_semaphore, #tpu.memory_space<semaphore_mem>>)
      %dma_wait3A_112 = arith.constant 0 : i32
      %dma_wait3A_113 = tpu.memref_slice %arg17[%mul3A_59, %dma_wait3A_112] : memref<10112x64xf32, #tpu.memory_space<vmem_shared>> -> memref<632x64xf32, #tpu.memory_space<vmem_shared>>
      %dma_wait3A_114 = arith.constant 0 : i32
      %dma_wait3A_115 = tpu.memref_slice %arg4[%mul3A_57, %dma_wait3A_114] : memref<10112x64xf32, #tpu.memory_space<hbm>> -> memref<632x64xf32, #tpu.memory_space<hbm>>
      tpu.wait_dma2 semaphore(%run_scoped3A_107 : memref<!tpu.dma_semaphore, #tpu.memory_space<semaphore_mem>>) src(%dma_wait3A_115 : memref<632x64xf32, #tpu.memory_space<hbm>>) dst(%dma_wait3A_113 : memref<632x64xf32, #tpu.memory_space<vmem_shared>>)
      tpu.yield
    }) : () -> ()
    "tpu.region"() ({
      %run_scoped3A_107 = tpu.sem_alloc : memref<!tpu.dma_semaphore, #tpu.memory_space<semaphore_mem>>
      %dma_start3A_108 = tpu.memref_slice %arg2[%mul3A_4] : memref<323584xi32, #tpu.memory_space<hbm>> -> memref<128xi32, #tpu.memory_space<hbm>>
      %dma_start3A_109 = tpu.memref_slice %arg2[%mul3A_4] : memref<323584xi32, #tpu.memory_space<hbm>> -> memref<128xi32, #tpu.memory_space<hbm>>
      tpu.enqueue_dma source(%dma_start3A_109 : memref<128xi32, #tpu.memory_space<hbm>>) target(%arg8 : memref<128xi32, #tpu.memory_space<vmem>>) target_semaphore(%run_scoped3A_107 : memref<!tpu.dma_semaphore, #tpu.memory_space<semaphore_mem>>)
      %dma_wait3A_110 = tpu.memref_slice %arg2[%mul3A_4] : memref<323584xi32, #tpu.memory_space<hbm>> -> memref<128xi32, #tpu.memory_space<hbm>>
      %dma_wait3A_111 = tpu.memref_slice %arg2[%mul3A_4] : memref<323584xi32, #tpu.memory_space<hbm>> -> memref<128xi32, #tpu.memory_space<hbm>>
      tpu.wait_dma2 semaphore(%run_scoped3A_107 : memref<!tpu.dma_semaphore, #tpu.memory_space<semaphore_mem>>) src(%dma_wait3A_111 : memref<128xi32, #tpu.memory_space<hbm>>) dst(%arg8 : memref<128xi32, #tpu.memory_space<vmem>>)
      tpu.yield
    }) : () -> ()
    "tpu.region"() ({
      %run_scoped3A_107 = tpu.sem_alloc : memref<!tpu.dma_semaphore, #tpu.memory_space<semaphore_mem>>
      %dma_start3A_108 = tpu.memref_slice %arg3[%mul3A_4] : memref<323584xi32, #tpu.memory_space<hbm>> -> memref<128xi32, #tpu.memory_space<hbm>>
      %dma_start3A_109 = tpu.memref_slice %arg3[%mul3A_4] : memref<323584xi32, #tpu.memory_space<hbm>> -> memref<128xi32, #tpu.memory_space<hbm>>
      tpu.enqueue_dma source(%dma_start3A_109 : memref<128xi32, #tpu.memory_space<hbm>>) target(%arg9 : memref<128xi32, #tpu.memory_space<vmem>>) target_semaphore(%run_scoped3A_107 : memref<!tpu.dma_semaphore, #tpu.memory_space<semaphore_mem>>)
      %dma_wait3A_110 = tpu.memref_slice %arg3[%mul3A_4] : memref<323584xi32, #tpu.memory_space<hbm>> -> memref<128xi32, #tpu.memory_space<hbm>>
      %dma_wait3A_111 = tpu.memref_slice %arg3[%mul3A_4] : memref<323584xi32, #tpu.memory_space<hbm>> -> memref<128xi32, #tpu.memory_space<hbm>>
      tpu.wait_dma2 semaphore(%run_scoped3A_107 : memref<!tpu.dma_semaphore, #tpu.memory_space<semaphore_mem>>) src(%dma_wait3A_111 : memref<128xi32, #tpu.memory_space<hbm>>) dst(%arg9 : memref<128xi32, #tpu.memory_space<vmem>>)
      tpu.yield
    }) : () -> ()
    %barrier3A_60 = arith.constant 0 : index
    tpu.barrier barrier_id(%barrier3A_60)
    %dma_start3A_61 = arith.constant 0 : i32
    %dma_start3A_62 = arith.constant 0 : i32
    %dma_start3A_63 = tpu.memref_slice %arg16[%dma_start3A_61, %dma_start3A_62] : memref<10000x64xf32, #tpu.memory_space<vmem_shared>> -> memref<10000x64xf32, #tpu.memory_space<vmem_shared>>
    tpu.enqueue_indirect_dma source(%dma_start3A_63 : memref<10000x64xf32, #tpu.memory_space<vmem_shared>>) target(%arg12 : memref<128x64xf32, #tpu.memory_space<vmem>>) offsets(%arg8 : memref<128xi32, #tpu.memory_space<vmem>>) semaphore(%arg14 : memref<!tpu.dma_semaphore, #tpu.memory_space<semaphore_mem>>)
    %jit3A_64 = arith.constant 2 : i32
    %div3A_65 = arith.divsi %select_n3A, %jit3A_64 : i32
    %sign3A_66 = arith.constant 0 : i32
    %sign3A_67 = arith.cmpi sgt, %select_n3A, %sign3A_66 : i32
    %sign3A_68 = arith.extui %sign3A_67 : i1 to i32
    %sign3A_69 = arith.constant 0 : i32
    %sign3A_70 = arith.cmpi slt, %select_n3A, %sign3A_69 : i32
    %sign3A_71 = arith.extui %sign3A_70 : i1 to i32
    %sign3A_72 = arith.subi %sign3A_68, %sign3A_71 : i32
    %sign3A_73 = arith.constant 0 : i32
    %sign3A_74 = arith.cmpi sgt, %jit3A_64, %sign3A_73 : i32
    %sign3A_75 = arith.extui %sign3A_74 : i1 to i32
    %sign3A_76 = arith.constant 0 : i32
    %sign3A_77 = arith.cmpi slt, %jit3A_64, %sign3A_76 : i32
    %sign3A_78 = arith.extui %sign3A_77 : i1 to i32
    %sign3A_79 = arith.subi %sign3A_75, %sign3A_78 : i32
    %ne3A_80 = arith.cmpi ne, %sign3A_72, %sign3A_79 : i32
    %rem3A_81 = arith.remsi %select_n3A, %jit3A_64 : i32
    %ne3A_82 = arith.constant 0 : i32
    %ne3A_83 = arith.cmpi ne, %rem3A_81, %ne3A_82 : i32
    %and3A_84 = arith.andi %ne3A_80, %ne3A_83 : i1
    %sub3A_85 = arith.constant 1 : i32
    %sub3A_86 = arith.subi %div3A_65, %sub3A_85 : i32
    %select_n3A_87 = arith.select %and3A_84, %sub3A_86, %div3A_65 : i32
    %while3A_88 = arith.constant 0 : i32
    %while3A_89 = arith.constant 0 : i32
    %while3A_90 = arith.subi %select_n3A_87, %while3A_89 : i32
    %while3A_91 = arith.addi %while3A_89, %while3A_90 : i32
    %while3A_92 = arith.constant 1 : i32
    %while3A_93 = arith.divsi %while3A_90, %while3A_92 : i32
    %while3A_94 = arith.muli %while3A_93, %while3A_92 : i32
    %while3A_95 = arith.addi %while3A_89, %while3A_94 : i32
    %while3A_96 = arith.constant 1 : i32
    scf.for %while3A_107 = %while3A_89 to %while3A_95 step %while3A_96  : i32 {
      %mul3A_108 = arith.constant 2 : i32
      %mul3A_109 = arith.muli %mul3A_108, %while3A_107 : i32
      %add3A_110 = arith.constant 1 : i32
      %add3A_111 = arith.addi %mul3A_109, %add3A_110 : i32
      %mul3A_112 = arith.constant 128 : i32
      %mul3A_113 = arith.muli %add3A_111, %mul3A_112 : i32
      %add3A_114 = arith.addi %mul3A_4, %mul3A_113 : i32
      %multiple_of3A = tpu.assume_multiple %add3A_114, 128 : i32
      "tpu.region"() ({
        %run_scoped3A_134 = tpu.sem_alloc : memref<!tpu.dma_semaphore, #tpu.memory_space<semaphore_mem>>
        %dma_start3A_135 = tpu.memref_slice %arg2[%multiple_of3A] : memref<323584xi32, #tpu.memory_space<hbm>> -> memref<128xi32, #tpu.memory_space<hbm>>
        %dma_start3A_136 = tpu.memref_slice %arg2[%multiple_of3A] : memref<323584xi32, #tpu.memory_space<hbm>> -> memref<128xi32, #tpu.memory_space<hbm>>
        tpu.enqueue_dma source(%dma_start3A_136 : memref<128xi32, #tpu.memory_space<hbm>>) target(%arg10 : memref<128xi32, #tpu.memory_space<vmem>>) target_semaphore(%run_scoped3A_134 : memref<!tpu.dma_semaphore, #tpu.memory_space<semaphore_mem>>)
        %dma_wait3A_137 = tpu.memref_slice %arg2[%multiple_of3A] : memref<323584xi32, #tpu.memory_space<hbm>> -> memref<128xi32, #tpu.memory_space<hbm>>
        %dma_wait3A_138 = tpu.memref_slice %arg2[%multiple_of3A] : memref<323584xi32, #tpu.memory_space<hbm>> -> memref<128xi32, #tpu.memory_space<hbm>>
        tpu.wait_dma2 semaphore(%run_scoped3A_134 : memref<!tpu.dma_semaphore, #tpu.memory_space<semaphore_mem>>) src(%dma_wait3A_138 : memref<128xi32, #tpu.memory_space<hbm>>) dst(%arg10 : memref<128xi32, #tpu.memory_space<vmem>>)
        tpu.yield
      }) : () -> ()
      "tpu.region"() ({
        %run_scoped3A_134 = tpu.sem_alloc : memref<!tpu.dma_semaphore, #tpu.memory_space<semaphore_mem>>
        %dma_start3A_135 = tpu.memref_slice %arg3[%multiple_of3A] : memref<323584xi32, #tpu.memory_space<hbm>> -> memref<128xi32, #tpu.memory_space<hbm>>
        %dma_start3A_136 = tpu.memref_slice %arg3[%multiple_of3A] : memref<323584xi32, #tpu.memory_space<hbm>> -> memref<128xi32, #tpu.memory_space<hbm>>
        tpu.enqueue_dma source(%dma_start3A_136 : memref<128xi32, #tpu.memory_space<hbm>>) target(%arg11 : memref<128xi32, #tpu.memory_space<vmem>>) target_semaphore(%run_scoped3A_134 : memref<!tpu.dma_semaphore, #tpu.memory_space<semaphore_mem>>)
        %dma_wait3A_137 = tpu.memref_slice %arg3[%multiple_of3A] : memref<323584xi32, #tpu.memory_space<hbm>> -> memref<128xi32, #tpu.memory_space<hbm>>
        %dma_wait3A_138 = tpu.memref_slice %arg3[%multiple_of3A] : memref<323584xi32, #tpu.memory_space<hbm>> -> memref<128xi32, #tpu.memory_space<hbm>>
        tpu.wait_dma2 semaphore(%run_scoped3A_134 : memref<!tpu.dma_semaphore, #tpu.memory_space<semaphore_mem>>) src(%dma_wait3A_138 : memref<128xi32, #tpu.memory_space<hbm>>) dst(%arg11 : memref<128xi32, #tpu.memory_space<vmem>>)
        tpu.yield
      }) : () -> ()
      %dma_start3A_115 = arith.constant 0 : i32
      %dma_start3A_116 = arith.constant 0 : i32
      %dma_start3A_117 = tpu.memref_slice %arg16[%dma_start3A_115, %dma_start3A_116] : memref<10000x64xf32, #tpu.memory_space<vmem_shared>> -> memref<10000x64xf32, #tpu.memory_space<vmem_shared>>
      tpu.enqueue_indirect_dma source(%dma_start3A_117 : memref<10000x64xf32, #tpu.memory_space<vmem_shared>>) target(%arg13 : memref<128x64xf32, #tpu.memory_space<vmem>>) offsets(%arg10 : memref<128xi32, #tpu.memory_space<vmem>>) semaphore(%arg15 : memref<!tpu.dma_semaphore, #tpu.memory_space<semaphore_mem>>)
      %dma_wait3A_118 = arith.constant 0 : i32
      %dma_wait3A_119 = arith.constant 0 : i32
      %dma_wait3A_120 = tpu.memref_slice %arg16[%dma_wait3A_118, %dma_wait3A_119] : memref<10000x64xf32, #tpu.memory_space<vmem_shared>> -> memref<10000x64xf32, #tpu.memory_space<vmem_shared>>
      tpu.wait_indirect_dma semaphore(%arg14 : memref<!tpu.dma_semaphore, #tpu.memory_space<semaphore_mem>>) src(%dma_wait3A_120 : memref<10000x64xf32, #tpu.memory_space<vmem_shared>>) dst(%arg12 : memref<128x64xf32, #tpu.memory_space<vmem>>)
      "tpu.region"() ({
        %run_scoped3A_134 = tpu.sem_alloc : memref<!tpu.dma_semaphore, #tpu.memory_space<semaphore_mem>>
        %dma_start3A_135 = arith.constant 0 : i32
        %dma_start3A_136 = arith.constant 0 : i32
        %dma_start3A_137 = tpu.memref_slice %arg17[%dma_start3A_135, %dma_start3A_136] : memref<10112x64xf32, #tpu.memory_space<vmem_shared>> -> memref<10112x64xf32, #tpu.memory_space<vmem_shared>>
        tpu.enqueue_indirect_dma source(%arg12 : memref<128x64xf32, #tpu.memory_space<vmem>>) target(%dma_start3A_137 : memref<10112x64xf32, #tpu.memory_space<vmem_shared>>) offsets(%arg9 : memref<128xi32, #tpu.memory_space<vmem>>) semaphore(%run_scoped3A_134 : memref<!tpu.dma_semaphore, #tpu.memory_space<semaphore_mem>>) {add = true}
        %dma_wait3A_138 = arith.constant 0 : i32
        %dma_wait3A_139 = arith.constant 0 : i32
        %dma_wait3A_140 = tpu.memref_slice %arg17[%dma_wait3A_138, %dma_wait3A_139] : memref<10112x64xf32, #tpu.memory_space<vmem_shared>> -> memref<10112x64xf32, #tpu.memory_space<vmem_shared>>
        tpu.wait_indirect_dma semaphore(%run_scoped3A_134 : memref<!tpu.dma_semaphore, #tpu.memory_space<semaphore_mem>>) src(%arg12 : memref<128x64xf32, #tpu.memory_space<vmem>>) dst(%dma_wait3A_140 : memref<10112x64xf32, #tpu.memory_space<vmem_shared>>)
        tpu.yield
      }) : () -> ()
      %add3A_121 = arith.constant 2 : i32
      %add3A_122 = arith.addi %mul3A_109, %add3A_121 : i32
      %rem3A_123 = arith.remsi %add3A_122, %select_n3A : i32
      %mul3A_124 = arith.constant 128 : i32
      %mul3A_125 = arith.muli %rem3A_123, %mul3A_124 : i32
      %add3A_126 = arith.addi %mul3A_4, %mul3A_125 : i32
      %multiple_of3A_127 = tpu.assume_multiple %add3A_126, 128 : i32
      "tpu.region"() ({
        %run_scoped3A_134 = tpu.sem_alloc : memref<!tpu.dma_semaphore, #tpu.memory_space<semaphore_mem>>
        %dma_start3A_135 = tpu.memref_slice %arg2[%multiple_of3A_127] : memref<323584xi32, #tpu.memory_space<hbm>> -> memref<128xi32, #tpu.memory_space<hbm>>
        %dma_start3A_136 = tpu.memref_slice %arg2[%multiple_of3A_127] : memref<323584xi32, #tpu.memory_space<hbm>> -> memref<128xi32, #tpu.memory_space<hbm>>
        tpu.enqueue_dma source(%dma_start3A_136 : memref<128xi32, #tpu.memory_space<hbm>>) target(%arg8 : memref<128xi32, #tpu.memory_space<vmem>>) target_semaphore(%run_scoped3A_134 : memref<!tpu.dma_semaphore, #tpu.memory_space<semaphore_mem>>)
        %dma_wait3A_137 = tpu.memref_slice %arg2[%multiple_of3A_127] : memref<323584xi32, #tpu.memory_space<hbm>> -> memref<128xi32, #tpu.memory_space<hbm>>
        %dma_wait3A_138 = tpu.memref_slice %arg2[%multiple_of3A_127] : memref<323584xi32, #tpu.memory_space<hbm>> -> memref<128xi32, #tpu.memory_space<hbm>>
        tpu.wait_dma2 semaphore(%run_scoped3A_134 : memref<!tpu.dma_semaphore, #tpu.memory_space<semaphore_mem>>) src(%dma_wait3A_138 : memref<128xi32, #tpu.memory_space<hbm>>) dst(%arg8 : memref<128xi32, #tpu.memory_space<vmem>>)
        tpu.yield
      }) : () -> ()
      "tpu.region"() ({
        %run_scoped3A_134 = tpu.sem_alloc : memref<!tpu.dma_semaphore, #tpu.memory_space<semaphore_mem>>
        %dma_start3A_135 = tpu.memref_slice %arg3[%multiple_of3A_127] : memref<323584xi32, #tpu.memory_space<hbm>> -> memref<128xi32, #tpu.memory_space<hbm>>
        %dma_start3A_136 = tpu.memref_slice %arg3[%multiple_of3A_127] : memref<323584xi32, #tpu.memory_space<hbm>> -> memref<128xi32, #tpu.memory_space<hbm>>
        tpu.enqueue_dma source(%dma_start3A_136 : memref<128xi32, #tpu.memory_space<hbm>>) target(%arg9 : memref<128xi32, #tpu.memory_space<vmem>>) target_semaphore(%run_scoped3A_134 : memref<!tpu.dma_semaphore, #tpu.memory_space<semaphore_mem>>)
        %dma_wait3A_137 = tpu.memref_slice %arg3[%multiple_of3A_127] : memref<323584xi32, #tpu.memory_space<hbm>> -> memref<128xi32, #tpu.memory_space<hbm>>
        %dma_wait3A_138 = tpu.memref_slice %arg3[%multiple_of3A_127] : memref<323584xi32, #tpu.memory_space<hbm>> -> memref<128xi32, #tpu.memory_space<hbm>>
        tpu.wait_dma2 semaphore(%run_scoped3A_134 : memref<!tpu.dma_semaphore, #tpu.memory_space<semaphore_mem>>) src(%dma_wait3A_138 : memref<128xi32, #tpu.memory_space<hbm>>) dst(%arg9 : memref<128xi32, #tpu.memory_space<vmem>>)
        tpu.yield
      }) : () -> ()
      %dma_start3A_128 = arith.constant 0 : i32
      %dma_start3A_129 = arith.constant 0 : i32
      %dma_start3A_130 = tpu.memref_slice %arg16[%dma_start3A_128, %dma_start3A_129] : memref<10000x64xf32, #tpu.memory_space<vmem_shared>> -> memref<10000x64xf32, #tpu.memory_space<vmem_shared>>
      tpu.enqueue_indirect_dma source(%dma_start3A_130 : memref<10000x64xf32, #tpu.memory_space<vmem_shared>>) target(%arg12 : memref<128x64xf32, #tpu.memory_space<vmem>>) offsets(%arg8 : memref<128xi32, #tpu.memory_space<vmem>>) semaphore(%arg14 : memref<!tpu.dma_semaphore, #tpu.memory_space<semaphore_mem>>)
      %dma_wait3A_131 = arith.constant 0 : i32
      %dma_wait3A_132 = arith.constant 0 : i32
      %dma_wait3A_133 = tpu.memref_slice %arg16[%dma_wait3A_131, %dma_wait3A_132] : memref<10000x64xf32, #tpu.memory_space<vmem_shared>> -> memref<10000x64xf32, #tpu.memory_space<vmem_shared>>
      tpu.wait_indirect_dma semaphore(%arg15 : memref<!tpu.dma_semaphore, #tpu.memory_space<semaphore_mem>>) src(%dma_wait3A_133 : memref<10000x64xf32, #tpu.memory_space<vmem_shared>>) dst(%arg13 : memref<128x64xf32, #tpu.memory_space<vmem>>)
      "tpu.region"() ({
        %run_scoped3A_134 = tpu.sem_alloc : memref<!tpu.dma_semaphore, #tpu.memory_space<semaphore_mem>>
        %dma_start3A_135 = arith.constant 0 : i32
        %dma_start3A_136 = arith.constant 0 : i32
        %dma_start3A_137 = tpu.memref_slice %arg17[%dma_start3A_135, %dma_start3A_136] : memref<10112x64xf32, #tpu.memory_space<vmem_shared>> -> memref<10112x64xf32, #tpu.memory_space<vmem_shared>>
        tpu.enqueue_indirect_dma source(%arg13 : memref<128x64xf32, #tpu.memory_space<vmem>>) target(%dma_start3A_137 : memref<10112x64xf32, #tpu.memory_space<vmem_shared>>) offsets(%arg11 : memref<128xi32, #tpu.memory_space<vmem>>) semaphore(%run_scoped3A_134 : memref<!tpu.dma_semaphore, #tpu.memory_space<semaphore_mem>>) {add = true}
        %dma_wait3A_138 = arith.constant 0 : i32
        %dma_wait3A_139 = arith.constant 0 : i32
        %dma_wait3A_140 = tpu.memref_slice %arg17[%dma_wait3A_138, %dma_wait3A_139] : memref<10112x64xf32, #tpu.memory_space<vmem_shared>> -> memref<10112x64xf32, #tpu.memory_space<vmem_shared>>
        tpu.wait_indirect_dma semaphore(%run_scoped3A_134 : memref<!tpu.dma_semaphore, #tpu.memory_space<semaphore_mem>>) src(%arg13 : memref<128x64xf32, #tpu.memory_space<vmem>>) dst(%dma_wait3A_140 : memref<10112x64xf32, #tpu.memory_space<vmem_shared>>)
        tpu.yield
      }) : () -> ()
    }
    %while3A_97 = arith.constant 1 : i32
    scf.for %while3A_107 = %while3A_95 to %while3A_91 step %while3A_97  : i32 {
      %mul3A_108 = arith.constant 2 : i32
      %mul3A_109 = arith.muli %mul3A_108, %while3A_107 : i32
      %add3A_110 = arith.constant 1 : i32
      %add3A_111 = arith.addi %mul3A_109, %add3A_110 : i32
      %mul3A_112 = arith.constant 128 : i32
      %mul3A_113 = arith.muli %add3A_111, %mul3A_112 : i32
      %add3A_114 = arith.addi %mul3A_4, %mul3A_113 : i32
      %multiple_of3A = tpu.assume_multiple %add3A_114, 128 : i32
      "tpu.region"() ({
        %run_scoped3A_134 = tpu.sem_alloc : memref<!tpu.dma_semaphore, #tpu.memory_space<semaphore_mem>>
        %dma_start3A_135 = tpu.memref_slice %arg2[%multiple_of3A] : memref<323584xi32, #tpu.memory_space<hbm>> -> memref<128xi32, #tpu.memory_space<hbm>>
        %dma_start3A_136 = tpu.memref_slice %arg2[%multiple_of3A] : memref<323584xi32, #tpu.memory_space<hbm>> -> memref<128xi32, #tpu.memory_space<hbm>>
        tpu.enqueue_dma source(%dma_start3A_136 : memref<128xi32, #tpu.memory_space<hbm>>) target(%arg10 : memref<128xi32, #tpu.memory_space<vmem>>) target_semaphore(%run_scoped3A_134 : memref<!tpu.dma_semaphore, #tpu.memory_space<semaphore_mem>>)
        %dma_wait3A_137 = tpu.memref_slice %arg2[%multiple_of3A] : memref<323584xi32, #tpu.memory_space<hbm>> -> memref<128xi32, #tpu.memory_space<hbm>>
        %dma_wait3A_138 = tpu.memref_slice %arg2[%multiple_of3A] : memref<323584xi32, #tpu.memory_space<hbm>> -> memref<128xi32, #tpu.memory_space<hbm>>
        tpu.wait_dma2 semaphore(%run_scoped3A_134 : memref<!tpu.dma_semaphore, #tpu.memory_space<semaphore_mem>>) src(%dma_wait3A_138 : memref<128xi32, #tpu.memory_space<hbm>>) dst(%arg10 : memref<128xi32, #tpu.memory_space<vmem>>)
        tpu.yield
      }) : () -> ()
      "tpu.region"() ({
        %run_scoped3A_134 = tpu.sem_alloc : memref<!tpu.dma_semaphore, #tpu.memory_space<semaphore_mem>>
        %dma_start3A_135 = tpu.memref_slice %arg3[%multiple_of3A] : memref<323584xi32, #tpu.memory_space<hbm>> -> memref<128xi32, #tpu.memory_space<hbm>>
        %dma_start3A_136 = tpu.memref_slice %arg3[%multiple_of3A] : memref<323584xi32, #tpu.memory_space<hbm>> -> memref<128xi32, #tpu.memory_space<hbm>>
        tpu.enqueue_dma source(%dma_start3A_136 : memref<128xi32, #tpu.memory_space<hbm>>) target(%arg11 : memref<128xi32, #tpu.memory_space<vmem>>) target_semaphore(%run_scoped3A_134 : memref<!tpu.dma_semaphore, #tpu.memory_space<semaphore_mem>>)
        %dma_wait3A_137 = tpu.memref_slice %arg3[%multiple_of3A] : memref<323584xi32, #tpu.memory_space<hbm>> -> memref<128xi32, #tpu.memory_space<hbm>>
        %dma_wait3A_138 = tpu.memref_slice %arg3[%multiple_of3A] : memref<323584xi32, #tpu.memory_space<hbm>> -> memref<128xi32, #tpu.memory_space<hbm>>
        tpu.wait_dma2 semaphore(%run_scoped3A_134 : memref<!tpu.dma_semaphore, #tpu.memory_space<semaphore_mem>>) src(%dma_wait3A_138 : memref<128xi32, #tpu.memory_space<hbm>>) dst(%arg11 : memref<128xi32, #tpu.memory_space<vmem>>)
        tpu.yield
      }) : () -> ()
      %dma_start3A_115 = arith.constant 0 : i32
      %dma_start3A_116 = arith.constant 0 : i32
      %dma_start3A_117 = tpu.memref_slice %arg16[%dma_start3A_115, %dma_start3A_116] : memref<10000x64xf32, #tpu.memory_space<vmem_shared>> -> memref<10000x64xf32, #tpu.memory_space<vmem_shared>>
      tpu.enqueue_indirect_dma source(%dma_start3A_117 : memref<10000x64xf32, #tpu.memory_space<vmem_shared>>) target(%arg13 : memref<128x64xf32, #tpu.memory_space<vmem>>) offsets(%arg10 : memref<128xi32, #tpu.memory_space<vmem>>) semaphore(%arg15 : memref<!tpu.dma_semaphore, #tpu.memory_space<semaphore_mem>>)
      %dma_wait3A_118 = arith.constant 0 : i32
      %dma_wait3A_119 = arith.constant 0 : i32
      %dma_wait3A_120 = tpu.memref_slice %arg16[%dma_wait3A_118, %dma_wait3A_119] : memref<10000x64xf32, #tpu.memory_space<vmem_shared>> -> memref<10000x64xf32, #tpu.memory_space<vmem_shared>>
      tpu.wait_indirect_dma semaphore(%arg14 : memref<!tpu.dma_semaphore, #tpu.memory_space<semaphore_mem>>) src(%dma_wait3A_120 : memref<10000x64xf32, #tpu.memory_space<vmem_shared>>) dst(%arg12 : memref<128x64xf32, #tpu.memory_space<vmem>>)
      "tpu.region"() ({
        %run_scoped3A_134 = tpu.sem_alloc : memref<!tpu.dma_semaphore, #tpu.memory_space<semaphore_mem>>
        %dma_start3A_135 = arith.constant 0 : i32
        %dma_start3A_136 = arith.constant 0 : i32
        %dma_start3A_137 = tpu.memref_slice %arg17[%dma_start3A_135, %dma_start3A_136] : memref<10112x64xf32, #tpu.memory_space<vmem_shared>> -> memref<10112x64xf32, #tpu.memory_space<vmem_shared>>
        tpu.enqueue_indirect_dma source(%arg12 : memref<128x64xf32, #tpu.memory_space<vmem>>) target(%dma_start3A_137 : memref<10112x64xf32, #tpu.memory_space<vmem_shared>>) offsets(%arg9 : memref<128xi32, #tpu.memory_space<vmem>>) semaphore(%run_scoped3A_134 : memref<!tpu.dma_semaphore, #tpu.memory_space<semaphore_mem>>) {add = true}
        %dma_wait3A_138 = arith.constant 0 : i32
        %dma_wait3A_139 = arith.constant 0 : i32
        %dma_wait3A_140 = tpu.memref_slice %arg17[%dma_wait3A_138, %dma_wait3A_139] : memref<10112x64xf32, #tpu.memory_space<vmem_shared>> -> memref<10112x64xf32, #tpu.memory_space<vmem_shared>>
        tpu.wait_indirect_dma semaphore(%run_scoped3A_134 : memref<!tpu.dma_semaphore, #tpu.memory_space<semaphore_mem>>) src(%arg12 : memref<128x64xf32, #tpu.memory_space<vmem>>) dst(%dma_wait3A_140 : memref<10112x64xf32, #tpu.memory_space<vmem_shared>>)
        tpu.yield
      }) : () -> ()
      %add3A_121 = arith.constant 2 : i32
      %add3A_122 = arith.addi %mul3A_109, %add3A_121 : i32
      %rem3A_123 = arith.remsi %add3A_122, %select_n3A : i32
      %mul3A_124 = arith.constant 128 : i32
      %mul3A_125 = arith.muli %rem3A_123, %mul3A_124 : i32
      %add3A_126 = arith.addi %mul3A_4, %mul3A_125 : i32
      %multiple_of3A_127 = tpu.assume_multiple %add3A_126, 128 : i32
      "tpu.region"() ({
        %run_scoped3A_134 = tpu.sem_alloc : memref<!tpu.dma_semaphore, #tpu.memory_space<semaphore_mem>>
        %dma_start3A_135 = tpu.memref_slice %arg2[%multiple_of3A_127] : memref<323584xi32, #tpu.memory_space<hbm>> -> memref<128xi32, #tpu.memory_space<hbm>>
        %dma_start3A_136 = tpu.memref_slice %arg2[%multiple_of3A_127] : memref<323584xi32, #tpu.memory_space<hbm>> -> memref<128xi32, #tpu.memory_space<hbm>>
        tpu.enqueue_dma source(%dma_start3A_136 : memref<128xi32, #tpu.memory_space<hbm>>) target(%arg8 : memref<128xi32, #tpu.memory_space<vmem>>) target_semaphore(%run_scoped3A_134 : memref<!tpu.dma_semaphore, #tpu.memory_space<semaphore_mem>>)
        %dma_wait3A_137 = tpu.memref_slice %arg2[%multiple_of3A_127] : memref<323584xi32, #tpu.memory_space<hbm>> -> memref<128xi32, #tpu.memory_space<hbm>>
        %dma_wait3A_138 = tpu.memref_slice %arg2[%multiple_of3A_127] : memref<323584xi32, #tpu.memory_space<hbm>> -> memref<128xi32, #tpu.memory_space<hbm>>
        tpu.wait_dma2 semaphore(%run_scoped3A_134 : memref<!tpu.dma_semaphore, #tpu.memory_space<semaphore_mem>>) src(%dma_wait3A_138 : memref<128xi32, #tpu.memory_space<hbm>>) dst(%arg8 : memref<128xi32, #tpu.memory_space<vmem>>)
        tpu.yield
      }) : () -> ()
      "tpu.region"() ({
        %run_scoped3A_134 = tpu.sem_alloc : memref<!tpu.dma_semaphore, #tpu.memory_space<semaphore_mem>>
        %dma_start3A_135 = tpu.memref_slice %arg3[%multiple_of3A_127] : memref<323584xi32, #tpu.memory_space<hbm>> -> memref<128xi32, #tpu.memory_space<hbm>>
        %dma_start3A_136 = tpu.memref_slice %arg3[%multiple_of3A_127] : memref<323584xi32, #tpu.memory_space<hbm>> -> memref<128xi32, #tpu.memory_space<hbm>>
        tpu.enqueue_dma source(%dma_start3A_136 : memref<128xi32, #tpu.memory_space<hbm>>) target(%arg9 : memref<128xi32, #tpu.memory_space<vmem>>) target_semaphore(%run_scoped3A_134 : memref<!tpu.dma_semaphore, #tpu.memory_space<semaphore_mem>>)
        %dma_wait3A_137 = tpu.memref_slice %arg3[%multiple_of3A_127] : memref<323584xi32, #tpu.memory_space<hbm>> -> memref<128xi32, #tpu.memory_space<hbm>>
        %dma_wait3A_138 = tpu.memref_slice %arg3[%multiple_of3A_127] : memref<323584xi32, #tpu.memory_space<hbm>> -> memref<128xi32, #tpu.memory_space<hbm>>
        tpu.wait_dma2 semaphore(%run_scoped3A_134 : memref<!tpu.dma_semaphore, #tpu.memory_space<semaphore_mem>>) src(%dma_wait3A_138 : memref<128xi32, #tpu.memory_space<hbm>>) dst(%arg9 : memref<128xi32, #tpu.memory_space<vmem>>)
        tpu.yield
      }) : () -> ()
      %dma_start3A_128 = arith.constant 0 : i32
      %dma_start3A_129 = arith.constant 0 : i32
      %dma_start3A_130 = tpu.memref_slice %arg16[%dma_start3A_128, %dma_start3A_129] : memref<10000x64xf32, #tpu.memory_space<vmem_shared>> -> memref<10000x64xf32, #tpu.memory_space<vmem_shared>>
      tpu.enqueue_indirect_dma source(%dma_start3A_130 : memref<10000x64xf32, #tpu.memory_space<vmem_shared>>) target(%arg12 : memref<128x64xf32, #tpu.memory_space<vmem>>) offsets(%arg8 : memref<128xi32, #tpu.memory_space<vmem>>) semaphore(%arg14 : memref<!tpu.dma_semaphore, #tpu.memory_space<semaphore_mem>>)
      %dma_wait3A_131 = arith.constant 0 : i32
      %dma_wait3A_132 = arith.constant 0 : i32
      %dma_wait3A_133 = tpu.memref_slice %arg16[%dma_wait3A_131, %dma_wait3A_132] : memref<10000x64xf32, #tpu.memory_space<vmem_shared>> -> memref<10000x64xf32, #tpu.memory_space<vmem_shared>>
      tpu.wait_indirect_dma semaphore(%arg15 : memref<!tpu.dma_semaphore, #tpu.memory_space<semaphore_mem>>) src(%dma_wait3A_133 : memref<10000x64xf32, #tpu.memory_space<vmem_shared>>) dst(%arg13 : memref<128x64xf32, #tpu.memory_space<vmem>>)
      "tpu.region"() ({
        %run_scoped3A_134 = tpu.sem_alloc : memref<!tpu.dma_semaphore, #tpu.memory_space<semaphore_mem>>
        %dma_start3A_135 = arith.constant 0 : i32
        %dma_start3A_136 = arith.constant 0 : i32
        %dma_start3A_137 = tpu.memref_slice %arg17[%dma_start3A_135, %dma_start3A_136] : memref<10112x64xf32, #tpu.memory_space<vmem_shared>> -> memref<10112x64xf32, #tpu.memory_space<vmem_shared>>
        tpu.enqueue_indirect_dma source(%arg13 : memref<128x64xf32, #tpu.memory_space<vmem>>) target(%dma_start3A_137 : memref<10112x64xf32, #tpu.memory_space<vmem_shared>>) offsets(%arg11 : memref<128xi32, #tpu.memory_space<vmem>>) semaphore(%run_scoped3A_134 : memref<!tpu.dma_semaphore, #tpu.memory_space<semaphore_mem>>) {add = true}
        %dma_wait3A_138 = arith.constant 0 : i32
        %dma_wait3A_139 = arith.constant 0 : i32
        %dma_wait3A_140 = tpu.memref_slice %arg17[%dma_wait3A_138, %dma_wait3A_139] : memref<10112x64xf32, #tpu.memory_space<vmem_shared>> -> memref<10112x64xf32, #tpu.memory_space<vmem_shared>>
        tpu.wait_indirect_dma semaphore(%run_scoped3A_134 : memref<!tpu.dma_semaphore, #tpu.memory_space<semaphore_mem>>) src(%arg13 : memref<128x64xf32, #tpu.memory_space<vmem>>) dst(%dma_wait3A_140 : memref<10112x64xf32, #tpu.memory_space<vmem_shared>>)
        tpu.yield
      }) : () -> ()
    }
    %dma_wait3A_98 = arith.constant 0 : i32
    %dma_wait3A_99 = arith.constant 0 : i32
    %dma_wait3A_100 = tpu.memref_slice %arg16[%dma_wait3A_98, %dma_wait3A_99] : memref<10000x64xf32, #tpu.memory_space<vmem_shared>> -> memref<10000x64xf32, #tpu.memory_space<vmem_shared>>
    tpu.wait_indirect_dma semaphore(%arg14 : memref<!tpu.dma_semaphore, #tpu.memory_space<semaphore_mem>>) src(%dma_wait3A_100 : memref<10000x64xf32, #tpu.memory_space<vmem_shared>>) dst(%arg12 : memref<128x64xf32, #tpu.memory_space<vmem>>)
    %barrier3A_101 = arith.constant 0 : index
    tpu.barrier barrier_id(%barrier3A_101)
    %mul3A_102 = arith.constant 632 : i32
    %mul3A_103 = arith.muli %arg1, %mul3A_102 : i32
    %mul3A_104 = arith.constant 632 : i32
    %mul3A_105 = arith.muli %arg1, %mul3A_104 : i32
    %run_scoped3A_106 = arith.constant 1 : i32
    "tpu.region"() ({
      %run_scoped3A_107 = tpu.sem_alloc : memref<!tpu.dma_semaphore, #tpu.memory_space<semaphore_mem>>
      %dma_start3A_108 = arith.constant 0 : i32
      %dma_start3A_109 = arith.constant 0 : i32
      %dma_start3A_110 = arith.constant 0 : i32
      %dma_start3A_111 = tpu.memref_slice %arg7[%run_scoped3A_106, %dma_start3A_108, %dma_start3A_109, %dma_start3A_110] : memref<2x2x10112x64xf32, #tpu.memory_space<hbm>> -> memref<1x2x10112x64xf32, #tpu.memory_space<hbm>>
      %dma_start3A_112 = tpu.memref_squeeze %dma_start3A_111 : memref<1x2x10112x64xf32, #tpu.memory_space<hbm>> -> memref<2x10112x64xf32, #tpu.memory_space<hbm>>
      %dma_start3A_113 = arith.constant 0 : i32
      %dma_start3A_114 = arith.constant 0 : i32
      %dma_start3A_115 = tpu.memref_slice %dma_start3A_112[%arg0, %dma_start3A_113, %dma_start3A_114] : memref<2x10112x64xf32, #tpu.memory_space<hbm>> -> memref<1x10112x64xf32, #tpu.memory_space<hbm>>
      %dma_start3A_116 = tpu.memref_squeeze %dma_start3A_115 : memref<1x10112x64xf32, #tpu.memory_space<hbm>> -> memref<10112x64xf32, #tpu.memory_space<hbm>>
      %dma_start3A_117 = arith.constant 0 : i32
      %dma_start3A_118 = tpu.memref_slice %dma_start3A_116[%mul3A_105, %dma_start3A_117] : memref<10112x64xf32, #tpu.memory_space<hbm>> -> memref<632x64xf32, #tpu.memory_space<hbm>>
      %dma_start3A_119 = arith.constant 0 : i32
      %dma_start3A_120 = tpu.memref_slice %arg17[%mul3A_103, %dma_start3A_119] : memref<10112x64xf32, #tpu.memory_space<vmem_shared>> -> memref<632x64xf32, #tpu.memory_space<vmem_shared>>
      tpu.enqueue_dma source(%dma_start3A_120 : memref<632x64xf32, #tpu.memory_space<vmem_shared>>) target(%dma_start3A_118 : memref<632x64xf32, #tpu.memory_space<hbm>>) target_semaphore(%run_scoped3A_107 : memref<!tpu.dma_semaphore, #tpu.memory_space<semaphore_mem>>)
      %dma_wait3A_121 = arith.constant 0 : i32
      %dma_wait3A_122 = arith.constant 0 : i32
      %dma_wait3A_123 = arith.constant 0 : i32
      %dma_wait3A_124 = tpu.memref_slice %arg7[%run_scoped3A_106, %dma_wait3A_121, %dma_wait3A_122, %dma_wait3A_123] : memref<2x2x10112x64xf32, #tpu.memory_space<hbm>> -> memref<1x2x10112x64xf32, #tpu.memory_space<hbm>>
      %dma_wait3A_125 = tpu.memref_squeeze %dma_wait3A_124 : memref<1x2x10112x64xf32, #tpu.memory_space<hbm>> -> memref<2x10112x64xf32, #tpu.memory_space<hbm>>
      %dma_wait3A_126 = arith.constant 0 : i32
      %dma_wait3A_127 = arith.constant 0 : i32
      %dma_wait3A_128 = tpu.memref_slice %dma_wait3A_125[%arg0, %dma_wait3A_126, %dma_wait3A_127] : memref<2x10112x64xf32, #tpu.memory_space<hbm>> -> memref<1x10112x64xf32, #tpu.memory_space<hbm>>
      %dma_wait3A_129 = tpu.memref_squeeze %dma_wait3A_128 : memref<1x10112x64xf32, #tpu.memory_space<hbm>> -> memref<10112x64xf32, #tpu.memory_space<hbm>>
      %dma_wait3A_130 = arith.constant 0 : i32
      %dma_wait3A_131 = tpu.memref_slice %dma_wait3A_129[%mul3A_105, %dma_wait3A_130] : memref<10112x64xf32, #tpu.memory_space<hbm>> -> memref<632x64xf32, #tpu.memory_space<hbm>>
      %dma_wait3A_132 = arith.constant 0 : i32
      %dma_wait3A_133 = tpu.memref_slice %arg17[%mul3A_103, %dma_wait3A_132] : memref<10112x64xf32, #tpu.memory_space<vmem_shared>> -> memref<632x64xf32, #tpu.memory_space<vmem_shared>>
      tpu.wait_dma2 semaphore(%run_scoped3A_107 : memref<!tpu.dma_semaphore, #tpu.memory_space<semaphore_mem>>) src(%dma_wait3A_133 : memref<632x64xf32, #tpu.memory_space<vmem_shared>>) dst(%dma_wait3A_131 : memref<632x64xf32, #tpu.memory_space<hbm>>)
      tpu.yield
    }) : () -> ()
    return
  }
}

module attributes {stable_mosaic.version = 14 : i64} {
  func.func @_tc_pre_body(%arg0: i32, %arg1: memref<1000x128xf32, #tpu.memory_space<vmem>>, %arg2: memref<128x128xf32, #tpu.memory_space<vmem>>, %arg3: memref<128x128xf32, #tpu.memory_space<vmem>>, %arg4: memref<1x128xf32, #tpu.memory_space<vmem>>, %arg5: memref<2x1000x128xf32, #tpu.memory_space<vmem>>, %arg6: memref<1000x128xf32, #tpu.memory_space<vmem>>, %arg7: memref<1000x64xf32, #tpu.memory_space<vmem>>, %arg8: memref<1000x64xf32, #tpu.memory_space<vmem>>, %arg9: memref<1000x1xf32, #tpu.memory_space<vmem>>) attributes {dimension_semantics = [#tpu.dimension_semantics<arbitrary>], iteration_bounds = array<i64: 10>, scalar_prefetch = 0 : i64, scratch_operands = 0 : i64, tpu.core_type = #tpu.core_type<tc>, window_params = [{transform_indices = @transform_0, window_bounds = array<i64: 1000, 128>}, {pipeline_mode = #tpu.pipeline_mode<synchronous>, transform_indices = @transform_1, window_bounds = array<i64: 128, 128>}, {pipeline_mode = #tpu.pipeline_mode<synchronous>, transform_indices = @transform_2, window_bounds = array<i64: 128, 128>}, {pipeline_mode = #tpu.pipeline_mode<synchronous>, transform_indices = @transform_3, window_bounds = array<i64: 1, 128>}, {transform_indices = @transform_4, window_bounds = array<i64: 2, 1000, 128>}, {transform_indices = @transform_5, window_bounds = array<i64: 1000, 128>}, {transform_indices = @transform_6, window_bounds = array<i64: 1000, 64>}, {transform_indices = @transform_7, window_bounds = array<i64: 1000, 64>}, {transform_indices = @transform_8, window_bounds = array<i64: 1000, 1>}]} {
    %get3A = arith.constant 0 : index
    %get3A_0 = arith.constant 0 : index
    %get3A_1 = arith.constant 0 : index
    %get3A_2 = vector.load %arg5[%get3A, %get3A_0, %get3A_1] : memref<2x1000x128xf32, #tpu.memory_space<vmem>>, vector<1x1000x128xf32>
    %get3A_3 = vector.shape_cast %get3A_2 : vector<1x1000x128xf32> to vector<1000x128xf32>
    %get3A_4 = arith.constant 1 : index
    %get3A_5 = arith.constant 0 : index
    %get3A_6 = arith.constant 0 : index
    %get3A_7 = vector.load %arg5[%get3A_4, %get3A_5, %get3A_6] : memref<2x1000x128xf32, #tpu.memory_space<vmem>>, vector<1x1000x128xf32>
    %get3A_8 = vector.shape_cast %get3A_7 : vector<1x1000x128xf32> to vector<1000x128xf32>
    %add3A = arith.addf %get3A_3, %get3A_8 : vector<1000x128xf32>
    %slice3A = vector.extract_strided_slice %add3A {offsets = [0, 0], sizes = [1000, 1], strides = [1, 1]} : vector<1000x128xf32> to vector<1000x1xf32>
    %gt3A = arith.constant 0.000000e+00 : f32
    %gt3A_9 = vector.broadcast %gt3A : f32 to vector<1000x1xf32>
    %gt3A_10 = arith.cmpf ogt, %slice3A, %gt3A_9 : vector<1000x1xf32>
    %max3A = arith.constant 1.000000e+00 : f32
    %max3A_11 = vector.broadcast %max3A : f32 to vector<1000x1xf32>
    %max3A_12 = arith.maximumf %slice3A, %max3A_11 : vector<1000x1xf32>
    %sqrt3A = math.sqrt %max3A_12 : vector<1000x1xf32>
    %div3A = arith.constant 1.000000e+00 : f32
    %div3A_13 = vector.broadcast %div3A : f32 to vector<1000x1xf32>
    %div3A_14 = arith.divf %div3A_13, %sqrt3A : vector<1000x1xf32>
    %jit3A = arith.constant 0.000000e+00 : f32
    %broadcast_in_dim3A = vector.broadcast %jit3A : f32 to vector<1000x1xf32>
    %select_n3A = arith.select %gt3A_10, %div3A_14, %broadcast_in_dim3A : vector<1000x1xi1>, vector<1000x1xf32>
    %get3A_15 = arith.constant 0 : index
    %get3A_16 = arith.constant 0 : index
    %get3A_17 = vector.load %arg1[%get3A_15, %get3A_16] : memref<1000x128xf32, #tpu.memory_space<vmem>>, vector<1000x128xf32>
    %get3A_18 = arith.constant 0 : index
    %get3A_19 = arith.constant 0 : index
    %get3A_20 = vector.load %arg2[%get3A_18, %get3A_19] : memref<128x128xf32, #tpu.memory_space<vmem>>, vector<128x128xf32>
    %dot_general3A = arith.constant dense<0.000000e+00> : vector<1000x128xf32>
    %dot_general3A_21 = tpu.matmul %get3A_17, %get3A_20, %dot_general3A {dimension_numbers = #tpu.dot_dimension_numbers<[1], [0], [0], [1], [0, 0, 1, 1], [], []>, precision = #tpu.contract_precision<fp32>, transpose_lhs_hint = false} : vector<1000x128xf32>, vector<128x128xf32>, vector<1000x128xf32> -> vector<1000x128xf32>
    %get3A_22 = arith.constant 0 : index
    %get3A_23 = arith.constant 0 : index
    %get3A_24 = vector.load %arg4[%get3A_22, %get3A_23] : memref<1x128xf32, #tpu.memory_space<vmem>>, vector<1x128xf32>
    %add3A_25 = vector.broadcast %get3A_24 : vector<1x128xf32> to vector<1000x128xf32>
    %add3A_26 = arith.addf %dot_general3A_21, %add3A_25 : vector<1000x128xf32>
    %swap3A = arith.constant 0 : index
    %swap3A_27 = arith.constant 0 : index
    %swap3A_28 = vector.load %arg6[%swap3A, %swap3A_27] : memref<1000x128xf32, #tpu.memory_space<vmem>>, vector<1000x128xf32>
    tpu.vector_store %arg6[%swap3A, %swap3A_27], %add3A_26 {strides = array<i32>} : memref<1000x128xf32, #tpu.memory_space<vmem>>, vector<1000x128xf32>,
    %mul3A = vector.broadcast %select_n3A : vector<1000x1xf32> to vector<1000x128xf32>
    %mul3A_29 = arith.mulf %mul3A, %get3A_17 : vector<1000x128xf32>
    %get3A_30 = arith.constant 0 : index
    %get3A_31 = arith.constant 0 : index
    %get3A_32 = vector.load %arg3[%get3A_30, %get3A_31] : memref<128x128xf32, #tpu.memory_space<vmem>>, vector<128x128xf32>
    %dot_general3A_33 = arith.constant dense<0.000000e+00> : vector<1000x128xf32>
    %dot_general3A_34 = tpu.matmul %mul3A_29, %get3A_32, %dot_general3A_33 {dimension_numbers = #tpu.dot_dimension_numbers<[1], [0], [0], [1], [0, 0, 1, 1], [], []>, precision = #tpu.contract_precision<fp32>, transpose_lhs_hint = false} : vector<1000x128xf32>, vector<128x128xf32>, vector<1000x128xf32> -> vector<1000x128xf32>
    %slice3A_35 = vector.extract_strided_slice %dot_general3A_34 {offsets = [0, 0], sizes = [1000, 64], strides = [1, 1]} : vector<1000x128xf32> to vector<1000x64xf32>
    %swap3A_36 = arith.constant 0 : index
    %swap3A_37 = arith.constant 0 : index
    %swap3A_38 = vector.load %arg7[%swap3A_36, %swap3A_37] : memref<1000x64xf32, #tpu.memory_space<vmem>>, vector<1000x64xf32>
    tpu.vector_store %arg7[%swap3A_36, %swap3A_37], %slice3A_35 {strides = array<i32>} : memref<1000x64xf32, #tpu.memory_space<vmem>>, vector<1000x64xf32>,
    %slice3A_39 = vector.extract_strided_slice %dot_general3A_34 {offsets = [0, 64], sizes = [1000, 64], strides = [1, 1]} : vector<1000x128xf32> to vector<1000x64xf32>
    %swap3A_40 = arith.constant 0 : index
    %swap3A_41 = arith.constant 0 : index
    %swap3A_42 = vector.load %arg8[%swap3A_40, %swap3A_41] : memref<1000x64xf32, #tpu.memory_space<vmem>>, vector<1000x64xf32>
    tpu.vector_store %arg8[%swap3A_40, %swap3A_41], %slice3A_39 {strides = array<i32>} : memref<1000x64xf32, #tpu.memory_space<vmem>>, vector<1000x64xf32>,
    %swap3A_43 = arith.constant 0 : index
    %swap3A_44 = arith.constant 0 : index
    %swap3A_45 = vector.load %arg9[%swap3A_43, %swap3A_44] : memref<1000x1xf32, #tpu.memory_space<vmem>>, vector<1000x1xf32>
    tpu.vector_store %arg9[%swap3A_43, %swap3A_44], %select_n3A {strides = array<i32>} : memref<1000x1xf32, #tpu.memory_space<vmem>>, vector<1000x1xf32>,
    return
  }
  func.func @transform_0(%arg0: i32) -> (i32, i32) {
    %c0_i32 = arith.constant 0 : i32
    %c0_i32_0 = arith.constant 0 : i32
    return %arg0, %c0_i32 : i32, i32
  }
  func.func @transform_1(%arg0: i32) -> (i32, i32) {
    %c0_i32 = arith.constant 0 : i32
    %c0_i32_0 = arith.constant 0 : i32
    %c0_i32_1 = arith.constant 0 : i32
    return %c0_i32, %c0_i32_0 : i32, i32
  }
  func.func @transform_2(%arg0: i32) -> (i32, i32) {
    %c0_i32 = arith.constant 0 : i32
    %c0_i32_0 = arith.constant 0 : i32
    %c0_i32_1 = arith.constant 0 : i32
    return %c0_i32, %c0_i32_0 : i32, i32
  }
  func.func @transform_3(%arg0: i32) -> (i32, i32) {
    %c0_i32 = arith.constant 0 : i32
    %c0_i32_0 = arith.constant 0 : i32
    %c0_i32_1 = arith.constant 0 : i32
    return %c0_i32, %c0_i32_0 : i32, i32
  }
  func.func @transform_4(%arg0: i32) -> (i32, i32, i32) {
    %c0_i32 = arith.constant 0 : i32
    %c0_i32_0 = arith.constant 0 : i32
    %c0_i32_1 = arith.constant 0 : i32
    return %c0_i32, %arg0, %c0_i32_0 : i32, i32, i32
  }
  func.func @transform_5(%arg0: i32) -> (i32, i32) {
    %c0_i32 = arith.constant 0 : i32
    %c0_i32_0 = arith.constant 0 : i32
    return %arg0, %c0_i32 : i32, i32
  }
  func.func @transform_6(%arg0: i32) -> (i32, i32) {
    %c0_i32 = arith.constant 0 : i32
    %c0_i32_0 = arith.constant 0 : i32
    return %arg0, %c0_i32 : i32, i32
  }
  func.func @transform_7(%arg0: i32) -> (i32, i32) {
    %c0_i32 = arith.constant 0 : i32
    %c0_i32_0 = arith.constant 0 : i32
    return %arg0, %c0_i32 : i32, i32
  }
  func.func @transform_8(%arg0: i32) -> (i32, i32) {
    %c0_i32 = arith.constant 0 : i32
    %c0_i32_0 = arith.constant 0 : i32
    return %arg0, %c0_i32 : i32, i32
  }
}

module attributes {stable_mosaic.version = 14 : i64} {
  func.func @_tc_mid2_body(%arg0: i32, %arg1: memref<1000x128xf32, #tpu.memory_space<vmem>>, %arg2: memref<2x2x1000x64xf32, #tpu.memory_space<vmem>>, %arg3: memref<1000x1xf32, #tpu.memory_space<vmem>>, %arg4: memref<128x128xf32, #tpu.memory_space<vmem>>, %arg5: memref<128x128xf32, #tpu.memory_space<vmem>>, %arg6: memref<1x128xf32, #tpu.memory_space<vmem>>, %arg7: memref<1000x128xf32, #tpu.memory_space<vmem>>, %arg8: memref<1000x64xf32, #tpu.memory_space<vmem>>, %arg9: memref<1000x64xf32, #tpu.memory_space<vmem>>) attributes {dimension_semantics = [#tpu.dimension_semantics<arbitrary>], iteration_bounds = array<i64: 10>, scalar_prefetch = 0 : i64, scratch_operands = 0 : i64, tpu.core_type = #tpu.core_type<tc>, window_params = [{transform_indices = @transform_0, window_bounds = array<i64: 1000, 128>}, {transform_indices = @transform_1, window_bounds = array<i64: 2, 2, 1000, 64>}, {transform_indices = @transform_2, window_bounds = array<i64: 1000, 1>}, {pipeline_mode = #tpu.pipeline_mode<synchronous>, transform_indices = @transform_3, window_bounds = array<i64: 128, 128>}, {pipeline_mode = #tpu.pipeline_mode<synchronous>, transform_indices = @transform_4, window_bounds = array<i64: 128, 128>}, {pipeline_mode = #tpu.pipeline_mode<synchronous>, transform_indices = @transform_5, window_bounds = array<i64: 1, 128>}, {transform_indices = @transform_6, window_bounds = array<i64: 1000, 128>}, {transform_indices = @transform_7, window_bounds = array<i64: 1000, 64>}, {transform_indices = @transform_8, window_bounds = array<i64: 1000, 64>}]} {
    %get3A = arith.constant 0 : index
    %get3A_0 = arith.constant 0 : index
    %get3A_1 = arith.constant 0 : index
    %get3A_2 = arith.constant 0 : index
    %get3A_3 = vector.load %arg2[%get3A, %get3A_0, %get3A_1, %get3A_2] : memref<2x2x1000x64xf32, #tpu.memory_space<vmem>>, vector<1x1x1000x64xf32>
    %get3A_4 = vector.shape_cast %get3A_3 : vector<1x1x1000x64xf32> to vector<1000x64xf32>
    %get3A_5 = arith.constant 0 : index
    %get3A_6 = arith.constant 1 : index
    %get3A_7 = arith.constant 0 : index
    %get3A_8 = arith.constant 0 : index
    %get3A_9 = vector.load %arg2[%get3A_5, %get3A_6, %get3A_7, %get3A_8] : memref<2x2x1000x64xf32, #tpu.memory_space<vmem>>, vector<1x1x1000x64xf32>
    %get3A_10 = vector.shape_cast %get3A_9 : vector<1x1x1000x64xf32> to vector<1000x64xf32>
    %add3A = arith.addf %get3A_4, %get3A_10 : vector<1000x64xf32>
    %get3A_11 = arith.constant 1 : index
    %get3A_12 = arith.constant 0 : index
    %get3A_13 = arith.constant 0 : index
    %get3A_14 = arith.constant 0 : index
    %get3A_15 = vector.load %arg2[%get3A_11, %get3A_12, %get3A_13, %get3A_14] : memref<2x2x1000x64xf32, #tpu.memory_space<vmem>>, vector<1x1x1000x64xf32>
    %get3A_16 = vector.shape_cast %get3A_15 : vector<1x1x1000x64xf32> to vector<1000x64xf32>
    %get3A_17 = arith.constant 1 : index
    %get3A_18 = arith.constant 1 : index
    %get3A_19 = arith.constant 0 : index
    %get3A_20 = arith.constant 0 : index
    %get3A_21 = vector.load %arg2[%get3A_17, %get3A_18, %get3A_19, %get3A_20] : memref<2x2x1000x64xf32, #tpu.memory_space<vmem>>, vector<1x1x1000x64xf32>
    %get3A_22 = vector.shape_cast %get3A_21 : vector<1x1x1000x64xf32> to vector<1000x64xf32>
    %add3A_23 = arith.addf %get3A_16, %get3A_22 : vector<1000x64xf32>
    %concatenate3A = tpu.concatenate %add3A, %add3A_23 in 1 : vector<1000x64xf32>, vector<1000x64xf32> -> vector<1000x128xf32>
    %get3A_24 = arith.constant 0 : index
    %get3A_25 = arith.constant 0 : index
    %get3A_26 = vector.load %arg3[%get3A_24, %get3A_25] : memref<1000x1xf32, #tpu.memory_space<vmem>>, vector<1000x1xf32>
    %get3A_27 = arith.constant 0 : index
    %get3A_28 = arith.constant 0 : index
    %get3A_29 = vector.load %arg1[%get3A_27, %get3A_28] : memref<1000x128xf32, #tpu.memory_space<vmem>>, vector<1000x128xf32>
    %mul3A = vector.broadcast %get3A_26 : vector<1000x1xf32> to vector<1000x128xf32>
    %mul3A_30 = arith.mulf %mul3A, %concatenate3A : vector<1000x128xf32>
    %sub3A = arith.subf %get3A_29, %mul3A_30 : vector<1000x128xf32>
    %max3A = arith.constant 0.000000e+00 : f32
    %max3A_31 = vector.broadcast %max3A : f32 to vector<1000x128xf32>
    %max3A_32 = arith.maximumf %sub3A, %max3A_31 : vector<1000x128xf32>
    %get3A_33 = arith.constant 0 : index
    %get3A_34 = arith.constant 0 : index
    %get3A_35 = vector.load %arg4[%get3A_33, %get3A_34] : memref<128x128xf32, #tpu.memory_space<vmem>>, vector<128x128xf32>
    %dot_general3A = arith.constant dense<0.000000e+00> : vector<1000x128xf32>
    %dot_general3A_36 = tpu.matmul %max3A_32, %get3A_35, %dot_general3A {dimension_numbers = #tpu.dot_dimension_numbers<[1], [0], [0], [1], [0, 0, 1, 1], [], []>, precision = #tpu.contract_precision<fp32>, transpose_lhs_hint = false} : vector<1000x128xf32>, vector<128x128xf32>, vector<1000x128xf32> -> vector<1000x128xf32>
    %get3A_37 = arith.constant 0 : index
    %get3A_38 = arith.constant 0 : index
    %get3A_39 = vector.load %arg6[%get3A_37, %get3A_38] : memref<1x128xf32, #tpu.memory_space<vmem>>, vector<1x128xf32>
    %add3A_40 = vector.broadcast %get3A_39 : vector<1x128xf32> to vector<1000x128xf32>
    %add3A_41 = arith.addf %dot_general3A_36, %add3A_40 : vector<1000x128xf32>
    %swap3A = arith.constant 0 : index
    %swap3A_42 = arith.constant 0 : index
    %swap3A_43 = vector.load %arg7[%swap3A, %swap3A_42] : memref<1000x128xf32, #tpu.memory_space<vmem>>, vector<1000x128xf32>
    tpu.vector_store %arg7[%swap3A, %swap3A_42], %add3A_41 {strides = array<i32>} : memref<1000x128xf32, #tpu.memory_space<vmem>>, vector<1000x128xf32>,
    %mul3A_44 = vector.broadcast %get3A_26 : vector<1000x1xf32> to vector<1000x128xf32>
    %mul3A_45 = arith.mulf %mul3A_44, %max3A_32 : vector<1000x128xf32>
    %get3A_46 = arith.constant 0 : index
    %get3A_47 = arith.constant 0 : index
    %get3A_48 = vector.load %arg5[%get3A_46, %get3A_47] : memref<128x128xf32, #tpu.memory_space<vmem>>, vector<128x128xf32>
    %dot_general3A_49 = arith.constant dense<0.000000e+00> : vector<1000x128xf32>
    %dot_general3A_50 = tpu.matmul %mul3A_45, %get3A_48, %dot_general3A_49 {dimension_numbers = #tpu.dot_dimension_numbers<[1], [0], [0], [1], [0, 0, 1, 1], [], []>, precision = #tpu.contract_precision<fp32>, transpose_lhs_hint = false} : vector<1000x128xf32>, vector<128x128xf32>, vector<1000x128xf32> -> vector<1000x128xf32>
    %slice3A = vector.extract_strided_slice %dot_general3A_50 {offsets = [0, 0], sizes = [1000, 64], strides = [1, 1]} : vector<1000x128xf32> to vector<1000x64xf32>
    %swap3A_51 = arith.constant 0 : index
    %swap3A_52 = arith.constant 0 : index
    %swap3A_53 = vector.load %arg8[%swap3A_51, %swap3A_52] : memref<1000x64xf32, #tpu.memory_space<vmem>>, vector<1000x64xf32>
    tpu.vector_store %arg8[%swap3A_51, %swap3A_52], %slice3A {strides = array<i32>} : memref<1000x64xf32, #tpu.memory_space<vmem>>, vector<1000x64xf32>,
    %slice3A_54 = vector.extract_strided_slice %dot_general3A_50 {offsets = [0, 64], sizes = [1000, 64], strides = [1, 1]} : vector<1000x128xf32> to vector<1000x64xf32>
    %swap3A_55 = arith.constant 0 : index
    %swap3A_56 = arith.constant 0 : index
    %swap3A_57 = vector.load %arg9[%swap3A_55, %swap3A_56] : memref<1000x64xf32, #tpu.memory_space<vmem>>, vector<1000x64xf32>
    tpu.vector_store %arg9[%swap3A_55, %swap3A_56], %slice3A_54 {strides = array<i32>} : memref<1000x64xf32, #tpu.memory_space<vmem>>, vector<1000x64xf32>,
    return
  }
  func.func @transform_0(%arg0: i32) -> (i32, i32) {
    %c0_i32 = arith.constant 0 : i32
    %c0_i32_0 = arith.constant 0 : i32
    return %arg0, %c0_i32 : i32, i32
  }
  func.func @transform_1(%arg0: i32) -> (i32, i32, i32, i32) {
    %c0_i32 = arith.constant 0 : i32
    %c0_i32_0 = arith.constant 0 : i32
    %c0_i32_1 = arith.constant 0 : i32
    %c0_i32_2 = arith.constant 0 : i32
    return %c0_i32, %c0_i32_0, %arg0, %c0_i32_1 : i32, i32, i32, i32
  }
  func.func @transform_2(%arg0: i32) -> (i32, i32) {
    %c0_i32 = arith.constant 0 : i32
    %c0_i32_0 = arith.constant 0 : i32
    return %arg0, %c0_i32 : i32, i32
  }
  func.func @transform_3(%arg0: i32) -> (i32, i32) {
    %c0_i32 = arith.constant 0 : i32
    %c0_i32_0 = arith.constant 0 : i32
    %c0_i32_1 = arith.constant 0 : i32
    return %c0_i32, %c0_i32_0 : i32, i32
  }
  func.func @transform_4(%arg0: i32) -> (i32, i32) {
    %c0_i32 = arith.constant 0 : i32
    %c0_i32_0 = arith.constant 0 : i32
    %c0_i32_1 = arith.constant 0 : i32
    return %c0_i32, %c0_i32_0 : i32, i32
  }
  func.func @transform_5(%arg0: i32) -> (i32, i32) {
    %c0_i32 = arith.constant 0 : i32
    %c0_i32_0 = arith.constant 0 : i32
    %c0_i32_1 = arith.constant 0 : i32
    return %c0_i32, %c0_i32_0 : i32, i32
  }
  func.func @transform_6(%arg0: i32) -> (i32, i32) {
    %c0_i32 = arith.constant 0 : i32
    %c0_i32_0 = arith.constant 0 : i32
    return %arg0, %c0_i32 : i32, i32
  }
  func.func @transform_7(%arg0: i32) -> (i32, i32) {
    %c0_i32 = arith.constant 0 : i32
    %c0_i32_0 = arith.constant 0 : i32
    return %arg0, %c0_i32 : i32, i32
  }
  func.func @transform_8(%arg0: i32) -> (i32, i32) {
    %c0_i32 = arith.constant 0 : i32
    %c0_i32_0 = arith.constant 0 : i32
    return %arg0, %c0_i32 : i32, i32
  }
}

module attributes {stable_mosaic.version = 14 : i64} {
  func.func @_tc_mid1_body(%arg0: i32, %arg1: memref<1000x128xf32, #tpu.memory_space<vmem>>, %arg2: memref<2x2x1000x64xf32, #tpu.memory_space<vmem>>, %arg3: memref<1000x1xf32, #tpu.memory_space<vmem>>, %arg4: memref<128x64xf32, #tpu.memory_space<vmem>>, %arg5: memref<128x64xf32, #tpu.memory_space<vmem>>, %arg6: memref<1x64xf32, #tpu.memory_space<vmem>>, %arg7: memref<1000x64xf32, #tpu.memory_space<vmem>>, %arg8: memref<1000x64xf32, #tpu.memory_space<vmem>>) attributes {dimension_semantics = [#tpu.dimension_semantics<arbitrary>], iteration_bounds = array<i64: 10>, scalar_prefetch = 0 : i64, scratch_operands = 0 : i64, tpu.core_type = #tpu.core_type<tc>, window_params = [{transform_indices = @transform_0, window_bounds = array<i64: 1000, 128>}, {transform_indices = @transform_1, window_bounds = array<i64: 2, 2, 1000, 64>}, {transform_indices = @transform_2, window_bounds = array<i64: 1000, 1>}, {pipeline_mode = #tpu.pipeline_mode<synchronous>, transform_indices = @transform_3, window_bounds = array<i64: 128, 64>}, {pipeline_mode = #tpu.pipeline_mode<synchronous>, transform_indices = @transform_4, window_bounds = array<i64: 128, 64>}, {pipeline_mode = #tpu.pipeline_mode<synchronous>, transform_indices = @transform_5, window_bounds = array<i64: 1, 64>}, {transform_indices = @transform_6, window_bounds = array<i64: 1000, 64>}, {transform_indices = @transform_7, window_bounds = array<i64: 1000, 64>}]} {
    %get3A = arith.constant 0 : index
    %get3A_0 = arith.constant 0 : index
    %get3A_1 = arith.constant 0 : index
    %get3A_2 = arith.constant 0 : index
    %get3A_3 = vector.load %arg2[%get3A, %get3A_0, %get3A_1, %get3A_2] : memref<2x2x1000x64xf32, #tpu.memory_space<vmem>>, vector<1x1x1000x64xf32>
    %get3A_4 = vector.shape_cast %get3A_3 : vector<1x1x1000x64xf32> to vector<1000x64xf32>
    %get3A_5 = arith.constant 0 : index
    %get3A_6 = arith.constant 1 : index
    %get3A_7 = arith.constant 0 : index
    %get3A_8 = arith.constant 0 : index
    %get3A_9 = vector.load %arg2[%get3A_5, %get3A_6, %get3A_7, %get3A_8] : memref<2x2x1000x64xf32, #tpu.memory_space<vmem>>, vector<1x1x1000x64xf32>
    %get3A_10 = vector.shape_cast %get3A_9 : vector<1x1x1000x64xf32> to vector<1000x64xf32>
    %add3A = arith.addf %get3A_4, %get3A_10 : vector<1000x64xf32>
    %get3A_11 = arith.constant 1 : index
    %get3A_12 = arith.constant 0 : index
    %get3A_13 = arith.constant 0 : index
    %get3A_14 = arith.constant 0 : index
    %get3A_15 = vector.load %arg2[%get3A_11, %get3A_12, %get3A_13, %get3A_14] : memref<2x2x1000x64xf32, #tpu.memory_space<vmem>>, vector<1x1x1000x64xf32>
    %get3A_16 = vector.shape_cast %get3A_15 : vector<1x1x1000x64xf32> to vector<1000x64xf32>
    %get3A_17 = arith.constant 1 : index
    %get3A_18 = arith.constant 1 : index
    %get3A_19 = arith.constant 0 : index
    %get3A_20 = arith.constant 0 : index
    %get3A_21 = vector.load %arg2[%get3A_17, %get3A_18, %get3A_19, %get3A_20] : memref<2x2x1000x64xf32, #tpu.memory_space<vmem>>, vector<1x1x1000x64xf32>
    %get3A_22 = vector.shape_cast %get3A_21 : vector<1x1x1000x64xf32> to vector<1000x64xf32>
    %add3A_23 = arith.addf %get3A_16, %get3A_22 : vector<1000x64xf32>
    %concatenate3A = tpu.concatenate %add3A, %add3A_23 in 1 : vector<1000x64xf32>, vector<1000x64xf32> -> vector<1000x128xf32>
    %get3A_24 = arith.constant 0 : index
    %get3A_25 = arith.constant 0 : index
    %get3A_26 = vector.load %arg3[%get3A_24, %get3A_25] : memref<1000x1xf32, #tpu.memory_space<vmem>>, vector<1000x1xf32>
    %get3A_27 = arith.constant 0 : index
    %get3A_28 = arith.constant 0 : index
    %get3A_29 = vector.load %arg1[%get3A_27, %get3A_28] : memref<1000x128xf32, #tpu.memory_space<vmem>>, vector<1000x128xf32>
    %mul3A = vector.broadcast %get3A_26 : vector<1000x1xf32> to vector<1000x128xf32>
    %mul3A_30 = arith.mulf %mul3A, %concatenate3A : vector<1000x128xf32>
    %sub3A = arith.subf %get3A_29, %mul3A_30 : vector<1000x128xf32>
    %max3A = arith.constant 0.000000e+00 : f32
    %max3A_31 = vector.broadcast %max3A : f32 to vector<1000x128xf32>
    %max3A_32 = arith.maximumf %sub3A, %max3A_31 : vector<1000x128xf32>
    %get3A_33 = arith.constant 0 : index
    %get3A_34 = arith.constant 0 : index
    %get3A_35 = vector.load %arg4[%get3A_33, %get3A_34] : memref<128x64xf32, #tpu.memory_space<vmem>>, vector<128x64xf32>
    %dot_general3A = arith.constant dense<0.000000e+00> : vector<1000x64xf32>
    %dot_general3A_36 = tpu.matmul %max3A_32, %get3A_35, %dot_general3A {dimension_numbers = #tpu.dot_dimension_numbers<[1], [0], [0], [1], [0, 0, 1, 1], [], []>, precision = #tpu.contract_precision<fp32>, transpose_lhs_hint = false} : vector<1000x128xf32>, vector<128x64xf32>, vector<1000x64xf32> -> vector<1000x64xf32>
    %get3A_37 = arith.constant 0 : index
    %get3A_38 = arith.constant 0 : index
    %get3A_39 = vector.load %arg6[%get3A_37, %get3A_38] : memref<1x64xf32, #tpu.memory_space<vmem>>, vector<1x64xf32>
    %add3A_40 = vector.broadcast %get3A_39 : vector<1x64xf32> to vector<1000x64xf32>
    %add3A_41 = arith.addf %dot_general3A_36, %add3A_40 : vector<1000x64xf32>
    %swap3A = arith.constant 0 : index
    %swap3A_42 = arith.constant 0 : index
    %swap3A_43 = vector.load %arg7[%swap3A, %swap3A_42] : memref<1000x64xf32, #tpu.memory_space<vmem>>, vector<1000x64xf32>
    tpu.vector_store %arg7[%swap3A, %swap3A_42], %add3A_41 {strides = array<i32>} : memref<1000x64xf32, #tpu.memory_space<vmem>>, vector<1000x64xf32>,
    %mul3A_44 = vector.broadcast %get3A_26 : vector<1000x1xf32> to vector<1000x128xf32>
    %mul3A_45 = arith.mulf %mul3A_44, %max3A_32 : vector<1000x128xf32>
    %get3A_46 = arith.constant 0 : index
    %get3A_47 = arith.constant 0 : index
    %get3A_48 = vector.load %arg5[%get3A_46, %get3A_47] : memref<128x64xf32, #tpu.memory_space<vmem>>, vector<128x64xf32>
    %dot_general3A_49 = arith.constant dense<0.000000e+00> : vector<1000x64xf32>
    %dot_general3A_50 = tpu.matmul %mul3A_45, %get3A_48, %dot_general3A_49 {dimension_numbers = #tpu.dot_dimension_numbers<[1], [0], [0], [1], [0, 0, 1, 1], [], []>, precision = #tpu.contract_precision<fp32>, transpose_lhs_hint = false} : vector<1000x128xf32>, vector<128x64xf32>, vector<1000x64xf32> -> vector<1000x64xf32>
    %swap3A_51 = arith.constant 0 : index
    %swap3A_52 = arith.constant 0 : index
    %swap3A_53 = vector.load %arg8[%swap3A_51, %swap3A_52] : memref<1000x64xf32, #tpu.memory_space<vmem>>, vector<1000x64xf32>
    tpu.vector_store %arg8[%swap3A_51, %swap3A_52], %dot_general3A_50 {strides = array<i32>} : memref<1000x64xf32, #tpu.memory_space<vmem>>, vector<1000x64xf32>,
    return
  }
  func.func @transform_0(%arg0: i32) -> (i32, i32) {
    %c0_i32 = arith.constant 0 : i32
    %c0_i32_0 = arith.constant 0 : i32
    return %arg0, %c0_i32 : i32, i32
  }
  func.func @transform_1(%arg0: i32) -> (i32, i32, i32, i32) {
    %c0_i32 = arith.constant 0 : i32
    %c0_i32_0 = arith.constant 0 : i32
    %c0_i32_1 = arith.constant 0 : i32
    %c0_i32_2 = arith.constant 0 : i32
    return %c0_i32, %c0_i32_0, %arg0, %c0_i32_1 : i32, i32, i32, i32
  }
  func.func @transform_2(%arg0: i32) -> (i32, i32) {
    %c0_i32 = arith.constant 0 : i32
    %c0_i32_0 = arith.constant 0 : i32
    return %arg0, %c0_i32 : i32, i32
  }
  func.func @transform_3(%arg0: i32) -> (i32, i32) {
    %c0_i32 = arith.constant 0 : i32
    %c0_i32_0 = arith.constant 0 : i32
    %c0_i32_1 = arith.constant 0 : i32
    return %c0_i32, %c0_i32_0 : i32, i32
  }
  func.func @transform_4(%arg0: i32) -> (i32, i32) {
    %c0_i32 = arith.constant 0 : i32
    %c0_i32_0 = arith.constant 0 : i32
    %c0_i32_1 = arith.constant 0 : i32
    return %c0_i32, %c0_i32_0 : i32, i32
  }
  func.func @transform_5(%arg0: i32) -> (i32, i32) {
    %c0_i32 = arith.constant 0 : i32
    %c0_i32_0 = arith.constant 0 : i32
    %c0_i32_1 = arith.constant 0 : i32
    return %c0_i32, %c0_i32_0 : i32, i32
  }
  func.func @transform_6(%arg0: i32) -> (i32, i32) {
    %c0_i32 = arith.constant 0 : i32
    %c0_i32_0 = arith.constant 0 : i32
    return %arg0, %c0_i32 : i32, i32
  }
  func.func @transform_7(%arg0: i32) -> (i32, i32) {
    %c0_i32 = arith.constant 0 : i32
    %c0_i32_0 = arith.constant 0 : i32
    return %arg0, %c0_i32 : i32, i32
  }
}

module attributes {stable_mosaic.version = 14 : i64} {
  func.func @_tc_post_body(%arg0: i32, %arg1: memref<1000x64xf32, #tpu.memory_space<vmem>>, %arg2: memref<1x2x1000x64xf32, #tpu.memory_space<vmem>>, %arg3: memref<1000x1xf32, #tpu.memory_space<vmem>>, %arg4: memref<1000x64xf32, #tpu.memory_space<vmem>>) attributes {dimension_semantics = [#tpu.dimension_semantics<arbitrary>], iteration_bounds = array<i64: 10>, scalar_prefetch = 0 : i64, scratch_operands = 0 : i64, tpu.core_type = #tpu.core_type<tc>, window_params = [{transform_indices = @transform_0, window_bounds = array<i64: 1000, 64>}, {transform_indices = @transform_1, window_bounds = array<i64: 1, 2, 1000, 64>}, {transform_indices = @transform_2, window_bounds = array<i64: 1000, 1>}, {transform_indices = @transform_3, window_bounds = array<i64: 1000, 64>}]} {
    %get3A = arith.constant 0 : index
    %get3A_0 = arith.constant 0 : index
    %get3A_1 = vector.load %arg1[%get3A, %get3A_0] : memref<1000x64xf32, #tpu.memory_space<vmem>>, vector<1000x64xf32>
    %get3A_2 = arith.constant 0 : index
    %get3A_3 = arith.constant 0 : index
    %get3A_4 = vector.load %arg3[%get3A_2, %get3A_3] : memref<1000x1xf32, #tpu.memory_space<vmem>>, vector<1000x1xf32>
    %get3A_5 = arith.constant 0 : index
    %get3A_6 = arith.constant 0 : index
    %get3A_7 = arith.constant 0 : index
    %get3A_8 = arith.constant 0 : index
    %get3A_9 = vector.load %arg2[%get3A_5, %get3A_6, %get3A_7, %get3A_8] : memref<1x2x1000x64xf32, #tpu.memory_space<vmem>>, vector<1x1x1000x64xf32>
    %get3A_10 = vector.shape_cast %get3A_9 : vector<1x1x1000x64xf32> to vector<1000x64xf32>
    %get3A_11 = arith.constant 0 : index
    %get3A_12 = arith.constant 1 : index
    %get3A_13 = arith.constant 0 : index
    %get3A_14 = arith.constant 0 : index
    %get3A_15 = vector.load %arg2[%get3A_11, %get3A_12, %get3A_13, %get3A_14] : memref<1x2x1000x64xf32, #tpu.memory_space<vmem>>, vector<1x1x1000x64xf32>
    %get3A_16 = vector.shape_cast %get3A_15 : vector<1x1x1000x64xf32> to vector<1000x64xf32>
    %add3A = arith.addf %get3A_10, %get3A_16 : vector<1000x64xf32>
    %mul3A = vector.broadcast %get3A_4 : vector<1000x1xf32> to vector<1000x64xf32>
    %mul3A_17 = arith.mulf %mul3A, %add3A : vector<1000x64xf32>
    %sub3A = arith.subf %get3A_1, %mul3A_17 : vector<1000x64xf32>
    %swap3A = arith.constant 0 : index
    %swap3A_18 = arith.constant 0 : index
    %swap3A_19 = vector.load %arg4[%swap3A, %swap3A_18] : memref<1000x64xf32, #tpu.memory_space<vmem>>, vector<1000x64xf32>
    tpu.vector_store %arg4[%swap3A, %swap3A_18], %sub3A {strides = array<i32>} : memref<1000x64xf32, #tpu.memory_space<vmem>>, vector<1000x64xf32>,
    return
  }
  func.func @transform_0(%arg0: i32) -> (i32, i32) {
    %c0_i32 = arith.constant 0 : i32
    %c0_i32_0 = arith.constant 0 : i32
    return %arg0, %c0_i32 : i32, i32
  }
  func.func @transform_1(%arg0: i32) -> (i32, i32, i32, i32) {
    %c0_i32 = arith.constant 0 : i32
    %c0_i32_0 = arith.constant 0 : i32
    %c0_i32_1 = arith.constant 0 : i32
    %c0_i32_2 = arith.constant 0 : i32
    return %c0_i32, %c0_i32_0, %arg0, %c0_i32_1 : i32, i32, i32, i32
  }
  func.func @transform_2(%arg0: i32) -> (i32, i32) {
    %c0_i32 = arith.constant 0 : i32
    %c0_i32_0 = arith.constant 0 : i32
    return %arg0, %c0_i32 : i32, i32
  }
  func.func @transform_3(%arg0: i32) -> (i32, i32) {
    %c0_i32 = arith.constant 0 : i32
    %c0_i32_0 = arith.constant 0 : i32
    return %arg0, %c0_i32 : i32, i32
  }
}

</mosaic_0001>

<sc_bundles>
// kernel: kernel.10.cloned.1.call-start
scs
__scs_entry_jumppad:
0x0: {  	(pc) =	sbr.rel $0x88, $3  }
0x1: {  	(tag) =	ssettag $0x0;
	lr =	simm.s32 $0x1  }
0x2: {  	[smem:$0x3F96] =	sst lr;
	_ =	strace $0xD0000000  }
0x3: {  	_ = 	snop  }
0x4: {  	_ = 	snop  }
0x5: {  	_ = 	snop  }
0x6: {  	_ = 	snop  }
0x7: {  	_ = 	snop  }
__scs_overlays_trampoline_lowered:
0x8: {  	[smem:$0x3FA5] =	sst s0  }
0x9: {  	[smem:$0x3FA6] =	sst s1  }
0xa: {  	[smem:$0x3FA7] =	sst s2  }
0xb: {  	[smem:$0x3FA8] =	sst s3  }
0xc: {  	[smem:$0x3FA9] =	sst s4  }
0xd: {  	[smem:$0x3FAA] =	sst s5  }
0xe: {  	[smem:$0x3FAB] =	sst s6  }
0xf: {  	[smem:$0x3FAC] =	sst s7  }
0x10: {  	[smem:$0x3FAD] =	sst s8  }
0x11: {  	[smem:$0x3FAE] =	sst s9;
	s0 =	simm.s32 @!p0 $0x0  }
0x12: {  	s1 =	sld [smem:$0x3F94];
	s0 =	simm.s32 @p0 $0x1  }
0x13: {  	[smem:$0x3FAF] =	sst s0;
	s0 =	simm.s32 @!p1 $0x0  }
0x14: {  	s2 =	sld [smem:$0x3F93];
	s0 =	simm.s32 @p1 $0x1  }
0x15: {  	[smem:$0x3FB0] =	sst s0;
	s0 =	simm.s32 @!p2 $0x0  }
0x16: {  	s3 =	sld [smem:$0x3FDB];
	s0 =	simm.s32 @p2 $0x1  }
0x17: {  	s4 =	simm.s32 $0x1BF5;
	[smem:$0x3FB2] =	sst s0  }
0x18: {  	s0 =	sld [smem:$0x3F95];
	_ =	swait.ge [sflag:s4], $0x0  }
0x19: {  	s7 =	sld [smem:$0x3F96]  }
0x1a: {  	s8 =	sadd.s32 $0xFFFFE003, lr  }
0x1b: {  	s9 =	sadd.s32 $0xFFFFFEF7, lr;
	s5 =	simm.s32 $0xFFFFFFFF;
	p2 =	slt.u32 s8, $0xFFFFF086  }
0x1c: {  	p1 =	slt.u32 s9, $0xF7A;
	s5 =	simm.s32 @!p2 $0x0  }
0x1d: {  	s5 =	simm.s32 @p1 $0x1;
	p0 =	seq.s32 s7, s2  }
0x1e: {  	s7 =	smul.u32 @!p0 $0xF7A, s2;
	p2 =	seq.s32 @!p0 s5, $0x0  }
0x1f: {  	s9 =	smul.u32 $0xF7A, s1;
	s8 =	simm.s32 @!p0 $0x1BF5;
	p2 =	por !p2, p0  }
0x20: {  	[sflag:s8] =	ssyncset.s32 @!p0 $0xFFFFF086;
	s6 =	sadd.s32 @!p0 s3, s7;
	s7 =	simm.s32 @!p0 $0x108  }
0x21: {  	s3 =	sadd.s32 s3, s9;
	s6 =	sadd.s32 @!p0 $0x88, s6;
	s7 =	simm.s32 @p2 $0x1082  }
0x22: {  	[simem:s7], [sflag:s8] =	dma.local @!p0 [hbm:s6], $0xF7A  }
0x23: {  	s9 =	sor.u32 $0xD0000000, s2;
	s6 =	simm.s32 $0x108;
	_ =	swait.ge @!p0 [sflag:s8], $0x0  }
0x24: {  	s3 =	sadd.s32 $0x88, s3;
	s6 =	simm.s32 @!p1 $0x1082;
	[sflag:s4] =	ssyncset.s32 $0xFFFFF086  }
0x25: {  	[simem:s6], [sflag:s4] =	dma.local [hbm:s3], $0xF7A  }
0x26: {  	[smem:$0x3F96] =	sst s1;
	(tag) =	ssettag s2;
	_ =	strace s9  }
0x27: {  	s1 =	sld [smem:$0x3FA6]  }
0x28: {  	s2 =	sld [smem:$0x3FA7]  }
0x29: {  	s4 =	sld [smem:$0x3FA9]  }
0x2a: {  	p0 =	seq.s32 s5, $0x0;
	s5 =	sld [smem:$0x3FAA]  }
0x2b: {  	s6 =	sld [smem:$0x3FAB]  }
0x2c: {  	s7 =	sld [smem:$0x3FAC]  }
0x2d: {  	s3 =	simm.s32 $0x108;
	s8 =	sld [smem:$0x3FAD]  }
0x2e: {  	s3 =	simm.s32 @!p0 $0x1082;
	s9 =	sld [smem:$0x3FAE]  }
0x2f: {  	lr =	sadd.s32 s0, s3;
	s0 =	sld [smem:$0x3FA5]  }
0x30: {  	s3 =	sld [smem:$0x3FA8]  }
0x31: {  	[smem:$0x3FB1] =	sst s10  }
0x32: {  	s10 =	sld [smem:$0x3FAF];
	_ =	sdelay $0x3  }
0x33: {  	p0 =	seq.s32 s10, $0x1;
	s10 =	sld [smem:$0x3FB1];
	_ =	sdelay $0x3  }
0x34: {  	[smem:$0x3FB1] =	sst s10  }
0x35: {  	s10 =	sld [smem:$0x3FB0];
	_ =	sdelay $0x3  }
0x36: {  	p1 =	seq.s32 s10, $0x1;
	s10 =	sld [smem:$0x3FB1];
	_ =	sdelay $0x3  }
0x37: {  	[smem:$0x3FB1] =	sst s10  }
0x38: {  	s10 =	sld [smem:$0x3FB2]  }
0x39: {  	_ = 	snop;
	(pc) =	sbr.ind lr, $3  }
0x3a: {  	_ = 	snop  }
0x3b: {  	_ = 	snop  }
0x3c: {  	p2 =	seq.s32 s10, $0x1;
	s10 =	sld [smem:$0x3FB1]  }
0x3d: {  	_ =	shalt  }
0x3e: {  	_ =	shalt  }
0x3f: {  	_ =	shalt  }
0x40: {  	_ =	shalt  }
0x41: {  	_ =	shalt  }
0x42: {  	_ =	shalt  }
0x43: {  	_ =	shalt  }
0x44: {  	_ =	shalt  }
0x45: {  	_ =	shalt  }
0x46: {  	_ =	shalt  }
0x47: {  	_ =	shalt  }
0x48: {  	_ =	shalt  }
0x49: {  	_ =	shalt  }
0x4a: {  	_ =	shalt  }
0x4b: {  	_ =	shalt  }
0x4c: {  	_ =	shalt  }
0x4d: {  	_ =	shalt  }
0x4e: {  	_ =	shalt  }
0x4f: {  	_ =	shalt  }
0x50: {  	_ =	shalt  }
0x51: {  	_ =	shalt  }
0x52: {  	_ =	shalt  }
0x53: {  	_ =	shalt  }
0x54: {  	_ =	shalt  }
0x55: {  	_ =	shalt  }
0x56: {  	_ =	shalt  }
0x57: {  	_ =	shalt  }
0x58: {  	_ =	shalt  }
0x59: {  	_ =	shalt  }
0x5a: {  	_ =	shalt  }
0x5b: {  	_ =	shalt  }
0x5c: {  	_ =	shalt  }
0x5d: {  	_ =	shalt  }
0x5e: {  	_ =	shalt  }
0x5f: {  	_ =	shalt  }
0x60: {  	_ =	shalt  }
0x61: {  	_ =	shalt  }
0x62: {  	_ =	shalt  }
0x63: {  	_ =	shalt  }
0x64: {  	_ =	shalt  }
0x65: {  	_ =	shalt  }
0x66: {  	_ =	shalt  }
0x67: {  	_ =	shalt  }
0x68: {  	_ =	shalt  }
0x69: {  	_ =	shalt  }
0x6a: {  	_ =	shalt  }
0x6b: {  	_ =	shalt  }
0x6c: {  	_ =	shalt  }
0x6d: {  	_ =	shalt  }
0x6e: {  	_ =	shalt  }
0x6f: {  	_ =	shalt  }
0x70: {  	_ =	shalt  }
0x71: {  	_ =	shalt  }
0x72: {  	_ =	shalt  }
0x73: {  	_ =	shalt  }
0x74: {  	_ =	shalt  }
0x75: {  	_ =	shalt  }
0x76: {  	_ =	shalt  }
0x77: {  	_ =	shalt  }
0x78: {  	_ =	shalt  }
0x79: {  	_ =	shalt  }
0x7a: {  	_ =	shalt  }
0x7b: {  	_ =	shalt  }
0x7c: {  	_ =	shalt  }
0x7d: {  	_ =	shalt  }
0x7e: {  	_ =	shalt  }
0x7f: {  	_ =	shalt  }
0x80: {  	_ =	shalt  }
0x81: {  	_ =	shalt  }
0x82: {  	_ =	shalt  }
0x83: {  	_ =	shalt  }
0x84: {  	_ =	shalt  }
0x85: {  	_ =	shalt  }
0x86: {  	_ =	shalt  }
0x87: {  	_ =	shalt  }
.Lfunc_end0:
.L_simem_size_0:
called_computation_lowered:
.L_overlay_start_0:
0x88: {  	s2 =	sld [smem:$0x3FD9]  }
0x89: {  	s3 =	sld [smem:$0x3FFE];
	_ =	sdelay $0x1  }
0x8a: {  	s1 =	srdreg.scid  }
0x8b: {  	s0 =	sand.u32 $0x1, s1  }
0x8c: {  	s17 =	sshll.u32 s0, $0xA;
	s2 =	sadd.s32 s3, s2  }
0x8d: {  	s2 =	sadd.s32 s2, s17  }
0x8e: {  	[smem:$0x3FBD] =	sst s2  }
0x8f: {  	_ = 	snop  }
0x90: {  	s2 =	sld [smem:$0x3FD0];
	(tm) =	ssettm $0x1  }
0x91: {  	s18 =	sld [smem:$0x3FFB];
	_ =	sdelay $0x3  }
0x92: {  	_ =	strace s18  }
0x93: {  	s3 =	sld [smem:$0x3FFC];
	_ =	sdelay $0x3  }
0x94: {  	_ =	strace s3  }
0x95: {  	s3 =	sld [smem:$0x3FFD];
	_ =	sdelay $0x3  }
0x96: {  	_ =	strace s3  }
0x97: {  	_ =	strace $0x8FFFFFFF  }
0x98: {  	s19 =	sld [smem:$0x3FDB];
	_ =	sdelay $0x1  }
0x99: {  	s4 =	simm.s32 $_scs_section_size  }
0x9a: {  	s5 =	simm.s32 $_size__tile_overlayer_lowered;
	s6 =	simm.s32 $_tile_overlayer_lowered  }
0x9b: {  	s22 =	simm.s32 $0x1BFF;
	s21 =	sshll.u32 s6, $0x1;
	s3 =	sadd.s32 s4, s19  }
0x9c: {  	s7 =	simm.s32 $0x0;
	s20 =	sshll.u32 s5, $0x1;
	s5 =	sadd.s32 s21, s3  }
0x9d: {  	[timem:s7], [sflag:s22] =	dma.local [hbm:s5], s20  }
0x9e: {  	_ =	swait.ge [sflag:s22], s20  }
0x9f: {  	s4 =	ssub.s32 $0x0, s20;
	[sflag:s22] =	ssyncset.done $0x0  }
0xa0: {  	[sflag:s22] =	ssyncadd.s32 s4;
	_ =	sdelay $0x1  }
0xa1: {  	s23 =	simm.s32 $0x1B8B  }
0xa2: {  	_ =	swait.ge [sflag:s23], $0x1  }
0xa3: {  	[sflag:s23] =	ssyncset.done $0x0  }
0xa4: {  	s25 =	simm.s32 $0x1B8E;
	s24 =	sld [smem:$0x3FFE];
	[sflag:s23] =	ssyncadd.s32 $0xFFFFFFFF  }
0xa5: {  	s26 =	simm.s32 $execute0_lowered;
	[smem:$0x3FD2] =	sst s25  }
0xa6: {  	s5 =	sshll.u32 s26, $0x1;
	_ =	strace $0x80000046;
	[dreg:$0x1] =	wrdreg $0xFFFFFFFF  }
0xa7: {  	s28 =	simm.s32 $_size_execute0_lowered;
	s3 =	sadd.s32 s3, s5;
	[dreg:$0x0] =	wrdreg $0x0  }
0xa8: {  	s5 =	sshll.u32 s28, $0x1;
	[dreg:$0x2] =	wrdreg s3  }
0xa9: {  	[dreg:$0x3] =	wrdreg s5  }
0xaa: {  	[dreg:$0x4] =	wrdreg $0xC0  }
0xab: {  	_ =	task [dreg:s7], $0x5FFFF  }
0xac: {  	[dreg:$0x1] =	wrdreg $0xFFFFFFFF  }
0xad: {  	[dreg:$0x0] =	wrdreg $0x60  }
0xae: {  	[dreg:$0x2] =	wrdreg s2  }
0xaf: {  	[dreg:$0x3] =	wrdreg s24  }
0xb0: {  	[dreg:$0x4] =	wrdreg $0x41000  }
0xb1: {  	[dreg:$0x5] =	wrdreg $0x9  }
0xb2: {  	_ =	task.clear_ibuf [dreg:s7], $0x6FFFF;
	_ =	strace $0x90000046  }
0xb3: {  	s29 =	simm.s32 $0x9;
	_ =	strace $0x80000048  }
0xb4: {  	_ =	swait.ge [sflag:s29], $0x1  }
0xb5: {  	[sflag:s29] =	ssyncadd.s32 $0xFFFFFFFF  }
0xb6: {  	_ =	strace $0x90000048  }
0xb7: {  	_ =	sfence  }
0xb8: {  	s30 =	sld [smem:$0x0];
	_ =	sdelay $0x2  }
0xb9: {  	s31 =	sshll.u32 s1, $0xD;
	s1 =	sshrl.u32 s1, $0x2  }
0xba: {  	s3 =	sand.u32 $0x4000, s31;
	s1 =	sadd.s32 s1, s30  }
0xbb: {  	s0 =	sor.u32 s3, s0;
	s1 =	sshll.u32 s1, $0x11  }
0xbc: {  	s0 =	sor.u32 s1, s0  }
0xbd: {  	s0 =	sadd.s32 $0x8F2B, s0  }
0xbe: {  	[sflag:s0] =	ssyncadd.remote.s32 $0x1  }
0xbf: {  	_ =	sfence.sel $0xFFFF  }
0xc0: {  	[dreg:$0x0] =	wrdreg $0xFFFFFFFF;
	(pc) =	sbr.abs _section_cstart, $3  }
0xc1: {  	[dreg:$0x1] =	wrdreg $0xFFFFFFFF  }
0xc2: {  	_ =	task.clear_ibuf [dreg:s7], $0x2FFFF;
	_ =	strace $0x9FFFFFFF  }
0xc3: {  	(tm) =	ssettm $0x7FFFFFFF  }
tec
execute0_lowered:
.L_overlay_start_1:
0x0: {  	(tag) =	ssettag $0x1  }
0x1: {  	s2 =	rddreg [dreg:$0x0]  }
0x2: {  	s6 =	rddreg [dreg:$0x1]  }
0x3: {  	s3 =	rddreg [dreg:$0x2]  }
0x4: {  	s0 =	rddreg [dreg:$0x3];
	s1 =	stileid.u32  }
0x5: {  	s5 =	srdreg.scid;
	s20 =	smul.u32 $0x2780, s1  }
0x6: {  	s4 =	simm.s32 $0x0;
	s17 =	simm.s32 $0x80;
	s9 =	smul.u32 $0x9E, s1  }
0x7: {  	s18 =	simm.s32 $0x1;
	s19 =	simm.s32 $0x2;
	s26 =	smul.u32 $0x4F000, s1  }
0x8: {  	s8 =	sand.u32 $0x1, s5;
	[smem:$0x7FF] =	sst s4;
	s28 =	smul.u32 $0x4F00, s1  }
0x9: {  	s5 =	sadd.s32 $0x3E000, s6;
	s29 =	sshll.u32 s1, $0x6;
	s7 =	smul.u32 $0x27800, s8  }
0xa: {  	_ =	strace $0x80000047;
	s10 =	ssub.s32 $0x2, s8;
	s11 =	smul.u32 $0x4E, s8  }
0xb: {  	p0 =	seq.s32 s8, $0x0;
	s15 =	smul.u32 $0x2700, s8;
	s25 =	sshrl.u32 s10, $0x1  }
0xc: {  	s12 =	sadd.s32 s20, s6;
	s13 =	sadd.s32 s7, s6;
	s14 =	ssub.s32 s10, s25  }
0xd: {  	s6 =	sadd.s32 s11, s9;
	s7 =	simm.s32 $0x4E;
	s9 =	sshrl.u32 s26, $0x2  }
0xe: {  	s30 =	sadd.s32 s15, s28;
	s10 =	sor.u32 $0x1C03, s29;
	s11 =	sshll.u32 s6, $0x4  }
0xf: {  	s7 =	simm.s32 @!p0 $0x50;
	s16 =	sadd.s32 s9, s3;
	s9 =	sadd.s32 $0x16800, s12  }
0x10: {  	s15 =	sor.u32 $0x80, s30;
	s21 =	sadd.s32 $0x3E800, s13;
	s12 =	smax.u32 s14, $0x1  }
0x11: {  	s8 =	sadd.s32 s2, s11;
	s11 =	sshrl.u32 s7, $0x1;
	s31 =	sshrl.u32 s15, $0x3  }
0x12: {  	s14 =	sshrl.u32 s16, $0x3;
	s15 =	simm.s32 $0x3;
	s16 =	simm.s32 $0x100  }
0x13: {  	s20 =	sadd.s32 s20, s21;
	s21 =	simm.s32 $0x0;
	s13 =	sadd.s32 s31, s2  }
.LBB2_1:
0x14: {  	[tilespmem:s4], [sflag:$0x1] =	stream.linear.gather [hbm4b:s8+s4], $0x80, $0x38;
	[tilespmem:$0x17D00] =	vst v63  }
0x15: {  	[spmem:s14], [sflag:s10] =	dma.local [hbm:s9], $0x2780  }
0x16: {  	_ =	swait.ge [sflag:s15], $0x2780  }
0x17: {  	[sflag:s15] =	ssyncset.done $0x0  }
0x18: {  	[sflag:s15] =	ssyncadd.s32 $0xFFFFD880  }
0x19: {  	[tilespmem:s16], [sflag:$0x3] =	stream.linear.gather [hbm4b:s5+s4], $0x4000, $0x38;
	[tilespmem:$0x17D00] =	vst v63  }
0x1a: {  	_ =	swait.ge [sflag:s15], $0x4000  }
0x1b: {  	[sflag:s15] =	ssyncset.done $0x0  }
0x1c: {  	[sflag:s15] =	ssyncadd.s32 $0xFFFFC000  }
0x1d: {  	[bflag:$0x0] =	sbarrier.arrive $0xFFFF  }
0x1e: {  	(drf) =	srem.u32 s19, s7;
	_ =	sdelay $0x3  }
0x1f: {  	[tilespmem:s17], [sflag:$0x2] =	stream.linear.gather [hbm4b:s13+s4], $0x80, $0x38;
	[tilespmem:$0x17D00] =	vst v63  }
0x20: {  	_ =	swait.ge [sflag:s18], $0x80  }
0x21: {  	[sflag:s18] =	ssyncset.done $0x0  }
0x22: {  	[sflag:s18] =	ssyncadd.s32 $0xFFFFFF80  }
0x23: {  	[spmem:s3] =	stream.indirect.scatter.add.f32 [tilespmem:s16], [sflag:$0x3], $0x80, s4, s17, $0xb8;
	[tilespmem:$0x17D00] =	vst v63  }
0x24: {  	p0 =	sne.s32 s11, $0x1;
	s22 =	spop (drf)  }
.Ltmp0:
0x25: {  	_ =	swait.ge [sflag:s15], $0x4000;
	s22 =	sadd.s32 s6, s22;
	(pc) =	sbr.rel @!p0 .LBB2_3-.Ltmp0, $4  }
0x26: {  	[sflag:s15] =	ssyncset.done $0x0;
	s22 =	sshll.u32 s22, $0x4  }
0x27: {  	s23 =	simm.s32 $0x4;
	[sflag:s15] =	ssyncadd.s32 $0xFFFFC000;
	s22 =	sadd.s32 s2, s22  }
0x28: {  	[tilespmem:s4], [sflag:$0x1] =	stream.linear.gather [hbm4b:s22+s4], $0x80, $0x38;
	[tilespmem:$0x17D00] =	vst v63  }
0x29: {  	s24 =	smov.u32 s13;
	s22 =	sadd.s32 $0xFFFFFFFF, s11;
	_ =	swait.ge [sflag:s19], $0x80  }
.LBB2_2:
0x2a: {  	p0 =	sne.s32 s22, $0x1;
	(drf) =	srem.u32 s23, s7;
	[sflag:s19] =	ssyncset.done $0x0  }
0x2b: {  	s22 =	sadd.s32 $0xFFFFFFFF, s22;
	[sflag:s19] =	ssyncadd.s32 $0xFFFFFF80  }
0x2c: {  	[spmem:s3] =	stream.indirect.scatter.add.f32 [tilespmem:s16], [sflag:$0x3], $0x80, s17, s17, $0xb8;
	[tilespmem:$0x17D00] =	vst v63  }
0x2d: {  	_ =	swait.ge [sflag:s15], $0x4000  }
0x2e: {  	s24 =	sadd.s32 $0x20, s24;
	[sflag:s15] =	ssyncset.done $0x0  }
0x2f: {  	[sflag:s15] =	ssyncadd.s32 $0xFFFFC000  }
0x30: {  	[tilespmem:s17], [sflag:$0x2] =	stream.linear.gather [hbm4b:s24+s4], $0x80, $0x38;
	[tilespmem:$0x17D00] =	vst v63  }
0x31: {  	_ =	swait.ge [sflag:s18], $0x80  }
0x32: {  	[sflag:s18] =	ssyncset.done $0x0  }
0x33: {  	[sflag:s18] =	ssyncadd.s32 $0xFFFFFF80;
	s25 =	spop (drf)  }
0x34: {  	[spmem:s3] =	stream.indirect.scatter.add.f32 [tilespmem:s16], [sflag:$0x3], $0x80, s4, s17, $0xb8;
	[tilespmem:$0x17D00] =	vst v63  }
.Ltmp1:
0x35: {  	s25 =	sadd.s32 s6, s25;
	_ =	swait.ge [sflag:s15], $0x4000;
	(pc) =	sbr.rel @p0 .LBB2_2-.Ltmp1, $4  }
0x36: {  	s25 =	sshll.u32 s25, $0x4;
	[sflag:s15] =	ssyncset.done $0x0  }
0x37: {  	s25 =	sadd.s32 s2, s25;
	[sflag:s15] =	ssyncadd.s32 $0xFFFFC000  }
0x38: {  	[tilespmem:s4], [sflag:$0x1] =	stream.linear.gather [hbm4b:s25+s4], $0x80, $0x38;
	[tilespmem:$0x17D00] =	vst v63  }
0x39: {  	s23 =	sadd.s32 $0x2, s23;
	_ =	swait.ge [sflag:s19], $0x80  }
.LBB2_3:
0x3a: {  	[sflag:s19] =	ssyncset.done $0x0  }
0x3b: {  	[sflag:s19] =	ssyncadd.s32 $0xFFFFFF80  }
0x3c: {  	[spmem:s3] =	stream.indirect.scatter.add.f32 [tilespmem:s16], [sflag:$0x3], $0x80, s17, s17, $0xb8;
	[tilespmem:$0x17D00] =	vst v63  }
0x3d: {  	_ =	swait.ge [sflag:s15], $0x4000  }
0x3e: {  	[sflag:s15] =	ssyncset.done $0x0  }
0x3f: {  	[sflag:s15] =	ssyncadd.s32 $0xFFFFC000  }
0x40: {  	_ =	swait.ge [sflag:s18], $0x80  }
0x41: {  	s21 =	sadd.s32 $0x1, s21;
	[sflag:s18] =	ssyncset.done $0x0  }
0x42: {  	p0 =	sne.s32 s21, s12;
	[sflag:s18] =	ssyncadd.s32 $0xFFFFFF80  }
.Ltmp2:
0x43: {  	[bflag:$0x0] =	sbarrier.arrive $0xFFFF;
	(pc) =	sbr.rel @p0 .LBB2_1-.Ltmp2, $4  }
0x44: {  	[hbm:s20], [sflag:s10] =	dma.local [spmem:s14], $0x2780  }
0x45: {  	_ =	swait.ge [sflag:s15], $0x2780  }
0x46: {  	[sflag:s15] =	ssyncset.done $0x0  }
0x47: {  	[sflag:s15] =	ssyncadd.s32 $0xFFFFD880  }
0x48: {  	_ =	sfence.sel $0x180000  }
0x49: {  	[bflag:$0x0] =	sbarrier.arrive $0xFFFF  }
0x4a: {  	p0 =	sne.s32 s1, $0x0;
	_ =	strace $0x90000047  }
0x4b: {  	s0 =	sadd.s32 @!p0 $0x100000, s0;
	[bflag:$0x2] =	sbarrier.arrive $0xFFFF  }
0x4c: {  	[sflag:s0] =	ssyncadd.tile.s32 @!p0 $0x1;
	_ =	shalt  }
.Lfunc_end2:
_tile_overlayer_lowered:
.L_overlay_start_2:
0x4d: {  	(tag) =	ssettag $0x2  }
0x4e: {  	s0 =	rddreg [dreg:$0x0];
	s2 =	stileid.u32  }
0x4f: {  	s1 =	rddreg [dreg:$0x1];
	p0 =	sne.s32 s2, $0x0  }
0x50: {  	s3 =	rddreg [dreg:$0x2];
	[bflag:$0x3] =	sbarrier.arrive $0xFFFF;
	s2 =	simm.s32 @!p0 $0x1C03  }
0x51: {  	[timem:s3], [sflag:s2] =	dma.local @!p0 [hbm:s0], s1  }
0x52: {  	s0 =	simm.s32 @!p0 $0x3  }
0x53: {  	_ =	swait.ge @!p0 [sflag:s0], s1  }
0x54: {  	s1 =	ssub.s32 @!p0 $0x0, s1;
	[sflag:s0] =	ssyncset.done @!p0 $0x0  }
0x55: {  	[sflag:s0] =	ssyncadd.s32 @!p0 s1  }
0x56: {  	[bflag:$0x3] =	sbarrier.arrive $0xFFFF  }
0x57: {  	_ =	shalt  }

// kernel: kernel.13.cloned.1.call-start
scs
__scs_entry_jumppad:
0x0: {  	(pc) =	sbr.rel $0x88, $3  }
0x1: {  	(tag) =	ssettag $0x0;
	lr =	simm.s32 $0x1  }
0x2: {  	[smem:$0x3F96] =	sst lr;
	_ =	strace $0xD0000000  }
0x3: {  	_ = 	snop  }
0x4: {  	_ = 	snop  }
0x5: {  	_ = 	snop  }
0x6: {  	_ = 	snop  }
0x7: {  	_ = 	snop  }
__scs_overlays_trampoline_lowered:
0x8: {  	[smem:$0x3FA5] =	sst s0  }
0x9: {  	[smem:$0x3FA6] =	sst s1  }
0xa: {  	[smem:$0x3FA7] =	sst s2  }
0xb: {  	[smem:$0x3FA8] =	sst s3  }
0xc: {  	[smem:$0x3FA9] =	sst s4  }
0xd: {  	[smem:$0x3FAA] =	sst s5  }
0xe: {  	[smem:$0x3FAB] =	sst s6  }
0xf: {  	[smem:$0x3FAC] =	sst s7  }
0x10: {  	[smem:$0x3FAD] =	sst s8  }
0x11: {  	[smem:$0x3FAE] =	sst s9;
	s0 =	simm.s32 @!p0 $0x0  }
0x12: {  	s1 =	sld [smem:$0x3F94];
	s0 =	simm.s32 @p0 $0x1  }
0x13: {  	[smem:$0x3FAF] =	sst s0;
	s0 =	simm.s32 @!p1 $0x0  }
0x14: {  	s2 =	sld [smem:$0x3F93];
	s0 =	simm.s32 @p1 $0x1  }
0x15: {  	[smem:$0x3FB0] =	sst s0;
	s0 =	simm.s32 @!p2 $0x0  }
0x16: {  	s3 =	sld [smem:$0x3FDB];
	s0 =	simm.s32 @p2 $0x1  }
0x17: {  	s4 =	simm.s32 $0x1BF5;
	[smem:$0x3FB2] =	sst s0  }
0x18: {  	s0 =	sld [smem:$0x3F95];
	_ =	swait.ge [sflag:s4], $0x0  }
0x19: {  	s7 =	sld [smem:$0x3F96]  }
0x1a: {  	s8 =	sadd.s32 $0xFFFFE003, lr  }
0x1b: {  	s9 =	sadd.s32 $0xFFFFFEF7, lr;
	s5 =	simm.s32 $0xFFFFFFFF;
	p2 =	slt.u32 s8, $0xFFFFF086  }
0x1c: {  	p1 =	slt.u32 s9, $0xF7A;
	s5 =	simm.s32 @!p2 $0x0  }
0x1d: {  	s5 =	simm.s32 @p1 $0x1;
	p0 =	seq.s32 s7, s2  }
0x1e: {  	s7 =	smul.u32 @!p0 $0xF7A, s2;
	p2 =	seq.s32 @!p0 s5, $0x0  }
0x1f: {  	s9 =	smul.u32 $0xF7A, s1;
	s8 =	simm.s32 @!p0 $0x1BF5;
	p2 =	por !p2, p0  }
0x20: {  	[sflag:s8] =	ssyncset.s32 @!p0 $0xFFFFF086;
	s6 =	sadd.s32 @!p0 s3, s7;
	s7 =	simm.s32 @!p0 $0x108  }
0x21: {  	s3 =	sadd.s32 s3, s9;
	s6 =	sadd.s32 @!p0 $0x88, s6;
	s7 =	simm.s32 @p2 $0x1082  }
0x22: {  	[simem:s7], [sflag:s8] =	dma.local @!p0 [hbm:s6], $0xF7A  }
0x23: {  	s9 =	sor.u32 $0xD0000000, s2;
	s6 =	simm.s32 $0x108;
	_ =	swait.ge @!p0 [sflag:s8], $0x0  }
0x24: {  	s3 =	sadd.s32 $0x88, s3;
	s6 =	simm.s32 @!p1 $0x1082;
	[sflag:s4] =	ssyncset.s32 $0xFFFFF086  }
0x25: {  	[simem:s6], [sflag:s4] =	dma.local [hbm:s3], $0xF7A  }
0x26: {  	[smem:$0x3F96] =	sst s1;
	(tag) =	ssettag s2;
	_ =	strace s9  }
0x27: {  	s1 =	sld [smem:$0x3FA6]  }
0x28: {  	s2 =	sld [smem:$0x3FA7]  }
0x29: {  	s4 =	sld [smem:$0x3FA9]  }
0x2a: {  	p0 =	seq.s32 s5, $0x0;
	s5 =	sld [smem:$0x3FAA]  }
0x2b: {  	s6 =	sld [smem:$0x3FAB]  }
0x2c: {  	s7 =	sld [smem:$0x3FAC]  }
0x2d: {  	s3 =	simm.s32 $0x108;
	s8 =	sld [smem:$0x3FAD]  }
0x2e: {  	s3 =	simm.s32 @!p0 $0x1082;
	s9 =	sld [smem:$0x3FAE]  }
0x2f: {  	lr =	sadd.s32 s0, s3;
	s0 =	sld [smem:$0x3FA5]  }
0x30: {  	s3 =	sld [smem:$0x3FA8]  }
0x31: {  	[smem:$0x3FB1] =	sst s10  }
0x32: {  	s10 =	sld [smem:$0x3FAF];
	_ =	sdelay $0x3  }
0x33: {  	p0 =	seq.s32 s10, $0x1;
	s10 =	sld [smem:$0x3FB1];
	_ =	sdelay $0x3  }
0x34: {  	[smem:$0x3FB1] =	sst s10  }
0x35: {  	s10 =	sld [smem:$0x3FB0];
	_ =	sdelay $0x3  }
0x36: {  	p1 =	seq.s32 s10, $0x1;
	s10 =	sld [smem:$0x3FB1];
	_ =	sdelay $0x3  }
0x37: {  	[smem:$0x3FB1] =	sst s10  }
0x38: {  	s10 =	sld [smem:$0x3FB2]  }
0x39: {  	_ = 	snop;
	(pc) =	sbr.ind lr, $3  }
0x3a: {  	_ = 	snop  }
0x3b: {  	_ = 	snop  }
0x3c: {  	p2 =	seq.s32 s10, $0x1;
	s10 =	sld [smem:$0x3FB1]  }
0x3d: {  	_ =	shalt  }
0x3e: {  	_ =	shalt  }
0x3f: {  	_ =	shalt  }
0x40: {  	_ =	shalt  }
0x41: {  	_ =	shalt  }
0x42: {  	_ =	shalt  }
0x43: {  	_ =	shalt  }
0x44: {  	_ =	shalt  }
0x45: {  	_ =	shalt  }
0x46: {  	_ =	shalt  }
0x47: {  	_ =	shalt  }
0x48: {  	_ =	shalt  }
0x49: {  	_ =	shalt  }
0x4a: {  	_ =	shalt  }
0x4b: {  	_ =	shalt  }
0x4c: {  	_ =	shalt  }
0x4d: {  	_ =	shalt  }
0x4e: {  	_ =	shalt  }
0x4f: {  	_ =	shalt  }
0x50: {  	_ =	shalt  }
0x51: {  	_ =	shalt  }
0x52: {  	_ =	shalt  }
0x53: {  	_ =	shalt  }
0x54: {  	_ =	shalt  }
0x55: {  	_ =	shalt  }
0x56: {  	_ =	shalt  }
0x57: {  	_ =	shalt  }
0x58: {  	_ =	shalt  }
0x59: {  	_ =	shalt  }
0x5a: {  	_ =	shalt  }
0x5b: {  	_ =	shalt  }
0x5c: {  	_ =	shalt  }
0x5d: {  	_ =	shalt  }
0x5e: {  	_ =	shalt  }
0x5f: {  	_ =	shalt  }
0x60: {  	_ =	shalt  }
0x61: {  	_ =	shalt  }
0x62: {  	_ =	shalt  }
0x63: {  	_ =	shalt  }
0x64: {  	_ =	shalt  }
0x65: {  	_ =	shalt  }
0x66: {  	_ =	shalt  }
0x67: {  	_ =	shalt  }
0x68: {  	_ =	shalt  }
0x69: {  	_ =	shalt  }
0x6a: {  	_ =	shalt  }
0x6b: {  	_ =	shalt  }
0x6c: {  	_ =	shalt  }
0x6d: {  	_ =	shalt  }
0x6e: {  	_ =	shalt  }
0x6f: {  	_ =	shalt  }
0x70: {  	_ =	shalt  }
0x71: {  	_ =	shalt  }
0x72: {  	_ =	shalt  }
0x73: {  	_ =	shalt  }
0x74: {  	_ =	shalt  }
0x75: {  	_ =	shalt  }
0x76: {  	_ =	shalt  }
0x77: {  	_ =	shalt  }
0x78: {  	_ =	shalt  }
0x79: {  	_ =	shalt  }
0x7a: {  	_ =	shalt  }
0x7b: {  	_ =	shalt  }
0x7c: {  	_ =	shalt  }
0x7d: {  	_ =	shalt  }
0x7e: {  	_ =	shalt  }
0x7f: {  	_ =	shalt  }
0x80: {  	_ =	shalt  }
0x81: {  	_ =	shalt  }
0x82: {  	_ =	shalt  }
0x83: {  	_ =	shalt  }
0x84: {  	_ =	shalt  }
0x85: {  	_ =	shalt  }
0x86: {  	_ =	shalt  }
0x87: {  	_ =	shalt  }
.Lfunc_end0:
.L_simem_size_0:
called_computation.1_lowered:
.L_overlay_start_0:
0x88: {  	s2 =	sld [smem:$0x3FD9]  }
0x89: {  	s3 =	sld [smem:$0x3FFE];
	_ =	sdelay $0x1  }
0x8a: {  	s1 =	srdreg.scid  }
0x8b: {  	s0 =	sand.u32 $0x1, s1  }
0x8c: {  	s17 =	sshll.u32 s0, $0xA;
	s2 =	sadd.s32 s3, s2  }
0x8d: {  	s2 =	sadd.s32 s2, s17  }
0x8e: {  	[smem:$0x3FBD] =	sst s2  }
0x8f: {  	_ = 	snop  }
0x90: {  	s2 =	sld [smem:$0x3FD0];
	(tm) =	ssettm $0x1  }
0x91: {  	s18 =	sld [smem:$0x3FFB];
	_ =	sdelay $0x3  }
0x92: {  	_ =	strace s18  }
0x93: {  	s3 =	sld [smem:$0x3FFC];
	_ =	sdelay $0x3  }
0x94: {  	_ =	strace s3  }
0x95: {  	s3 =	sld [smem:$0x3FFD];
	_ =	sdelay $0x3  }
0x96: {  	_ =	strace s3  }
0x97: {  	_ =	strace $0x8FFFFFFF  }
0x98: {  	s19 =	sld [smem:$0x3FDB];
	_ =	sdelay $0x1  }
0x99: {  	s4 =	simm.s32 $_scs_section_size  }
0x9a: {  	s5 =	simm.s32 $_size__tile_overlayer_lowered;
	s6 =	simm.s32 $_tile_overlayer_lowered  }
0x9b: {  	s22 =	simm.s32 $0x1BFF;
	s21 =	sshll.u32 s6, $0x1;
	s3 =	sadd.s32 s4, s19  }
0x9c: {  	s7 =	simm.s32 $0x0;
	s20 =	sshll.u32 s5, $0x1;
	s5 =	sadd.s32 s21, s3  }
0x9d: {  	[timem:s7], [sflag:s22] =	dma.local [hbm:s5], s20  }
0x9e: {  	_ =	swait.ge [sflag:s22], s20  }
0x9f: {  	s4 =	ssub.s32 $0x0, s20;
	[sflag:s22] =	ssyncset.done $0x0  }
0xa0: {  	[sflag:s22] =	ssyncadd.s32 s4;
	_ =	sdelay $0x1  }
0xa1: {  	s23 =	simm.s32 $0x1B8B  }
0xa2: {  	_ =	swait.ge [sflag:s23], $0x1  }
0xa3: {  	[sflag:s23] =	ssyncset.done $0x0  }
0xa4: {  	s25 =	simm.s32 $0x1B8E;
	s24 =	sld [smem:$0x3FFE];
	[sflag:s23] =	ssyncadd.s32 $0xFFFFFFFF  }
0xa5: {  	s26 =	simm.s32 $execute0_lowered;
	[smem:$0x3FD2] =	sst s25  }
0xa6: {  	s5 =	sshll.u32 s26, $0x1;
	_ =	strace $0x80000049;
	[dreg:$0x1] =	wrdreg $0xFFFFFFFF  }
0xa7: {  	s28 =	simm.s32 $_size_execute0_lowered;
	s3 =	sadd.s32 s3, s5;
	[dreg:$0x0] =	wrdreg $0x0  }
0xa8: {  	s5 =	sshll.u32 s28, $0x1;
	[dreg:$0x2] =	wrdreg s3  }
0xa9: {  	[dreg:$0x3] =	wrdreg s5  }
0xaa: {  	[dreg:$0x4] =	wrdreg $0xC0  }
0xab: {  	_ =	task [dreg:s7], $0x5FFFF  }
0xac: {  	[dreg:$0x1] =	wrdreg $0xFFFFFFFF  }
0xad: {  	[dreg:$0x0] =	wrdreg $0x60  }
0xae: {  	[dreg:$0x2] =	wrdreg s24  }
0xaf: {  	[dreg:$0x3] =	wrdreg s2  }
0xb0: {  	[dreg:$0x4] =	wrdreg $0x42000  }
0xb1: {  	[dreg:$0x5] =	wrdreg $0xDE400  }
0xb2: {  	[dreg:$0x6] =	wrdreg $0x9  }
0xb3: {  	_ =	task.clear_ibuf [dreg:s7], $0x7FFFF;
	_ =	strace $0x90000049  }
0xb4: {  	s29 =	simm.s32 $0x9;
	_ =	strace $0x8000004B  }
0xb5: {  	_ =	swait.ge [sflag:s29], $0x1  }
0xb6: {  	[sflag:s29] =	ssyncadd.s32 $0xFFFFFFFF  }
0xb7: {  	_ =	strace $0x9000004B  }
0xb8: {  	_ =	sfence  }
0xb9: {  	s30 =	sld [smem:$0x0];
	_ =	sdelay $0x2  }
0xba: {  	s31 =	sshll.u32 s1, $0xD;
	s1 =	sshrl.u32 s1, $0x2  }
0xbb: {  	s3 =	sand.u32 $0x4000, s31;
	s1 =	sadd.s32 s1, s30  }
0xbc: {  	s0 =	sor.u32 s3, s0;
	s1 =	sshll.u32 s1, $0x11  }
0xbd: {  	s0 =	sor.u32 s1, s0  }
0xbe: {  	s0 =	sadd.s32 $0x8F2B, s0  }
0xbf: {  	[sflag:s0] =	ssyncadd.remote.s32 $0x1  }
0xc0: {  	_ =	sfence.sel $0xFFFF  }
0xc1: {  	[dreg:$0x0] =	wrdreg $0xFFFFFFFF;
	(pc) =	sbr.abs _section_cstart, $3  }
0xc2: {  	[dreg:$0x1] =	wrdreg $0xFFFFFFFF  }
0xc3: {  	_ =	task.clear_ibuf [dreg:s7], $0x2FFFF;
	_ =	strace $0x9FFFFFFF  }
0xc4: {  	(tm) =	ssettm $0x7FFFFFFF  }
0xc5: {  	_ =	shalt  }
tec
execute0_lowered:
.L_overlay_start_1:
0x0: {  	(tag) =	ssettag $0x1  }
0x1: {  	s0 =	rddreg [dreg:$0x0]  }
0x2: {  	s1 =	rddreg [dreg:$0x1]  }
0x3: {  	s2 =	rddreg [dreg:$0x2]  }
0x4: {  	s3 =	rddreg [dreg:$0x3];
	s4 =	simm.s32 $0x0  }
0x5: {  	s15 =	stileid.u32;
	s5 =	srdreg.scid;
	s28 =	simm.s32 $0x180  }
0x6: {  	s29 =	simm.s32 $0x2200;
	s30 =	simm.s32 $0x1;
	s9 =	smul.u32 $0x9C40, s15  }
0x7: {  	s31 =	simm.s32 $0x2;
	[smem:$0x7FF] =	sst s4;
	s8 =	smul.u32 $0x9E, s15  }
0x8: {  	s10 =	sand.u32 $0x1, s5;
	s5 =	sadd.s32 $0x2C00, s0;
	s16 =	smul.u32 $0x4F00, s15  }
0x9: {  	s6 =	sadd.s32 $0xCA00, s0;
	s20 =	sshll.u32 s15, $0x6;
	s12 =	smul.u32 $0x13C00, s10  }
0xa: {  	_ =	strace $0x8000004A;
	s7 =	ssub.s32 $0x2, s10;
	s14 =	smul.u32 $0x4E, s10  }
0xb: {  	p0 =	seq.s32 s10, $0x0;
	s10 =	smul.u32 $0x2700, s10;
	s11 =	sshrl.u32 s9, $0x3  }
0xc: {  	s13 =	sshrl.u32 s7, $0x1;
	s9 =	sadd.s32 s9, s2;
	s17 =	sadd.s32 s11, s0  }
0xd: {  	s18 =	sadd.s32 s12, s0;
	s19 =	ssub.s32 s7, s13;
	s7 =	sadd.s32 s14, s8  }
0xe: {  	s8 =	simm.s32 $0x4E;
	[dreg:$0x5] =	wrdreg s9;
	s14 =	smul.u32 $0x9E00, s15  }
0xf: {  	s22 =	sadd.s32 s10, s16;
	s0 =	sadd.s32 $0x8C600, s0;
	s8 =	simm.s32 @!p0 $0x50  }
0x10: {  	s11 =	sadd.s32 $0x51400, s17;
	s21 =	sshll.u32 s7, $0x4;
	s23 =	sadd.s32 $0x64E00, s18  }
0x11: {  	s24 =	sadd.s32 $0x3DA00, s17;
	s25 =	smax.u32 s19, $0x1;
	s0 =	sadd.s32 s12, s0  }
0x12: {  	[dreg:$0x6] =	wrdreg s11;
	s11 =	sor.u32 $0x1C03, s20;
	s20 =	sshrl.u32 s14, $0x3  }
0x13: {  	s9 =	sadd.s32 s14, s3;
	s14 =	sadd.s32 s5, s21;
	[dreg:$0x8] =	wrdreg s24  }
0x14: {  	s15 =	sadd.s32 s6, s21;
	s16 =	sshrl.u32 s8, $0x1;
	[dreg:$0x9] =	wrdreg s25  }
0x15: {  	s21 =	simm.s32 $0x3;
	s25 =	simm.s32 $0x200;
	[dreg:$0x7] =	wrdreg s9  }
0x16: {  	s13 =	sadd.s32 s1, s20;
	s1 =	sor.u32 $0x80, s22;
	s26 =	sadd.s32 s20, s23  }
0x17: {  	s22 =	simm.s32 $0x80;
	s0 =	sadd.s32 s20, s0;
	[dreg:$0xa] =	wrdreg s26  }
0x18: {  	s1 =	sshrl.u32 s1, $0x3;
	[dreg:$0xb] =	wrdreg s0;
	s26 =	simm.s32 $0x100  }
0x19: {  	s0 =	simm.s32 $0x0;
	s17 =	sadd.s32 s1, s6;
	s18 =	sadd.s32 s1, s5  }
.LBB2_1:
0x1a: {  	s1 =	rddreg [dreg:$0x5]  }
0x1b: {  	s23 =	rddreg [dreg:$0x6];
	s9 =	sshrl.u32 s1, $0x3  }
0x1c: {  	[spmem:s9], [sflag:s11] =	dma.local [hbm:s23], $0x1388  }
0x1d: {  	_ =	swait.ge [sflag:s21], $0x1388  }
0x1e: {  	[sflag:s21] =	ssyncset.done $0x0;
	s24 =	rddreg [dreg:$0x7]  }
0x1f: {  	[sflag:s21] =	ssyncadd.s32 $0xFFFFEC78;
	s1 =	sshrl.u32 s24, $0x3  }
0x20: {  	[spmem:s1], [sflag:s11] =	dma.local [hbm:s13], $0x13C0  }
0x21: {  	_ =	swait.ge [sflag:s21], $0x13C0  }
0x22: {  	[sflag:s21] =	ssyncset.done $0x0  }
0x23: {  	[sflag:s21] =	ssyncadd.s32 $0xFFFFEC40  }
0x24: {  	[tilespmem:s4], [sflag:$0x3] =	stream.linear.gather [hbm4b:s14+s4], $0x80, $0x38;
	[tilespmem:$0x17C40] =	vst v63  }
0x25: {  	_ =	swait.ge [sflag:s21], $0x80  }
0x26: {  	[sflag:s21] =	ssyncset.done $0x0  }
0x27: {  	[sflag:s21] =	ssyncadd.s32 $0xFFFFFF80  }
0x28: {  	[tilespmem:s22], [sflag:$0x3] =	stream.linear.gather [hbm4b:s15+s4], $0x80, $0x38;
	[tilespmem:$0x17C40] =	vst v63  }
0x29: {  	_ =	swait.ge [sflag:s21], $0x80  }
0x2a: {  	[sflag:s21] =	ssyncset.done $0x0  }
0x2b: {  	[sflag:s21] =	ssyncadd.s32 $0xFFFFFF80  }
0x2c: {  	[bflag:$0x0] =	sbarrier.arrive $0xFFFF  }
0x2d: {  	[tilespmem:s25], [sflag:$0x1] =	stream.indirect.gather [spmem:s2], $0x40, s4, s22, $0xb8;
	[tilespmem:$0x17C40] =	vst v63  }
0x2e: {  	_ = 	snop  }
0x2f: {  	[tilespmem:s26], [sflag:$0x3] =	stream.linear.gather [hbm4b:s18+s4], $0x80, $0x38;
	[tilespmem:$0x17C40] =	vst v63  }
0x30: {  	_ =	swait.ge [sflag:s21], $0x80  }
0x31: {  	(drf) =	srem.u32 s31, s8;
	[sflag:s21] =	ssyncset.done $0x0  }
0x32: {  	[sflag:s21] =	ssyncadd.s32 $0xFFFFFF80  }
0x33: {  	[tilespmem:s28], [sflag:$0x3] =	stream.linear.gather [hbm4b:s17+s4], $0x80, $0x38;
	[tilespmem:$0x17C40] =	vst v63  }
0x34: {  	_ =	swait.ge [sflag:s21], $0x80  }
0x35: {  	[sflag:s21] =	ssyncset.done $0x0  }
0x36: {  	[sflag:s21] =	ssyncadd.s32 $0xFFFFFF80  }
0x37: {  	[tilespmem:s29], [sflag:$0x2] =	stream.indirect.gather [spmem:s2], $0x40, s26, s22, $0xb8;
	[tilespmem:$0x17C40] =	vst v63  }
0x38: {  	_ =	swait.ge [sflag:s30], $0x2000  }
0x39: {  	[sflag:s30] =	ssyncset.done $0x0  }
0x3a: {  	s10 =	spop (drf);
	[sflag:s30] =	ssyncadd.s32 $0xFFFFE000  }
0x3b: {  	[spmem:s3] =	stream.indirect.scatter.add.f32 [tilespmem:s25], [sflag:$0x3], $0x40, s22, s22, $0xb8;
	[tilespmem:$0x17C40] =	vst v63  }
0x3c: {  	s10 =	sadd.s32 s7, s10;
	_ =	swait.ge [sflag:s21], $0x2000  }
0x3d: {  	s10 =	sshll.u32 s10, $0x4;
	[sflag:s21] =	ssyncset.done $0x0  }
0x3e: {  	s12 =	sadd.s32 s5, s10;
	[sflag:s21] =	ssyncadd.s32 $0xFFFFE000  }
0x3f: {  	[tilespmem:s4], [sflag:$0x3] =	stream.linear.gather [hbm4b:s12+s4], $0x80, $0x38;
	[tilespmem:$0x17C40] =	vst v63  }
0x40: {  	_ =	swait.ge [sflag:s21], $0x80  }
0x41: {  	[sflag:s21] =	ssyncset.done $0x0  }
0x42: {  	s10 =	sadd.s32 s6, s10;
	[sflag:s21] =	ssyncadd.s32 $0xFFFFFF80  }
0x43: {  	[tilespmem:s22], [sflag:$0x3] =	stream.linear.gather [hbm4b:s10+s4], $0x80, $0x38;
	[tilespmem:$0x17C40] =	vst v63  }
0x44: {  	_ =	swait.ge [sflag:s21], $0x80  }
0x45: {  	[sflag:s21] =	ssyncset.done $0x0  }
0x46: {  	[sflag:s21] =	ssyncadd.s32 $0xFFFFFF80  }
0x47: {  	[tilespmem:s25], [sflag:$0x1] =	stream.indirect.gather [spmem:s2], $0x40, s4, s22, $0xb8;
	[tilespmem:$0x17C40] =	vst v63  }
0x48: {  	p0 =	sne.s32 s16, $0x1;
	_ =	swait.ge [sflag:s31], $0x2000  }
.Ltmp0:
0x49: {  	[sflag:s31] =	ssyncset.done $0x0;
	(pc) =	sbr.rel @!p0 .LBB2_3-.Ltmp0, $4  }
0x4a: {  	[sflag:s31] =	ssyncadd.s32 $0xFFFFE000  }
0x4b: {  	[spmem:s3] =	stream.indirect.scatter.add.f32 [tilespmem:s29], [sflag:$0x3], $0x40, s28, s22, $0xb8;
	[tilespmem:$0x17C40] =	vst v63  }
0x4c: {  	s19 =	smov.u32 s17;
	s20 =	smov.u32 s18;
	_ =	swait.ge [sflag:s21], $0x2000  }
0x4d: {  	s12 =	simm.s32 $0x4;
	s10 =	sadd.s32 $0xFFFFFFFF, s16;
	[sflag:s21] =	ssyncset.done $0x0  }
.LBB2_2:
0x4e: {  	[sflag:s21] =	ssyncadd.s32 $0xFFFFE000;
	s19 =	sadd.s32 $0x20, s19;
	s20 =	sadd.s32 $0x20, s20  }
0x4f: {  	[tilespmem:s26], [sflag:$0x3] =	stream.linear.gather [hbm4b:s20+s4], $0x80, $0x38;
	[tilespmem:$0x17C40] =	vst v63  }
0x50: {  	_ =	swait.ge [sflag:s21], $0x80  }
0x51: {  	p1 =	sne.s32 s10, $0x1;
	(drf) =	srem.u32 s12, s8  }
0x52: {  	s10 =	sadd.s32 $0xFFFFFFFF, s10;
	[sflag:s21] =	ssyncset.done $0x0  }
0x53: {  	[sflag:s21] =	ssyncadd.s32 $0xFFFFFF80  }
0x54: {  	[tilespmem:s28], [sflag:$0x3] =	stream.linear.gather [hbm4b:s19+s4], $0x80, $0x38;
	[tilespmem:$0x17C40] =	vst v63  }
0x55: {  	_ =	swait.ge [sflag:s21], $0x80  }
0x56: {  	[sflag:s21] =	ssyncset.done $0x0  }
0x57: {  	[sflag:s21] =	ssyncadd.s32 $0xFFFFFF80  }
0x58: {  	[tilespmem:s29], [sflag:$0x2] =	stream.indirect.gather [spmem:s2], $0x40, s26, s22, $0xb8;
	[tilespmem:$0x17C40] =	vst v63  }
0x59: {  	_ =	swait.ge [sflag:s30], $0x2000  }
0x5a: {  	[sflag:s30] =	ssyncset.done $0x0;
	s23 =	spop (drf)  }
0x5b: {  	[sflag:s30] =	ssyncadd.s32 $0xFFFFE000;
	s23 =	sadd.s32 s7, s23  }
0x5c: {  	[spmem:s3] =	stream.indirect.scatter.add.f32 [tilespmem:s25], [sflag:$0x3], $0x40, s22, s22, $0xb8;
	[tilespmem:$0x17C40] =	vst v63  }
0x5d: {  	s23 =	sshll.u32 s23, $0x4;
	_ =	swait.ge [sflag:s21], $0x2000  }
0x5e: {  	[sflag:s21] =	ssyncset.done $0x0  }
0x5f: {  	s24 =	sadd.s32 s5, s23;
	[sflag:s21] =	ssyncadd.s32 $0xFFFFE000  }
0x60: {  	[tilespmem:s4], [sflag:$0x3] =	stream.linear.gather [hbm4b:s24+s4], $0x80, $0x38;
	[tilespmem:$0x17C40] =	vst v63  }
0x61: {  	_ =	swait.ge [sflag:s21], $0x80  }
0x62: {  	[sflag:s21] =	ssyncset.done $0x0  }
0x63: {  	s23 =	sadd.s32 s6, s23;
	[sflag:s21] =	ssyncadd.s32 $0xFFFFFF80  }
0x64: {  	[tilespmem:s22], [sflag:$0x3] =	stream.linear.gather [hbm4b:s23+s4], $0x80, $0x38;
	[tilespmem:$0x17C40] =	vst v63  }
0x65: {  	_ =	swait.ge [sflag:s21], $0x80  }
0x66: {  	[sflag:s21] =	ssyncset.done $0x0  }
0x67: {  	[sflag:s21] =	ssyncadd.s32 $0xFFFFFF80  }
0x68: {  	[tilespmem:s25], [sflag:$0x1] =	stream.indirect.gather [spmem:s2], $0x40, s4, s22, $0xb8;
	[tilespmem:$0x17C40] =	vst v63  }
0x69: {  	_ =	swait.ge [sflag:s31], $0x2000  }
.Ltmp1:
0x6a: {  	[sflag:s31] =	ssyncset.done $0x0;
	(pc) =	sbr.rel @p1 .LBB2_2-.Ltmp1, $4  }
0x6b: {  	[sflag:s31] =	ssyncadd.s32 $0xFFFFE000  }
0x6c: {  	[spmem:s3] =	stream.indirect.scatter.add.f32 [tilespmem:s29], [sflag:$0x3], $0x40, s28, s22, $0xb8;
	[tilespmem:$0x17C40] =	vst v63  }
0x6d: {  	_ =	swait.ge [sflag:s21], $0x2000  }
0x6e: {  	s12 =	sadd.s32 $0x2, s12;
	[sflag:s21] =	ssyncset.done $0x0  }
.LBB2_3:
0x6f: {  	[sflag:s21] =	ssyncadd.s32 $0xFFFFE000  }
0x70: {  	_ =	swait.ge [sflag:s30], $0x2000  }
0x71: {  	[sflag:s30] =	ssyncset.done $0x0  }
0x72: {  	[sflag:s30] =	ssyncadd.s32 $0xFFFFE000  }
0x73: {  	[bflag:$0x0] =	sbarrier.arrive $0xFFFF  }
0x74: {  	s10 =	rddreg [dreg:$0xa]  }
0x75: {  	[hbm:s10], [sflag:s11] =	dma.local [spmem:s1], $0x13C0  }
0x76: {  	_ =	swait.ge [sflag:s21], $0x13C0  }
0x77: {  	[sflag:s21] =	ssyncset.done $0x0  }
0x78: {  	[sflag:s21] =	ssyncadd.s32 $0xFFFFEC40  }
0x79: {  	[bflag:$0x0] =	sbarrier.arrive $0xFFFF  }
0x7a: {  	s20 =	rddreg [dreg:$0x8]  }
0x7b: {  	[spmem:s9], [sflag:s11] =	dma.local [hbm:s20], $0x1388  }
0x7c: {  	_ =	swait.ge [sflag:s21], $0x1388  }
0x7d: {  	[sflag:s21] =	ssyncset.done $0x0  }
0x7e: {  	[sflag:s21] =	ssyncadd.s32 $0xFFFFEC78  }
0x7f: {  	[spmem:s1], [sflag:s11] =	dma.local [hbm:s13], $0x13C0  }
0x80: {  	_ =	swait.ge [sflag:s21], $0x13C0  }
0x81: {  	[sflag:s21] =	ssyncset.done $0x0  }
0x82: {  	[sflag:s21] =	ssyncadd.s32 $0xFFFFEC40  }
0x83: {  	[tilespmem:s4], [sflag:$0x3] =	stream.linear.gather [hbm4b:s14+s4], $0x80, $0x38;
	[tilespmem:$0x17C40] =	vst v63  }
0x84: {  	_ =	swait.ge [sflag:s21], $0x80  }
0x85: {  	[sflag:s21] =	ssyncset.done $0x0  }
0x86: {  	[sflag:s21] =	ssyncadd.s32 $0xFFFFFF80  }
0x87: {  	[tilespmem:s22], [sflag:$0x3] =	stream.linear.gather [hbm4b:s15+s4], $0x80, $0x38;
	[tilespmem:$0x17C40] =	vst v63  }
0x88: {  	_ =	swait.ge [sflag:s21], $0x80  }
0x89: {  	[sflag:s21] =	ssyncset.done $0x0  }
0x8a: {  	[sflag:s21] =	ssyncadd.s32 $0xFFFFFF80  }
0x8b: {  	[bflag:$0x0] =	sbarrier.arrive $0xFFFF  }
0x8c: {  	[tilespmem:s25], [sflag:$0x1] =	stream.indirect.gather [spmem:s2], $0x40, s4, s22, $0xb8;
	[tilespmem:$0x17C40] =	vst v63  }
0x8d: {  	_ = 	snop  }
0x8e: {  	[tilespmem:s26], [sflag:$0x3] =	stream.linear.gather [hbm4b:s18+s4], $0x80, $0x38;
	[tilespmem:$0x17C40] =	vst v63  }
0x8f: {  	s23 =	simm.s32 $0x2;
	_ =	swait.ge [sflag:s21], $0x80  }
0x90: {  	(drf) =	srem.u32 s23, s8;
	[sflag:s21] =	ssyncset.done $0x0  }
0x91: {  	[sflag:s21] =	ssyncadd.s32 $0xFFFFFF80  }
0x92: {  	[tilespmem:s28], [sflag:$0x3] =	stream.linear.gather [hbm4b:s17+s4], $0x80, $0x38;
	[tilespmem:$0x17C40] =	vst v63  }
0x93: {  	_ =	swait.ge [sflag:s21], $0x80  }
0x94: {  	[sflag:s21] =	ssyncset.done $0x0  }
0x95: {  	[sflag:s21] =	ssyncadd.s32 $0xFFFFFF80  }
0x96: {  	[tilespmem:s29], [sflag:$0x2] =	stream.indirect.gather [spmem:s2], $0x40, s26, s22, $0xb8;
	[tilespmem:$0x17C40] =	vst v63  }
0x97: {  	_ =	swait.ge [sflag:s30], $0x2000  }
0x98: {  	[sflag:s30] =	ssyncset.done $0x0  }
0x99: {  	s9 =	spop (drf);
	[sflag:s30] =	ssyncadd.s32 $0xFFFFE000  }
0x9a: {  	[spmem:s3] =	stream.indirect.scatter.add.f32 [tilespmem:s25], [sflag:$0x3], $0x40, s22, s22, $0xb8;
	[tilespmem:$0x17C40] =	vst v63  }
0x9b: {  	s9 =	sadd.s32 s7, s9;
	_ =	swait.ge [sflag:s21], $0x2000  }
0x9c: {  	s9 =	sshll.u32 s9, $0x4;
	[sflag:s21] =	ssyncset.done $0x0  }
0x9d: {  	s24 =	sadd.s32 s5, s9;
	[sflag:s21] =	ssyncadd.s32 $0xFFFFE000  }
0x9e: {  	[tilespmem:s4], [sflag:$0x3] =	stream.linear.gather [hbm4b:s24+s4], $0x80, $0x38;
	[tilespmem:$0x17C40] =	vst v63  }
0x9f: {  	_ =	swait.ge [sflag:s21], $0x80  }
0xa0: {  	[sflag:s21] =	ssyncset.done $0x0  }
0xa1: {  	s9 =	sadd.s32 s6, s9;
	[sflag:s21] =	ssyncadd.s32 $0xFFFFFF80  }
0xa2: {  	[tilespmem:s22], [sflag:$0x3] =	stream.linear.gather [hbm4b:s9+s4], $0x80, $0x38;
	[tilespmem:$0x17C40] =	vst v63  }
0xa3: {  	_ =	swait.ge [sflag:s21], $0x80  }
0xa4: {  	[sflag:s21] =	ssyncset.done $0x0  }
0xa5: {  	[sflag:s21] =	ssyncadd.s32 $0xFFFFFF80  }
0xa6: {  	[tilespmem:s25], [sflag:$0x1] =	stream.indirect.gather [spmem:s2], $0x40, s4, s22, $0xb8;
	[tilespmem:$0x17C40] =	vst v63  }
0xa7: {  	_ =	swait.ge [sflag:s31], $0x2000  }
.Ltmp2:
0xa8: {  	[sflag:s31] =	ssyncset.done $0x0;
	(pc) =	sbr.rel @!p0 .LBB2_5-.Ltmp2, $4  }
0xa9: {  	[sflag:s31] =	ssyncadd.s32 $0xFFFFE000  }
0xaa: {  	[spmem:s3] =	stream.indirect.scatter.add.f32 [tilespmem:s29], [sflag:$0x3], $0x40, s28, s22, $0xb8;
	[tilespmem:$0x17C40] =	vst v63  }
0xab: {  	s12 =	smov.u32 s17;
	s19 =	smov.u32 s18;
	_ =	swait.ge [sflag:s21], $0x2000  }
0xac: {  	s10 =	simm.s32 $0x4;
	s9 =	sadd.s32 $0xFFFFFFFF, s16;
	[sflag:s21] =	ssyncset.done $0x0  }
.LBB2_4:
0xad: {  	[sflag:s21] =	ssyncadd.s32 $0xFFFFE000;
	s12 =	sadd.s32 $0x20, s12;
	s19 =	sadd.s32 $0x20, s19  }
0xae: {  	[tilespmem:s26], [sflag:$0x3] =	stream.linear.gather [hbm4b:s19+s4], $0x80, $0x38;
	[tilespmem:$0x17C40] =	vst v63  }
0xaf: {  	_ =	swait.ge [sflag:s21], $0x80  }
0xb0: {  	p0 =	sne.s32 s9, $0x1;
	(drf) =	srem.u32 s10, s8  }
0xb1: {  	s9 =	sadd.s32 $0xFFFFFFFF, s9;
	[sflag:s21] =	ssyncset.done $0x0  }
0xb2: {  	[sflag:s21] =	ssyncadd.s32 $0xFFFFFF80  }
0xb3: {  	[tilespmem:s28], [sflag:$0x3] =	stream.linear.gather [hbm4b:s12+s4], $0x80, $0x38;
	[tilespmem:$0x17C40] =	vst v63  }
0xb4: {  	_ =	swait.ge [sflag:s21], $0x80  }
0xb5: {  	[sflag:s21] =	ssyncset.done $0x0  }
0xb6: {  	[sflag:s21] =	ssyncadd.s32 $0xFFFFFF80  }
0xb7: {  	[tilespmem:s29], [sflag:$0x2] =	stream.indirect.gather [spmem:s2], $0x40, s26, s22, $0xb8;
	[tilespmem:$0x17C40] =	vst v63  }
0xb8: {  	_ =	swait.ge [sflag:s30], $0x2000  }
0xb9: {  	[sflag:s30] =	ssyncset.done $0x0;
	s20 =	spop (drf)  }
0xba: {  	[sflag:s30] =	ssyncadd.s32 $0xFFFFE000;
	s20 =	sadd.s32 s7, s20  }
0xbb: {  	[spmem:s3] =	stream.indirect.scatter.add.f32 [tilespmem:s25], [sflag:$0x3], $0x40, s22, s22, $0xb8;
	[tilespmem:$0x17C40] =	vst v63  }
0xbc: {  	s20 =	sshll.u32 s20, $0x4;
	_ =	swait.ge [sflag:s21], $0x2000  }
0xbd: {  	[sflag:s21] =	ssyncset.done $0x0  }
0xbe: {  	s23 =	sadd.s32 s5, s20;
	[sflag:s21] =	ssyncadd.s32 $0xFFFFE000  }
0xbf: {  	[tilespmem:s4], [sflag:$0x3] =	stream.linear.gather [hbm4b:s23+s4], $0x80, $0x38;
	[tilespmem:$0x17C40] =	vst v63  }
0xc0: {  	_ =	swait.ge [sflag:s21], $0x80  }
0xc1: {  	[sflag:s21] =	ssyncset.done $0x0  }
0xc2: {  	s20 =	sadd.s32 s6, s20;
	[sflag:s21] =	ssyncadd.s32 $0xFFFFFF80  }
0xc3: {  	[tilespmem:s22], [sflag:$0x3] =	stream.linear.gather [hbm4b:s20+s4], $0x80, $0x38;
	[tilespmem:$0x17C40] =	vst v63  }
0xc4: {  	_ =	swait.ge [sflag:s21], $0x80  }
0xc5: {  	[sflag:s21] =	ssyncset.done $0x0  }
0xc6: {  	[sflag:s21] =	ssyncadd.s32 $0xFFFFFF80  }
0xc7: {  	[tilespmem:s25], [sflag:$0x1] =	stream.indirect.gather [spmem:s2], $0x40, s4, s22, $0xb8;
	[tilespmem:$0x17C40] =	vst v63  }
0xc8: {  	_ =	swait.ge [sflag:s31], $0x2000  }
.Ltmp3:
0xc9: {  	[sflag:s31] =	ssyncset.done $0x0;
	(pc) =	sbr.rel @p0 .LBB2_4-.Ltmp3, $4  }
0xca: {  	[sflag:s31] =	ssyncadd.s32 $0xFFFFE000  }
0xcb: {  	[spmem:s3] =	stream.indirect.scatter.add.f32 [tilespmem:s29], [sflag:$0x3], $0x40, s28, s22, $0xb8;
	[tilespmem:$0x17C40] =	vst v63  }
0xcc: {  	_ =	swait.ge [sflag:s21], $0x2000  }
0xcd: {  	s10 =	sadd.s32 $0x2, s10;
	[sflag:s21] =	ssyncset.done $0x0  }
.LBB2_5:
0xce: {  	[sflag:s21] =	ssyncadd.s32 $0xFFFFE000  }
0xcf: {  	_ =	swait.ge [sflag:s30], $0x2000  }
0xd0: {  	[sflag:s30] =	ssyncset.done $0x0  }
0xd1: {  	[sflag:s30] =	ssyncadd.s32 $0xFFFFE000  }
0xd2: {  	[bflag:$0x0] =	sbarrier.arrive $0xFFFF  }
0xd3: {  	s9 =	rddreg [dreg:$0xb]  }
0xd4: {  	[hbm:s9], [sflag:s11] =	dma.local [spmem:s1], $0x13C0  }
0xd5: {  	_ =	swait.ge [sflag:s21], $0x13C0  }
0xd6: {  	s0 =	sadd.s32 $0x1, s0;
	s24 =	rddreg [dreg:$0x9]  }
0xd7: {  	p0 =	sne.s32 s0, s24  }
.Ltmp4:
0xd8: {  	_ = 	snop;
	(pc) =	sbr.rel @p0 .LBB2_1-.Ltmp4, $3  }
0xd9: {  	_ =	sdelay $0x1  }
0xda: {  	[sflag:s21] =	ssyncset.done $0x0  }
0xdb: {  	[sflag:s21] =	ssyncadd.s32 $0xFFFFEC40  }
0xdc: {  	_ =	sfence.sel $0x180000  }
0xdd: {  	[bflag:$0x0] =	sbarrier.arrive $0xFFFF  }
0xde: {  	_ =	strace $0x9000004A  }
0xdf: {  	s0 =	stileid.u32;
	[bflag:$0x2] =	sbarrier.arrive $0xFFFF  }
0xe0: {  	p0 =	sne.s32 s0, $0x0;
	s0 =	rddreg [dreg:$0x4]  }
0xe1: {  	s0 =	sadd.s32 @!p0 $0x100000, s0  }
0xe2: {  	[sflag:s0] =	ssyncadd.tile.s32 @!p0 $0x1;
	_ =	shalt  }
.Lfunc_end2:
_tile_overlayer_lowered:
.L_overlay_start_2:
0xe3: {  	(tag) =	ssettag $0x2  }
0xe4: {  	s0 =	rddreg [dreg:$0x0];
	s2 =	stileid.u32  }
0xe5: {  	s1 =	rddreg [dreg:$0x1];
	p0 =	sne.s32 s2, $0x0  }
0xe6: {  	s3 =	rddreg [dreg:$0x2];
	[bflag:$0x3] =	sbarrier.arrive $0xFFFF;
	s2 =	simm.s32 @!p0 $0x1C03  }
0xe7: {  	[timem:s3], [sflag:s2] =	dma.local @!p0 [hbm:s0], s1  }
0xe8: {  	s0 =	simm.s32 @!p0 $0x3  }
0xe9: {  	_ =	swait.ge @!p0 [sflag:s0], s1  }
0xea: {  	s1 =	ssub.s32 @!p0 $0x0, s1;
	[sflag:s0] =	ssyncset.done @!p0 $0x0  }
0xeb: {  	[sflag:s0] =	ssyncadd.s32 @!p0 s1  }
0xec: {  	[bflag:$0x3] =	sbarrier.arrive $0xFFFF  }
0xed: {  	_ =	shalt  }

// kernel: kernel.16.cloned.1.call-start
scs
__scs_entry_jumppad:
0x0: {  	(pc) =	sbr.rel $0x88, $3  }
0x1: {  	(tag) =	ssettag $0x0;
	lr =	simm.s32 $0x1  }
0x2: {  	[smem:$0x3F96] =	sst lr;
	_ =	strace $0xD0000000  }
0x3: {  	_ = 	snop  }
0x4: {  	_ = 	snop  }
0x5: {  	_ = 	snop  }
0x6: {  	_ = 	snop  }
0x7: {  	_ = 	snop  }
__scs_overlays_trampoline_lowered:
0x8: {  	[smem:$0x3FA5] =	sst s0  }
0x9: {  	[smem:$0x3FA6] =	sst s1  }
0xa: {  	[smem:$0x3FA7] =	sst s2  }
0xb: {  	[smem:$0x3FA8] =	sst s3  }
0xc: {  	[smem:$0x3FA9] =	sst s4  }
0xd: {  	[smem:$0x3FAA] =	sst s5  }
0xe: {  	[smem:$0x3FAB] =	sst s6  }
0xf: {  	[smem:$0x3FAC] =	sst s7  }
0x10: {  	[smem:$0x3FAD] =	sst s8  }
0x11: {  	[smem:$0x3FAE] =	sst s9;
	s0 =	simm.s32 @!p0 $0x0  }
0x12: {  	s1 =	sld [smem:$0x3F94];
	s0 =	simm.s32 @p0 $0x1  }
0x13: {  	[smem:$0x3FAF] =	sst s0;
	s0 =	simm.s32 @!p1 $0x0  }
0x14: {  	s2 =	sld [smem:$0x3F93];
	s0 =	simm.s32 @p1 $0x1  }
0x15: {  	[smem:$0x3FB0] =	sst s0;
	s0 =	simm.s32 @!p2 $0x0  }
0x16: {  	s3 =	sld [smem:$0x3FDB];
	s0 =	simm.s32 @p2 $0x1  }
0x17: {  	s4 =	simm.s32 $0x1BF5;
	[smem:$0x3FB2] =	sst s0  }
0x18: {  	s0 =	sld [smem:$0x3F95];
	_ =	swait.ge [sflag:s4], $0x0  }
0x19: {  	s7 =	sld [smem:$0x3F96]  }
0x1a: {  	s8 =	sadd.s32 $0xFFFFE003, lr  }
0x1b: {  	s9 =	sadd.s32 $0xFFFFFEF7, lr;
	s5 =	simm.s32 $0xFFFFFFFF;
	p2 =	slt.u32 s8, $0xFFFFF086  }
0x1c: {  	p1 =	slt.u32 s9, $0xF7A;
	s5 =	simm.s32 @!p2 $0x0  }
0x1d: {  	s5 =	simm.s32 @p1 $0x1;
	p0 =	seq.s32 s7, s2  }
0x1e: {  	s7 =	smul.u32 @!p0 $0xF7A, s2;
	p2 =	seq.s32 @!p0 s5, $0x0  }
0x1f: {  	s9 =	smul.u32 $0xF7A, s1;
	s8 =	simm.s32 @!p0 $0x1BF5;
	p2 =	por !p2, p0  }
0x20: {  	[sflag:s8] =	ssyncset.s32 @!p0 $0xFFFFF086;
	s6 =	sadd.s32 @!p0 s3, s7;
	s7 =	simm.s32 @!p0 $0x108  }
0x21: {  	s3 =	sadd.s32 s3, s9;
	s6 =	sadd.s32 @!p0 $0x88, s6;
	s7 =	simm.s32 @p2 $0x1082  }
0x22: {  	[simem:s7], [sflag:s8] =	dma.local @!p0 [hbm:s6], $0xF7A  }
0x23: {  	s9 =	sor.u32 $0xD0000000, s2;
	s6 =	simm.s32 $0x108;
	_ =	swait.ge @!p0 [sflag:s8], $0x0  }
0x24: {  	s3 =	sadd.s32 $0x88, s3;
	s6 =	simm.s32 @!p1 $0x1082;
	[sflag:s4] =	ssyncset.s32 $0xFFFFF086  }
0x25: {  	[simem:s6], [sflag:s4] =	dma.local [hbm:s3], $0xF7A  }
0x26: {  	[smem:$0x3F96] =	sst s1;
	(tag) =	ssettag s2;
	_ =	strace s9  }
0x27: {  	s1 =	sld [smem:$0x3FA6]  }
0x28: {  	s2 =	sld [smem:$0x3FA7]  }
0x29: {  	s4 =	sld [smem:$0x3FA9]  }
0x2a: {  	p0 =	seq.s32 s5, $0x0;
	s5 =	sld [smem:$0x3FAA]  }
0x2b: {  	s6 =	sld [smem:$0x3FAB]  }
0x2c: {  	s7 =	sld [smem:$0x3FAC]  }
0x2d: {  	s3 =	simm.s32 $0x108;
	s8 =	sld [smem:$0x3FAD]  }
0x2e: {  	s3 =	simm.s32 @!p0 $0x1082;
	s9 =	sld [smem:$0x3FAE]  }
0x2f: {  	lr =	sadd.s32 s0, s3;
	s0 =	sld [smem:$0x3FA5]  }
0x30: {  	s3 =	sld [smem:$0x3FA8]  }
0x31: {  	[smem:$0x3FB1] =	sst s10  }
0x32: {  	s10 =	sld [smem:$0x3FAF];
	_ =	sdelay $0x3  }
0x33: {  	p0 =	seq.s32 s10, $0x1;
	s10 =	sld [smem:$0x3FB1];
	_ =	sdelay $0x3  }
0x34: {  	[smem:$0x3FB1] =	sst s10  }
0x35: {  	s10 =	sld [smem:$0x3FB0];
	_ =	sdelay $0x3  }
0x36: {  	p1 =	seq.s32 s10, $0x1;
	s10 =	sld [smem:$0x3FB1];
	_ =	sdelay $0x3  }
0x37: {  	[smem:$0x3FB1] =	sst s10  }
0x38: {  	s10 =	sld [smem:$0x3FB2]  }
0x39: {  	_ = 	snop;
	(pc) =	sbr.ind lr, $3  }
0x3a: {  	_ = 	snop  }
0x3b: {  	_ = 	snop  }
0x3c: {  	p2 =	seq.s32 s10, $0x1;
	s10 =	sld [smem:$0x3FB1]  }
0x3d: {  	_ =	shalt  }
0x3e: {  	_ =	shalt  }
0x3f: {  	_ =	shalt  }
0x40: {  	_ =	shalt  }
0x41: {  	_ =	shalt  }
0x42: {  	_ =	shalt  }
0x43: {  	_ =	shalt  }
0x44: {  	_ =	shalt  }
0x45: {  	_ =	shalt  }
0x46: {  	_ =	shalt  }
0x47: {  	_ =	shalt  }
0x48: {  	_ =	shalt  }
0x49: {  	_ =	shalt  }
0x4a: {  	_ =	shalt  }
0x4b: {  	_ =	shalt  }
0x4c: {  	_ =	shalt  }
0x4d: {  	_ =	shalt  }
0x4e: {  	_ =	shalt  }
0x4f: {  	_ =	shalt  }
0x50: {  	_ =	shalt  }
0x51: {  	_ =	shalt  }
0x52: {  	_ =	shalt  }
0x53: {  	_ =	shalt  }
0x54: {  	_ =	shalt  }
0x55: {  	_ =	shalt  }
0x56: {  	_ =	shalt  }
0x57: {  	_ =	shalt  }
0x58: {  	_ =	shalt  }
0x59: {  	_ =	shalt  }
0x5a: {  	_ =	shalt  }
0x5b: {  	_ =	shalt  }
0x5c: {  	_ =	shalt  }
0x5d: {  	_ =	shalt  }
0x5e: {  	_ =	shalt  }
0x5f: {  	_ =	shalt  }
0x60: {  	_ =	shalt  }
0x61: {  	_ =	shalt  }
0x62: {  	_ =	shalt  }
0x63: {  	_ =	shalt  }
0x64: {  	_ =	shalt  }
0x65: {  	_ =	shalt  }
0x66: {  	_ =	shalt  }
0x67: {  	_ =	shalt  }
0x68: {  	_ =	shalt  }
0x69: {  	_ =	shalt  }
0x6a: {  	_ =	shalt  }
0x6b: {  	_ =	shalt  }
0x6c: {  	_ =	shalt  }
0x6d: {  	_ =	shalt  }
0x6e: {  	_ =	shalt  }
0x6f: {  	_ =	shalt  }
0x70: {  	_ =	shalt  }
0x71: {  	_ =	shalt  }
0x72: {  	_ =	shalt  }
0x73: {  	_ =	shalt  }
0x74: {  	_ =	shalt  }
0x75: {  	_ =	shalt  }
0x76: {  	_ =	shalt  }
0x77: {  	_ =	shalt  }
0x78: {  	_ =	shalt  }
0x79: {  	_ =	shalt  }
0x7a: {  	_ =	shalt  }
0x7b: {  	_ =	shalt  }
0x7c: {  	_ =	shalt  }
0x7d: {  	_ =	shalt  }
0x7e: {  	_ =	shalt  }
0x7f: {  	_ =	shalt  }
0x80: {  	_ =	shalt  }
0x81: {  	_ =	shalt  }
0x82: {  	_ =	shalt  }
0x83: {  	_ =	shalt  }
0x84: {  	_ =	shalt  }
0x85: {  	_ =	shalt  }
0x86: {  	_ =	shalt  }
0x87: {  	_ =	shalt  }
.Lfunc_end0:
.L_simem_size_0:
called_computation.2_lowered:
.L_overlay_start_0:
0x88: {  	s2 =	sld [smem:$0x3FD9]  }
0x89: {  	s3 =	sld [smem:$0x3FFE];
	_ =	sdelay $0x1  }
0x8a: {  	s1 =	srdreg.scid  }
0x8b: {  	s0 =	sand.u32 $0x1, s1  }
0x8c: {  	s17 =	sshll.u32 s0, $0xA;
	s2 =	sadd.s32 s3, s2  }
0x8d: {  	s2 =	sadd.s32 s2, s17  }
0x8e: {  	[smem:$0x3FBD] =	sst s2  }
0x8f: {  	_ = 	snop  }
0x90: {  	s2 =	sld [smem:$0x3FD0];
	(tm) =	ssettm $0x1  }
0x91: {  	s18 =	sld [smem:$0x3FFB];
	_ =	sdelay $0x3  }
0x92: {  	_ =	strace s18  }
0x93: {  	s3 =	sld [smem:$0x3FFC];
	_ =	sdelay $0x3  }
0x94: {  	_ =	strace s3  }
0x95: {  	s3 =	sld [smem:$0x3FFD];
	_ =	sdelay $0x3  }
0x96: {  	_ =	strace s3  }
0x97: {  	_ =	strace $0x8FFFFFFF  }
0x98: {  	s19 =	sld [smem:$0x3FDB];
	_ =	sdelay $0x1  }
0x99: {  	s4 =	simm.s32 $_scs_section_size  }
0x9a: {  	s5 =	simm.s32 $_size__tile_overlayer_lowered;
	s6 =	simm.s32 $_tile_overlayer_lowered  }
0x9b: {  	s22 =	simm.s32 $0x1BFF;
	s21 =	sshll.u32 s6, $0x1;
	s3 =	sadd.s32 s4, s19  }
0x9c: {  	s7 =	simm.s32 $0x0;
	s20 =	sshll.u32 s5, $0x1;
	s5 =	sadd.s32 s21, s3  }
0x9d: {  	[timem:s7], [sflag:s22] =	dma.local [hbm:s5], s20  }
0x9e: {  	_ =	swait.ge [sflag:s22], s20  }
0x9f: {  	s4 =	ssub.s32 $0x0, s20;
	[sflag:s22] =	ssyncset.done $0x0  }
0xa0: {  	[sflag:s22] =	ssyncadd.s32 s4;
	_ =	sdelay $0x1  }
0xa1: {  	s23 =	simm.s32 $0x1B8B  }
0xa2: {  	_ =	swait.ge [sflag:s23], $0x1  }
0xa3: {  	[sflag:s23] =	ssyncset.done $0x0  }
0xa4: {  	s25 =	simm.s32 $0x1B8E;
	s24 =	sld [smem:$0x3FFE];
	[sflag:s23] =	ssyncadd.s32 $0xFFFFFFFF  }
0xa5: {  	s26 =	simm.s32 $execute0_lowered;
	[smem:$0x3FD2] =	sst s25  }
0xa6: {  	s5 =	sshll.u32 s26, $0x1;
	_ =	strace $0x8000004C;
	[dreg:$0x1] =	wrdreg $0xFFFFFFFF  }
0xa7: {  	s28 =	simm.s32 $_size_execute0_lowered;
	s3 =	sadd.s32 s3, s5;
	[dreg:$0x0] =	wrdreg $0x0  }
0xa8: {  	s5 =	sshll.u32 s28, $0x1;
	[dreg:$0x2] =	wrdreg s3  }
0xa9: {  	[dreg:$0x3] =	wrdreg s5  }
0xaa: {  	[dreg:$0x4] =	wrdreg $0xC0  }
0xab: {  	_ =	task [dreg:s7], $0x5FFFF  }
0xac: {  	[dreg:$0x1] =	wrdreg $0xFFFFFFFF  }
0xad: {  	[dreg:$0x0] =	wrdreg $0x60  }
0xae: {  	[dreg:$0x2] =	wrdreg s24  }
0xaf: {  	[dreg:$0x3] =	wrdreg s2  }
0xb0: {  	[dreg:$0x4] =	wrdreg $0x42000  }
0xb1: {  	[dreg:$0x5] =	wrdreg $0xDE400  }
0xb2: {  	[dreg:$0x6] =	wrdreg $0x9  }
0xb3: {  	_ =	task.clear_ibuf [dreg:s7], $0x7FFFF;
	_ =	strace $0x9000004C  }
0xb4: {  	s29 =	simm.s32 $0x9;
	_ =	strace $0x8000004E  }
0xb5: {  	_ =	swait.ge [sflag:s29], $0x1  }
0xb6: {  	[sflag:s29] =	ssyncadd.s32 $0xFFFFFFFF  }
0xb7: {  	_ =	strace $0x9000004E  }
0xb8: {  	_ =	sfence  }
0xb9: {  	s30 =	sld [smem:$0x0];
	_ =	sdelay $0x2  }
0xba: {  	s31 =	sshll.u32 s1, $0xD;
	s1 =	sshrl.u32 s1, $0x2  }
0xbb: {  	s3 =	sand.u32 $0x4000, s31;
	s1 =	sadd.s32 s1, s30  }
0xbc: {  	s0 =	sor.u32 s3, s0;
	s1 =	sshll.u32 s1, $0x11  }
0xbd: {  	s0 =	sor.u32 s1, s0  }
0xbe: {  	s0 =	sadd.s32 $0x8F2B, s0  }
0xbf: {  	[sflag:s0] =	ssyncadd.remote.s32 $0x1  }
0xc0: {  	_ =	sfence.sel $0xFFFF  }
0xc1: {  	[dreg:$0x0] =	wrdreg $0xFFFFFFFF;
	(pc) =	sbr.abs _section_cstart, $3  }
0xc2: {  	[dreg:$0x1] =	wrdreg $0xFFFFFFFF  }
0xc3: {  	_ =	task.clear_ibuf [dreg:s7], $0x2FFFF;
	_ =	strace $0x9FFFFFFF  }
0xc4: {  	(tm) =	ssettm $0x7FFFFFFF  }
0xc5: {  	_ =	shalt  }
tec
execute0_lowered:
.L_overlay_start_1:
0x0: {  	(tag) =	ssettag $0x1  }
0x1: {  	s0 =	rddreg [dreg:$0x0]  }
0x2: {  	s1 =	rddreg [dreg:$0x1]  }
0x3: {  	s2 =	rddreg [dreg:$0x2]  }
0x4: {  	s3 =	rddreg [dreg:$0x3];
	s4 =	simm.s32 $0x0  }
0x5: {  	s15 =	stileid.u32;
	s5 =	srdreg.scid;
	s28 =	simm.s32 $0x180  }
0x6: {  	s29 =	simm.s32 $0x2200;
	s30 =	simm.s32 $0x1;
	s9 =	smul.u32 $0x9C40, s15  }
0x7: {  	s31 =	simm.s32 $0x2;
	[smem:$0x7FF] =	sst s4;
	s8 =	smul.u32 $0x9E, s15  }
0x8: {  	s10 =	sand.u32 $0x1, s5;
	s5 =	sadd.s32 $0x2C00, s0;
	s16 =	smul.u32 $0x4F00, s15  }
0x9: {  	s6 =	sadd.s32 $0xCA00, s0;
	s20 =	sshll.u32 s15, $0x6;
	s12 =	smul.u32 $0x13C00, s10  }
0xa: {  	_ =	strace $0x8000004D;
	s7 =	ssub.s32 $0x2, s10;
	s14 =	smul.u32 $0x4E, s10  }
0xb: {  	p0 =	seq.s32 s10, $0x0;
	s10 =	smul.u32 $0x2700, s10;
	s11 =	sshrl.u32 s9, $0x3  }
0xc: {  	s13 =	sshrl.u32 s7, $0x1;
	s9 =	sadd.s32 s9, s2;
	s17 =	sadd.s32 s11, s0  }
0xd: {  	s18 =	sadd.s32 s12, s0;
	s19 =	ssub.s32 s7, s13;
	s7 =	sadd.s32 s14, s8  }
0xe: {  	s8 =	simm.s32 $0x4E;
	[dreg:$0x5] =	wrdreg s9;
	s14 =	smul.u32 $0x9E00, s15  }
0xf: {  	s22 =	sadd.s32 s10, s16;
	s0 =	sadd.s32 $0x8C600, s0;
	s8 =	simm.s32 @!p0 $0x50  }
0x10: {  	s11 =	sadd.s32 $0x51400, s17;
	s21 =	sshll.u32 s7, $0x4;
	s23 =	sadd.s32 $0x64E00, s18  }
0x11: {  	s24 =	sadd.s32 $0x3DA00, s17;
	s25 =	smax.u32 s19, $0x1;
	s0 =	sadd.s32 s12, s0  }
0x12: {  	[dreg:$0x6] =	wrdreg s11;
	s11 =	sor.u32 $0x1C03, s20;
	s20 =	sshrl.u32 s14, $0x3  }
0x13: {  	s9 =	sadd.s32 s14, s3;
	s14 =	sadd.s32 s5, s21;
	[dreg:$0x8] =	wrdreg s24  }
0x14: {  	s15 =	sadd.s32 s6, s21;
	s16 =	sshrl.u32 s8, $0x1;
	[dreg:$0x9] =	wrdreg s25  }
0x15: {  	s21 =	simm.s32 $0x3;
	s25 =	simm.s32 $0x200;
	[dreg:$0x7] =	wrdreg s9  }
0x16: {  	s13 =	sadd.s32 s1, s20;
	s1 =	sor.u32 $0x80, s22;
	s26 =	sadd.s32 s20, s23  }
0x17: {  	s22 =	simm.s32 $0x80;
	s0 =	sadd.s32 s20, s0;
	[dreg:$0xa] =	wrdreg s26  }
0x18: {  	s1 =	sshrl.u32 s1, $0x3;
	[dreg:$0xb] =	wrdreg s0;
	s26 =	simm.s32 $0x100  }
0x19: {  	s0 =	simm.s32 $0x0;
	s17 =	sadd.s32 s1, s6;
	s18 =	sadd.s32 s1, s5  }
.LBB2_1:
0x1a: {  	s1 =	rddreg [dreg:$0x5]  }
0x1b: {  	s23 =	rddreg [dreg:$0x6];
	s9 =	sshrl.u32 s1, $0x3  }
0x1c: {  	[spmem:s9], [sflag:s11] =	dma.local [hbm:s23], $0x1388  }
0x1d: {  	_ =	swait.ge [sflag:s21], $0x1388  }
0x1e: {  	[sflag:s21] =	ssyncset.done $0x0;
	s24 =	rddreg [dreg:$0x7]  }
0x1f: {  	[sflag:s21] =	ssyncadd.s32 $0xFFFFEC78;
	s1 =	sshrl.u32 s24, $0x3  }
0x20: {  	[spmem:s1], [sflag:s11] =	dma.local [hbm:s13], $0x13C0  }
0x21: {  	_ =	swait.ge [sflag:s21], $0x13C0  }
0x22: {  	[sflag:s21] =	ssyncset.done $0x0  }
0x23: {  	[sflag:s21] =	ssyncadd.s32 $0xFFFFEC40  }
0x24: {  	[tilespmem:s4], [sflag:$0x3] =	stream.linear.gather [hbm4b:s14+s4], $0x80, $0x38;
	[tilespmem:$0x17C40] =	vst v63  }
0x25: {  	_ =	swait.ge [sflag:s21], $0x80  }
0x26: {  	[sflag:s21] =	ssyncset.done $0x0  }
0x27: {  	[sflag:s21] =	ssyncadd.s32 $0xFFFFFF80  }
0x28: {  	[tilespmem:s22], [sflag:$0x3] =	stream.linear.gather [hbm4b:s15+s4], $0x80, $0x38;
	[tilespmem:$0x17C40] =	vst v63  }
0x29: {  	_ =	swait.ge [sflag:s21], $0x80  }
0x2a: {  	[sflag:s21] =	ssyncset.done $0x0  }
0x2b: {  	[sflag:s21] =	ssyncadd.s32 $0xFFFFFF80  }
0x2c: {  	[bflag:$0x0] =	sbarrier.arrive $0xFFFF  }
0x2d: {  	[tilespmem:s25], [sflag:$0x1] =	stream.indirect.gather [spmem:s2], $0x40, s4, s22, $0xb8;
	[tilespmem:$0x17C40] =	vst v63  }
0x2e: {  	_ = 	snop  }
0x2f: {  	[tilespmem:s26], [sflag:$0x3] =	stream.linear.gather [hbm4b:s18+s4], $0x80, $0x38;
	[tilespmem:$0x17C40] =	vst v63  }
0x30: {  	_ =	swait.ge [sflag:s21], $0x80  }
0x31: {  	(drf) =	srem.u32 s31, s8;
	[sflag:s21] =	ssyncset.done $0x0  }
0x32: {  	[sflag:s21] =	ssyncadd.s32 $0xFFFFFF80  }
0x33: {  	[tilespmem:s28], [sflag:$0x3] =	stream.linear.gather [hbm4b:s17+s4], $0x80, $0x38;
	[tilespmem:$0x17C40] =	vst v63  }
0x34: {  	_ =	swait.ge [sflag:s21], $0x80  }
0x35: {  	[sflag:s21] =	ssyncset.done $0x0  }
0x36: {  	[sflag:s21] =	ssyncadd.s32 $0xFFFFFF80  }
0x37: {  	[tilespmem:s29], [sflag:$0x2] =	stream.indirect.gather [spmem:s2], $0x40, s26, s22, $0xb8;
	[tilespmem:$0x17C40] =	vst v63  }
0x38: {  	_ =	swait.ge [sflag:s30], $0x2000  }
0x39: {  	[sflag:s30] =	ssyncset.done $0x0  }
0x3a: {  	s10 =	spop (drf);
	[sflag:s30] =	ssyncadd.s32 $0xFFFFE000  }
0x3b: {  	[spmem:s3] =	stream.indirect.scatter.add.f32 [tilespmem:s25], [sflag:$0x3], $0x40, s22, s22, $0xb8;
	[tilespmem:$0x17C40] =	vst v63  }
0x3c: {  	s10 =	sadd.s32 s7, s10;
	_ =	swait.ge [sflag:s21], $0x2000  }
0x3d: {  	s10 =	sshll.u32 s10, $0x4;
	[sflag:s21] =	ssyncset.done $0x0  }
0x3e: {  	s12 =	sadd.s32 s5, s10;
	[sflag:s21] =	ssyncadd.s32 $0xFFFFE000  }
0x3f: {  	[tilespmem:s4], [sflag:$0x3] =	stream.linear.gather [hbm4b:s12+s4], $0x80, $0x38;
	[tilespmem:$0x17C40] =	vst v63  }
0x40: {  	_ =	swait.ge [sflag:s21], $0x80  }
0x41: {  	[sflag:s21] =	ssyncset.done $0x0  }
0x42: {  	s10 =	sadd.s32 s6, s10;
	[sflag:s21] =	ssyncadd.s32 $0xFFFFFF80  }
0x43: {  	[tilespmem:s22], [sflag:$0x3] =	stream.linear.gather [hbm4b:s10+s4], $0x80, $0x38;
	[tilespmem:$0x17C40] =	vst v63  }
0x44: {  	_ =	swait.ge [sflag:s21], $0x80  }
0x45: {  	[sflag:s21] =	ssyncset.done $0x0  }
0x46: {  	[sflag:s21] =	ssyncadd.s32 $0xFFFFFF80  }
0x47: {  	[tilespmem:s25], [sflag:$0x1] =	stream.indirect.gather [spmem:s2], $0x40, s4, s22, $0xb8;
	[tilespmem:$0x17C40] =	vst v63  }
0x48: {  	p0 =	sne.s32 s16, $0x1;
	_ =	swait.ge [sflag:s31], $0x2000  }
.Ltmp0:
0x49: {  	[sflag:s31] =	ssyncset.done $0x0;
	(pc) =	sbr.rel @!p0 .LBB2_3-.Ltmp0, $4  }
0x4a: {  	[sflag:s31] =	ssyncadd.s32 $0xFFFFE000  }
0x4b: {  	[spmem:s3] =	stream.indirect.scatter.add.f32 [tilespmem:s29], [sflag:$0x3], $0x40, s28, s22, $0xb8;
	[tilespmem:$0x17C40] =	vst v63  }
0x4c: {  	s19 =	smov.u32 s17;
	s20 =	smov.u32 s18;
	_ =	swait.ge [sflag:s21], $0x2000  }
0x4d: {  	s12 =	simm.s32 $0x4;
	s10 =	sadd.s32 $0xFFFFFFFF, s16;
	[sflag:s21] =	ssyncset.done $0x0  }
.LBB2_2:
0x4e: {  	[sflag:s21] =	ssyncadd.s32 $0xFFFFE000;
	s19 =	sadd.s32 $0x20, s19;
	s20 =	sadd.s32 $0x20, s20  }
0x4f: {  	[tilespmem:s26], [sflag:$0x3] =	stream.linear.gather [hbm4b:s20+s4], $0x80, $0x38;
	[tilespmem:$0x17C40] =	vst v63  }
0x50: {  	_ =	swait.ge [sflag:s21], $0x80  }
0x51: {  	p1 =	sne.s32 s10, $0x1;
	(drf) =	srem.u32 s12, s8  }
0x52: {  	s10 =	sadd.s32 $0xFFFFFFFF, s10;
	[sflag:s21] =	ssyncset.done $0x0  }
0x53: {  	[sflag:s21] =	ssyncadd.s32 $0xFFFFFF80  }
0x54: {  	[tilespmem:s28], [sflag:$0x3] =	stream.linear.gather [hbm4b:s19+s4], $0x80, $0x38;
	[tilespmem:$0x17C40] =	vst v63  }
0x55: {  	_ =	swait.ge [sflag:s21], $0x80  }
0x56: {  	[sflag:s21] =	ssyncset.done $0x0  }
0x57: {  	[sflag:s21] =	ssyncadd.s32 $0xFFFFFF80  }
0x58: {  	[tilespmem:s29], [sflag:$0x2] =	stream.indirect.gather [spmem:s2], $0x40, s26, s22, $0xb8;
	[tilespmem:$0x17C40] =	vst v63  }
0x59: {  	_ =	swait.ge [sflag:s30], $0x2000  }
0x5a: {  	[sflag:s30] =	ssyncset.done $0x0;
	s23 =	spop (drf)  }
0x5b: {  	[sflag:s30] =	ssyncadd.s32 $0xFFFFE000;
	s23 =	sadd.s32 s7, s23  }
0x5c: {  	[spmem:s3] =	stream.indirect.scatter.add.f32 [tilespmem:s25], [sflag:$0x3], $0x40, s22, s22, $0xb8;
	[tilespmem:$0x17C40] =	vst v63  }
0x5d: {  	s23 =	sshll.u32 s23, $0x4;
	_ =	swait.ge [sflag:s21], $0x2000  }
0x5e: {  	[sflag:s21] =	ssyncset.done $0x0  }
0x5f: {  	s24 =	sadd.s32 s5, s23;
	[sflag:s21] =	ssyncadd.s32 $0xFFFFE000  }
0x60: {  	[tilespmem:s4], [sflag:$0x3] =	stream.linear.gather [hbm4b:s24+s4], $0x80, $0x38;
	[tilespmem:$0x17C40] =	vst v63  }
0x61: {  	_ =	swait.ge [sflag:s21], $0x80  }
0x62: {  	[sflag:s21] =	ssyncset.done $0x0  }
0x63: {  	s23 =	sadd.s32 s6, s23;
	[sflag:s21] =	ssyncadd.s32 $0xFFFFFF80  }
0x64: {  	[tilespmem:s22], [sflag:$0x3] =	stream.linear.gather [hbm4b:s23+s4], $0x80, $0x38;
	[tilespmem:$0x17C40] =	vst v63  }
0x65: {  	_ =	swait.ge [sflag:s21], $0x80  }
0x66: {  	[sflag:s21] =	ssyncset.done $0x0  }
0x67: {  	[sflag:s21] =	ssyncadd.s32 $0xFFFFFF80  }
0x68: {  	[tilespmem:s25], [sflag:$0x1] =	stream.indirect.gather [spmem:s2], $0x40, s4, s22, $0xb8;
	[tilespmem:$0x17C40] =	vst v63  }
0x69: {  	_ =	swait.ge [sflag:s31], $0x2000  }
.Ltmp1:
0x6a: {  	[sflag:s31] =	ssyncset.done $0x0;
	(pc) =	sbr.rel @p1 .LBB2_2-.Ltmp1, $4  }
0x6b: {  	[sflag:s31] =	ssyncadd.s32 $0xFFFFE000  }
0x6c: {  	[spmem:s3] =	stream.indirect.scatter.add.f32 [tilespmem:s29], [sflag:$0x3], $0x40, s28, s22, $0xb8;
	[tilespmem:$0x17C40] =	vst v63  }
0x6d: {  	_ =	swait.ge [sflag:s21], $0x2000  }
0x6e: {  	s12 =	sadd.s32 $0x2, s12;
	[sflag:s21] =	ssyncset.done $0x0  }
.LBB2_3:
0x6f: {  	[sflag:s21] =	ssyncadd.s32 $0xFFFFE000  }
0x70: {  	_ =	swait.ge [sflag:s30], $0x2000  }
0x71: {  	[sflag:s30] =	ssyncset.done $0x0  }
0x72: {  	[sflag:s30] =	ssyncadd.s32 $0xFFFFE000  }
0x73: {  	[bflag:$0x0] =	sbarrier.arrive $0xFFFF  }
0x74: {  	s10 =	rddreg [dreg:$0xa]  }
0x75: {  	[hbm:s10], [sflag:s11] =	dma.local [spmem:s1], $0x13C0  }
0x76: {  	_ =	swait.ge [sflag:s21], $0x13C0  }
0x77: {  	[sflag:s21] =	ssyncset.done $0x0  }
0x78: {  	[sflag:s21] =	ssyncadd.s32 $0xFFFFEC40  }
0x79: {  	[bflag:$0x0] =	sbarrier.arrive $0xFFFF  }
0x7a: {  	s20 =	rddreg [dreg:$0x8]  }
0x7b: {  	[spmem:s9], [sflag:s11] =	dma.local [hbm:s20], $0x1388  }
0x7c: {  	_ =	swait.ge [sflag:s21], $0x1388  }
0x7d: {  	[sflag:s21] =	ssyncset.done $0x0  }
0x7e: {  	[sflag:s21] =	ssyncadd.s32 $0xFFFFEC78  }
0x7f: {  	[spmem:s1], [sflag:s11] =	dma.local [hbm:s13], $0x13C0  }
0x80: {  	_ =	swait.ge [sflag:s21], $0x13C0  }
0x81: {  	[sflag:s21] =	ssyncset.done $0x0  }
0x82: {  	[sflag:s21] =	ssyncadd.s32 $0xFFFFEC40  }
0x83: {  	[tilespmem:s4], [sflag:$0x3] =	stream.linear.gather [hbm4b:s14+s4], $0x80, $0x38;
	[tilespmem:$0x17C40] =	vst v63  }
0x84: {  	_ =	swait.ge [sflag:s21], $0x80  }
0x85: {  	[sflag:s21] =	ssyncset.done $0x0  }
0x86: {  	[sflag:s21] =	ssyncadd.s32 $0xFFFFFF80  }
0x87: {  	[tilespmem:s22], [sflag:$0x3] =	stream.linear.gather [hbm4b:s15+s4], $0x80, $0x38;
	[tilespmem:$0x17C40] =	vst v63  }
0x88: {  	_ =	swait.ge [sflag:s21], $0x80  }
0x89: {  	[sflag:s21] =	ssyncset.done $0x0  }
0x8a: {  	[sflag:s21] =	ssyncadd.s32 $0xFFFFFF80  }
0x8b: {  	[bflag:$0x0] =	sbarrier.arrive $0xFFFF  }
0x8c: {  	[tilespmem:s25], [sflag:$0x1] =	stream.indirect.gather [spmem:s2], $0x40, s4, s22, $0xb8;
	[tilespmem:$0x17C40] =	vst v63  }
0x8d: {  	_ = 	snop  }
0x8e: {  	[tilespmem:s26], [sflag:$0x3] =	stream.linear.gather [hbm4b:s18+s4], $0x80, $0x38;
	[tilespmem:$0x17C40] =	vst v63  }
0x8f: {  	s23 =	simm.s32 $0x2;
	_ =	swait.ge [sflag:s21], $0x80  }
0x90: {  	(drf) =	srem.u32 s23, s8;
	[sflag:s21] =	ssyncset.done $0x0  }
0x91: {  	[sflag:s21] =	ssyncadd.s32 $0xFFFFFF80  }
0x92: {  	[tilespmem:s28], [sflag:$0x3] =	stream.linear.gather [hbm4b:s17+s4], $0x80, $0x38;
	[tilespmem:$0x17C40] =	vst v63  }
0x93: {  	_ =	swait.ge [sflag:s21], $0x80  }
0x94: {  	[sflag:s21] =	ssyncset.done $0x0  }
0x95: {  	[sflag:s21] =	ssyncadd.s32 $0xFFFFFF80  }
0x96: {  	[tilespmem:s29], [sflag:$0x2] =	stream.indirect.gather [spmem:s2], $0x40, s26, s22, $0xb8;
	[tilespmem:$0x17C40] =	vst v63  }
0x97: {  	_ =	swait.ge [sflag:s30], $0x2000  }
0x98: {  	[sflag:s30] =	ssyncset.done $0x0  }
0x99: {  	s9 =	spop (drf);
	[sflag:s30] =	ssyncadd.s32 $0xFFFFE000  }
0x9a: {  	[spmem:s3] =	stream.indirect.scatter.add.f32 [tilespmem:s25], [sflag:$0x3], $0x40, s22, s22, $0xb8;
	[tilespmem:$0x17C40] =	vst v63  }
0x9b: {  	s9 =	sadd.s32 s7, s9;
	_ =	swait.ge [sflag:s21], $0x2000  }
0x9c: {  	s9 =	sshll.u32 s9, $0x4;
	[sflag:s21] =	ssyncset.done $0x0  }
0x9d: {  	s24 =	sadd.s32 s5, s9;
	[sflag:s21] =	ssyncadd.s32 $0xFFFFE000  }
0x9e: {  	[tilespmem:s4], [sflag:$0x3] =	stream.linear.gather [hbm4b:s24+s4], $0x80, $0x38;
	[tilespmem:$0x17C40] =	vst v63  }
0x9f: {  	_ =	swait.ge [sflag:s21], $0x80  }
0xa0: {  	[sflag:s21] =	ssyncset.done $0x0  }
0xa1: {  	s9 =	sadd.s32 s6, s9;
	[sflag:s21] =	ssyncadd.s32 $0xFFFFFF80  }
0xa2: {  	[tilespmem:s22], [sflag:$0x3] =	stream.linear.gather [hbm4b:s9+s4], $0x80, $0x38;
	[tilespmem:$0x17C40] =	vst v63  }
0xa3: {  	_ =	swait.ge [sflag:s21], $0x80  }
0xa4: {  	[sflag:s21] =	ssyncset.done $0x0  }
0xa5: {  	[sflag:s21] =	ssyncadd.s32 $0xFFFFFF80  }
0xa6: {  	[tilespmem:s25], [sflag:$0x1] =	stream.indirect.gather [spmem:s2], $0x40, s4, s22, $0xb8;
	[tilespmem:$0x17C40] =	vst v63  }
0xa7: {  	_ =	swait.ge [sflag:s31], $0x2000  }
.Ltmp2:
0xa8: {  	[sflag:s31] =	ssyncset.done $0x0;
	(pc) =	sbr.rel @!p0 .LBB2_5-.Ltmp2, $4  }
0xa9: {  	[sflag:s31] =	ssyncadd.s32 $0xFFFFE000  }
0xaa: {  	[spmem:s3] =	stream.indirect.scatter.add.f32 [tilespmem:s29], [sflag:$0x3], $0x40, s28, s22, $0xb8;
	[tilespmem:$0x17C40] =	vst v63  }
0xab: {  	s12 =	smov.u32 s17;
	s19 =	smov.u32 s18;
	_ =	swait.ge [sflag:s21], $0x2000  }
0xac: {  	s10 =	simm.s32 $0x4;
	s9 =	sadd.s32 $0xFFFFFFFF, s16;
	[sflag:s21] =	ssyncset.done $0x0  }
.LBB2_4:
0xad: {  	[sflag:s21] =	ssyncadd.s32 $0xFFFFE000;
	s12 =	sadd.s32 $0x20, s12;
	s19 =	sadd.s32 $0x20, s19  }
0xae: {  	[tilespmem:s26], [sflag:$0x3] =	stream.linear.gather [hbm4b:s19+s4], $0x80, $0x38;
	[tilespmem:$0x17C40] =	vst v63  }
0xaf: {  	_ =	swait.ge [sflag:s21], $0x80  }
0xb0: {  	p0 =	sne.s32 s9, $0x1;
	(drf) =	srem.u32 s10, s8  }
0xb1: {  	s9 =	sadd.s32 $0xFFFFFFFF, s9;
	[sflag:s21] =	ssyncset.done $0x0  }
0xb2: {  	[sflag:s21] =	ssyncadd.s32 $0xFFFFFF80  }
0xb3: {  	[tilespmem:s28], [sflag:$0x3] =	stream.linear.gather [hbm4b:s12+s4], $0x80, $0x38;
	[tilespmem:$0x17C40] =	vst v63  }
0xb4: {  	_ =	swait.ge [sflag:s21], $0x80  }
0xb5: {  	[sflag:s21] =	ssyncset.done $0x0  }
0xb6: {  	[sflag:s21] =	ssyncadd.s32 $0xFFFFFF80  }
0xb7: {  	[tilespmem:s29], [sflag:$0x2] =	stream.indirect.gather [spmem:s2], $0x40, s26, s22, $0xb8;
	[tilespmem:$0x17C40] =	vst v63  }
0xb8: {  	_ =	swait.ge [sflag:s30], $0x2000  }
0xb9: {  	[sflag:s30] =	ssyncset.done $0x0;
	s20 =	spop (drf)  }
0xba: {  	[sflag:s30] =	ssyncadd.s32 $0xFFFFE000;
	s20 =	sadd.s32 s7, s20  }
0xbb: {  	[spmem:s3] =	stream.indirect.scatter.add.f32 [tilespmem:s25], [sflag:$0x3], $0x40, s22, s22, $0xb8;
	[tilespmem:$0x17C40] =	vst v63  }
0xbc: {  	s20 =	sshll.u32 s20, $0x4;
	_ =	swait.ge [sflag:s21], $0x2000  }
0xbd: {  	[sflag:s21] =	ssyncset.done $0x0  }
0xbe: {  	s23 =	sadd.s32 s5, s20;
	[sflag:s21] =	ssyncadd.s32 $0xFFFFE000  }
0xbf: {  	[tilespmem:s4], [sflag:$0x3] =	stream.linear.gather [hbm4b:s23+s4], $0x80, $0x38;
	[tilespmem:$0x17C40] =	vst v63  }
0xc0: {  	_ =	swait.ge [sflag:s21], $0x80  }
0xc1: {  	[sflag:s21] =	ssyncset.done $0x0  }
0xc2: {  	s20 =	sadd.s32 s6, s20;
	[sflag:s21] =	ssyncadd.s32 $0xFFFFFF80  }
0xc3: {  	[tilespmem:s22], [sflag:$0x3] =	stream.linear.gather [hbm4b:s20+s4], $0x80, $0x38;
	[tilespmem:$0x17C40] =	vst v63  }
0xc4: {  	_ =	swait.ge [sflag:s21], $0x80  }
0xc5: {  	[sflag:s21] =	ssyncset.done $0x0  }
0xc6: {  	[sflag:s21] =	ssyncadd.s32 $0xFFFFFF80  }
0xc7: {  	[tilespmem:s25], [sflag:$0x1] =	stream.indirect.gather [spmem:s2], $0x40, s4, s22, $0xb8;
	[tilespmem:$0x17C40] =	vst v63  }
0xc8: {  	_ =	swait.ge [sflag:s31], $0x2000  }
.Ltmp3:
0xc9: {  	[sflag:s31] =	ssyncset.done $0x0;
	(pc) =	sbr.rel @p0 .LBB2_4-.Ltmp3, $4  }
0xca: {  	[sflag:s31] =	ssyncadd.s32 $0xFFFFE000  }
0xcb: {  	[spmem:s3] =	stream.indirect.scatter.add.f32 [tilespmem:s29], [sflag:$0x3], $0x40, s28, s22, $0xb8;
	[tilespmem:$0x17C40] =	vst v63  }
0xcc: {  	_ =	swait.ge [sflag:s21], $0x2000  }
0xcd: {  	s10 =	sadd.s32 $0x2, s10;
	[sflag:s21] =	ssyncset.done $0x0  }
.LBB2_5:
0xce: {  	[sflag:s21] =	ssyncadd.s32 $0xFFFFE000  }
0xcf: {  	_ =	swait.ge [sflag:s30], $0x2000  }
0xd0: {  	[sflag:s30] =	ssyncset.done $0x0  }
0xd1: {  	[sflag:s30] =	ssyncadd.s32 $0xFFFFE000  }
0xd2: {  	[bflag:$0x0] =	sbarrier.arrive $0xFFFF  }
0xd3: {  	s9 =	rddreg [dreg:$0xb]  }
0xd4: {  	[hbm:s9], [sflag:s11] =	dma.local [spmem:s1], $0x13C0  }
0xd5: {  	_ =	swait.ge [sflag:s21], $0x13C0  }
0xd6: {  	s0 =	sadd.s32 $0x1, s0;
	s24 =	rddreg [dreg:$0x9]  }
0xd7: {  	p0 =	sne.s32 s0, s24  }
.Ltmp4:
0xd8: {  	_ = 	snop;
	(pc) =	sbr.rel @p0 .LBB2_1-.Ltmp4, $3  }
0xd9: {  	_ =	sdelay $0x1  }
0xda: {  	[sflag:s21] =	ssyncset.done $0x0  }
0xdb: {  	[sflag:s21] =	ssyncadd.s32 $0xFFFFEC40  }
0xdc: {  	_ =	sfence.sel $0x180000  }
0xdd: {  	[bflag:$0x0] =	sbarrier.arrive $0xFFFF  }
0xde: {  	_ =	strace $0x9000004D  }
0xdf: {  	s0 =	stileid.u32;
	[bflag:$0x2] =	sbarrier.arrive $0xFFFF  }
0xe0: {  	p0 =	sne.s32 s0, $0x0;
	s0 =	rddreg [dreg:$0x4]  }
0xe1: {  	s0 =	sadd.s32 @!p0 $0x100000, s0  }
0xe2: {  	[sflag:s0] =	ssyncadd.tile.s32 @!p0 $0x1;
	_ =	shalt  }
.Lfunc_end2:
_tile_overlayer_lowered:
.L_overlay_start_2:
0xe3: {  	(tag) =	ssettag $0x2  }
0xe4: {  	s0 =	rddreg [dreg:$0x0];
	s2 =	stileid.u32  }
0xe5: {  	s1 =	rddreg [dreg:$0x1];
	p0 =	sne.s32 s2, $0x0  }
0xe6: {  	s3 =	rddreg [dreg:$0x2];
	[bflag:$0x3] =	sbarrier.arrive $0xFFFF;
	s2 =	simm.s32 @!p0 $0x1C03  }
0xe7: {  	[timem:s3], [sflag:s2] =	dma.local @!p0 [hbm:s0], s1  }
0xe8: {  	s0 =	simm.s32 @!p0 $0x3  }
0xe9: {  	_ =	swait.ge @!p0 [sflag:s0], s1  }
0xea: {  	s1 =	ssub.s32 @!p0 $0x0, s1;
	[sflag:s0] =	ssyncset.done @!p0 $0x0  }
0xeb: {  	[sflag:s0] =	ssyncadd.s32 @!p0 s1  }
0xec: {  	[bflag:$0x3] =	sbarrier.arrive $0xFFFF  }
0xed: {  	_ =	shalt  }

// kernel: kernel.19.cloned.1.call-start
scs
__scs_entry_jumppad:
0x0: {  	(pc) =	sbr.rel $0x88, $3  }
0x1: {  	(tag) =	ssettag $0x0;
	lr =	simm.s32 $0x1  }
0x2: {  	[smem:$0x3F96] =	sst lr;
	_ =	strace $0xD0000000  }
0x3: {  	_ = 	snop  }
0x4: {  	_ = 	snop  }
0x5: {  	_ = 	snop  }
0x6: {  	_ = 	snop  }
0x7: {  	_ = 	snop  }
__scs_overlays_trampoline_lowered:
0x8: {  	[smem:$0x3FA5] =	sst s0  }
0x9: {  	[smem:$0x3FA6] =	sst s1  }
0xa: {  	[smem:$0x3FA7] =	sst s2  }
0xb: {  	[smem:$0x3FA8] =	sst s3  }
0xc: {  	[smem:$0x3FA9] =	sst s4  }
0xd: {  	[smem:$0x3FAA] =	sst s5  }
0xe: {  	[smem:$0x3FAB] =	sst s6  }
0xf: {  	[smem:$0x3FAC] =	sst s7  }
0x10: {  	[smem:$0x3FAD] =	sst s8  }
0x11: {  	[smem:$0x3FAE] =	sst s9;
	s0 =	simm.s32 @!p0 $0x0  }
0x12: {  	s1 =	sld [smem:$0x3F94];
	s0 =	simm.s32 @p0 $0x1  }
0x13: {  	[smem:$0x3FAF] =	sst s0;
	s0 =	simm.s32 @!p1 $0x0  }
0x14: {  	s2 =	sld [smem:$0x3F93];
	s0 =	simm.s32 @p1 $0x1  }
0x15: {  	[smem:$0x3FB0] =	sst s0;
	s0 =	simm.s32 @!p2 $0x0  }
0x16: {  	s3 =	sld [smem:$0x3FDB];
	s0 =	simm.s32 @p2 $0x1  }
0x17: {  	s4 =	simm.s32 $0x1BF5;
	[smem:$0x3FB2] =	sst s0  }
0x18: {  	s0 =	sld [smem:$0x3F95];
	_ =	swait.ge [sflag:s4], $0x0  }
0x19: {  	s7 =	sld [smem:$0x3F96]  }
0x1a: {  	s8 =	sadd.s32 $0xFFFFE003, lr  }
0x1b: {  	s9 =	sadd.s32 $0xFFFFFEF7, lr;
	s5 =	simm.s32 $0xFFFFFFFF;
	p2 =	slt.u32 s8, $0xFFFFF086  }
0x1c: {  	p1 =	slt.u32 s9, $0xF7A;
	s5 =	simm.s32 @!p2 $0x0  }
0x1d: {  	s5 =	simm.s32 @p1 $0x1;
	p0 =	seq.s32 s7, s2  }
0x1e: {  	s7 =	smul.u32 @!p0 $0xF7A, s2;
	p2 =	seq.s32 @!p0 s5, $0x0  }
0x1f: {  	s9 =	smul.u32 $0xF7A, s1;
	s8 =	simm.s32 @!p0 $0x1BF5;
	p2 =	por !p2, p0  }
0x20: {  	[sflag:s8] =	ssyncset.s32 @!p0 $0xFFFFF086;
	s6 =	sadd.s32 @!p0 s3, s7;
	s7 =	simm.s32 @!p0 $0x108  }
0x21: {  	s3 =	sadd.s32 s3, s9;
	s6 =	sadd.s32 @!p0 $0x88, s6;
	s7 =	simm.s32 @p2 $0x1082  }
0x22: {  	[simem:s7], [sflag:s8] =	dma.local @!p0 [hbm:s6], $0xF7A  }
0x23: {  	s9 =	sor.u32 $0xD0000000, s2;
	s6 =	simm.s32 $0x108;
	_ =	swait.ge @!p0 [sflag:s8], $0x0  }
0x24: {  	s3 =	sadd.s32 $0x88, s3;
	s6 =	simm.s32 @!p1 $0x1082;
	[sflag:s4] =	ssyncset.s32 $0xFFFFF086  }
0x25: {  	[simem:s6], [sflag:s4] =	dma.local [hbm:s3], $0xF7A  }
0x26: {  	[smem:$0x3F96] =	sst s1;
	(tag) =	ssettag s2;
	_ =	strace s9  }
0x27: {  	s1 =	sld [smem:$0x3FA6]  }
0x28: {  	s2 =	sld [smem:$0x3FA7]  }
0x29: {  	s4 =	sld [smem:$0x3FA9]  }
0x2a: {  	p0 =	seq.s32 s5, $0x0;
	s5 =	sld [smem:$0x3FAA]  }
0x2b: {  	s6 =	sld [smem:$0x3FAB]  }
0x2c: {  	s7 =	sld [smem:$0x3FAC]  }
0x2d: {  	s3 =	simm.s32 $0x108;
	s8 =	sld [smem:$0x3FAD]  }
0x2e: {  	s3 =	simm.s32 @!p0 $0x1082;
	s9 =	sld [smem:$0x3FAE]  }
0x2f: {  	lr =	sadd.s32 s0, s3;
	s0 =	sld [smem:$0x3FA5]  }
0x30: {  	s3 =	sld [smem:$0x3FA8]  }
0x31: {  	[smem:$0x3FB1] =	sst s10  }
0x32: {  	s10 =	sld [smem:$0x3FAF];
	_ =	sdelay $0x3  }
0x33: {  	p0 =	seq.s32 s10, $0x1;
	s10 =	sld [smem:$0x3FB1];
	_ =	sdelay $0x3  }
0x34: {  	[smem:$0x3FB1] =	sst s10  }
0x35: {  	s10 =	sld [smem:$0x3FB0];
	_ =	sdelay $0x3  }
0x36: {  	p1 =	seq.s32 s10, $0x1;
	s10 =	sld [smem:$0x3FB1];
	_ =	sdelay $0x3  }
0x37: {  	[smem:$0x3FB1] =	sst s10  }
0x38: {  	s10 =	sld [smem:$0x3FB2]  }
0x39: {  	_ = 	snop;
	(pc) =	sbr.ind lr, $3  }
0x3a: {  	_ = 	snop  }
0x3b: {  	_ = 	snop  }
0x3c: {  	p2 =	seq.s32 s10, $0x1;
	s10 =	sld [smem:$0x3FB1]  }
0x3d: {  	_ =	shalt  }
0x3e: {  	_ =	shalt  }
0x3f: {  	_ =	shalt  }
0x40: {  	_ =	shalt  }
0x41: {  	_ =	shalt  }
0x42: {  	_ =	shalt  }
0x43: {  	_ =	shalt  }
0x44: {  	_ =	shalt  }
0x45: {  	_ =	shalt  }
0x46: {  	_ =	shalt  }
0x47: {  	_ =	shalt  }
0x48: {  	_ =	shalt  }
0x49: {  	_ =	shalt  }
0x4a: {  	_ =	shalt  }
0x4b: {  	_ =	shalt  }
0x4c: {  	_ =	shalt  }
0x4d: {  	_ =	shalt  }
0x4e: {  	_ =	shalt  }
0x4f: {  	_ =	shalt  }
0x50: {  	_ =	shalt  }
0x51: {  	_ =	shalt  }
0x52: {  	_ =	shalt  }
0x53: {  	_ =	shalt  }
0x54: {  	_ =	shalt  }
0x55: {  	_ =	shalt  }
0x56: {  	_ =	shalt  }
0x57: {  	_ =	shalt  }
0x58: {  	_ =	shalt  }
0x59: {  	_ =	shalt  }
0x5a: {  	_ =	shalt  }
0x5b: {  	_ =	shalt  }
0x5c: {  	_ =	shalt  }
0x5d: {  	_ =	shalt  }
0x5e: {  	_ =	shalt  }
0x5f: {  	_ =	shalt  }
0x60: {  	_ =	shalt  }
0x61: {  	_ =	shalt  }
0x62: {  	_ =	shalt  }
0x63: {  	_ =	shalt  }
0x64: {  	_ =	shalt  }
0x65: {  	_ =	shalt  }
0x66: {  	_ =	shalt  }
0x67: {  	_ =	shalt  }
0x68: {  	_ =	shalt  }
0x69: {  	_ =	shalt  }
0x6a: {  	_ =	shalt  }
0x6b: {  	_ =	shalt  }
0x6c: {  	_ =	shalt  }
0x6d: {  	_ =	shalt  }
0x6e: {  	_ =	shalt  }
0x6f: {  	_ =	shalt  }
0x70: {  	_ =	shalt  }
0x71: {  	_ =	shalt  }
0x72: {  	_ =	shalt  }
0x73: {  	_ =	shalt  }
0x74: {  	_ =	shalt  }
0x75: {  	_ =	shalt  }
0x76: {  	_ =	shalt  }
0x77: {  	_ =	shalt  }
0x78: {  	_ =	shalt  }
0x79: {  	_ =	shalt  }
0x7a: {  	_ =	shalt  }
0x7b: {  	_ =	shalt  }
0x7c: {  	_ =	shalt  }
0x7d: {  	_ =	shalt  }
0x7e: {  	_ =	shalt  }
0x7f: {  	_ =	shalt  }
0x80: {  	_ =	shalt  }
0x81: {  	_ =	shalt  }
0x82: {  	_ =	shalt  }
0x83: {  	_ =	shalt  }
0x84: {  	_ =	shalt  }
0x85: {  	_ =	shalt  }
0x86: {  	_ =	shalt  }
0x87: {  	_ =	shalt  }
.Lfunc_end0:
.L_simem_size_0:
called_computation.3_lowered:
.L_overlay_start_0:
0x88: {  	s2 =	sld [smem:$0x3FD9]  }
0x89: {  	s3 =	sld [smem:$0x3FFE];
	_ =	sdelay $0x1  }
0x8a: {  	s1 =	srdreg.scid  }
0x8b: {  	s0 =	sand.u32 $0x1, s1  }
0x8c: {  	s17 =	sshll.u32 s0, $0xA;
	s2 =	sadd.s32 s3, s2  }
0x8d: {  	s2 =	sadd.s32 s2, s17  }
0x8e: {  	[smem:$0x3FBD] =	sst s2  }
0x8f: {  	_ = 	snop  }
0x90: {  	s2 =	sld [smem:$0x3FD0];
	(tm) =	ssettm $0x1  }
0x91: {  	s18 =	sld [smem:$0x3FFB];
	_ =	sdelay $0x3  }
0x92: {  	_ =	strace s18  }
0x93: {  	s3 =	sld [smem:$0x3FFC];
	_ =	sdelay $0x3  }
0x94: {  	_ =	strace s3  }
0x95: {  	s3 =	sld [smem:$0x3FFD];
	_ =	sdelay $0x3  }
0x96: {  	_ =	strace s3  }
0x97: {  	_ =	strace $0x8FFFFFFF  }
0x98: {  	s19 =	sld [smem:$0x3FDB];
	_ =	sdelay $0x1  }
0x99: {  	s4 =	simm.s32 $_scs_section_size  }
0x9a: {  	s5 =	simm.s32 $_size__tile_overlayer_lowered;
	s6 =	simm.s32 $_tile_overlayer_lowered  }
0x9b: {  	s22 =	simm.s32 $0x1BFF;
	s21 =	sshll.u32 s6, $0x1;
	s3 =	sadd.s32 s4, s19  }
0x9c: {  	s7 =	simm.s32 $0x0;
	s20 =	sshll.u32 s5, $0x1;
	s5 =	sadd.s32 s21, s3  }
0x9d: {  	[timem:s7], [sflag:s22] =	dma.local [hbm:s5], s20  }
0x9e: {  	_ =	swait.ge [sflag:s22], s20  }
0x9f: {  	s4 =	ssub.s32 $0x0, s20;
	[sflag:s22] =	ssyncset.done $0x0  }
0xa0: {  	[sflag:s22] =	ssyncadd.s32 s4;
	_ =	sdelay $0x1  }
0xa1: {  	s23 =	simm.s32 $0x1B8B  }
0xa2: {  	_ =	swait.ge [sflag:s23], $0x1  }
0xa3: {  	[sflag:s23] =	ssyncset.done $0x0  }
0xa4: {  	s25 =	simm.s32 $0x1B8E;
	s24 =	sld [smem:$0x3FFE];
	[sflag:s23] =	ssyncadd.s32 $0xFFFFFFFF  }
0xa5: {  	s26 =	simm.s32 $execute0_lowered;
	[smem:$0x3FD2] =	sst s25  }
0xa6: {  	s5 =	sshll.u32 s26, $0x1;
	_ =	strace $0x8000004F;
	[dreg:$0x1] =	wrdreg $0xFFFFFFFF  }
0xa7: {  	s28 =	simm.s32 $_size_execute0_lowered;
	s3 =	sadd.s32 s3, s5;
	[dreg:$0x0] =	wrdreg $0x0  }
0xa8: {  	s5 =	sshll.u32 s28, $0x1;
	[dreg:$0x2] =	wrdreg s3  }
0xa9: {  	[dreg:$0x3] =	wrdreg s5  }
0xaa: {  	[dreg:$0x4] =	wrdreg $0xC0  }
0xab: {  	_ =	task [dreg:s7], $0x5FFFF  }
0xac: {  	[dreg:$0x1] =	wrdreg $0xFFFFFFFF  }
0xad: {  	[dreg:$0x0] =	wrdreg $0x60  }
0xae: {  	[dreg:$0x2] =	wrdreg s24  }
0xaf: {  	[dreg:$0x3] =	wrdreg s2  }
0xb0: {  	[dreg:$0x4] =	wrdreg $0x42000  }
0xb1: {  	[dreg:$0x5] =	wrdreg $0xDE400  }
0xb2: {  	[dreg:$0x6] =	wrdreg $0x9  }
0xb3: {  	_ =	task.clear_ibuf [dreg:s7], $0x7FFFF;
	_ =	strace $0x9000004F  }
0xb4: {  	s29 =	simm.s32 $0x9;
	_ =	strace $0x80000051  }
0xb5: {  	_ =	swait.ge [sflag:s29], $0x1  }
0xb6: {  	[sflag:s29] =	ssyncadd.s32 $0xFFFFFFFF  }
0xb7: {  	_ =	strace $0x90000051  }
0xb8: {  	_ =	sfence  }
0xb9: {  	s30 =	sld [smem:$0x0];
	_ =	sdelay $0x2  }
0xba: {  	s31 =	sshll.u32 s1, $0xD;
	s1 =	sshrl.u32 s1, $0x2  }
0xbb: {  	s3 =	sand.u32 $0x4000, s31;
	s1 =	sadd.s32 s1, s30  }
0xbc: {  	s0 =	sor.u32 s3, s0;
	s1 =	sshll.u32 s1, $0x11  }
0xbd: {  	s0 =	sor.u32 s1, s0  }
0xbe: {  	s0 =	sadd.s32 $0x8F2B, s0  }
0xbf: {  	[sflag:s0] =	ssyncadd.remote.s32 $0x1  }
0xc0: {  	_ =	sfence.sel $0xFFFF  }
0xc1: {  	[dreg:$0x0] =	wrdreg $0xFFFFFFFF;
	(pc) =	sbr.abs _section_cstart, $3  }
0xc2: {  	[dreg:$0x1] =	wrdreg $0xFFFFFFFF  }
0xc3: {  	_ =	task.clear_ibuf [dreg:s7], $0x2FFFF;
	_ =	strace $0x9FFFFFFF  }
0xc4: {  	(tm) =	ssettm $0x7FFFFFFF  }
0xc5: {  	_ =	shalt  }
tec
execute0_lowered:
.L_overlay_start_1:
0x0: {  	(tag) =	ssettag $0x1  }
0x1: {  	s0 =	rddreg [dreg:$0x0]  }
0x2: {  	s1 =	rddreg [dreg:$0x1]  }
0x3: {  	s2 =	rddreg [dreg:$0x2]  }
0x4: {  	s3 =	rddreg [dreg:$0x3];
	s17 =	stileid.u32  }
0x5: {  	s5 =	srdreg.scid;
	s4 =	simm.s32 $0x0;
	s9 =	smul.u32 $0x9C40, s17  }
0x6: {  	s28 =	simm.s32 $0x1;
	s29 =	simm.s32 $0x2;
	s8 =	smul.u32 $0x9E, s17  }
0x7: {  	s30 =	simm.s32 $0x0;
	s10 =	sand.u32 $0x1, s5;
	s19 =	smul.u32 $0x9E00, s17  }
0x8: {  	[smem:$0x7FF] =	sst s4;
	s5 =	sadd.s32 $0x2C00, s0;
	s20 =	smul.u32 $0x4F00, s17  }
0x9: {  	s6 =	sadd.s32 $0xCA00, s0;
	s21 =	sshll.u32 s17, $0x6;
	s7 =	smul.u32 $0x13C00, s10  }
0xa: {  	_ =	strace $0x80000050;
	s12 =	ssub.s32 $0x2, s10;
	s13 =	smul.u32 $0x4E, s10  }
0xb: {  	p0 =	seq.s32 s10, $0x0;
	s22 =	smul.u32 $0x2700, s10;
	s10 =	sor.u32 $0x1C03, s21  }
0xc: {  	s21 =	simm.s32 $0x80;
	s11 =	sshrl.u32 s9, $0x3;
	s14 =	sshrl.u32 s12, $0x1  }
0xd: {  	s16 =	sadd.s32 s9, s2;
	s23 =	sadd.s32 s19, s3;
	s24 =	sshrl.u32 s19, $0x3  }
0xe: {  	s19 =	simm.s32 $0x3;
	s11 =	sadd.s32 s11, s0;
	s0 =	sadd.s32 s7, s0  }
0xf: {  	s15 =	ssub.s32 s12, s14;
	s7 =	sadd.s32 s13, s8;
	s8 =	simm.s32 $0x4E  }
0x10: {  	s1 =	sadd.s32 s1, s24;
	s9 =	sadd.s32 s22, s20;
	s18 =	sshrl.u32 s16, $0x3  }
0x11: {  	s20 =	sshrl.u32 s23, $0x3;
	s22 =	simm.s32 $0x200;
	s23 =	simm.s32 $0x100  }
0x12: {  	s8 =	simm.s32 @!p0 $0x50;
	s11 =	sadd.s32 $0x16800, s11;
	[dreg:$0x6] =	wrdreg s1  }
0x13: {  	s25 =	sshll.u32 s7, $0x4;
	s31 =	sor.u32 $0x80, s9;
	s0 =	sadd.s32 $0x2A200, s0  }
0x14: {  	s15 =	smax.u32 s15, $0x1;
	[dreg:$0x5] =	wrdreg s11;
	s26 =	sadd.s32 s5, s25  }
0x15: {  	s13 =	sadd.s32 s6, s25;
	s14 =	sshrl.u32 s8, $0x1;
	s9 =	sshrl.u32 s31, $0x3  }
0x16: {  	s24 =	sadd.s32 s24, s0;
	s25 =	simm.s32 $0x180;
	[dreg:$0x7] =	wrdreg s26  }
0x17: {  	s1 =	sadd.s32 s9, s6;
	s9 =	sadd.s32 s9, s5;
	s26 =	simm.s32 $0x2200  }
.LBB2_1:
0x18: {  	s0 =	rddreg [dreg:$0x5]  }
0x19: {  	[spmem:s18], [sflag:s10] =	dma.local [hbm:s0], $0x1388  }
0x1a: {  	_ =	swait.ge [sflag:s19], $0x1388  }
0x1b: {  	[sflag:s19] =	ssyncset.done $0x0  }
0x1c: {  	s12 =	rddreg [dreg:$0x6];
	[sflag:s19] =	ssyncadd.s32 $0xFFFFEC78  }
0x1d: {  	[spmem:s20], [sflag:s10] =	dma.local [hbm:s12], $0x13C0  }
0x1e: {  	_ =	swait.ge [sflag:s19], $0x13C0  }
0x1f: {  	[sflag:s19] =	ssyncset.done $0x0  }
0x20: {  	s16 =	rddreg [dreg:$0x7];
	[sflag:s19] =	ssyncadd.s32 $0xFFFFEC40  }
0x21: {  	[tilespmem:s4], [sflag:$0x3] =	stream.linear.gather [hbm4b:s16+s4], $0x80, $0x38;
	[tilespmem:$0x17C40] =	vst v63  }
0x22: {  	_ =	swait.ge [sflag:s19], $0x80  }
0x23: {  	[sflag:s19] =	ssyncset.done $0x0  }
0x24: {  	[sflag:s19] =	ssyncadd.s32 $0xFFFFFF80  }
0x25: {  	[tilespmem:s21], [sflag:$0x3] =	stream.linear.gather [hbm4b:s13+s4], $0x80, $0x38;
	[tilespmem:$0x17C40] =	vst v63  }
0x26: {  	_ =	swait.ge [sflag:s19], $0x80  }
0x27: {  	[sflag:s19] =	ssyncset.done $0x0  }
0x28: {  	[sflag:s19] =	ssyncadd.s32 $0xFFFFFF80  }
0x29: {  	[bflag:$0x0] =	sbarrier.arrive $0xFFFF  }
0x2a: {  	[tilespmem:s22], [sflag:$0x1] =	stream.indirect.gather [spmem:s2], $0x40, s4, s21, $0xb8;
	[tilespmem:$0x17C40] =	vst v63  }
0x2b: {  	_ = 	snop  }
0x2c: {  	[tilespmem:s23], [sflag:$0x3] =	stream.linear.gather [hbm4b:s9+s4], $0x80, $0x38;
	[tilespmem:$0x17C40] =	vst v63  }
0x2d: {  	_ =	swait.ge [sflag:s19], $0x80  }
0x2e: {  	(drf) =	srem.u32 s29, s8;
	[sflag:s19] =	ssyncset.done $0x0  }
0x2f: {  	[sflag:s19] =	ssyncadd.s32 $0xFFFFFF80  }
0x30: {  	[tilespmem:s25], [sflag:$0x3] =	stream.linear.gather [hbm4b:s1+s4], $0x80, $0x38;
	[tilespmem:$0x17C40] =	vst v63  }
0x31: {  	_ =	swait.ge [sflag:s19], $0x80  }
0x32: {  	[sflag:s19] =	ssyncset.done $0x0  }
0x33: {  	[sflag:s19] =	ssyncadd.s32 $0xFFFFFF80  }
0x34: {  	[tilespmem:s26], [sflag:$0x2] =	stream.indirect.gather [spmem:s2], $0x40, s23, s21, $0xb8;
	[tilespmem:$0x17C40] =	vst v63  }
0x35: {  	_ =	swait.ge [sflag:s28], $0x2000  }
0x36: {  	[sflag:s28] =	ssyncset.done $0x0  }
0x37: {  	s17 =	spop (drf);
	[sflag:s28] =	ssyncadd.s32 $0xFFFFE000  }
0x38: {  	[spmem:s3] =	stream.indirect.scatter.add.f32 [tilespmem:s22], [sflag:$0x3], $0x40, s21, s21, $0xb8;
	[tilespmem:$0x17C40] =	vst v63  }
0x39: {  	s0 =	sadd.s32 s7, s17;
	_ =	swait.ge [sflag:s19], $0x2000  }
0x3a: {  	s0 =	sshll.u32 s0, $0x4;
	[sflag:s19] =	ssyncset.done $0x0  }
0x3b: {  	s16 =	sadd.s32 s5, s0;
	[sflag:s19] =	ssyncadd.s32 $0xFFFFE000  }
0x3c: {  	[tilespmem:s4], [sflag:$0x3] =	stream.linear.gather [hbm4b:s16+s4], $0x80, $0x38;
	[tilespmem:$0x17C40] =	vst v63  }
0x3d: {  	_ =	swait.ge [sflag:s19], $0x80  }
0x3e: {  	[sflag:s19] =	ssyncset.done $0x0  }
0x3f: {  	s0 =	sadd.s32 s6, s0;
	[sflag:s19] =	ssyncadd.s32 $0xFFFFFF80  }
0x40: {  	[tilespmem:s21], [sflag:$0x3] =	stream.linear.gather [hbm4b:s0+s4], $0x80, $0x38;
	[tilespmem:$0x17C40] =	vst v63  }
0x41: {  	_ =	swait.ge [sflag:s19], $0x80  }
0x42: {  	[sflag:s19] =	ssyncset.done $0x0  }
0x43: {  	[sflag:s19] =	ssyncadd.s32 $0xFFFFFF80  }
0x44: {  	[tilespmem:s22], [sflag:$0x1] =	stream.indirect.gather [spmem:s2], $0x40, s4, s21, $0xb8;
	[tilespmem:$0x17C40] =	vst v63  }
0x45: {  	p0 =	sne.s32 s14, $0x1;
	_ =	swait.ge [sflag:s29], $0x2000  }
.Ltmp0:
0x46: {  	[sflag:s29] =	ssyncset.done $0x0;
	(pc) =	sbr.rel @!p0 .LBB2_3-.Ltmp0, $4  }
0x47: {  	[sflag:s29] =	ssyncadd.s32 $0xFFFFE000  }
0x48: {  	[spmem:s3] =	stream.indirect.scatter.add.f32 [tilespmem:s26], [sflag:$0x3], $0x40, s25, s21, $0xb8;
	[tilespmem:$0x17C40] =	vst v63  }
0x49: {  	s31 =	sadd.s32 $0xFFFFFFFF, s14;
	s17 =	smov.u32 s9;
	_ =	swait.ge [sflag:s19], $0x2000  }
0x4a: {  	s16 =	smov.u32 s1;
	s0 =	simm.s32 $0x4;
	[sflag:s19] =	ssyncset.done $0x0  }
.LBB2_2:
0x4b: {  	[sflag:s19] =	ssyncadd.s32 $0xFFFFE000;
	s16 =	sadd.s32 $0x20, s16;
	s17 =	sadd.s32 $0x20, s17  }
0x4c: {  	[tilespmem:s23], [sflag:$0x3] =	stream.linear.gather [hbm4b:s17+s4], $0x80, $0x38;
	[tilespmem:$0x17C40] =	vst v63  }
0x4d: {  	_ =	swait.ge [sflag:s19], $0x80  }
0x4e: {  	p0 =	sne.s32 s31, $0x1;
	(drf) =	srem.u32 s0, s8  }
0x4f: {  	s31 =	sadd.s32 $0xFFFFFFFF, s31;
	[sflag:s19] =	ssyncset.done $0x0  }
0x50: {  	[sflag:s19] =	ssyncadd.s32 $0xFFFFFF80  }
0x51: {  	[tilespmem:s25], [sflag:$0x3] =	stream.linear.gather [hbm4b:s16+s4], $0x80, $0x38;
	[tilespmem:$0x17C40] =	vst v63  }
0x52: {  	_ =	swait.ge [sflag:s19], $0x80  }
0x53: {  	[sflag:s19] =	ssyncset.done $0x0  }
0x54: {  	[sflag:s19] =	ssyncadd.s32 $0xFFFFFF80  }
0x55: {  	[tilespmem:s26], [sflag:$0x2] =	stream.indirect.gather [spmem:s2], $0x40, s23, s21, $0xb8;
	[tilespmem:$0x17C40] =	vst v63  }
0x56: {  	_ =	swait.ge [sflag:s28], $0x2000  }
0x57: {  	[sflag:s28] =	ssyncset.done $0x0;
	s11 =	spop (drf)  }
0x58: {  	[sflag:s28] =	ssyncadd.s32 $0xFFFFE000;
	s11 =	sadd.s32 s7, s11  }
0x59: {  	[spmem:s3] =	stream.indirect.scatter.add.f32 [tilespmem:s22], [sflag:$0x3], $0x40, s21, s21, $0xb8;
	[tilespmem:$0x17C40] =	vst v63  }
0x5a: {  	s11 =	sshll.u32 s11, $0x4;
	_ =	swait.ge [sflag:s19], $0x2000  }
0x5b: {  	[sflag:s19] =	ssyncset.done $0x0  }
0x5c: {  	s12 =	sadd.s32 s5, s11;
	[sflag:s19] =	ssyncadd.s32 $0xFFFFE000  }
0x5d: {  	[tilespmem:s4], [sflag:$0x3] =	stream.linear.gather [hbm4b:s12+s4], $0x80, $0x38;
	[tilespmem:$0x17C40] =	vst v63  }
0x5e: {  	_ =	swait.ge [sflag:s19], $0x80  }
0x5f: {  	[sflag:s19] =	ssyncset.done $0x0  }
0x60: {  	s11 =	sadd.s32 s6, s11;
	[sflag:s19] =	ssyncadd.s32 $0xFFFFFF80  }
0x61: {  	[tilespmem:s21], [sflag:$0x3] =	stream.linear.gather [hbm4b:s11+s4], $0x80, $0x38;
	[tilespmem:$0x17C40] =	vst v63  }
0x62: {  	_ =	swait.ge [sflag:s19], $0x80  }
0x63: {  	[sflag:s19] =	ssyncset.done $0x0  }
0x64: {  	[sflag:s19] =	ssyncadd.s32 $0xFFFFFF80  }
0x65: {  	[tilespmem:s22], [sflag:$0x1] =	stream.indirect.gather [spmem:s2], $0x40, s4, s21, $0xb8;
	[tilespmem:$0x17C40] =	vst v63  }
0x66: {  	_ =	swait.ge [sflag:s29], $0x2000  }
.Ltmp1:
0x67: {  	[sflag:s29] =	ssyncset.done $0x0;
	(pc) =	sbr.rel @p0 .LBB2_2-.Ltmp1, $4  }
0x68: {  	[sflag:s29] =	ssyncadd.s32 $0xFFFFE000  }
0x69: {  	[spmem:s3] =	stream.indirect.scatter.add.f32 [tilespmem:s26], [sflag:$0x3], $0x40, s25, s21, $0xb8;
	[tilespmem:$0x17C40] =	vst v63  }
0x6a: {  	_ =	swait.ge [sflag:s19], $0x2000  }
0x6b: {  	s0 =	sadd.s32 $0x2, s0;
	[sflag:s19] =	ssyncset.done $0x0  }
.LBB2_3:
0x6c: {  	[sflag:s19] =	ssyncadd.s32 $0xFFFFE000  }
0x6d: {  	_ =	swait.ge [sflag:s28], $0x2000  }
0x6e: {  	s30 =	sadd.s32 $0x1, s30;
	[sflag:s28] =	ssyncset.done $0x0  }
0x6f: {  	p0 =	sne.s32 s30, s15;
	[sflag:s28] =	ssyncadd.s32 $0xFFFFE000  }
.Ltmp2:
0x70: {  	[bflag:$0x0] =	sbarrier.arrive $0xFFFF;
	(pc) =	sbr.rel @p0 .LBB2_1-.Ltmp2, $4  }
0x71: {  	[hbm:s24], [sflag:s10] =	dma.local [spmem:s20], $0x13C0  }
0x72: {  	_ =	swait.ge [sflag:s19], $0x13C0  }
0x73: {  	[sflag:s19] =	ssyncset.done $0x0  }
0x74: {  	[sflag:s19] =	ssyncadd.s32 $0xFFFFEC40  }
0x75: {  	_ =	sfence.sel $0x180000  }
0x76: {  	[bflag:$0x0] =	sbarrier.arrive $0xFFFF  }
0x77: {  	_ =	strace $0x90000050  }
0x78: {  	s0 =	stileid.u32;
	[bflag:$0x2] =	sbarrier.arrive $0xFFFF  }
0x79: {  	p0 =	sne.s32 s0, $0x0;
	s0 =	rddreg [dreg:$0x4]  }
0x7a: {  	s0 =	sadd.s32 @!p0 $0x100000, s0  }
0x7b: {  	[sflag:s0] =	ssyncadd.tile.s32 @!p0 $0x1;
	_ =	shalt  }
.Lfunc_end2:
_tile_overlayer_lowered:
.L_overlay_start_2:
0x7c: {  	(tag) =	ssettag $0x2  }
0x7d: {  	s0 =	rddreg [dreg:$0x0];
	s2 =	stileid.u32  }
0x7e: {  	s1 =	rddreg [dreg:$0x1];
	p0 =	sne.s32 s2, $0x0  }
0x7f: {  	s3 =	rddreg [dreg:$0x2];
	[bflag:$0x3] =	sbarrier.arrive $0xFFFF;
	s2 =	simm.s32 @!p0 $0x1C03  }
0x80: {  	[timem:s3], [sflag:s2] =	dma.local @!p0 [hbm:s0], s1  }
0x81: {  	s0 =	simm.s32 @!p0 $0x3  }
0x82: {  	_ =	swait.ge @!p0 [sflag:s0], s1  }
0x83: {  	s1 =	ssub.s32 @!p0 $0x0, s1;
	[sflag:s0] =	ssyncset.done @!p0 $0x0  }
0x84: {  	[sflag:s0] =	ssyncadd.s32 @!p0 s1  }
0x85: {  	[bflag:$0x3] =	sbarrier.arrive $0xFFFF  }
0x86: {  	_ =	shalt  }

</sc_bundles>
